<compile_context>
chip_gen: v7x
topology: tpu7x:2x2x1
jax: 0.10.2.dev20260603
libtpu: 0.0.44.dev20260713+nightly
codegen_flags: <defaults>
</compile_context>

<pallas_src>
import functools

import jax
import jax.numpy as jnp
from jax import lax
from jax.experimental import pallas as pl
from jax.experimental.pallas import tpu as pltpu
from jax.experimental.pallas import tpu_sc as plsc

N = 10000
E = 320000
D1 = 48
D2 = 16
NC, NS = 2, 16
NW = NC * NS
EPW = E // NW
CHUNK = 125
NCH = EPW // CHUNK
NBUF = 5
RPT = 624
TAIL = N - NS * RPT
TAIL_OFF = NS * RPT


_BLK = 2000


def _proj_body(x_ref, w_ref, o_ref):
    dw = w_ref.shape[1]
    o_ref[:, :dw] = jnp.dot(
        x_ref[...], w_ref[...], preferred_element_type=jnp.float32
    )
    o_ref[:, dw:dw + 1] = jnp.ones((_BLK, 1), jnp.float32)
    o_ref[:, dw + 1:] = jnp.zeros((_BLK, o_ref.shape[1] - dw - 1), jnp.float32)


def _project(x, w, d):
    k, dw = w.shape
    return pl.pallas_call(
        _proj_body,
        grid=(N // _BLK,),
        in_specs=[
            pl.BlockSpec((_BLK, k), lambda i: (i, 0)),
            pl.BlockSpec((k, dw), lambda i: (0, 0)),
        ],
        out_specs=pl.BlockSpec((_BLK, d), lambda i: (i, 0)),
        out_shape=jax.ShapeDtypeStruct((N, d), jnp.float32),
    )(x, w)


def _mid_body(p_ref, parts_ref, b_ref, w_ref, o_ref):
    s = parts_ref[0] + parts_ref[1]
    deg = jnp.maximum(s[:, 32:33], 1.0)
    h = jnp.maximum(p_ref[:, :32] + s[:, :32] / deg + b_ref[...], 0.0)
    o_ref[:, :2] = jnp.dot(h, w_ref[...], preferred_element_type=jnp.float32)
    o_ref[:, 2:3] = jnp.ones((_BLK, 1), jnp.float32)
    o_ref[:, 3:] = jnp.zeros((_BLK, D2 - 3), jnp.float32)


def _mid(p1, parts1, b1row, w2):
    return pl.pallas_call(
        _mid_body,
        grid=(N // _BLK,),
        in_specs=[
            pl.BlockSpec((_BLK, D1), lambda i: (i, 0)),
            pl.BlockSpec((NC, _BLK, D1), lambda i: (0, i, 0)),
            pl.BlockSpec((1, 32), lambda i: (0, 0)),
            pl.BlockSpec((32, 2), lambda i: (0, 0)),
        ],
        out_specs=pl.BlockSpec((_BLK, D2), lambda i: (i, 0)),
        out_shape=jax.ShapeDtypeStruct((N, D2), jnp.float32),
    )(p1, parts1, b1row, w2)


def _fin_body(p_ref, parts_ref, b_ref, o_ref):
    s = parts_ref[0] + parts_ref[1]
    deg = jnp.maximum(s[:, 2:3], 1.0)
    o_ref[...] = p_ref[:, :2] + s[:, :2] / deg + b_ref[...]


def _fin(p2, parts2, b2row):
    return pl.pallas_call(
        _fin_body,
        grid=(N // _BLK,),
        in_specs=[
            pl.BlockSpec((_BLK, D2), lambda i: (i, 0)),
            pl.BlockSpec((NC, _BLK, D2), lambda i: (0, i, 0)),
            pl.BlockSpec((1, 2), lambda i: (0, 0)),
        ],
        out_specs=pl.BlockSpec((_BLK, 2), lambda i: (i, 0)),
        out_shape=jax.ShapeDtypeStruct((N, 2), jnp.float32),
    )(p2, parts2, b2row)


def _make_agg(d):
    mesh = plsc.VectorSubcoreMesh(
        core_axis_name="c", subcore_axis_name="s", num_cores=NC, num_subcores=NS
    )

    @functools.partial(
        pl.kernel,
        out_type=jax.ShapeDtypeStruct((NC, N, d), jnp.float32),
        mesh=mesh,
        scratch_types=[
            pltpu.VMEM((NCH, CHUNK), jnp.int32),
            pltpu.VMEM((NCH, CHUNK), jnp.int32),
            pltpu.VMEM((2 * NBUF, CHUNK, d), jnp.float32),
            pltpu.VMEM_SHARED((N, d), jnp.float32),
            pltpu.SemaphoreType.DMA((2 * NBUF,)),
            pltpu.SemaphoreType.DMA((2 * NBUF,)),
        ],
        compiler_params=pltpu.CompilerParams(use_tc_tiling_on_sc=False),
    )
    def agg(table, edges, zeros, out, src_v, dst_v, rows_v, acc, gsem, ssem):
        c = lax.axis_index("c")
        s = lax.axis_index("s")
        wid = c * NS + s
        pltpu.sync_copy(zeros.at[pl.ds(0, RPT)], acc.at[pl.ds(s * RPT, RPT)])

        @pl.when(s == 0)
        def _():
            pltpu.sync_copy(
                zeros.at[pl.ds(0, TAIL)], acc.at[pl.ds(TAIL_OFF, TAIL)]
            )

        pltpu.sync_copy(edges.at[0, wid], src_v)
        pltpu.sync_copy(edges.at[1, wid], dst_v)
        plsc.subcore_barrier()

        def fire_gather(j, b):
            pltpu.async_copy(table.at[src_v.at[j]], rows_v.at[b], gsem.at[b])

        def wait_gather(j, b):
            pltpu.make_async_copy(
                table.at[src_v.at[j]], rows_v.at[b], gsem.at[b]
            ).wait()

        def fire_scatter(j, b):
            pltpu.async_copy(
                rows_v.at[b], acc.at[dst_v.at[j]], ssem.at[b], add=True
            )

        def wait_scatter(j, b):
            pltpu.make_async_copy(
                rows_v.at[b], acc.at[dst_v.at[j]], ssem.at[b]
            ).wait()

        def drain_set(j0, off):
            for b in range(NBUF):
                wait_gather(j0 + off + b, off + b)
                fire_scatter(j0 + off + b, off + b)
            for b in range(NBUF):
                wait_scatter(j0 + off + b, off + b)

        for b in range(NBUF):
            fire_gather(b, b)

        @pl.loop(0, NCH - 2 * NBUF, step=2 * NBUF)
        def _(j0):
            for b in range(NBUF):
                fire_gather(j0 + NBUF + b, NBUF + b)
            drain_set(j0, 0)
            for b in range(NBUF):
                fire_gather(j0 + 2 * NBUF + b, b)
            drain_set(j0, NBUF)

        j_tail = NCH - 2 * NBUF
        for b in range(NBUF):
            fire_gather(j_tail + NBUF + b, NBUF + b)
        drain_set(j_tail, 0)
        drain_set(j_tail, NBUF)

        plsc.subcore_barrier()
        pltpu.sync_copy(
            acc.at[pl.ds(s * RPT, RPT)], out.at[c].at[pl.ds(s * RPT, RPT)]
        )

        @pl.when(s == 0)
        def _():
            pltpu.sync_copy(
                acc.at[pl.ds(TAIL_OFF, TAIL)], out.at[c].at[pl.ds(TAIL_OFF, TAIL)]
            )

    return agg


_agg_cache = {}


def _agg(d):
    if d not in _agg_cache:
        _agg_cache[d] = _make_agg(d)
    return _agg_cache[d]


def kernel(x, edge_index, W1, b1, W2, b2):
    edges = edge_index.reshape(2, NW, NCH, CHUNK)

    p1 = _project(x, W1, D1)
    parts1 = _agg(D1)(p1, edges, jnp.zeros((RPT, D1), jnp.float32))

    p2 = _mid(p1, parts1, b1.reshape(1, 32), W2)
    parts2 = _agg(D2)(p2, edges, jnp.zeros((RPT, D2), jnp.float32))

    return _fin(p2, parts2, b2.reshape(1, 2))

# --- scband reference (transcript-rebuilt; emitter-appended) ---
"""Pipeline reference for scband-gin-10273561772521 (READ-ONLY COPY).

The authoritative reference and input builder live on the scoring server;
editing this copy changes nothing except your own understanding.
"""

import jax, jax.numpy as jnp
import numpy as np

N_NODES = 10000
N_EDGES = 320000
D_IN = 128
D_H = 32
N_CLS = 2


def setup_inputs(seed: int = 0) -> dict:
    key = jax.random.key(seed)
    ks = jax.random.split(key, 6)
    x = jax.random.normal(ks[0], (N_NODES, D_IN), dtype=jnp.float32)
    edge_index = jax.random.randint(ks[1], (2, N_EDGES), 0, N_NODES, dtype=jnp.int32)
    # Linear layer params (PyTorch default init scale ~ 1/sqrt(fan_in))
    W1 = jax.random.uniform(ks[2], (D_IN, D_H), dtype=jnp.float32, minval=-1.0, maxval=1.0) / np.sqrt(D_IN)
    b1 = jax.random.uniform(ks[3], (D_H,), dtype=jnp.float32, minval=-1.0, maxval=1.0) / np.sqrt(D_IN)
    W2 = jax.random.uniform(ks[4], (D_H, N_CLS), dtype=jnp.float32, minval=-1.0, maxval=1.0) / np.sqrt(D_H)
    b2 = jax.random.uniform(ks[5], (N_CLS,), dtype=jnp.float32, minval=-1.0, maxval=1.0) / np.sqrt(D_H)
    return {"x": x, "edge_index": edge_index, "W1": W1, "b1": b1, "W2": W2, "b2": b2}


def _gin_conv_mean(h, src, dst, W, b, apply_act):
    # DGL GINConv with aggregator_type='mean', eps=0:
    #   rst = apply_func((1 + eps) * h_dst + mean_{u in N(v)} h_u)
    deg = jnp.zeros((N_NODES,), dtype=jnp.float32).at[dst].add(1.0)
    agg = jax.ops.segment_sum(h[src], dst, num_segments=N_NODES)
    agg = agg / jnp.maximum(deg, 1.0)[:, None]
    out = (h + agg) @ W + b
    if apply_act:
        out = jax.nn.relu(out)
    return out


def reference(x, edge_index, W1, b1, W2, b2):
    src = edge_index[0]
    dst = edge_index[1]
    h = _gin_conv_mean(x, src, dst, W1, b1, apply_act=True)
    # dropout_rate=0 -> Identity
    h = _gin_conv_mean(h, src, dst, W2, b2, apply_act=False)
    return h

if __name__ == "__main__":
    import jax
    _d = setup_inputs()
    print(jax.jit(kernel)(*tuple(_d.values())))

</pallas_src>

<mosaic_0001>
#map = affine_map<(d0, d1) -> (0, 0)>
#map1 = affine_map<(d0, d1) -> (0, 0, 0, 0)>
#map2 = affine_map<(d0, d1) -> (0, 0, 0)>
module attributes {stable_mosaic.version = 14 : i64} {
  func.func @agg(%arg0: i32, %arg1: i32, %arg2: memref<10000x48xf32, #tpu.memory_space<hbm>>, %arg3: memref<2x32x80x125xi32, #tpu.memory_space<hbm>>, %arg4: memref<624x48xf32, #tpu.memory_space<hbm>>, %arg5: memref<2x10000x48xf32, #tpu.memory_space<hbm>>, %arg6: memref<80x125xi32, #tpu.memory_space<vmem>>, %arg7: memref<80x125xi32, #tpu.memory_space<vmem>>, %arg8: memref<10x125x48xf32, #tpu.memory_space<vmem>>, %arg9: memref<10000x48xf32, #tpu.memory_space<vmem_shared>>, %arg10: memref<10x!tpu.dma_semaphore, #tpu.memory_space<semaphore_mem>>, %arg11: memref<10x!tpu.dma_semaphore, #tpu.memory_space<semaphore_mem>>) attributes {dimension_semantics = [#tpu.dimension_semantics<core_parallel>, #tpu.dimension_semantics<subcore_parallel>], iteration_bounds = array<i64: 2, 16>, scalar_prefetch = 0 : i64, scratch_operands = 6 : i64, tpu.core_type = #tpu.core_type<sc_vector_subcore>, window_params = [{transform_indices = #map}, {transform_indices = #map1}, {transform_indices = #map}, {transform_indices = #map2}]} {
    %mul3A = arith.constant 16 : i32
    %mul3A_0 = arith.muli %arg0, %mul3A : i32
    %add3A = arith.addi %mul3A_0, %arg1 : i32
    %mul3A_1 = arith.constant 624 : i32
    %mul3A_2 = arith.muli %arg1, %mul3A_1 : i32
    "tpu.region"() ({
      %run_scoped3A_618 = tpu.sem_alloc : memref<!tpu.dma_semaphore, #tpu.memory_space<semaphore_mem>>
      %dma_start3A_619 = arith.constant 0 : i32
      %dma_start3A_620 = tpu.memref_slice %arg9[%mul3A_2, %dma_start3A_619] : memref<10000x48xf32, #tpu.memory_space<vmem_shared>> -> memref<624x48xf32, #tpu.memory_space<vmem_shared>>
      %dma_start3A_621 = arith.constant 0 : i32
      %dma_start3A_622 = arith.constant 0 : i32
      %dma_start3A_623 = tpu.memref_slice %arg4[%dma_start3A_621, %dma_start3A_622] : memref<624x48xf32, #tpu.memory_space<hbm>> -> memref<624x48xf32, #tpu.memory_space<hbm>>
      tpu.enqueue_dma source(%dma_start3A_623 : memref<624x48xf32, #tpu.memory_space<hbm>>) target(%dma_start3A_620 : memref<624x48xf32, #tpu.memory_space<vmem_shared>>) target_semaphore(%run_scoped3A_618 : memref<!tpu.dma_semaphore, #tpu.memory_space<semaphore_mem>>)
      %dma_wait3A_624 = arith.constant 0 : i32
      %dma_wait3A_625 = tpu.memref_slice %arg9[%mul3A_2, %dma_wait3A_624] : memref<10000x48xf32, #tpu.memory_space<vmem_shared>> -> memref<624x48xf32, #tpu.memory_space<vmem_shared>>
      %dma_wait3A_626 = arith.constant 0 : i32
      %dma_wait3A_627 = arith.constant 0 : i32
      %dma_wait3A_628 = tpu.memref_slice %arg4[%dma_wait3A_626, %dma_wait3A_627] : memref<624x48xf32, #tpu.memory_space<hbm>> -> memref<624x48xf32, #tpu.memory_space<hbm>>
      tpu.wait_dma2 semaphore(%run_scoped3A_618 : memref<!tpu.dma_semaphore, #tpu.memory_space<semaphore_mem>>) src(%dma_wait3A_628 : memref<624x48xf32, #tpu.memory_space<hbm>>) dst(%dma_wait3A_625 : memref<624x48xf32, #tpu.memory_space<vmem_shared>>)
      tpu.yield
    }) : () -> ()
    %eq3A = arith.constant 0 : i32
    %eq3A_3 = arith.cmpi eq, %arg1, %eq3A : i32
    %convert_element_type3A = arith.extui %eq3A_3 : i1 to i32
    %cond3A = arith.constant 0 : i32
    %cond3A_4 = arith.cmpi ne, %convert_element_type3A, %cond3A : i32
    scf.if %cond3A_4 {
      "tpu.region"() ({
        %run_scoped3A_618 = tpu.sem_alloc : memref<!tpu.dma_semaphore, #tpu.memory_space<semaphore_mem>>
        %dma_start3A_619 = arith.constant 9984 : i32
        %dma_start3A_620 = arith.constant 0 : i32
        %dma_start3A_621 = tpu.memref_slice %arg9[%dma_start3A_619, %dma_start3A_620] : memref<10000x48xf32, #tpu.memory_space<vmem_shared>> -> memref<16x48xf32, #tpu.memory_space<vmem_shared>>
        %dma_start3A_622 = arith.constant 0 : i32
        %dma_start3A_623 = arith.constant 0 : i32
        %dma_start3A_624 = tpu.memref_slice %arg4[%dma_start3A_622, %dma_start3A_623] : memref<624x48xf32, #tpu.memory_space<hbm>> -> memref<16x48xf32, #tpu.memory_space<hbm>>
        tpu.enqueue_dma source(%dma_start3A_624 : memref<16x48xf32, #tpu.memory_space<hbm>>) target(%dma_start3A_621 : memref<16x48xf32, #tpu.memory_space<vmem_shared>>) target_semaphore(%run_scoped3A_618 : memref<!tpu.dma_semaphore, #tpu.memory_space<semaphore_mem>>)
        %dma_wait3A_625 = arith.constant 9984 : i32
        %dma_wait3A_626 = arith.constant 0 : i32
        %dma_wait3A_627 = tpu.memref_slice %arg9[%dma_wait3A_625, %dma_wait3A_626] : memref<10000x48xf32, #tpu.memory_space<vmem_shared>> -> memref<16x48xf32, #tpu.memory_space<vmem_shared>>
        %dma_wait3A_628 = arith.constant 0 : i32
        %dma_wait3A_629 = arith.constant 0 : i32
        %dma_wait3A_630 = tpu.memref_slice %arg4[%dma_wait3A_628, %dma_wait3A_629] : memref<624x48xf32, #tpu.memory_space<hbm>> -> memref<16x48xf32, #tpu.memory_space<hbm>>
        tpu.wait_dma2 semaphore(%run_scoped3A_618 : memref<!tpu.dma_semaphore, #tpu.memory_space<semaphore_mem>>) src(%dma_wait3A_630 : memref<16x48xf32, #tpu.memory_space<hbm>>) dst(%dma_wait3A_627 : memref<16x48xf32, #tpu.memory_space<vmem_shared>>)
        tpu.yield
      }) : () -> ()
    } else {
    }
    %run_scoped3A = arith.constant 0 : i32
    "tpu.region"() ({
      %run_scoped3A_618 = tpu.sem_alloc : memref<!tpu.dma_semaphore, #tpu.memory_space<semaphore_mem>>
      %dma_start3A_619 = arith.constant 0 : i32
      %dma_start3A_620 = arith.constant 0 : i32
      %dma_start3A_621 = tpu.memref_slice %arg3[%run_scoped3A, %add3A, %dma_start3A_619, %dma_start3A_620] : memref<2x32x80x125xi32, #tpu.memory_space<hbm>> -> memref<1x1x80x125xi32, #tpu.memory_space<hbm>>
      %dma_start3A_622 = tpu.memref_squeeze %dma_start3A_621 : memref<1x1x80x125xi32, #tpu.memory_space<hbm>> -> memref<80x125xi32, #tpu.memory_space<hbm>>
      %dma_start3A_623 = arith.constant 0 : i32
      %dma_start3A_624 = arith.constant 0 : i32
      %dma_start3A_625 = tpu.memref_slice %arg3[%run_scoped3A, %add3A, %dma_start3A_623, %dma_start3A_624] : memref<2x32x80x125xi32, #tpu.memory_space<hbm>> -> memref<1x1x80x125xi32, #tpu.memory_space<hbm>>
      %dma_start3A_626 = tpu.memref_squeeze %dma_start3A_625 : memref<1x1x80x125xi32, #tpu.memory_space<hbm>> -> memref<80x125xi32, #tpu.memory_space<hbm>>
      tpu.enqueue_dma source(%dma_start3A_626 : memref<80x125xi32, #tpu.memory_space<hbm>>) target(%arg6 : memref<80x125xi32, #tpu.memory_space<vmem>>) target_semaphore(%run_scoped3A_618 : memref<!tpu.dma_semaphore, #tpu.memory_space<semaphore_mem>>)
      %dma_wait3A_627 = arith.constant 0 : i32
      %dma_wait3A_628 = arith.constant 0 : i32
      %dma_wait3A_629 = tpu.memref_slice %arg3[%run_scoped3A, %add3A, %dma_wait3A_627, %dma_wait3A_628] : memref<2x32x80x125xi32, #tpu.memory_space<hbm>> -> memref<1x1x80x125xi32, #tpu.memory_space<hbm>>
      %dma_wait3A_630 = tpu.memref_squeeze %dma_wait3A_629 : memref<1x1x80x125xi32, #tpu.memory_space<hbm>> -> memref<80x125xi32, #tpu.memory_space<hbm>>
      %dma_wait3A_631 = arith.constant 0 : i32
      %dma_wait3A_632 = arith.constant 0 : i32
      %dma_wait3A_633 = tpu.memref_slice %arg3[%run_scoped3A, %add3A, %dma_wait3A_631, %dma_wait3A_632] : memref<2x32x80x125xi32, #tpu.memory_space<hbm>> -> memref<1x1x80x125xi32, #tpu.memory_space<hbm>>
      %dma_wait3A_634 = tpu.memref_squeeze %dma_wait3A_633 : memref<1x1x80x125xi32, #tpu.memory_space<hbm>> -> memref<80x125xi32, #tpu.memory_space<hbm>>
      tpu.wait_dma2 semaphore(%run_scoped3A_618 : memref<!tpu.dma_semaphore, #tpu.memory_space<semaphore_mem>>) src(%dma_wait3A_634 : memref<80x125xi32, #tpu.memory_space<hbm>>) dst(%arg6 : memref<80x125xi32, #tpu.memory_space<vmem>>)
      tpu.yield
    }) : () -> ()
    %run_scoped3A_5 = arith.constant 1 : i32
    "tpu.region"() ({
      %run_scoped3A_618 = tpu.sem_alloc : memref<!tpu.dma_semaphore, #tpu.memory_space<semaphore_mem>>
      %dma_start3A_619 = arith.constant 0 : i32
      %dma_start3A_620 = arith.constant 0 : i32
      %dma_start3A_621 = tpu.memref_slice %arg3[%run_scoped3A_5, %add3A, %dma_start3A_619, %dma_start3A_620] : memref<2x32x80x125xi32, #tpu.memory_space<hbm>> -> memref<1x1x80x125xi32, #tpu.memory_space<hbm>>
      %dma_start3A_622 = tpu.memref_squeeze %dma_start3A_621 : memref<1x1x80x125xi32, #tpu.memory_space<hbm>> -> memref<80x125xi32, #tpu.memory_space<hbm>>
      %dma_start3A_623 = arith.constant 0 : i32
      %dma_start3A_624 = arith.constant 0 : i32
      %dma_start3A_625 = tpu.memref_slice %arg3[%run_scoped3A_5, %add3A, %dma_start3A_623, %dma_start3A_624] : memref<2x32x80x125xi32, #tpu.memory_space<hbm>> -> memref<1x1x80x125xi32, #tpu.memory_space<hbm>>
      %dma_start3A_626 = tpu.memref_squeeze %dma_start3A_625 : memref<1x1x80x125xi32, #tpu.memory_space<hbm>> -> memref<80x125xi32, #tpu.memory_space<hbm>>
      tpu.enqueue_dma source(%dma_start3A_626 : memref<80x125xi32, #tpu.memory_space<hbm>>) target(%arg7 : memref<80x125xi32, #tpu.memory_space<vmem>>) target_semaphore(%run_scoped3A_618 : memref<!tpu.dma_semaphore, #tpu.memory_space<semaphore_mem>>)
      %dma_wait3A_627 = arith.constant 0 : i32
      %dma_wait3A_628 = arith.constant 0 : i32
      %dma_wait3A_629 = tpu.memref_slice %arg3[%run_scoped3A_5, %add3A, %dma_wait3A_627, %dma_wait3A_628] : memref<2x32x80x125xi32, #tpu.memory_space<hbm>> -> memref<1x1x80x125xi32, #tpu.memory_space<hbm>>
      %dma_wait3A_630 = tpu.memref_squeeze %dma_wait3A_629 : memref<1x1x80x125xi32, #tpu.memory_space<hbm>> -> memref<80x125xi32, #tpu.memory_space<hbm>>
      %dma_wait3A_631 = arith.constant 0 : i32
      %dma_wait3A_632 = arith.constant 0 : i32
      %dma_wait3A_633 = tpu.memref_slice %arg3[%run_scoped3A_5, %add3A, %dma_wait3A_631, %dma_wait3A_632] : memref<2x32x80x125xi32, #tpu.memory_space<hbm>> -> memref<1x1x80x125xi32, #tpu.memory_space<hbm>>
      %dma_wait3A_634 = tpu.memref_squeeze %dma_wait3A_633 : memref<1x1x80x125xi32, #tpu.memory_space<hbm>> -> memref<80x125xi32, #tpu.memory_space<hbm>>
      tpu.wait_dma2 semaphore(%run_scoped3A_618 : memref<!tpu.dma_semaphore, #tpu.memory_space<semaphore_mem>>) src(%dma_wait3A_634 : memref<80x125xi32, #tpu.memory_space<hbm>>) dst(%arg7 : memref<80x125xi32, #tpu.memory_space<vmem>>)
      tpu.yield
    }) : () -> ()
    %barrier3A = arith.constant 0 : index
    tpu.barrier barrier_id(%barrier3A)
    %dma_start3A = arith.constant 0 : i32
    %dma_start3A_6 = arith.constant 0 : i32
    %dma_start3A_7 = arith.constant 0 : i32
    %dma_start3A_8 = arith.constant 0 : i32
    %dma_start3A_9 = arith.constant 0 : i32
    %dma_start3A_10 = tpu.memref_slice %arg8[%dma_start3A_6, %dma_start3A_8, %dma_start3A_9] : memref<10x125x48xf32, #tpu.memory_space<vmem>> -> memref<1x125x48xf32, #tpu.memory_space<vmem>>
    %dma_start3A_11 = tpu.memref_squeeze %dma_start3A_10 : memref<1x125x48xf32, #tpu.memory_space<vmem>> -> memref<125x48xf32, #tpu.memory_space<vmem>>
    %dma_start3A_12 = arith.constant 0 : i32
    %dma_start3A_13 = tpu.memref_slice %arg6[%dma_start3A, %dma_start3A_12] : memref<80x125xi32, #tpu.memory_space<vmem>> -> memref<1x125xi32, #tpu.memory_space<vmem>>
    %dma_start3A_14 = tpu.memref_squeeze %dma_start3A_13 : memref<1x125xi32, #tpu.memory_space<vmem>> -> memref<125xi32, #tpu.memory_space<vmem>>
    %dma_start3A_15 = arith.constant 0 : i32
    %dma_start3A_16 = arith.constant 0 : i32
    %dma_start3A_17 = tpu.memref_slice %arg2[%dma_start3A_15, %dma_start3A_16] : memref<10000x48xf32, #tpu.memory_space<hbm>> -> memref<10000x48xf32, #tpu.memory_space<hbm>>
    %dma_start3A_18 = tpu.memref_slice %arg10[%dma_start3A_7] : memref<10x!tpu.dma_semaphore, #tpu.memory_space<semaphore_mem>> -> memref<1x!tpu.dma_semaphore, #tpu.memory_space<semaphore_mem>>
    %dma_start3A_19 = tpu.memref_squeeze %dma_start3A_18 : memref<1x!tpu.dma_semaphore, #tpu.memory_space<semaphore_mem>> -> memref<!tpu.dma_semaphore, #tpu.memory_space<semaphore_mem>>
    tpu.enqueue_indirect_dma source(%dma_start3A_17 : memref<10000x48xf32, #tpu.memory_space<hbm>>) target(%dma_start3A_11 : memref<125x48xf32, #tpu.memory_space<vmem>>) offsets(%dma_start3A_14 : memref<125xi32, #tpu.memory_space<vmem>>) semaphore(%dma_start3A_19 : memref<!tpu.dma_semaphore, #tpu.memory_space<semaphore_mem>>)
    %dma_start3A_20 = arith.constant 1 : i32
    %dma_start3A_21 = arith.constant 1 : i32
    %dma_start3A_22 = arith.constant 1 : i32
    %dma_start3A_23 = arith.constant 0 : i32
    %dma_start3A_24 = arith.constant 0 : i32
    %dma_start3A_25 = tpu.memref_slice %arg8[%dma_start3A_21, %dma_start3A_23, %dma_start3A_24] : memref<10x125x48xf32, #tpu.memory_space<vmem>> -> memref<1x125x48xf32, #tpu.memory_space<vmem>>
    %dma_start3A_26 = tpu.memref_squeeze %dma_start3A_25 : memref<1x125x48xf32, #tpu.memory_space<vmem>> -> memref<125x48xf32, #tpu.memory_space<vmem>>
    %dma_start3A_27 = arith.constant 0 : i32
    %dma_start3A_28 = tpu.memref_slice %arg6[%dma_start3A_20, %dma_start3A_27] : memref<80x125xi32, #tpu.memory_space<vmem>> -> memref<1x125xi32, #tpu.memory_space<vmem>>
    %dma_start3A_29 = tpu.memref_squeeze %dma_start3A_28 : memref<1x125xi32, #tpu.memory_space<vmem>> -> memref<125xi32, #tpu.memory_space<vmem>>
    %dma_start3A_30 = arith.constant 0 : i32
    %dma_start3A_31 = arith.constant 0 : i32
    %dma_start3A_32 = tpu.memref_slice %arg2[%dma_start3A_30, %dma_start3A_31] : memref<10000x48xf32, #tpu.memory_space<hbm>> -> memref<10000x48xf32, #tpu.memory_space<hbm>>
    %dma_start3A_33 = tpu.memref_slice %arg10[%dma_start3A_22] : memref<10x!tpu.dma_semaphore, #tpu.memory_space<semaphore_mem>> -> memref<1x!tpu.dma_semaphore, #tpu.memory_space<semaphore_mem>>
    %dma_start3A_34 = tpu.memref_squeeze %dma_start3A_33 : memref<1x!tpu.dma_semaphore, #tpu.memory_space<semaphore_mem>> -> memref<!tpu.dma_semaphore, #tpu.memory_space<semaphore_mem>>
    tpu.enqueue_indirect_dma source(%dma_start3A_32 : memref<10000x48xf32, #tpu.memory_space<hbm>>) target(%dma_start3A_26 : memref<125x48xf32, #tpu.memory_space<vmem>>) offsets(%dma_start3A_29 : memref<125xi32, #tpu.memory_space<vmem>>) semaphore(%dma_start3A_34 : memref<!tpu.dma_semaphore, #tpu.memory_space<semaphore_mem>>)
    %dma_start3A_35 = arith.constant 2 : i32
    %dma_start3A_36 = arith.constant 2 : i32
    %dma_start3A_37 = arith.constant 2 : i32
    %dma_start3A_38 = arith.constant 0 : i32
    %dma_start3A_39 = arith.constant 0 : i32
    %dma_start3A_40 = tpu.memref_slice %arg8[%dma_start3A_36, %dma_start3A_38, %dma_start3A_39] : memref<10x125x48xf32, #tpu.memory_space<vmem>> -> memref<1x125x48xf32, #tpu.memory_space<vmem>>
    %dma_start3A_41 = tpu.memref_squeeze %dma_start3A_40 : memref<1x125x48xf32, #tpu.memory_space<vmem>> -> memref<125x48xf32, #tpu.memory_space<vmem>>
    %dma_start3A_42 = arith.constant 0 : i32
    %dma_start3A_43 = tpu.memref_slice %arg6[%dma_start3A_35, %dma_start3A_42] : memref<80x125xi32, #tpu.memory_space<vmem>> -> memref<1x125xi32, #tpu.memory_space<vmem>>
    %dma_start3A_44 = tpu.memref_squeeze %dma_start3A_43 : memref<1x125xi32, #tpu.memory_space<vmem>> -> memref<125xi32, #tpu.memory_space<vmem>>
    %dma_start3A_45 = arith.constant 0 : i32
    %dma_start3A_46 = arith.constant 0 : i32
    %dma_start3A_47 = tpu.memref_slice %arg2[%dma_start3A_45, %dma_start3A_46] : memref<10000x48xf32, #tpu.memory_space<hbm>> -> memref<10000x48xf32, #tpu.memory_space<hbm>>
    %dma_start3A_48 = tpu.memref_slice %arg10[%dma_start3A_37] : memref<10x!tpu.dma_semaphore, #tpu.memory_space<semaphore_mem>> -> memref<1x!tpu.dma_semaphore, #tpu.memory_space<semaphore_mem>>
    %dma_start3A_49 = tpu.memref_squeeze %dma_start3A_48 : memref<1x!tpu.dma_semaphore, #tpu.memory_space<semaphore_mem>> -> memref<!tpu.dma_semaphore, #tpu.memory_space<semaphore_mem>>
    tpu.enqueue_indirect_dma source(%dma_start3A_47 : memref<10000x48xf32, #tpu.memory_space<hbm>>) target(%dma_start3A_41 : memref<125x48xf32, #tpu.memory_space<vmem>>) offsets(%dma_start3A_44 : memref<125xi32, #tpu.memory_space<vmem>>) semaphore(%dma_start3A_49 : memref<!tpu.dma_semaphore, #tpu.memory_space<semaphore_mem>>)
    %dma_start3A_50 = arith.constant 3 : i32
    %dma_start3A_51 = arith.constant 3 : i32
    %dma_start3A_52 = arith.constant 3 : i32
    %dma_start3A_53 = arith.constant 0 : i32
    %dma_start3A_54 = arith.constant 0 : i32
    %dma_start3A_55 = tpu.memref_slice %arg8[%dma_start3A_51, %dma_start3A_53, %dma_start3A_54] : memref<10x125x48xf32, #tpu.memory_space<vmem>> -> memref<1x125x48xf32, #tpu.memory_space<vmem>>
    %dma_start3A_56 = tpu.memref_squeeze %dma_start3A_55 : memref<1x125x48xf32, #tpu.memory_space<vmem>> -> memref<125x48xf32, #tpu.memory_space<vmem>>
    %dma_start3A_57 = arith.constant 0 : i32
    %dma_start3A_58 = tpu.memref_slice %arg6[%dma_start3A_50, %dma_start3A_57] : memref<80x125xi32, #tpu.memory_space<vmem>> -> memref<1x125xi32, #tpu.memory_space<vmem>>
    %dma_start3A_59 = tpu.memref_squeeze %dma_start3A_58 : memref<1x125xi32, #tpu.memory_space<vmem>> -> memref<125xi32, #tpu.memory_space<vmem>>
    %dma_start3A_60 = arith.constant 0 : i32
    %dma_start3A_61 = arith.constant 0 : i32
    %dma_start3A_62 = tpu.memref_slice %arg2[%dma_start3A_60, %dma_start3A_61] : memref<10000x48xf32, #tpu.memory_space<hbm>> -> memref<10000x48xf32, #tpu.memory_space<hbm>>
    %dma_start3A_63 = tpu.memref_slice %arg10[%dma_start3A_52] : memref<10x!tpu.dma_semaphore, #tpu.memory_space<semaphore_mem>> -> memref<1x!tpu.dma_semaphore, #tpu.memory_space<semaphore_mem>>
    %dma_start3A_64 = tpu.memref_squeeze %dma_start3A_63 : memref<1x!tpu.dma_semaphore, #tpu.memory_space<semaphore_mem>> -> memref<!tpu.dma_semaphore, #tpu.memory_space<semaphore_mem>>
    tpu.enqueue_indirect_dma source(%dma_start3A_62 : memref<10000x48xf32, #tpu.memory_space<hbm>>) target(%dma_start3A_56 : memref<125x48xf32, #tpu.memory_space<vmem>>) offsets(%dma_start3A_59 : memref<125xi32, #tpu.memory_space<vmem>>) semaphore(%dma_start3A_64 : memref<!tpu.dma_semaphore, #tpu.memory_space<semaphore_mem>>)
    %dma_start3A_65 = arith.constant 4 : i32
    %dma_start3A_66 = arith.constant 4 : i32
    %dma_start3A_67 = arith.constant 4 : i32
    %dma_start3A_68 = arith.constant 0 : i32
    %dma_start3A_69 = arith.constant 0 : i32
    %dma_start3A_70 = tpu.memref_slice %arg8[%dma_start3A_66, %dma_start3A_68, %dma_start3A_69] : memref<10x125x48xf32, #tpu.memory_space<vmem>> -> memref<1x125x48xf32, #tpu.memory_space<vmem>>
    %dma_start3A_71 = tpu.memref_squeeze %dma_start3A_70 : memref<1x125x48xf32, #tpu.memory_space<vmem>> -> memref<125x48xf32, #tpu.memory_space<vmem>>
    %dma_start3A_72 = arith.constant 0 : i32
    %dma_start3A_73 = tpu.memref_slice %arg6[%dma_start3A_65, %dma_start3A_72] : memref<80x125xi32, #tpu.memory_space<vmem>> -> memref<1x125xi32, #tpu.memory_space<vmem>>
    %dma_start3A_74 = tpu.memref_squeeze %dma_start3A_73 : memref<1x125xi32, #tpu.memory_space<vmem>> -> memref<125xi32, #tpu.memory_space<vmem>>
    %dma_start3A_75 = arith.constant 0 : i32
    %dma_start3A_76 = arith.constant 0 : i32
    %dma_start3A_77 = tpu.memref_slice %arg2[%dma_start3A_75, %dma_start3A_76] : memref<10000x48xf32, #tpu.memory_space<hbm>> -> memref<10000x48xf32, #tpu.memory_space<hbm>>
    %dma_start3A_78 = tpu.memref_slice %arg10[%dma_start3A_67] : memref<10x!tpu.dma_semaphore, #tpu.memory_space<semaphore_mem>> -> memref<1x!tpu.dma_semaphore, #tpu.memory_space<semaphore_mem>>
    %dma_start3A_79 = tpu.memref_squeeze %dma_start3A_78 : memref<1x!tpu.dma_semaphore, #tpu.memory_space<semaphore_mem>> -> memref<!tpu.dma_semaphore, #tpu.memory_space<semaphore_mem>>
    tpu.enqueue_indirect_dma source(%dma_start3A_77 : memref<10000x48xf32, #tpu.memory_space<hbm>>) target(%dma_start3A_71 : memref<125x48xf32, #tpu.memory_space<vmem>>) offsets(%dma_start3A_74 : memref<125xi32, #tpu.memory_space<vmem>>) semaphore(%dma_start3A_79 : memref<!tpu.dma_semaphore, #tpu.memory_space<semaphore_mem>>)
    %scan3A = arith.constant 0 : i32
    %scan3A_80 = arith.constant 7 : i32
    %scan3A_81 = arith.addi %scan3A, %scan3A_80 : i32
    %scan3A_82 = arith.constant 1 : i32
    scf.for %scan3A_618 = %scan3A to %scan3A_81 step %scan3A_82  : i32 {
      %mul3A_619 = arith.constant 10 : i32
      %mul3A_620 = arith.muli %scan3A_618, %mul3A_619 : i32
      %add3A_621 = arith.constant 0 : i32
      %add3A_622 = arith.addi %add3A_621, %mul3A_620 : i32
      %add3A_623 = arith.constant 5 : i32
      %add3A_624 = arith.addi %add3A_622, %add3A_623 : i32
      %add3A_625 = arith.constant 0 : i32
      %add3A_626 = arith.addi %add3A_624, %add3A_625 : i32
      %dma_start3A_627 = arith.constant 5 : i32
      %dma_start3A_628 = arith.constant 5 : i32
      %dma_start3A_629 = arith.constant 0 : i32
      %dma_start3A_630 = arith.constant 0 : i32
      %dma_start3A_631 = tpu.memref_slice %arg8[%dma_start3A_627, %dma_start3A_629, %dma_start3A_630] : memref<10x125x48xf32, #tpu.memory_space<vmem>> -> memref<1x125x48xf32, #tpu.memory_space<vmem>>
      %dma_start3A_632 = tpu.memref_squeeze %dma_start3A_631 : memref<1x125x48xf32, #tpu.memory_space<vmem>> -> memref<125x48xf32, #tpu.memory_space<vmem>>
      %dma_start3A_633 = arith.constant 0 : i32
      %dma_start3A_634 = tpu.memref_slice %arg6[%add3A_626, %dma_start3A_633] : memref<80x125xi32, #tpu.memory_space<vmem>> -> memref<1x125xi32, #tpu.memory_space<vmem>>
      %dma_start3A_635 = tpu.memref_squeeze %dma_start3A_634 : memref<1x125xi32, #tpu.memory_space<vmem>> -> memref<125xi32, #tpu.memory_space<vmem>>
      %dma_start3A_636 = arith.constant 0 : i32
      %dma_start3A_637 = arith.constant 0 : i32
      %dma_start3A_638 = tpu.memref_slice %arg2[%dma_start3A_636, %dma_start3A_637] : memref<10000x48xf32, #tpu.memory_space<hbm>> -> memref<10000x48xf32, #tpu.memory_space<hbm>>
      %dma_start3A_639 = tpu.memref_slice %arg10[%dma_start3A_628] : memref<10x!tpu.dma_semaphore, #tpu.memory_space<semaphore_mem>> -> memref<1x!tpu.dma_semaphore, #tpu.memory_space<semaphore_mem>>
      %dma_start3A_640 = tpu.memref_squeeze %dma_start3A_639 : memref<1x!tpu.dma_semaphore, #tpu.memory_space<semaphore_mem>> -> memref<!tpu.dma_semaphore, #tpu.memory_space<semaphore_mem>>
      tpu.enqueue_indirect_dma source(%dma_start3A_638 : memref<10000x48xf32, #tpu.memory_space<hbm>>) target(%dma_start3A_632 : memref<125x48xf32, #tpu.memory_space<vmem>>) offsets(%dma_start3A_635 : memref<125xi32, #tpu.memory_space<vmem>>) semaphore(%dma_start3A_640 : memref<!tpu.dma_semaphore, #tpu.memory_space<semaphore_mem>>)
      %add3A_641 = arith.constant 5 : i32
      %add3A_642 = arith.addi %add3A_622, %add3A_641 : i32
      %add3A_643 = arith.constant 1 : i32
      %add3A_644 = arith.addi %add3A_642, %add3A_643 : i32
      %dma_start3A_645 = arith.constant 6 : i32
      %dma_start3A_646 = arith.constant 6 : i32
      %dma_start3A_647 = arith.constant 0 : i32
      %dma_start3A_648 = arith.constant 0 : i32
      %dma_start3A_649 = tpu.memref_slice %arg8[%dma_start3A_645, %dma_start3A_647, %dma_start3A_648] : memref<10x125x48xf32, #tpu.memory_space<vmem>> -> memref<1x125x48xf32, #tpu.memory_space<vmem>>
      %dma_start3A_650 = tpu.memref_squeeze %dma_start3A_649 : memref<1x125x48xf32, #tpu.memory_space<vmem>> -> memref<125x48xf32, #tpu.memory_space<vmem>>
      %dma_start3A_651 = arith.constant 0 : i32
      %dma_start3A_652 = tpu.memref_slice %arg6[%add3A_644, %dma_start3A_651] : memref<80x125xi32, #tpu.memory_space<vmem>> -> memref<1x125xi32, #tpu.memory_space<vmem>>
      %dma_start3A_653 = tpu.memref_squeeze %dma_start3A_652 : memref<1x125xi32, #tpu.memory_space<vmem>> -> memref<125xi32, #tpu.memory_space<vmem>>
      %dma_start3A_654 = arith.constant 0 : i32
      %dma_start3A_655 = arith.constant 0 : i32
      %dma_start3A_656 = tpu.memref_slice %arg2[%dma_start3A_654, %dma_start3A_655] : memref<10000x48xf32, #tpu.memory_space<hbm>> -> memref<10000x48xf32, #tpu.memory_space<hbm>>
      %dma_start3A_657 = tpu.memref_slice %arg10[%dma_start3A_646] : memref<10x!tpu.dma_semaphore, #tpu.memory_space<semaphore_mem>> -> memref<1x!tpu.dma_semaphore, #tpu.memory_space<semaphore_mem>>
      %dma_start3A_658 = tpu.memref_squeeze %dma_start3A_657 : memref<1x!tpu.dma_semaphore, #tpu.memory_space<semaphore_mem>> -> memref<!tpu.dma_semaphore, #tpu.memory_space<semaphore_mem>>
      tpu.enqueue_indirect_dma source(%dma_start3A_656 : memref<10000x48xf32, #tpu.memory_space<hbm>>) target(%dma_start3A_650 : memref<125x48xf32, #tpu.memory_space<vmem>>) offsets(%dma_start3A_653 : memref<125xi32, #tpu.memory_space<vmem>>) semaphore(%dma_start3A_658 : memref<!tpu.dma_semaphore, #tpu.memory_space<semaphore_mem>>)
      %add3A_659 = arith.constant 5 : i32
      %add3A_660 = arith.addi %add3A_622, %add3A_659 : i32
      %add3A_661 = arith.constant 2 : i32
      %add3A_662 = arith.addi %add3A_660, %add3A_661 : i32
      %dma_start3A_663 = arith.constant 7 : i32
      %dma_start3A_664 = arith.constant 7 : i32
      %dma_start3A_665 = arith.constant 0 : i32
      %dma_start3A_666 = arith.constant 0 : i32
      %dma_start3A_667 = tpu.memref_slice %arg8[%dma_start3A_663, %dma_start3A_665, %dma_start3A_666] : memref<10x125x48xf32, #tpu.memory_space<vmem>> -> memref<1x125x48xf32, #tpu.memory_space<vmem>>
      %dma_start3A_668 = tpu.memref_squeeze %dma_start3A_667 : memref<1x125x48xf32, #tpu.memory_space<vmem>> -> memref<125x48xf32, #tpu.memory_space<vmem>>
      %dma_start3A_669 = arith.constant 0 : i32
      %dma_start3A_670 = tpu.memref_slice %arg6[%add3A_662, %dma_start3A_669] : memref<80x125xi32, #tpu.memory_space<vmem>> -> memref<1x125xi32, #tpu.memory_space<vmem>>
      %dma_start3A_671 = tpu.memref_squeeze %dma_start3A_670 : memref<1x125xi32, #tpu.memory_space<vmem>> -> memref<125xi32, #tpu.memory_space<vmem>>
      %dma_start3A_672 = arith.constant 0 : i32
      %dma_start3A_673 = arith.constant 0 : i32
      %dma_start3A_674 = tpu.memref_slice %arg2[%dma_start3A_672, %dma_start3A_673] : memref<10000x48xf32, #tpu.memory_space<hbm>> -> memref<10000x48xf32, #tpu.memory_space<hbm>>
      %dma_start3A_675 = tpu.memref_slice %arg10[%dma_start3A_664] : memref<10x!tpu.dma_semaphore, #tpu.memory_space<semaphore_mem>> -> memref<1x!tpu.dma_semaphore, #tpu.memory_space<semaphore_mem>>
      %dma_start3A_676 = tpu.memref_squeeze %dma_start3A_675 : memref<1x!tpu.dma_semaphore, #tpu.memory_space<semaphore_mem>> -> memref<!tpu.dma_semaphore, #tpu.memory_space<semaphore_mem>>
      tpu.enqueue_indirect_dma source(%dma_start3A_674 : memref<10000x48xf32, #tpu.memory_space<hbm>>) target(%dma_start3A_668 : memref<125x48xf32, #tpu.memory_space<vmem>>) offsets(%dma_start3A_671 : memref<125xi32, #tpu.memory_space<vmem>>) semaphore(%dma_start3A_676 : memref<!tpu.dma_semaphore, #tpu.memory_space<semaphore_mem>>)
      %add3A_677 = arith.constant 5 : i32
      %add3A_678 = arith.addi %add3A_622, %add3A_677 : i32
      %add3A_679 = arith.constant 3 : i32
      %add3A_680 = arith.addi %add3A_678, %add3A_679 : i32
      %dma_start3A_681 = arith.constant 8 : i32
      %dma_start3A_682 = arith.constant 8 : i32
      %dma_start3A_683 = arith.constant 0 : i32
      %dma_start3A_684 = arith.constant 0 : i32
      %dma_start3A_685 = tpu.memref_slice %arg8[%dma_start3A_681, %dma_start3A_683, %dma_start3A_684] : memref<10x125x48xf32, #tpu.memory_space<vmem>> -> memref<1x125x48xf32, #tpu.memory_space<vmem>>
      %dma_start3A_686 = tpu.memref_squeeze %dma_start3A_685 : memref<1x125x48xf32, #tpu.memory_space<vmem>> -> memref<125x48xf32, #tpu.memory_space<vmem>>
      %dma_start3A_687 = arith.constant 0 : i32
      %dma_start3A_688 = tpu.memref_slice %arg6[%add3A_680, %dma_start3A_687] : memref<80x125xi32, #tpu.memory_space<vmem>> -> memref<1x125xi32, #tpu.memory_space<vmem>>
      %dma_start3A_689 = tpu.memref_squeeze %dma_start3A_688 : memref<1x125xi32, #tpu.memory_space<vmem>> -> memref<125xi32, #tpu.memory_space<vmem>>
      %dma_start3A_690 = arith.constant 0 : i32
      %dma_start3A_691 = arith.constant 0 : i32
      %dma_start3A_692 = tpu.memref_slice %arg2[%dma_start3A_690, %dma_start3A_691] : memref<10000x48xf32, #tpu.memory_space<hbm>> -> memref<10000x48xf32, #tpu.memory_space<hbm>>
      %dma_start3A_693 = tpu.memref_slice %arg10[%dma_start3A_682] : memref<10x!tpu.dma_semaphore, #tpu.memory_space<semaphore_mem>> -> memref<1x!tpu.dma_semaphore, #tpu.memory_space<semaphore_mem>>
      %dma_start3A_694 = tpu.memref_squeeze %dma_start3A_693 : memref<1x!tpu.dma_semaphore, #tpu.memory_space<semaphore_mem>> -> memref<!tpu.dma_semaphore, #tpu.memory_space<semaphore_mem>>
      tpu.enqueue_indirect_dma source(%dma_start3A_692 : memref<10000x48xf32, #tpu.memory_space<hbm>>) target(%dma_start3A_686 : memref<125x48xf32, #tpu.memory_space<vmem>>) offsets(%dma_start3A_689 : memref<125xi32, #tpu.memory_space<vmem>>) semaphore(%dma_start3A_694 : memref<!tpu.dma_semaphore, #tpu.memory_space<semaphore_mem>>)
      %add3A_695 = arith.constant 5 : i32
      %add3A_696 = arith.addi %add3A_622, %add3A_695 : i32
      %add3A_697 = arith.constant 4 : i32
      %add3A_698 = arith.addi %add3A_696, %add3A_697 : i32
      %dma_start3A_699 = arith.constant 9 : i32
      %dma_start3A_700 = arith.constant 9 : i32
      %dma_start3A_701 = arith.constant 0 : i32
      %dma_start3A_702 = arith.constant 0 : i32
      %dma_start3A_703 = tpu.memref_slice %arg8[%dma_start3A_699, %dma_start3A_701, %dma_start3A_702] : memref<10x125x48xf32, #tpu.memory_space<vmem>> -> memref<1x125x48xf32, #tpu.memory_space<vmem>>
      %dma_start3A_704 = tpu.memref_squeeze %dma_start3A_703 : memref<1x125x48xf32, #tpu.memory_space<vmem>> -> memref<125x48xf32, #tpu.memory_space<vmem>>
      %dma_start3A_705 = arith.constant 0 : i32
      %dma_start3A_706 = tpu.memref_slice %arg6[%add3A_698, %dma_start3A_705] : memref<80x125xi32, #tpu.memory_space<vmem>> -> memref<1x125xi32, #tpu.memory_space<vmem>>
      %dma_start3A_707 = tpu.memref_squeeze %dma_start3A_706 : memref<1x125xi32, #tpu.memory_space<vmem>> -> memref<125xi32, #tpu.memory_space<vmem>>
      %dma_start3A_708 = arith.constant 0 : i32
      %dma_start3A_709 = arith.constant 0 : i32
      %dma_start3A_710 = tpu.memref_slice %arg2[%dma_start3A_708, %dma_start3A_709] : memref<10000x48xf32, #tpu.memory_space<hbm>> -> memref<10000x48xf32, #tpu.memory_space<hbm>>
      %dma_start3A_711 = tpu.memref_slice %arg10[%dma_start3A_700] : memref<10x!tpu.dma_semaphore, #tpu.memory_space<semaphore_mem>> -> memref<1x!tpu.dma_semaphore, #tpu.memory_space<semaphore_mem>>
      %dma_start3A_712 = tpu.memref_squeeze %dma_start3A_711 : memref<1x!tpu.dma_semaphore, #tpu.memory_space<semaphore_mem>> -> memref<!tpu.dma_semaphore, #tpu.memory_space<semaphore_mem>>
      tpu.enqueue_indirect_dma source(%dma_start3A_710 : memref<10000x48xf32, #tpu.memory_space<hbm>>) target(%dma_start3A_704 : memref<125x48xf32, #tpu.memory_space<vmem>>) offsets(%dma_start3A_707 : memref<125xi32, #tpu.memory_space<vmem>>) semaphore(%dma_start3A_712 : memref<!tpu.dma_semaphore, #tpu.memory_space<semaphore_mem>>)
      %add3A_713 = arith.constant 0 : i32
      %add3A_714 = arith.addi %add3A_622, %add3A_713 : i32
      %add3A_715 = arith.constant 0 : i32
      %add3A_716 = arith.addi %add3A_714, %add3A_715 : i32
      %dma_wait3A_717 = arith.constant 0 : i32
      %dma_wait3A_718 = arith.constant 0 : i32
      %dma_wait3A_719 = arith.constant 0 : i32
      %dma_wait3A_720 = arith.constant 0 : i32
      %dma_wait3A_721 = tpu.memref_slice %arg8[%dma_wait3A_717, %dma_wait3A_719, %dma_wait3A_720] : memref<10x125x48xf32, #tpu.memory_space<vmem>> -> memref<1x125x48xf32, #tpu.memory_space<vmem>>
      %dma_wait3A_722 = tpu.memref_squeeze %dma_wait3A_721 : memref<1x125x48xf32, #tpu.memory_space<vmem>> -> memref<125x48xf32, #tpu.memory_space<vmem>>
      %dma_wait3A_723 = arith.constant 0 : i32
      %dma_wait3A_724 = tpu.memref_slice %arg6[%add3A_716, %dma_wait3A_723] : memref<80x125xi32, #tpu.memory_space<vmem>> -> memref<1x125xi32, #tpu.memory_space<vmem>>
      %dma_wait3A_725 = tpu.memref_squeeze %dma_wait3A_724 : memref<1x125xi32, #tpu.memory_space<vmem>> -> memref<125xi32, #tpu.memory_space<vmem>>
      %dma_wait3A_726 = arith.constant 0 : i32
      %dma_wait3A_727 = arith.constant 0 : i32
      %dma_wait3A_728 = tpu.memref_slice %arg2[%dma_wait3A_726, %dma_wait3A_727] : memref<10000x48xf32, #tpu.memory_space<hbm>> -> memref<10000x48xf32, #tpu.memory_space<hbm>>
      %dma_wait3A_729 = tpu.memref_slice %arg10[%dma_wait3A_718] : memref<10x!tpu.dma_semaphore, #tpu.memory_space<semaphore_mem>> -> memref<1x!tpu.dma_semaphore, #tpu.memory_space<semaphore_mem>>
      %dma_wait3A_730 = tpu.memref_squeeze %dma_wait3A_729 : memref<1x!tpu.dma_semaphore, #tpu.memory_space<semaphore_mem>> -> memref<!tpu.dma_semaphore, #tpu.memory_space<semaphore_mem>>
      tpu.wait_indirect_dma semaphore(%dma_wait3A_730 : memref<!tpu.dma_semaphore, #tpu.memory_space<semaphore_mem>>) src(%dma_wait3A_728 : memref<10000x48xf32, #tpu.memory_space<hbm>>) dst(%dma_wait3A_722 : memref<125x48xf32, #tpu.memory_space<vmem>>)
      %add3A_731 = arith.constant 0 : i32
      %add3A_732 = arith.addi %add3A_622, %add3A_731 : i32
      %add3A_733 = arith.constant 0 : i32
      %add3A_734 = arith.addi %add3A_732, %add3A_733 : i32
      %dma_start3A_735 = arith.constant 0 : i32
      %dma_start3A_736 = arith.constant 0 : i32
      %dma_start3A_737 = arith.constant 0 : i32
      %dma_start3A_738 = arith.constant 0 : i32
      %dma_start3A_739 = tpu.memref_slice %arg8[%dma_start3A_735, %dma_start3A_737, %dma_start3A_738] : memref<10x125x48xf32, #tpu.memory_space<vmem>> -> memref<1x125x48xf32, #tpu.memory_space<vmem>>
      %dma_start3A_740 = tpu.memref_squeeze %dma_start3A_739 : memref<1x125x48xf32, #tpu.memory_space<vmem>> -> memref<125x48xf32, #tpu.memory_space<vmem>>
      %dma_start3A_741 = arith.constant 0 : i32
      %dma_start3A_742 = tpu.memref_slice %arg7[%add3A_734, %dma_start3A_741] : memref<80x125xi32, #tpu.memory_space<vmem>> -> memref<1x125xi32, #tpu.memory_space<vmem>>
      %dma_start3A_743 = tpu.memref_squeeze %dma_start3A_742 : memref<1x125xi32, #tpu.memory_space<vmem>> -> memref<125xi32, #tpu.memory_space<vmem>>
      %dma_start3A_744 = arith.constant 0 : i32
      %dma_start3A_745 = arith.constant 0 : i32
      %dma_start3A_746 = tpu.memref_slice %arg9[%dma_start3A_744, %dma_start3A_745] : memref<10000x48xf32, #tpu.memory_space<vmem_shared>> -> memref<10000x48xf32, #tpu.memory_space<vmem_shared>>
      %dma_start3A_747 = tpu.memref_slice %arg11[%dma_start3A_736] : memref<10x!tpu.dma_semaphore, #tpu.memory_space<semaphore_mem>> -> memref<1x!tpu.dma_semaphore, #tpu.memory_space<semaphore_mem>>
      %dma_start3A_748 = tpu.memref_squeeze %dma_start3A_747 : memref<1x!tpu.dma_semaphore, #tpu.memory_space<semaphore_mem>> -> memref<!tpu.dma_semaphore, #tpu.memory_space<semaphore_mem>>
      tpu.enqueue_indirect_dma source(%dma_start3A_740 : memref<125x48xf32, #tpu.memory_space<vmem>>) target(%dma_start3A_746 : memref<10000x48xf32, #tpu.memory_space<vmem_shared>>) offsets(%dma_start3A_743 : memref<125xi32, #tpu.memory_space<vmem>>) semaphore(%dma_start3A_748 : memref<!tpu.dma_semaphore, #tpu.memory_space<semaphore_mem>>) {add = true}
      %add3A_749 = arith.constant 0 : i32
      %add3A_750 = arith.addi %add3A_622, %add3A_749 : i32
      %add3A_751 = arith.constant 1 : i32
      %add3A_752 = arith.addi %add3A_750, %add3A_751 : i32
      %dma_wait3A_753 = arith.constant 1 : i32
      %dma_wait3A_754 = arith.constant 1 : i32
      %dma_wait3A_755 = arith.constant 0 : i32
      %dma_wait3A_756 = arith.constant 0 : i32
      %dma_wait3A_757 = tpu.memref_slice %arg8[%dma_wait3A_753, %dma_wait3A_755, %dma_wait3A_756] : memref<10x125x48xf32, #tpu.memory_space<vmem>> -> memref<1x125x48xf32, #tpu.memory_space<vmem>>
      %dma_wait3A_758 = tpu.memref_squeeze %dma_wait3A_757 : memref<1x125x48xf32, #tpu.memory_space<vmem>> -> memref<125x48xf32, #tpu.memory_space<vmem>>
      %dma_wait3A_759 = arith.constant 0 : i32
      %dma_wait3A_760 = tpu.memref_slice %arg6[%add3A_752, %dma_wait3A_759] : memref<80x125xi32, #tpu.memory_space<vmem>> -> memref<1x125xi32, #tpu.memory_space<vmem>>
      %dma_wait3A_761 = tpu.memref_squeeze %dma_wait3A_760 : memref<1x125xi32, #tpu.memory_space<vmem>> -> memref<125xi32, #tpu.memory_space<vmem>>
      %dma_wait3A_762 = arith.constant 0 : i32
      %dma_wait3A_763 = arith.constant 0 : i32
      %dma_wait3A_764 = tpu.memref_slice %arg2[%dma_wait3A_762, %dma_wait3A_763] : memref<10000x48xf32, #tpu.memory_space<hbm>> -> memref<10000x48xf32, #tpu.memory_space<hbm>>
      %dma_wait3A_765 = tpu.memref_slice %arg10[%dma_wait3A_754] : memref<10x!tpu.dma_semaphore, #tpu.memory_space<semaphore_mem>> -> memref<1x!tpu.dma_semaphore, #tpu.memory_space<semaphore_mem>>
      %dma_wait3A_766 = tpu.memref_squeeze %dma_wait3A_765 : memref<1x!tpu.dma_semaphore, #tpu.memory_space<semaphore_mem>> -> memref<!tpu.dma_semaphore, #tpu.memory_space<semaphore_mem>>
      tpu.wait_indirect_dma semaphore(%dma_wait3A_766 : memref<!tpu.dma_semaphore, #tpu.memory_space<semaphore_mem>>) src(%dma_wait3A_764 : memref<10000x48xf32, #tpu.memory_space<hbm>>) dst(%dma_wait3A_758 : memref<125x48xf32, #tpu.memory_space<vmem>>)
      %add3A_767 = arith.constant 0 : i32
      %add3A_768 = arith.addi %add3A_622, %add3A_767 : i32
      %add3A_769 = arith.constant 1 : i32
      %add3A_770 = arith.addi %add3A_768, %add3A_769 : i32
      %dma_start3A_771 = arith.constant 1 : i32
      %dma_start3A_772 = arith.constant 1 : i32
      %dma_start3A_773 = arith.constant 0 : i32
      %dma_start3A_774 = arith.constant 0 : i32
      %dma_start3A_775 = tpu.memref_slice %arg8[%dma_start3A_771, %dma_start3A_773, %dma_start3A_774] : memref<10x125x48xf32, #tpu.memory_space<vmem>> -> memref<1x125x48xf32, #tpu.memory_space<vmem>>
      %dma_start3A_776 = tpu.memref_squeeze %dma_start3A_775 : memref<1x125x48xf32, #tpu.memory_space<vmem>> -> memref<125x48xf32, #tpu.memory_space<vmem>>
      %dma_start3A_777 = arith.constant 0 : i32
      %dma_start3A_778 = tpu.memref_slice %arg7[%add3A_770, %dma_start3A_777] : memref<80x125xi32, #tpu.memory_space<vmem>> -> memref<1x125xi32, #tpu.memory_space<vmem>>
      %dma_start3A_779 = tpu.memref_squeeze %dma_start3A_778 : memref<1x125xi32, #tpu.memory_space<vmem>> -> memref<125xi32, #tpu.memory_space<vmem>>
      %dma_start3A_780 = arith.constant 0 : i32
      %dma_start3A_781 = arith.constant 0 : i32
      %dma_start3A_782 = tpu.memref_slice %arg9[%dma_start3A_780, %dma_start3A_781] : memref<10000x48xf32, #tpu.memory_space<vmem_shared>> -> memref<10000x48xf32, #tpu.memory_space<vmem_shared>>
      %dma_start3A_783 = tpu.memref_slice %arg11[%dma_start3A_772] : memref<10x!tpu.dma_semaphore, #tpu.memory_space<semaphore_mem>> -> memref<1x!tpu.dma_semaphore, #tpu.memory_space<semaphore_mem>>
      %dma_start3A_784 = tpu.memref_squeeze %dma_start3A_783 : memref<1x!tpu.dma_semaphore, #tpu.memory_space<semaphore_mem>> -> memref<!tpu.dma_semaphore, #tpu.memory_space<semaphore_mem>>
      tpu.enqueue_indirect_dma source(%dma_start3A_776 : memref<125x48xf32, #tpu.memory_space<vmem>>) target(%dma_start3A_782 : memref<10000x48xf32, #tpu.memory_space<vmem_shared>>) offsets(%dma_start3A_779 : memref<125xi32, #tpu.memory_space<vmem>>) semaphore(%dma_start3A_784 : memref<!tpu.dma_semaphore, #tpu.memory_space<semaphore_mem>>) {add = true}
      %add3A_785 = arith.constant 0 : i32
      %add3A_786 = arith.addi %add3A_622, %add3A_785 : i32
      %add3A_787 = arith.constant 2 : i32
      %add3A_788 = arith.addi %add3A_786, %add3A_787 : i32
      %dma_wait3A_789 = arith.constant 2 : i32
      %dma_wait3A_790 = arith.constant 2 : i32
      %dma_wait3A_791 = arith.constant 0 : i32
      %dma_wait3A_792 = arith.constant 0 : i32
      %dma_wait3A_793 = tpu.memref_slice %arg8[%dma_wait3A_789, %dma_wait3A_791, %dma_wait3A_792] : memref<10x125x48xf32, #tpu.memory_space<vmem>> -> memref<1x125x48xf32, #tpu.memory_space<vmem>>
      %dma_wait3A_794 = tpu.memref_squeeze %dma_wait3A_793 : memref<1x125x48xf32, #tpu.memory_space<vmem>> -> memref<125x48xf32, #tpu.memory_space<vmem>>
      %dma_wait3A_795 = arith.constant 0 : i32
      %dma_wait3A_796 = tpu.memref_slice %arg6[%add3A_788, %dma_wait3A_795] : memref<80x125xi32, #tpu.memory_space<vmem>> -> memref<1x125xi32, #tpu.memory_space<vmem>>
      %dma_wait3A_797 = tpu.memref_squeeze %dma_wait3A_796 : memref<1x125xi32, #tpu.memory_space<vmem>> -> memref<125xi32, #tpu.memory_space<vmem>>
      %dma_wait3A_798 = arith.constant 0 : i32
      %dma_wait3A_799 = arith.constant 0 : i32
      %dma_wait3A_800 = tpu.memref_slice %arg2[%dma_wait3A_798, %dma_wait3A_799] : memref<10000x48xf32, #tpu.memory_space<hbm>> -> memref<10000x48xf32, #tpu.memory_space<hbm>>
      %dma_wait3A_801 = tpu.memref_slice %arg10[%dma_wait3A_790] : memref<10x!tpu.dma_semaphore, #tpu.memory_space<semaphore_mem>> -> memref<1x!tpu.dma_semaphore, #tpu.memory_space<semaphore_mem>>
      %dma_wait3A_802 = tpu.memref_squeeze %dma_wait3A_801 : memref<1x!tpu.dma_semaphore, #tpu.memory_space<semaphore_mem>> -> memref<!tpu.dma_semaphore, #tpu.memory_space<semaphore_mem>>
      tpu.wait_indirect_dma semaphore(%dma_wait3A_802 : memref<!tpu.dma_semaphore, #tpu.memory_space<semaphore_mem>>) src(%dma_wait3A_800 : memref<10000x48xf32, #tpu.memory_space<hbm>>) dst(%dma_wait3A_794 : memref<125x48xf32, #tpu.memory_space<vmem>>)
      %add3A_803 = arith.constant 0 : i32
      %add3A_804 = arith.addi %add3A_622, %add3A_803 : i32
      %add3A_805 = arith.constant 2 : i32
      %add3A_806 = arith.addi %add3A_804, %add3A_805 : i32
      %dma_start3A_807 = arith.constant 2 : i32
      %dma_start3A_808 = arith.constant 2 : i32
      %dma_start3A_809 = arith.constant 0 : i32
      %dma_start3A_810 = arith.constant 0 : i32
      %dma_start3A_811 = tpu.memref_slice %arg8[%dma_start3A_807, %dma_start3A_809, %dma_start3A_810] : memref<10x125x48xf32, #tpu.memory_space<vmem>> -> memref<1x125x48xf32, #tpu.memory_space<vmem>>
      %dma_start3A_812 = tpu.memref_squeeze %dma_start3A_811 : memref<1x125x48xf32, #tpu.memory_space<vmem>> -> memref<125x48xf32, #tpu.memory_space<vmem>>
      %dma_start3A_813 = arith.constant 0 : i32
      %dma_start3A_814 = tpu.memref_slice %arg7[%add3A_806, %dma_start3A_813] : memref<80x125xi32, #tpu.memory_space<vmem>> -> memref<1x125xi32, #tpu.memory_space<vmem>>
      %dma_start3A_815 = tpu.memref_squeeze %dma_start3A_814 : memref<1x125xi32, #tpu.memory_space<vmem>> -> memref<125xi32, #tpu.memory_space<vmem>>
      %dma_start3A_816 = arith.constant 0 : i32
      %dma_start3A_817 = arith.constant 0 : i32
      %dma_start3A_818 = tpu.memref_slice %arg9[%dma_start3A_816, %dma_start3A_817] : memref<10000x48xf32, #tpu.memory_space<vmem_shared>> -> memref<10000x48xf32, #tpu.memory_space<vmem_shared>>
      %dma_start3A_819 = tpu.memref_slice %arg11[%dma_start3A_808] : memref<10x!tpu.dma_semaphore, #tpu.memory_space<semaphore_mem>> -> memref<1x!tpu.dma_semaphore, #tpu.memory_space<semaphore_mem>>
      %dma_start3A_820 = tpu.memref_squeeze %dma_start3A_819 : memref<1x!tpu.dma_semaphore, #tpu.memory_space<semaphore_mem>> -> memref<!tpu.dma_semaphore, #tpu.memory_space<semaphore_mem>>
      tpu.enqueue_indirect_dma source(%dma_start3A_812 : memref<125x48xf32, #tpu.memory_space<vmem>>) target(%dma_start3A_818 : memref<10000x48xf32, #tpu.memory_space<vmem_shared>>) offsets(%dma_start3A_815 : memref<125xi32, #tpu.memory_space<vmem>>) semaphore(%dma_start3A_820 : memref<!tpu.dma_semaphore, #tpu.memory_space<semaphore_mem>>) {add = true}
      %add3A_821 = arith.constant 0 : i32
      %add3A_822 = arith.addi %add3A_622, %add3A_821 : i32
      %add3A_823 = arith.constant 3 : i32
      %add3A_824 = arith.addi %add3A_822, %add3A_823 : i32
      %dma_wait3A_825 = arith.constant 3 : i32
      %dma_wait3A_826 = arith.constant 3 : i32
      %dma_wait3A_827 = arith.constant 0 : i32
      %dma_wait3A_828 = arith.constant 0 : i32
      %dma_wait3A_829 = tpu.memref_slice %arg8[%dma_wait3A_825, %dma_wait3A_827, %dma_wait3A_828] : memref<10x125x48xf32, #tpu.memory_space<vmem>> -> memref<1x125x48xf32, #tpu.memory_space<vmem>>
      %dma_wait3A_830 = tpu.memref_squeeze %dma_wait3A_829 : memref<1x125x48xf32, #tpu.memory_space<vmem>> -> memref<125x48xf32, #tpu.memory_space<vmem>>
      %dma_wait3A_831 = arith.constant 0 : i32
      %dma_wait3A_832 = tpu.memref_slice %arg6[%add3A_824, %dma_wait3A_831] : memref<80x125xi32, #tpu.memory_space<vmem>> -> memref<1x125xi32, #tpu.memory_space<vmem>>
      %dma_wait3A_833 = tpu.memref_squeeze %dma_wait3A_832 : memref<1x125xi32, #tpu.memory_space<vmem>> -> memref<125xi32, #tpu.memory_space<vmem>>
      %dma_wait3A_834 = arith.constant 0 : i32
      %dma_wait3A_835 = arith.constant 0 : i32
      %dma_wait3A_836 = tpu.memref_slice %arg2[%dma_wait3A_834, %dma_wait3A_835] : memref<10000x48xf32, #tpu.memory_space<hbm>> -> memref<10000x48xf32, #tpu.memory_space<hbm>>
      %dma_wait3A_837 = tpu.memref_slice %arg10[%dma_wait3A_826] : memref<10x!tpu.dma_semaphore, #tpu.memory_space<semaphore_mem>> -> memref<1x!tpu.dma_semaphore, #tpu.memory_space<semaphore_mem>>
      %dma_wait3A_838 = tpu.memref_squeeze %dma_wait3A_837 : memref<1x!tpu.dma_semaphore, #tpu.memory_space<semaphore_mem>> -> memref<!tpu.dma_semaphore, #tpu.memory_space<semaphore_mem>>
      tpu.wait_indirect_dma semaphore(%dma_wait3A_838 : memref<!tpu.dma_semaphore, #tpu.memory_space<semaphore_mem>>) src(%dma_wait3A_836 : memref<10000x48xf32, #tpu.memory_space<hbm>>) dst(%dma_wait3A_830 : memref<125x48xf32, #tpu.memory_space<vmem>>)
      %add3A_839 = arith.constant 0 : i32
      %add3A_840 = arith.addi %add3A_622, %add3A_839 : i32
      %add3A_841 = arith.constant 3 : i32
      %add3A_842 = arith.addi %add3A_840, %add3A_841 : i32
      %dma_start3A_843 = arith.constant 3 : i32
      %dma_start3A_844 = arith.constant 3 : i32
      %dma_start3A_845 = arith.constant 0 : i32
      %dma_start3A_846 = arith.constant 0 : i32
      %dma_start3A_847 = tpu.memref_slice %arg8[%dma_start3A_843, %dma_start3A_845, %dma_start3A_846] : memref<10x125x48xf32, #tpu.memory_space<vmem>> -> memref<1x125x48xf32, #tpu.memory_space<vmem>>
      %dma_start3A_848 = tpu.memref_squeeze %dma_start3A_847 : memref<1x125x48xf32, #tpu.memory_space<vmem>> -> memref<125x48xf32, #tpu.memory_space<vmem>>
      %dma_start3A_849 = arith.constant 0 : i32
      %dma_start3A_850 = tpu.memref_slice %arg7[%add3A_842, %dma_start3A_849] : memref<80x125xi32, #tpu.memory_space<vmem>> -> memref<1x125xi32, #tpu.memory_space<vmem>>
      %dma_start3A_851 = tpu.memref_squeeze %dma_start3A_850 : memref<1x125xi32, #tpu.memory_space<vmem>> -> memref<125xi32, #tpu.memory_space<vmem>>
      %dma_start3A_852 = arith.constant 0 : i32
      %dma_start3A_853 = arith.constant 0 : i32
      %dma_start3A_854 = tpu.memref_slice %arg9[%dma_start3A_852, %dma_start3A_853] : memref<10000x48xf32, #tpu.memory_space<vmem_shared>> -> memref<10000x48xf32, #tpu.memory_space<vmem_shared>>
      %dma_start3A_855 = tpu.memref_slice %arg11[%dma_start3A_844] : memref<10x!tpu.dma_semaphore, #tpu.memory_space<semaphore_mem>> -> memref<1x!tpu.dma_semaphore, #tpu.memory_space<semaphore_mem>>
      %dma_start3A_856 = tpu.memref_squeeze %dma_start3A_855 : memref<1x!tpu.dma_semaphore, #tpu.memory_space<semaphore_mem>> -> memref<!tpu.dma_semaphore, #tpu.memory_space<semaphore_mem>>
      tpu.enqueue_indirect_dma source(%dma_start3A_848 : memref<125x48xf32, #tpu.memory_space<vmem>>) target(%dma_start3A_854 : memref<10000x48xf32, #tpu.memory_space<vmem_shared>>) offsets(%dma_start3A_851 : memref<125xi32, #tpu.memory_space<vmem>>) semaphore(%dma_start3A_856 : memref<!tpu.dma_semaphore, #tpu.memory_space<semaphore_mem>>) {add = true}
      %add3A_857 = arith.constant 0 : i32
      %add3A_858 = arith.addi %add3A_622, %add3A_857 : i32
      %add3A_859 = arith.constant 4 : i32
      %add3A_860 = arith.addi %add3A_858, %add3A_859 : i32
      %dma_wait3A_861 = arith.constant 4 : i32
      %dma_wait3A_862 = arith.constant 4 : i32
      %dma_wait3A_863 = arith.constant 0 : i32
      %dma_wait3A_864 = arith.constant 0 : i32
      %dma_wait3A_865 = tpu.memref_slice %arg8[%dma_wait3A_861, %dma_wait3A_863, %dma_wait3A_864] : memref<10x125x48xf32, #tpu.memory_space<vmem>> -> memref<1x125x48xf32, #tpu.memory_space<vmem>>
      %dma_wait3A_866 = tpu.memref_squeeze %dma_wait3A_865 : memref<1x125x48xf32, #tpu.memory_space<vmem>> -> memref<125x48xf32, #tpu.memory_space<vmem>>
      %dma_wait3A_867 = arith.constant 0 : i32
      %dma_wait3A_868 = tpu.memref_slice %arg6[%add3A_860, %dma_wait3A_867] : memref<80x125xi32, #tpu.memory_space<vmem>> -> memref<1x125xi32, #tpu.memory_space<vmem>>
      %dma_wait3A_869 = tpu.memref_squeeze %dma_wait3A_868 : memref<1x125xi32, #tpu.memory_space<vmem>> -> memref<125xi32, #tpu.memory_space<vmem>>
      %dma_wait3A_870 = arith.constant 0 : i32
      %dma_wait3A_871 = arith.constant 0 : i32
      %dma_wait3A_872 = tpu.memref_slice %arg2[%dma_wait3A_870, %dma_wait3A_871] : memref<10000x48xf32, #tpu.memory_space<hbm>> -> memref<10000x48xf32, #tpu.memory_space<hbm>>
      %dma_wait3A_873 = tpu.memref_slice %arg10[%dma_wait3A_862] : memref<10x!tpu.dma_semaphore, #tpu.memory_space<semaphore_mem>> -> memref<1x!tpu.dma_semaphore, #tpu.memory_space<semaphore_mem>>
      %dma_wait3A_874 = tpu.memref_squeeze %dma_wait3A_873 : memref<1x!tpu.dma_semaphore, #tpu.memory_space<semaphore_mem>> -> memref<!tpu.dma_semaphore, #tpu.memory_space<semaphore_mem>>
      tpu.wait_indirect_dma semaphore(%dma_wait3A_874 : memref<!tpu.dma_semaphore, #tpu.memory_space<semaphore_mem>>) src(%dma_wait3A_872 : memref<10000x48xf32, #tpu.memory_space<hbm>>) dst(%dma_wait3A_866 : memref<125x48xf32, #tpu.memory_space<vmem>>)
      %add3A_875 = arith.constant 0 : i32
      %add3A_876 = arith.addi %add3A_622, %add3A_875 : i32
      %add3A_877 = arith.constant 4 : i32
      %add3A_878 = arith.addi %add3A_876, %add3A_877 : i32
      %dma_start3A_879 = arith.constant 4 : i32
      %dma_start3A_880 = arith.constant 4 : i32
      %dma_start3A_881 = arith.constant 0 : i32
      %dma_start3A_882 = arith.constant 0 : i32
      %dma_start3A_883 = tpu.memref_slice %arg8[%dma_start3A_879, %dma_start3A_881, %dma_start3A_882] : memref<10x125x48xf32, #tpu.memory_space<vmem>> -> memref<1x125x48xf32, #tpu.memory_space<vmem>>
      %dma_start3A_884 = tpu.memref_squeeze %dma_start3A_883 : memref<1x125x48xf32, #tpu.memory_space<vmem>> -> memref<125x48xf32, #tpu.memory_space<vmem>>
      %dma_start3A_885 = arith.constant 0 : i32
      %dma_start3A_886 = tpu.memref_slice %arg7[%add3A_878, %dma_start3A_885] : memref<80x125xi32, #tpu.memory_space<vmem>> -> memref<1x125xi32, #tpu.memory_space<vmem>>
      %dma_start3A_887 = tpu.memref_squeeze %dma_start3A_886 : memref<1x125xi32, #tpu.memory_space<vmem>> -> memref<125xi32, #tpu.memory_space<vmem>>
      %dma_start3A_888 = arith.constant 0 : i32
      %dma_start3A_889 = arith.constant 0 : i32
      %dma_start3A_890 = tpu.memref_slice %arg9[%dma_start3A_888, %dma_start3A_889] : memref<10000x48xf32, #tpu.memory_space<vmem_shared>> -> memref<10000x48xf32, #tpu.memory_space<vmem_shared>>
      %dma_start3A_891 = tpu.memref_slice %arg11[%dma_start3A_880] : memref<10x!tpu.dma_semaphore, #tpu.memory_space<semaphore_mem>> -> memref<1x!tpu.dma_semaphore, #tpu.memory_space<semaphore_mem>>
      %dma_start3A_892 = tpu.memref_squeeze %dma_start3A_891 : memref<1x!tpu.dma_semaphore, #tpu.memory_space<semaphore_mem>> -> memref<!tpu.dma_semaphore, #tpu.memory_space<semaphore_mem>>
      tpu.enqueue_indirect_dma source(%dma_start3A_884 : memref<125x48xf32, #tpu.memory_space<vmem>>) target(%dma_start3A_890 : memref<10000x48xf32, #tpu.memory_space<vmem_shared>>) offsets(%dma_start3A_887 : memref<125xi32, #tpu.memory_space<vmem>>) semaphore(%dma_start3A_892 : memref<!tpu.dma_semaphore, #tpu.memory_space<semaphore_mem>>) {add = true}
      %add3A_893 = arith.constant 0 : i32
      %add3A_894 = arith.addi %add3A_622, %add3A_893 : i32
      %add3A_895 = arith.constant 0 : i32
      %add3A_896 = arith.addi %add3A_894, %add3A_895 : i32
      %dma_wait3A_897 = arith.constant 0 : i32
      %dma_wait3A_898 = arith.constant 0 : i32
      %dma_wait3A_899 = arith.constant 0 : i32
      %dma_wait3A_900 = arith.constant 0 : i32
      %dma_wait3A_901 = tpu.memref_slice %arg8[%dma_wait3A_897, %dma_wait3A_899, %dma_wait3A_900] : memref<10x125x48xf32, #tpu.memory_space<vmem>> -> memref<1x125x48xf32, #tpu.memory_space<vmem>>
      %dma_wait3A_902 = tpu.memref_squeeze %dma_wait3A_901 : memref<1x125x48xf32, #tpu.memory_space<vmem>> -> memref<125x48xf32, #tpu.memory_space<vmem>>
      %dma_wait3A_903 = arith.constant 0 : i32
      %dma_wait3A_904 = tpu.memref_slice %arg7[%add3A_896, %dma_wait3A_903] : memref<80x125xi32, #tpu.memory_space<vmem>> -> memref<1x125xi32, #tpu.memory_space<vmem>>
      %dma_wait3A_905 = tpu.memref_squeeze %dma_wait3A_904 : memref<1x125xi32, #tpu.memory_space<vmem>> -> memref<125xi32, #tpu.memory_space<vmem>>
      %dma_wait3A_906 = arith.constant 0 : i32
      %dma_wait3A_907 = arith.constant 0 : i32
      %dma_wait3A_908 = tpu.memref_slice %arg9[%dma_wait3A_906, %dma_wait3A_907] : memref<10000x48xf32, #tpu.memory_space<vmem_shared>> -> memref<10000x48xf32, #tpu.memory_space<vmem_shared>>
      %dma_wait3A_909 = tpu.memref_slice %arg11[%dma_wait3A_898] : memref<10x!tpu.dma_semaphore, #tpu.memory_space<semaphore_mem>> -> memref<1x!tpu.dma_semaphore, #tpu.memory_space<semaphore_mem>>
      %dma_wait3A_910 = tpu.memref_squeeze %dma_wait3A_909 : memref<1x!tpu.dma_semaphore, #tpu.memory_space<semaphore_mem>> -> memref<!tpu.dma_semaphore, #tpu.memory_space<semaphore_mem>>
      tpu.wait_indirect_dma semaphore(%dma_wait3A_910 : memref<!tpu.dma_semaphore, #tpu.memory_space<semaphore_mem>>) src(%dma_wait3A_902 : memref<125x48xf32, #tpu.memory_space<vmem>>) dst(%dma_wait3A_908 : memref<10000x48xf32, #tpu.memory_space<vmem_shared>>)
      %add3A_911 = arith.constant 0 : i32
      %add3A_912 = arith.addi %add3A_622, %add3A_911 : i32
      %add3A_913 = arith.constant 1 : i32
      %add3A_914 = arith.addi %add3A_912, %add3A_913 : i32
      %dma_wait3A_915 = arith.constant 1 : i32
      %dma_wait3A_916 = arith.constant 1 : i32
      %dma_wait3A_917 = arith.constant 0 : i32
      %dma_wait3A_918 = arith.constant 0 : i32
      %dma_wait3A_919 = tpu.memref_slice %arg8[%dma_wait3A_915, %dma_wait3A_917, %dma_wait3A_918] : memref<10x125x48xf32, #tpu.memory_space<vmem>> -> memref<1x125x48xf32, #tpu.memory_space<vmem>>
      %dma_wait3A_920 = tpu.memref_squeeze %dma_wait3A_919 : memref<1x125x48xf32, #tpu.memory_space<vmem>> -> memref<125x48xf32, #tpu.memory_space<vmem>>
      %dma_wait3A_921 = arith.constant 0 : i32
      %dma_wait3A_922 = tpu.memref_slice %arg7[%add3A_914, %dma_wait3A_921] : memref<80x125xi32, #tpu.memory_space<vmem>> -> memref<1x125xi32, #tpu.memory_space<vmem>>
      %dma_wait3A_923 = tpu.memref_squeeze %dma_wait3A_922 : memref<1x125xi32, #tpu.memory_space<vmem>> -> memref<125xi32, #tpu.memory_space<vmem>>
      %dma_wait3A_924 = arith.constant 0 : i32
      %dma_wait3A_925 = arith.constant 0 : i32
      %dma_wait3A_926 = tpu.memref_slice %arg9[%dma_wait3A_924, %dma_wait3A_925] : memref<10000x48xf32, #tpu.memory_space<vmem_shared>> -> memref<10000x48xf32, #tpu.memory_space<vmem_shared>>
      %dma_wait3A_927 = tpu.memref_slice %arg11[%dma_wait3A_916] : memref<10x!tpu.dma_semaphore, #tpu.memory_space<semaphore_mem>> -> memref<1x!tpu.dma_semaphore, #tpu.memory_space<semaphore_mem>>
      %dma_wait3A_928 = tpu.memref_squeeze %dma_wait3A_927 : memref<1x!tpu.dma_semaphore, #tpu.memory_space<semaphore_mem>> -> memref<!tpu.dma_semaphore, #tpu.memory_space<semaphore_mem>>
      tpu.wait_indirect_dma semaphore(%dma_wait3A_928 : memref<!tpu.dma_semaphore, #tpu.memory_space<semaphore_mem>>) src(%dma_wait3A_920 : memref<125x48xf32, #tpu.memory_space<vmem>>) dst(%dma_wait3A_926 : memref<10000x48xf32, #tpu.memory_space<vmem_shared>>)
      %add3A_929 = arith.constant 0 : i32
      %add3A_930 = arith.addi %add3A_622, %add3A_929 : i32
      %add3A_931 = arith.constant 2 : i32
      %add3A_932 = arith.addi %add3A_930, %add3A_931 : i32
      %dma_wait3A_933 = arith.constant 2 : i32
      %dma_wait3A_934 = arith.constant 2 : i32
      %dma_wait3A_935 = arith.constant 0 : i32
      %dma_wait3A_936 = arith.constant 0 : i32
      %dma_wait3A_937 = tpu.memref_slice %arg8[%dma_wait3A_933, %dma_wait3A_935, %dma_wait3A_936] : memref<10x125x48xf32, #tpu.memory_space<vmem>> -> memref<1x125x48xf32, #tpu.memory_space<vmem>>
      %dma_wait3A_938 = tpu.memref_squeeze %dma_wait3A_937 : memref<1x125x48xf32, #tpu.memory_space<vmem>> -> memref<125x48xf32, #tpu.memory_space<vmem>>
      %dma_wait3A_939 = arith.constant 0 : i32
      %dma_wait3A_940 = tpu.memref_slice %arg7[%add3A_932, %dma_wait3A_939] : memref<80x125xi32, #tpu.memory_space<vmem>> -> memref<1x125xi32, #tpu.memory_space<vmem>>
      %dma_wait3A_941 = tpu.memref_squeeze %dma_wait3A_940 : memref<1x125xi32, #tpu.memory_space<vmem>> -> memref<125xi32, #tpu.memory_space<vmem>>
      %dma_wait3A_942 = arith.constant 0 : i32
      %dma_wait3A_943 = arith.constant 0 : i32
      %dma_wait3A_944 = tpu.memref_slice %arg9[%dma_wait3A_942, %dma_wait3A_943] : memref<10000x48xf32, #tpu.memory_space<vmem_shared>> -> memref<10000x48xf32, #tpu.memory_space<vmem_shared>>
      %dma_wait3A_945 = tpu.memref_slice %arg11[%dma_wait3A_934] : memref<10x!tpu.dma_semaphore, #tpu.memory_space<semaphore_mem>> -> memref<1x!tpu.dma_semaphore, #tpu.memory_space<semaphore_mem>>
      %dma_wait3A_946 = tpu.memref_squeeze %dma_wait3A_945 : memref<1x!tpu.dma_semaphore, #tpu.memory_space<semaphore_mem>> -> memref<!tpu.dma_semaphore, #tpu.memory_space<semaphore_mem>>
      tpu.wait_indirect_dma semaphore(%dma_wait3A_946 : memref<!tpu.dma_semaphore, #tpu.memory_space<semaphore_mem>>) src(%dma_wait3A_938 : memref<125x48xf32, #tpu.memory_space<vmem>>) dst(%dma_wait3A_944 : memref<10000x48xf32, #tpu.memory_space<vmem_shared>>)
      %add3A_947 = arith.constant 0 : i32
      %add3A_948 = arith.addi %add3A_622, %add3A_947 : i32
      %add3A_949 = arith.constant 3 : i32
      %add3A_950 = arith.addi %add3A_948, %add3A_949 : i32
      %dma_wait3A_951 = arith.constant 3 : i32
      %dma_wait3A_952 = arith.constant 3 : i32
      %dma_wait3A_953 = arith.constant 0 : i32
      %dma_wait3A_954 = arith.constant 0 : i32
      %dma_wait3A_955 = tpu.memref_slice %arg8[%dma_wait3A_951, %dma_wait3A_953, %dma_wait3A_954] : memref<10x125x48xf32, #tpu.memory_space<vmem>> -> memref<1x125x48xf32, #tpu.memory_space<vmem>>
      %dma_wait3A_956 = tpu.memref_squeeze %dma_wait3A_955 : memref<1x125x48xf32, #tpu.memory_space<vmem>> -> memref<125x48xf32, #tpu.memory_space<vmem>>
      %dma_wait3A_957 = arith.constant 0 : i32
      %dma_wait3A_958 = tpu.memref_slice %arg7[%add3A_950, %dma_wait3A_957] : memref<80x125xi32, #tpu.memory_space<vmem>> -> memref<1x125xi32, #tpu.memory_space<vmem>>
      %dma_wait3A_959 = tpu.memref_squeeze %dma_wait3A_958 : memref<1x125xi32, #tpu.memory_space<vmem>> -> memref<125xi32, #tpu.memory_space<vmem>>
      %dma_wait3A_960 = arith.constant 0 : i32
      %dma_wait3A_961 = arith.constant 0 : i32
      %dma_wait3A_962 = tpu.memref_slice %arg9[%dma_wait3A_960, %dma_wait3A_961] : memref<10000x48xf32, #tpu.memory_space<vmem_shared>> -> memref<10000x48xf32, #tpu.memory_space<vmem_shared>>
      %dma_wait3A_963 = tpu.memref_slice %arg11[%dma_wait3A_952] : memref<10x!tpu.dma_semaphore, #tpu.memory_space<semaphore_mem>> -> memref<1x!tpu.dma_semaphore, #tpu.memory_space<semaphore_mem>>
      %dma_wait3A_964 = tpu.memref_squeeze %dma_wait3A_963 : memref<1x!tpu.dma_semaphore, #tpu.memory_space<semaphore_mem>> -> memref<!tpu.dma_semaphore, #tpu.memory_space<semaphore_mem>>
      tpu.wait_indirect_dma semaphore(%dma_wait3A_964 : memref<!tpu.dma_semaphore, #tpu.memory_space<semaphore_mem>>) src(%dma_wait3A_956 : memref<125x48xf32, #tpu.memory_space<vmem>>) dst(%dma_wait3A_962 : memref<10000x48xf32, #tpu.memory_space<vmem_shared>>)
      %add3A_965 = arith.constant 0 : i32
      %add3A_966 = arith.addi %add3A_622, %add3A_965 : i32
      %add3A_967 = arith.constant 4 : i32
      %add3A_968 = arith.addi %add3A_966, %add3A_967 : i32
      %dma_wait3A_969 = arith.constant 4 : i32
      %dma_wait3A_970 = arith.constant 4 : i32
      %dma_wait3A_971 = arith.constant 0 : i32
      %dma_wait3A_972 = arith.constant 0 : i32
      %dma_wait3A_973 = tpu.memref_slice %arg8[%dma_wait3A_969, %dma_wait3A_971, %dma_wait3A_972] : memref<10x125x48xf32, #tpu.memory_space<vmem>> -> memref<1x125x48xf32, #tpu.memory_space<vmem>>
      %dma_wait3A_974 = tpu.memref_squeeze %dma_wait3A_973 : memref<1x125x48xf32, #tpu.memory_space<vmem>> -> memref<125x48xf32, #tpu.memory_space<vmem>>
      %dma_wait3A_975 = arith.constant 0 : i32
      %dma_wait3A_976 = tpu.memref_slice %arg7[%add3A_968, %dma_wait3A_975] : memref<80x125xi32, #tpu.memory_space<vmem>> -> memref<1x125xi32, #tpu.memory_space<vmem>>
      %dma_wait3A_977 = tpu.memref_squeeze %dma_wait3A_976 : memref<1x125xi32, #tpu.memory_space<vmem>> -> memref<125xi32, #tpu.memory_space<vmem>>
      %dma_wait3A_978 = arith.constant 0 : i32
      %dma_wait3A_979 = arith.constant 0 : i32
      %dma_wait3A_980 = tpu.memref_slice %arg9[%dma_wait3A_978, %dma_wait3A_979] : memref<10000x48xf32, #tpu.memory_space<vmem_shared>> -> memref<10000x48xf32, #tpu.memory_space<vmem_shared>>
      %dma_wait3A_981 = tpu.memref_slice %arg11[%dma_wait3A_970] : memref<10x!tpu.dma_semaphore, #tpu.memory_space<semaphore_mem>> -> memref<1x!tpu.dma_semaphore, #tpu.memory_space<semaphore_mem>>
      %dma_wait3A_982 = tpu.memref_squeeze %dma_wait3A_981 : memref<1x!tpu.dma_semaphore, #tpu.memory_space<semaphore_mem>> -> memref<!tpu.dma_semaphore, #tpu.memory_space<semaphore_mem>>
      tpu.wait_indirect_dma semaphore(%dma_wait3A_982 : memref<!tpu.dma_semaphore, #tpu.memory_space<semaphore_mem>>) src(%dma_wait3A_974 : memref<125x48xf32, #tpu.memory_space<vmem>>) dst(%dma_wait3A_980 : memref<10000x48xf32, #tpu.memory_space<vmem_shared>>)
      %add3A_983 = arith.constant 10 : i32
      %add3A_984 = arith.addi %add3A_622, %add3A_983 : i32
      %add3A_985 = arith.constant 0 : i32
      %add3A_986 = arith.addi %add3A_984, %add3A_985 : i32
      %dma_start3A_987 = arith.constant 0 : i32
      %dma_start3A_988 = arith.constant 0 : i32
      %dma_start3A_989 = arith.constant 0 : i32
      %dma_start3A_990 = arith.constant 0 : i32
      %dma_start3A_991 = tpu.memref_slice %arg8[%dma_start3A_987, %dma_start3A_989, %dma_start3A_990] : memref<10x125x48xf32, #tpu.memory_space<vmem>> -> memref<1x125x48xf32, #tpu.memory_space<vmem>>
      %dma_start3A_992 = tpu.memref_squeeze %dma_start3A_991 : memref<1x125x48xf32, #tpu.memory_space<vmem>> -> memref<125x48xf32, #tpu.memory_space<vmem>>
      %dma_start3A_993 = arith.constant 0 : i32
      %dma_start3A_994 = tpu.memref_slice %arg6[%add3A_986, %dma_start3A_993] : memref<80x125xi32, #tpu.memory_space<vmem>> -> memref<1x125xi32, #tpu.memory_space<vmem>>
      %dma_start3A_995 = tpu.memref_squeeze %dma_start3A_994 : memref<1x125xi32, #tpu.memory_space<vmem>> -> memref<125xi32, #tpu.memory_space<vmem>>
      %dma_start3A_996 = arith.constant 0 : i32
      %dma_start3A_997 = arith.constant 0 : i32
      %dma_start3A_998 = tpu.memref_slice %arg2[%dma_start3A_996, %dma_start3A_997] : memref<10000x48xf32, #tpu.memory_space<hbm>> -> memref<10000x48xf32, #tpu.memory_space<hbm>>
      %dma_start3A_999 = tpu.memref_slice %arg10[%dma_start3A_988] : memref<10x!tpu.dma_semaphore, #tpu.memory_space<semaphore_mem>> -> memref<1x!tpu.dma_semaphore, #tpu.memory_space<semaphore_mem>>
      %dma_start3A_1000 = tpu.memref_squeeze %dma_start3A_999 : memref<1x!tpu.dma_semaphore, #tpu.memory_space<semaphore_mem>> -> memref<!tpu.dma_semaphore, #tpu.memory_space<semaphore_mem>>
      tpu.enqueue_indirect_dma source(%dma_start3A_998 : memref<10000x48xf32, #tpu.memory_space<hbm>>) target(%dma_start3A_992 : memref<125x48xf32, #tpu.memory_space<vmem>>) offsets(%dma_start3A_995 : memref<125xi32, #tpu.memory_space<vmem>>) semaphore(%dma_start3A_1000 : memref<!tpu.dma_semaphore, #tpu.memory_space<semaphore_mem>>)
      %add3A_1001 = arith.constant 10 : i32
      %add3A_1002 = arith.addi %add3A_622, %add3A_1001 : i32
      %add3A_1003 = arith.constant 1 : i32
      %add3A_1004 = arith.addi %add3A_1002, %add3A_1003 : i32
      %dma_start3A_1005 = arith.constant 1 : i32
      %dma_start3A_1006 = arith.constant 1 : i32
      %dma_start3A_1007 = arith.constant 0 : i32
      %dma_start3A_1008 = arith.constant 0 : i32
      %dma_start3A_1009 = tpu.memref_slice %arg8[%dma_start3A_1005, %dma_start3A_1007, %dma_start3A_1008] : memref<10x125x48xf32, #tpu.memory_space<vmem>> -> memref<1x125x48xf32, #tpu.memory_space<vmem>>
      %dma_start3A_1010 = tpu.memref_squeeze %dma_start3A_1009 : memref<1x125x48xf32, #tpu.memory_space<vmem>> -> memref<125x48xf32, #tpu.memory_space<vmem>>
      %dma_start3A_1011 = arith.constant 0 : i32
      %dma_start3A_1012 = tpu.memref_slice %arg6[%add3A_1004, %dma_start3A_1011] : memref<80x125xi32, #tpu.memory_space<vmem>> -> memref<1x125xi32, #tpu.memory_space<vmem>>
      %dma_start3A_1013 = tpu.memref_squeeze %dma_start3A_1012 : memref<1x125xi32, #tpu.memory_space<vmem>> -> memref<125xi32, #tpu.memory_space<vmem>>
      %dma_start3A_1014 = arith.constant 0 : i32
      %dma_start3A_1015 = arith.constant 0 : i32
      %dma_start3A_1016 = tpu.memref_slice %arg2[%dma_start3A_1014, %dma_start3A_1015] : memref<10000x48xf32, #tpu.memory_space<hbm>> -> memref<10000x48xf32, #tpu.memory_space<hbm>>
      %dma_start3A_1017 = tpu.memref_slice %arg10[%dma_start3A_1006] : memref<10x!tpu.dma_semaphore, #tpu.memory_space<semaphore_mem>> -> memref<1x!tpu.dma_semaphore, #tpu.memory_space<semaphore_mem>>
      %dma_start3A_1018 = tpu.memref_squeeze %dma_start3A_1017 : memref<1x!tpu.dma_semaphore, #tpu.memory_space<semaphore_mem>> -> memref<!tpu.dma_semaphore, #tpu.memory_space<semaphore_mem>>
      tpu.enqueue_indirect_dma source(%dma_start3A_1016 : memref<10000x48xf32, #tpu.memory_space<hbm>>) target(%dma_start3A_1010 : memref<125x48xf32, #tpu.memory_space<vmem>>) offsets(%dma_start3A_1013 : memref<125xi32, #tpu.memory_space<vmem>>) semaphore(%dma_start3A_1018 : memref<!tpu.dma_semaphore, #tpu.memory_space<semaphore_mem>>)
      %add3A_1019 = arith.constant 10 : i32
      %add3A_1020 = arith.addi %add3A_622, %add3A_1019 : i32
      %add3A_1021 = arith.constant 2 : i32
      %add3A_1022 = arith.addi %add3A_1020, %add3A_1021 : i32
      %dma_start3A_1023 = arith.constant 2 : i32
      %dma_start3A_1024 = arith.constant 2 : i32
      %dma_start3A_1025 = arith.constant 0 : i32
      %dma_start3A_1026 = arith.constant 0 : i32
      %dma_start3A_1027 = tpu.memref_slice %arg8[%dma_start3A_1023, %dma_start3A_1025, %dma_start3A_1026] : memref<10x125x48xf32, #tpu.memory_space<vmem>> -> memref<1x125x48xf32, #tpu.memory_space<vmem>>
      %dma_start3A_1028 = tpu.memref_squeeze %dma_start3A_1027 : memref<1x125x48xf32, #tpu.memory_space<vmem>> -> memref<125x48xf32, #tpu.memory_space<vmem>>
      %dma_start3A_1029 = arith.constant 0 : i32
      %dma_start3A_1030 = tpu.memref_slice %arg6[%add3A_1022, %dma_start3A_1029] : memref<80x125xi32, #tpu.memory_space<vmem>> -> memref<1x125xi32, #tpu.memory_space<vmem>>
      %dma_start3A_1031 = tpu.memref_squeeze %dma_start3A_1030 : memref<1x125xi32, #tpu.memory_space<vmem>> -> memref<125xi32, #tpu.memory_space<vmem>>
      %dma_start3A_1032 = arith.constant 0 : i32
      %dma_start3A_1033 = arith.constant 0 : i32
      %dma_start3A_1034 = tpu.memref_slice %arg2[%dma_start3A_1032, %dma_start3A_1033] : memref<10000x48xf32, #tpu.memory_space<hbm>> -> memref<10000x48xf32, #tpu.memory_space<hbm>>
      %dma_start3A_1035 = tpu.memref_slice %arg10[%dma_start3A_1024] : memref<10x!tpu.dma_semaphore, #tpu.memory_space<semaphore_mem>> -> memref<1x!tpu.dma_semaphore, #tpu.memory_space<semaphore_mem>>
      %dma_start3A_1036 = tpu.memref_squeeze %dma_start3A_1035 : memref<1x!tpu.dma_semaphore, #tpu.memory_space<semaphore_mem>> -> memref<!tpu.dma_semaphore, #tpu.memory_space<semaphore_mem>>
      tpu.enqueue_indirect_dma source(%dma_start3A_1034 : memref<10000x48xf32, #tpu.memory_space<hbm>>) target(%dma_start3A_1028 : memref<125x48xf32, #tpu.memory_space<vmem>>) offsets(%dma_start3A_1031 : memref<125xi32, #tpu.memory_space<vmem>>) semaphore(%dma_start3A_1036 : memref<!tpu.dma_semaphore, #tpu.memory_space<semaphore_mem>>)
      %add3A_1037 = arith.constant 10 : i32
      %add3A_1038 = arith.addi %add3A_622, %add3A_1037 : i32
      %add3A_1039 = arith.constant 3 : i32
      %add3A_1040 = arith.addi %add3A_1038, %add3A_1039 : i32
      %dma_start3A_1041 = arith.constant 3 : i32
      %dma_start3A_1042 = arith.constant 3 : i32
      %dma_start3A_1043 = arith.constant 0 : i32
      %dma_start3A_1044 = arith.constant 0 : i32
      %dma_start3A_1045 = tpu.memref_slice %arg8[%dma_start3A_1041, %dma_start3A_1043, %dma_start3A_1044] : memref<10x125x48xf32, #tpu.memory_space<vmem>> -> memref<1x125x48xf32, #tpu.memory_space<vmem>>
      %dma_start3A_1046 = tpu.memref_squeeze %dma_start3A_1045 : memref<1x125x48xf32, #tpu.memory_space<vmem>> -> memref<125x48xf32, #tpu.memory_space<vmem>>
      %dma_start3A_1047 = arith.constant 0 : i32
      %dma_start3A_1048 = tpu.memref_slice %arg6[%add3A_1040, %dma_start3A_1047] : memref<80x125xi32, #tpu.memory_space<vmem>> -> memref<1x125xi32, #tpu.memory_space<vmem>>
      %dma_start3A_1049 = tpu.memref_squeeze %dma_start3A_1048 : memref<1x125xi32, #tpu.memory_space<vmem>> -> memref<125xi32, #tpu.memory_space<vmem>>
      %dma_start3A_1050 = arith.constant 0 : i32
      %dma_start3A_1051 = arith.constant 0 : i32
      %dma_start3A_1052 = tpu.memref_slice %arg2[%dma_start3A_1050, %dma_start3A_1051] : memref<10000x48xf32, #tpu.memory_space<hbm>> -> memref<10000x48xf32, #tpu.memory_space<hbm>>
      %dma_start3A_1053 = tpu.memref_slice %arg10[%dma_start3A_1042] : memref<10x!tpu.dma_semaphore, #tpu.memory_space<semaphore_mem>> -> memref<1x!tpu.dma_semaphore, #tpu.memory_space<semaphore_mem>>
      %dma_start3A_1054 = tpu.memref_squeeze %dma_start3A_1053 : memref<1x!tpu.dma_semaphore, #tpu.memory_space<semaphore_mem>> -> memref<!tpu.dma_semaphore, #tpu.memory_space<semaphore_mem>>
      tpu.enqueue_indirect_dma source(%dma_start3A_1052 : memref<10000x48xf32, #tpu.memory_space<hbm>>) target(%dma_start3A_1046 : memref<125x48xf32, #tpu.memory_space<vmem>>) offsets(%dma_start3A_1049 : memref<125xi32, #tpu.memory_space<vmem>>) semaphore(%dma_start3A_1054 : memref<!tpu.dma_semaphore, #tpu.memory_space<semaphore_mem>>)
      %add3A_1055 = arith.constant 10 : i32
      %add3A_1056 = arith.addi %add3A_622, %add3A_1055 : i32
      %add3A_1057 = arith.constant 4 : i32
      %add3A_1058 = arith.addi %add3A_1056, %add3A_1057 : i32
      %dma_start3A_1059 = arith.constant 4 : i32
      %dma_start3A_1060 = arith.constant 4 : i32
      %dma_start3A_1061 = arith.constant 0 : i32
      %dma_start3A_1062 = arith.constant 0 : i32
      %dma_start3A_1063 = tpu.memref_slice %arg8[%dma_start3A_1059, %dma_start3A_1061, %dma_start3A_1062] : memref<10x125x48xf32, #tpu.memory_space<vmem>> -> memref<1x125x48xf32, #tpu.memory_space<vmem>>
      %dma_start3A_1064 = tpu.memref_squeeze %dma_start3A_1063 : memref<1x125x48xf32, #tpu.memory_space<vmem>> -> memref<125x48xf32, #tpu.memory_space<vmem>>
      %dma_start3A_1065 = arith.constant 0 : i32
      %dma_start3A_1066 = tpu.memref_slice %arg6[%add3A_1058, %dma_start3A_1065] : memref<80x125xi32, #tpu.memory_space<vmem>> -> memref<1x125xi32, #tpu.memory_space<vmem>>
      %dma_start3A_1067 = tpu.memref_squeeze %dma_start3A_1066 : memref<1x125xi32, #tpu.memory_space<vmem>> -> memref<125xi32, #tpu.memory_space<vmem>>
      %dma_start3A_1068 = arith.constant 0 : i32
      %dma_start3A_1069 = arith.constant 0 : i32
      %dma_start3A_1070 = tpu.memref_slice %arg2[%dma_start3A_1068, %dma_start3A_1069] : memref<10000x48xf32, #tpu.memory_space<hbm>> -> memref<10000x48xf32, #tpu.memory_space<hbm>>
      %dma_start3A_1071 = tpu.memref_slice %arg10[%dma_start3A_1060] : memref<10x!tpu.dma_semaphore, #tpu.memory_space<semaphore_mem>> -> memref<1x!tpu.dma_semaphore, #tpu.memory_space<semaphore_mem>>
      %dma_start3A_1072 = tpu.memref_squeeze %dma_start3A_1071 : memref<1x!tpu.dma_semaphore, #tpu.memory_space<semaphore_mem>> -> memref<!tpu.dma_semaphore, #tpu.memory_space<semaphore_mem>>
      tpu.enqueue_indirect_dma source(%dma_start3A_1070 : memref<10000x48xf32, #tpu.memory_space<hbm>>) target(%dma_start3A_1064 : memref<125x48xf32, #tpu.memory_space<vmem>>) offsets(%dma_start3A_1067 : memref<125xi32, #tpu.memory_space<vmem>>) semaphore(%dma_start3A_1072 : memref<!tpu.dma_semaphore, #tpu.memory_space<semaphore_mem>>)
      %add3A_1073 = arith.constant 5 : i32
      %add3A_1074 = arith.addi %add3A_622, %add3A_1073 : i32
      %add3A_1075 = arith.constant 0 : i32
      %add3A_1076 = arith.addi %add3A_1074, %add3A_1075 : i32
      %dma_wait3A_1077 = arith.constant 5 : i32
      %dma_wait3A_1078 = arith.constant 5 : i32
      %dma_wait3A_1079 = arith.constant 0 : i32
      %dma_wait3A_1080 = arith.constant 0 : i32
      %dma_wait3A_1081 = tpu.memref_slice %arg8[%dma_wait3A_1077, %dma_wait3A_1079, %dma_wait3A_1080] : memref<10x125x48xf32, #tpu.memory_space<vmem>> -> memref<1x125x48xf32, #tpu.memory_space<vmem>>
      %dma_wait3A_1082 = tpu.memref_squeeze %dma_wait3A_1081 : memref<1x125x48xf32, #tpu.memory_space<vmem>> -> memref<125x48xf32, #tpu.memory_space<vmem>>
      %dma_wait3A_1083 = arith.constant 0 : i32
      %dma_wait3A_1084 = tpu.memref_slice %arg6[%add3A_1076, %dma_wait3A_1083] : memref<80x125xi32, #tpu.memory_space<vmem>> -> memref<1x125xi32, #tpu.memory_space<vmem>>
      %dma_wait3A_1085 = tpu.memref_squeeze %dma_wait3A_1084 : memref<1x125xi32, #tpu.memory_space<vmem>> -> memref<125xi32, #tpu.memory_space<vmem>>
      %dma_wait3A_1086 = arith.constant 0 : i32
      %dma_wait3A_1087 = arith.constant 0 : i32
      %dma_wait3A_1088 = tpu.memref_slice %arg2[%dma_wait3A_1086, %dma_wait3A_1087] : memref<10000x48xf32, #tpu.memory_space<hbm>> -> memref<10000x48xf32, #tpu.memory_space<hbm>>
      %dma_wait3A_1089 = tpu.memref_slice %arg10[%dma_wait3A_1078] : memref<10x!tpu.dma_semaphore, #tpu.memory_space<semaphore_mem>> -> memref<1x!tpu.dma_semaphore, #tpu.memory_space<semaphore_mem>>
      %dma_wait3A_1090 = tpu.memref_squeeze %dma_wait3A_1089 : memref<1x!tpu.dma_semaphore, #tpu.memory_space<semaphore_mem>> -> memref<!tpu.dma_semaphore, #tpu.memory_space<semaphore_mem>>
      tpu.wait_indirect_dma semaphore(%dma_wait3A_1090 : memref<!tpu.dma_semaphore, #tpu.memory_space<semaphore_mem>>) src(%dma_wait3A_1088 : memref<10000x48xf32, #tpu.memory_space<hbm>>) dst(%dma_wait3A_1082 : memref<125x48xf32, #tpu.memory_space<vmem>>)
      %add3A_1091 = arith.constant 5 : i32
      %add3A_1092 = arith.addi %add3A_622, %add3A_1091 : i32
      %add3A_1093 = arith.constant 0 : i32
      %add3A_1094 = arith.addi %add3A_1092, %add3A_1093 : i32
      %dma_start3A_1095 = arith.constant 5 : i32
      %dma_start3A_1096 = arith.constant 5 : i32
      %dma_start3A_1097 = arith.constant 0 : i32
      %dma_start3A_1098 = arith.constant 0 : i32
      %dma_start3A_1099 = tpu.memref_slice %arg8[%dma_start3A_1095, %dma_start3A_1097, %dma_start3A_1098] : memref<10x125x48xf32, #tpu.memory_space<vmem>> -> memref<1x125x48xf32, #tpu.memory_space<vmem>>
      %dma_start3A_1100 = tpu.memref_squeeze %dma_start3A_1099 : memref<1x125x48xf32, #tpu.memory_space<vmem>> -> memref<125x48xf32, #tpu.memory_space<vmem>>
      %dma_start3A_1101 = arith.constant 0 : i32
      %dma_start3A_1102 = tpu.memref_slice %arg7[%add3A_1094, %dma_start3A_1101] : memref<80x125xi32, #tpu.memory_space<vmem>> -> memref<1x125xi32, #tpu.memory_space<vmem>>
      %dma_start3A_1103 = tpu.memref_squeeze %dma_start3A_1102 : memref<1x125xi32, #tpu.memory_space<vmem>> -> memref<125xi32, #tpu.memory_space<vmem>>
      %dma_start3A_1104 = arith.constant 0 : i32
      %dma_start3A_1105 = arith.constant 0 : i32
      %dma_start3A_1106 = tpu.memref_slice %arg9[%dma_start3A_1104, %dma_start3A_1105] : memref<10000x48xf32, #tpu.memory_space<vmem_shared>> -> memref<10000x48xf32, #tpu.memory_space<vmem_shared>>
      %dma_start3A_1107 = tpu.memref_slice %arg11[%dma_start3A_1096] : memref<10x!tpu.dma_semaphore, #tpu.memory_space<semaphore_mem>> -> memref<1x!tpu.dma_semaphore, #tpu.memory_space<semaphore_mem>>
      %dma_start3A_1108 = tpu.memref_squeeze %dma_start3A_1107 : memref<1x!tpu.dma_semaphore, #tpu.memory_space<semaphore_mem>> -> memref<!tpu.dma_semaphore, #tpu.memory_space<semaphore_mem>>
      tpu.enqueue_indirect_dma source(%dma_start3A_1100 : memref<125x48xf32, #tpu.memory_space<vmem>>) target(%dma_start3A_1106 : memref<10000x48xf32, #tpu.memory_space<vmem_shared>>) offsets(%dma_start3A_1103 : memref<125xi32, #tpu.memory_space<vmem>>) semaphore(%dma_start3A_1108 : memref<!tpu.dma_semaphore, #tpu.memory_space<semaphore_mem>>) {add = true}
      %add3A_1109 = arith.constant 5 : i32
      %add3A_1110 = arith.addi %add3A_622, %add3A_1109 : i32
      %add3A_1111 = arith.constant 1 : i32
      %add3A_1112 = arith.addi %add3A_1110, %add3A_1111 : i32
      %dma_wait3A_1113 = arith.constant 6 : i32
      %dma_wait3A_1114 = arith.constant 6 : i32
      %dma_wait3A_1115 = arith.constant 0 : i32
      %dma_wait3A_1116 = arith.constant 0 : i32
      %dma_wait3A_1117 = tpu.memref_slice %arg8[%dma_wait3A_1113, %dma_wait3A_1115, %dma_wait3A_1116] : memref<10x125x48xf32, #tpu.memory_space<vmem>> -> memref<1x125x48xf32, #tpu.memory_space<vmem>>
      %dma_wait3A_1118 = tpu.memref_squeeze %dma_wait3A_1117 : memref<1x125x48xf32, #tpu.memory_space<vmem>> -> memref<125x48xf32, #tpu.memory_space<vmem>>
      %dma_wait3A_1119 = arith.constant 0 : i32
      %dma_wait3A_1120 = tpu.memref_slice %arg6[%add3A_1112, %dma_wait3A_1119] : memref<80x125xi32, #tpu.memory_space<vmem>> -> memref<1x125xi32, #tpu.memory_space<vmem>>
      %dma_wait3A_1121 = tpu.memref_squeeze %dma_wait3A_1120 : memref<1x125xi32, #tpu.memory_space<vmem>> -> memref<125xi32, #tpu.memory_space<vmem>>
      %dma_wait3A_1122 = arith.constant 0 : i32
      %dma_wait3A_1123 = arith.constant 0 : i32
      %dma_wait3A_1124 = tpu.memref_slice %arg2[%dma_wait3A_1122, %dma_wait3A_1123] : memref<10000x48xf32, #tpu.memory_space<hbm>> -> memref<10000x48xf32, #tpu.memory_space<hbm>>
      %dma_wait3A_1125 = tpu.memref_slice %arg10[%dma_wait3A_1114] : memref<10x!tpu.dma_semaphore, #tpu.memory_space<semaphore_mem>> -> memref<1x!tpu.dma_semaphore, #tpu.memory_space<semaphore_mem>>
      %dma_wait3A_1126 = tpu.memref_squeeze %dma_wait3A_1125 : memref<1x!tpu.dma_semaphore, #tpu.memory_space<semaphore_mem>> -> memref<!tpu.dma_semaphore, #tpu.memory_space<semaphore_mem>>
      tpu.wait_indirect_dma semaphore(%dma_wait3A_1126 : memref<!tpu.dma_semaphore, #tpu.memory_space<semaphore_mem>>) src(%dma_wait3A_1124 : memref<10000x48xf32, #tpu.memory_space<hbm>>) dst(%dma_wait3A_1118 : memref<125x48xf32, #tpu.memory_space<vmem>>)
      %add3A_1127 = arith.constant 5 : i32
      %add3A_1128 = arith.addi %add3A_622, %add3A_1127 : i32
      %add3A_1129 = arith.constant 1 : i32
      %add3A_1130 = arith.addi %add3A_1128, %add3A_1129 : i32
      %dma_start3A_1131 = arith.constant 6 : i32
      %dma_start3A_1132 = arith.constant 6 : i32
      %dma_start3A_1133 = arith.constant 0 : i32
      %dma_start3A_1134 = arith.constant 0 : i32
      %dma_start3A_1135 = tpu.memref_slice %arg8[%dma_start3A_1131, %dma_start3A_1133, %dma_start3A_1134] : memref<10x125x48xf32, #tpu.memory_space<vmem>> -> memref<1x125x48xf32, #tpu.memory_space<vmem>>
      %dma_start3A_1136 = tpu.memref_squeeze %dma_start3A_1135 : memref<1x125x48xf32, #tpu.memory_space<vmem>> -> memref<125x48xf32, #tpu.memory_space<vmem>>
      %dma_start3A_1137 = arith.constant 0 : i32
      %dma_start3A_1138 = tpu.memref_slice %arg7[%add3A_1130, %dma_start3A_1137] : memref<80x125xi32, #tpu.memory_space<vmem>> -> memref<1x125xi32, #tpu.memory_space<vmem>>
      %dma_start3A_1139 = tpu.memref_squeeze %dma_start3A_1138 : memref<1x125xi32, #tpu.memory_space<vmem>> -> memref<125xi32, #tpu.memory_space<vmem>>
      %dma_start3A_1140 = arith.constant 0 : i32
      %dma_start3A_1141 = arith.constant 0 : i32
      %dma_start3A_1142 = tpu.memref_slice %arg9[%dma_start3A_1140, %dma_start3A_1141] : memref<10000x48xf32, #tpu.memory_space<vmem_shared>> -> memref<10000x48xf32, #tpu.memory_space<vmem_shared>>
      %dma_start3A_1143 = tpu.memref_slice %arg11[%dma_start3A_1132] : memref<10x!tpu.dma_semaphore, #tpu.memory_space<semaphore_mem>> -> memref<1x!tpu.dma_semaphore, #tpu.memory_space<semaphore_mem>>
      %dma_start3A_1144 = tpu.memref_squeeze %dma_start3A_1143 : memref<1x!tpu.dma_semaphore, #tpu.memory_space<semaphore_mem>> -> memref<!tpu.dma_semaphore, #tpu.memory_space<semaphore_mem>>
      tpu.enqueue_indirect_dma source(%dma_start3A_1136 : memref<125x48xf32, #tpu.memory_space<vmem>>) target(%dma_start3A_1142 : memref<10000x48xf32, #tpu.memory_space<vmem_shared>>) offsets(%dma_start3A_1139 : memref<125xi32, #tpu.memory_space<vmem>>) semaphore(%dma_start3A_1144 : memref<!tpu.dma_semaphore, #tpu.memory_space<semaphore_mem>>) {add = true}
      %add3A_1145 = arith.constant 5 : i32
      %add3A_1146 = arith.addi %add3A_622, %add3A_1145 : i32
      %add3A_1147 = arith.constant 2 : i32
      %add3A_1148 = arith.addi %add3A_1146, %add3A_1147 : i32
      %dma_wait3A_1149 = arith.constant 7 : i32
      %dma_wait3A_1150 = arith.constant 7 : i32
      %dma_wait3A_1151 = arith.constant 0 : i32
      %dma_wait3A_1152 = arith.constant 0 : i32
      %dma_wait3A_1153 = tpu.memref_slice %arg8[%dma_wait3A_1149, %dma_wait3A_1151, %dma_wait3A_1152] : memref<10x125x48xf32, #tpu.memory_space<vmem>> -> memref<1x125x48xf32, #tpu.memory_space<vmem>>
      %dma_wait3A_1154 = tpu.memref_squeeze %dma_wait3A_1153 : memref<1x125x48xf32, #tpu.memory_space<vmem>> -> memref<125x48xf32, #tpu.memory_space<vmem>>
      %dma_wait3A_1155 = arith.constant 0 : i32
      %dma_wait3A_1156 = tpu.memref_slice %arg6[%add3A_1148, %dma_wait3A_1155] : memref<80x125xi32, #tpu.memory_space<vmem>> -> memref<1x125xi32, #tpu.memory_space<vmem>>
      %dma_wait3A_1157 = tpu.memref_squeeze %dma_wait3A_1156 : memref<1x125xi32, #tpu.memory_space<vmem>> -> memref<125xi32, #tpu.memory_space<vmem>>
      %dma_wait3A_1158 = arith.constant 0 : i32
      %dma_wait3A_1159 = arith.constant 0 : i32
      %dma_wait3A_1160 = tpu.memref_slice %arg2[%dma_wait3A_1158, %dma_wait3A_1159] : memref<10000x48xf32, #tpu.memory_space<hbm>> -> memref<10000x48xf32, #tpu.memory_space<hbm>>
      %dma_wait3A_1161 = tpu.memref_slice %arg10[%dma_wait3A_1150] : memref<10x!tpu.dma_semaphore, #tpu.memory_space<semaphore_mem>> -> memref<1x!tpu.dma_semaphore, #tpu.memory_space<semaphore_mem>>
      %dma_wait3A_1162 = tpu.memref_squeeze %dma_wait3A_1161 : memref<1x!tpu.dma_semaphore, #tpu.memory_space<semaphore_mem>> -> memref<!tpu.dma_semaphore, #tpu.memory_space<semaphore_mem>>
      tpu.wait_indirect_dma semaphore(%dma_wait3A_1162 : memref<!tpu.dma_semaphore, #tpu.memory_space<semaphore_mem>>) src(%dma_wait3A_1160 : memref<10000x48xf32, #tpu.memory_space<hbm>>) dst(%dma_wait3A_1154 : memref<125x48xf32, #tpu.memory_space<vmem>>)
      %add3A_1163 = arith.constant 5 : i32
      %add3A_1164 = arith.addi %add3A_622, %add3A_1163 : i32
      %add3A_1165 = arith.constant 2 : i32
      %add3A_1166 = arith.addi %add3A_1164, %add3A_1165 : i32
      %dma_start3A_1167 = arith.constant 7 : i32
      %dma_start3A_1168 = arith.constant 7 : i32
      %dma_start3A_1169 = arith.constant 0 : i32
      %dma_start3A_1170 = arith.constant 0 : i32
      %dma_start3A_1171 = tpu.memref_slice %arg8[%dma_start3A_1167, %dma_start3A_1169, %dma_start3A_1170] : memref<10x125x48xf32, #tpu.memory_space<vmem>> -> memref<1x125x48xf32, #tpu.memory_space<vmem>>
      %dma_start3A_1172 = tpu.memref_squeeze %dma_start3A_1171 : memref<1x125x48xf32, #tpu.memory_space<vmem>> -> memref<125x48xf32, #tpu.memory_space<vmem>>
      %dma_start3A_1173 = arith.constant 0 : i32
      %dma_start3A_1174 = tpu.memref_slice %arg7[%add3A_1166, %dma_start3A_1173] : memref<80x125xi32, #tpu.memory_space<vmem>> -> memref<1x125xi32, #tpu.memory_space<vmem>>
      %dma_start3A_1175 = tpu.memref_squeeze %dma_start3A_1174 : memref<1x125xi32, #tpu.memory_space<vmem>> -> memref<125xi32, #tpu.memory_space<vmem>>
      %dma_start3A_1176 = arith.constant 0 : i32
      %dma_start3A_1177 = arith.constant 0 : i32
      %dma_start3A_1178 = tpu.memref_slice %arg9[%dma_start3A_1176, %dma_start3A_1177] : memref<10000x48xf32, #tpu.memory_space<vmem_shared>> -> memref<10000x48xf32, #tpu.memory_space<vmem_shared>>
      %dma_start3A_1179 = tpu.memref_slice %arg11[%dma_start3A_1168] : memref<10x!tpu.dma_semaphore, #tpu.memory_space<semaphore_mem>> -> memref<1x!tpu.dma_semaphore, #tpu.memory_space<semaphore_mem>>
      %dma_start3A_1180 = tpu.memref_squeeze %dma_start3A_1179 : memref<1x!tpu.dma_semaphore, #tpu.memory_space<semaphore_mem>> -> memref<!tpu.dma_semaphore, #tpu.memory_space<semaphore_mem>>
      tpu.enqueue_indirect_dma source(%dma_start3A_1172 : memref<125x48xf32, #tpu.memory_space<vmem>>) target(%dma_start3A_1178 : memref<10000x48xf32, #tpu.memory_space<vmem_shared>>) offsets(%dma_start3A_1175 : memref<125xi32, #tpu.memory_space<vmem>>) semaphore(%dma_start3A_1180 : memref<!tpu.dma_semaphore, #tpu.memory_space<semaphore_mem>>) {add = true}
      %add3A_1181 = arith.constant 5 : i32
      %add3A_1182 = arith.addi %add3A_622, %add3A_1181 : i32
      %add3A_1183 = arith.constant 3 : i32
      %add3A_1184 = arith.addi %add3A_1182, %add3A_1183 : i32
      %dma_wait3A_1185 = arith.constant 8 : i32
      %dma_wait3A_1186 = arith.constant 8 : i32
      %dma_wait3A_1187 = arith.constant 0 : i32
      %dma_wait3A_1188 = arith.constant 0 : i32
      %dma_wait3A_1189 = tpu.memref_slice %arg8[%dma_wait3A_1185, %dma_wait3A_1187, %dma_wait3A_1188] : memref<10x125x48xf32, #tpu.memory_space<vmem>> -> memref<1x125x48xf32, #tpu.memory_space<vmem>>
      %dma_wait3A_1190 = tpu.memref_squeeze %dma_wait3A_1189 : memref<1x125x48xf32, #tpu.memory_space<vmem>> -> memref<125x48xf32, #tpu.memory_space<vmem>>
      %dma_wait3A_1191 = arith.constant 0 : i32
      %dma_wait3A_1192 = tpu.memref_slice %arg6[%add3A_1184, %dma_wait3A_1191] : memref<80x125xi32, #tpu.memory_space<vmem>> -> memref<1x125xi32, #tpu.memory_space<vmem>>
      %dma_wait3A_1193 = tpu.memref_squeeze %dma_wait3A_1192 : memref<1x125xi32, #tpu.memory_space<vmem>> -> memref<125xi32, #tpu.memory_space<vmem>>
      %dma_wait3A_1194 = arith.constant 0 : i32
      %dma_wait3A_1195 = arith.constant 0 : i32
      %dma_wait3A_1196 = tpu.memref_slice %arg2[%dma_wait3A_1194, %dma_wait3A_1195] : memref<10000x48xf32, #tpu.memory_space<hbm>> -> memref<10000x48xf32, #tpu.memory_space<hbm>>
      %dma_wait3A_1197 = tpu.memref_slice %arg10[%dma_wait3A_1186] : memref<10x!tpu.dma_semaphore, #tpu.memory_space<semaphore_mem>> -> memref<1x!tpu.dma_semaphore, #tpu.memory_space<semaphore_mem>>
      %dma_wait3A_1198 = tpu.memref_squeeze %dma_wait3A_1197 : memref<1x!tpu.dma_semaphore, #tpu.memory_space<semaphore_mem>> -> memref<!tpu.dma_semaphore, #tpu.memory_space<semaphore_mem>>
      tpu.wait_indirect_dma semaphore(%dma_wait3A_1198 : memref<!tpu.dma_semaphore, #tpu.memory_space<semaphore_mem>>) src(%dma_wait3A_1196 : memref<10000x48xf32, #tpu.memory_space<hbm>>) dst(%dma_wait3A_1190 : memref<125x48xf32, #tpu.memory_space<vmem>>)
      %add3A_1199 = arith.constant 5 : i32
      %add3A_1200 = arith.addi %add3A_622, %add3A_1199 : i32
      %add3A_1201 = arith.constant 3 : i32
      %add3A_1202 = arith.addi %add3A_1200, %add3A_1201 : i32
      %dma_start3A_1203 = arith.constant 8 : i32
      %dma_start3A_1204 = arith.constant 8 : i32
      %dma_start3A_1205 = arith.constant 0 : i32
      %dma_start3A_1206 = arith.constant 0 : i32
      %dma_start3A_1207 = tpu.memref_slice %arg8[%dma_start3A_1203, %dma_start3A_1205, %dma_start3A_1206] : memref<10x125x48xf32, #tpu.memory_space<vmem>> -> memref<1x125x48xf32, #tpu.memory_space<vmem>>
      %dma_start3A_1208 = tpu.memref_squeeze %dma_start3A_1207 : memref<1x125x48xf32, #tpu.memory_space<vmem>> -> memref<125x48xf32, #tpu.memory_space<vmem>>
      %dma_start3A_1209 = arith.constant 0 : i32
      %dma_start3A_1210 = tpu.memref_slice %arg7[%add3A_1202, %dma_start3A_1209] : memref<80x125xi32, #tpu.memory_space<vmem>> -> memref<1x125xi32, #tpu.memory_space<vmem>>
      %dma_start3A_1211 = tpu.memref_squeeze %dma_start3A_1210 : memref<1x125xi32, #tpu.memory_space<vmem>> -> memref<125xi32, #tpu.memory_space<vmem>>
      %dma_start3A_1212 = arith.constant 0 : i32
      %dma_start3A_1213 = arith.constant 0 : i32
      %dma_start3A_1214 = tpu.memref_slice %arg9[%dma_start3A_1212, %dma_start3A_1213] : memref<10000x48xf32, #tpu.memory_space<vmem_shared>> -> memref<10000x48xf32, #tpu.memory_space<vmem_shared>>
      %dma_start3A_1215 = tpu.memref_slice %arg11[%dma_start3A_1204] : memref<10x!tpu.dma_semaphore, #tpu.memory_space<semaphore_mem>> -> memref<1x!tpu.dma_semaphore, #tpu.memory_space<semaphore_mem>>
      %dma_start3A_1216 = tpu.memref_squeeze %dma_start3A_1215 : memref<1x!tpu.dma_semaphore, #tpu.memory_space<semaphore_mem>> -> memref<!tpu.dma_semaphore, #tpu.memory_space<semaphore_mem>>
      tpu.enqueue_indirect_dma source(%dma_start3A_1208 : memref<125x48xf32, #tpu.memory_space<vmem>>) target(%dma_start3A_1214 : memref<10000x48xf32, #tpu.memory_space<vmem_shared>>) offsets(%dma_start3A_1211 : memref<125xi32, #tpu.memory_space<vmem>>) semaphore(%dma_start3A_1216 : memref<!tpu.dma_semaphore, #tpu.memory_space<semaphore_mem>>) {add = true}
      %add3A_1217 = arith.constant 5 : i32
      %add3A_1218 = arith.addi %add3A_622, %add3A_1217 : i32
      %add3A_1219 = arith.constant 4 : i32
      %add3A_1220 = arith.addi %add3A_1218, %add3A_1219 : i32
      %dma_wait3A_1221 = arith.constant 9 : i32
      %dma_wait3A_1222 = arith.constant 9 : i32
      %dma_wait3A_1223 = arith.constant 0 : i32
      %dma_wait3A_1224 = arith.constant 0 : i32
      %dma_wait3A_1225 = tpu.memref_slice %arg8[%dma_wait3A_1221, %dma_wait3A_1223, %dma_wait3A_1224] : memref<10x125x48xf32, #tpu.memory_space<vmem>> -> memref<1x125x48xf32, #tpu.memory_space<vmem>>
      %dma_wait3A_1226 = tpu.memref_squeeze %dma_wait3A_1225 : memref<1x125x48xf32, #tpu.memory_space<vmem>> -> memref<125x48xf32, #tpu.memory_space<vmem>>
      %dma_wait3A_1227 = arith.constant 0 : i32
      %dma_wait3A_1228 = tpu.memref_slice %arg6[%add3A_1220, %dma_wait3A_1227] : memref<80x125xi32, #tpu.memory_space<vmem>> -> memref<1x125xi32, #tpu.memory_space<vmem>>
      %dma_wait3A_1229 = tpu.memref_squeeze %dma_wait3A_1228 : memref<1x125xi32, #tpu.memory_space<vmem>> -> memref<125xi32, #tpu.memory_space<vmem>>
      %dma_wait3A_1230 = arith.constant 0 : i32
      %dma_wait3A_1231 = arith.constant 0 : i32
      %dma_wait3A_1232 = tpu.memref_slice %arg2[%dma_wait3A_1230, %dma_wait3A_1231] : memref<10000x48xf32, #tpu.memory_space<hbm>> -> memref<10000x48xf32, #tpu.memory_space<hbm>>
      %dma_wait3A_1233 = tpu.memref_slice %arg10[%dma_wait3A_1222] : memref<10x!tpu.dma_semaphore, #tpu.memory_space<semaphore_mem>> -> memref<1x!tpu.dma_semaphore, #tpu.memory_space<semaphore_mem>>
      %dma_wait3A_1234 = tpu.memref_squeeze %dma_wait3A_1233 : memref<1x!tpu.dma_semaphore, #tpu.memory_space<semaphore_mem>> -> memref<!tpu.dma_semaphore, #tpu.memory_space<semaphore_mem>>
      tpu.wait_indirect_dma semaphore(%dma_wait3A_1234 : memref<!tpu.dma_semaphore, #tpu.memory_space<semaphore_mem>>) src(%dma_wait3A_1232 : memref<10000x48xf32, #tpu.memory_space<hbm>>) dst(%dma_wait3A_1226 : memref<125x48xf32, #tpu.memory_space<vmem>>)
      %add3A_1235 = arith.constant 5 : i32
      %add3A_1236 = arith.addi %add3A_622, %add3A_1235 : i32
      %add3A_1237 = arith.constant 4 : i32
      %add3A_1238 = arith.addi %add3A_1236, %add3A_1237 : i32
      %dma_start3A_1239 = arith.constant 9 : i32
      %dma_start3A_1240 = arith.constant 9 : i32
      %dma_start3A_1241 = arith.constant 0 : i32
      %dma_start3A_1242 = arith.constant 0 : i32
      %dma_start3A_1243 = tpu.memref_slice %arg8[%dma_start3A_1239, %dma_start3A_1241, %dma_start3A_1242] : memref<10x125x48xf32, #tpu.memory_space<vmem>> -> memref<1x125x48xf32, #tpu.memory_space<vmem>>
      %dma_start3A_1244 = tpu.memref_squeeze %dma_start3A_1243 : memref<1x125x48xf32, #tpu.memory_space<vmem>> -> memref<125x48xf32, #tpu.memory_space<vmem>>
      %dma_start3A_1245 = arith.constant 0 : i32
      %dma_start3A_1246 = tpu.memref_slice %arg7[%add3A_1238, %dma_start3A_1245] : memref<80x125xi32, #tpu.memory_space<vmem>> -> memref<1x125xi32, #tpu.memory_space<vmem>>
      %dma_start3A_1247 = tpu.memref_squeeze %dma_start3A_1246 : memref<1x125xi32, #tpu.memory_space<vmem>> -> memref<125xi32, #tpu.memory_space<vmem>>
      %dma_start3A_1248 = arith.constant 0 : i32
      %dma_start3A_1249 = arith.constant 0 : i32
      %dma_start3A_1250 = tpu.memref_slice %arg9[%dma_start3A_1248, %dma_start3A_1249] : memref<10000x48xf32, #tpu.memory_space<vmem_shared>> -> memref<10000x48xf32, #tpu.memory_space<vmem_shared>>
      %dma_start3A_1251 = tpu.memref_slice %arg11[%dma_start3A_1240] : memref<10x!tpu.dma_semaphore, #tpu.memory_space<semaphore_mem>> -> memref<1x!tpu.dma_semaphore, #tpu.memory_space<semaphore_mem>>
      %dma_start3A_1252 = tpu.memref_squeeze %dma_start3A_1251 : memref<1x!tpu.dma_semaphore, #tpu.memory_space<semaphore_mem>> -> memref<!tpu.dma_semaphore, #tpu.memory_space<semaphore_mem>>
      tpu.enqueue_indirect_dma source(%dma_start3A_1244 : memref<125x48xf32, #tpu.memory_space<vmem>>) target(%dma_start3A_1250 : memref<10000x48xf32, #tpu.memory_space<vmem_shared>>) offsets(%dma_start3A_1247 : memref<125xi32, #tpu.memory_space<vmem>>) semaphore(%dma_start3A_1252 : memref<!tpu.dma_semaphore, #tpu.memory_space<semaphore_mem>>) {add = true}
      %add3A_1253 = arith.constant 5 : i32
      %add3A_1254 = arith.addi %add3A_622, %add3A_1253 : i32
      %add3A_1255 = arith.constant 0 : i32
      %add3A_1256 = arith.addi %add3A_1254, %add3A_1255 : i32
      %dma_wait3A_1257 = arith.constant 5 : i32
      %dma_wait3A_1258 = arith.constant 5 : i32
      %dma_wait3A_1259 = arith.constant 0 : i32
      %dma_wait3A_1260 = arith.constant 0 : i32
      %dma_wait3A_1261 = tpu.memref_slice %arg8[%dma_wait3A_1257, %dma_wait3A_1259, %dma_wait3A_1260] : memref<10x125x48xf32, #tpu.memory_space<vmem>> -> memref<1x125x48xf32, #tpu.memory_space<vmem>>
      %dma_wait3A_1262 = tpu.memref_squeeze %dma_wait3A_1261 : memref<1x125x48xf32, #tpu.memory_space<vmem>> -> memref<125x48xf32, #tpu.memory_space<vmem>>
      %dma_wait3A_1263 = arith.constant 0 : i32
      %dma_wait3A_1264 = tpu.memref_slice %arg7[%add3A_1256, %dma_wait3A_1263] : memref<80x125xi32, #tpu.memory_space<vmem>> -> memref<1x125xi32, #tpu.memory_space<vmem>>
      %dma_wait3A_1265 = tpu.memref_squeeze %dma_wait3A_1264 : memref<1x125xi32, #tpu.memory_space<vmem>> -> memref<125xi32, #tpu.memory_space<vmem>>
      %dma_wait3A_1266 = arith.constant 0 : i32
      %dma_wait3A_1267 = arith.constant 0 : i32
      %dma_wait3A_1268 = tpu.memref_slice %arg9[%dma_wait3A_1266, %dma_wait3A_1267] : memref<10000x48xf32, #tpu.memory_space<vmem_shared>> -> memref<10000x48xf32, #tpu.memory_space<vmem_shared>>
      %dma_wait3A_1269 = tpu.memref_slice %arg11[%dma_wait3A_1258] : memref<10x!tpu.dma_semaphore, #tpu.memory_space<semaphore_mem>> -> memref<1x!tpu.dma_semaphore, #tpu.memory_space<semaphore_mem>>
      %dma_wait3A_1270 = tpu.memref_squeeze %dma_wait3A_1269 : memref<1x!tpu.dma_semaphore, #tpu.memory_space<semaphore_mem>> -> memref<!tpu.dma_semaphore, #tpu.memory_space<semaphore_mem>>
      tpu.wait_indirect_dma semaphore(%dma_wait3A_1270 : memref<!tpu.dma_semaphore, #tpu.memory_space<semaphore_mem>>) src(%dma_wait3A_1262 : memref<125x48xf32, #tpu.memory_space<vmem>>) dst(%dma_wait3A_1268 : memref<10000x48xf32, #tpu.memory_space<vmem_shared>>)
      %add3A_1271 = arith.constant 5 : i32
      %add3A_1272 = arith.addi %add3A_622, %add3A_1271 : i32
      %add3A_1273 = arith.constant 1 : i32
      %add3A_1274 = arith.addi %add3A_1272, %add3A_1273 : i32
      %dma_wait3A_1275 = arith.constant 6 : i32
      %dma_wait3A_1276 = arith.constant 6 : i32
      %dma_wait3A_1277 = arith.constant 0 : i32
      %dma_wait3A_1278 = arith.constant 0 : i32
      %dma_wait3A_1279 = tpu.memref_slice %arg8[%dma_wait3A_1275, %dma_wait3A_1277, %dma_wait3A_1278] : memref<10x125x48xf32, #tpu.memory_space<vmem>> -> memref<1x125x48xf32, #tpu.memory_space<vmem>>
      %dma_wait3A_1280 = tpu.memref_squeeze %dma_wait3A_1279 : memref<1x125x48xf32, #tpu.memory_space<vmem>> -> memref<125x48xf32, #tpu.memory_space<vmem>>
      %dma_wait3A_1281 = arith.constant 0 : i32
      %dma_wait3A_1282 = tpu.memref_slice %arg7[%add3A_1274, %dma_wait3A_1281] : memref<80x125xi32, #tpu.memory_space<vmem>> -> memref<1x125xi32, #tpu.memory_space<vmem>>
      %dma_wait3A_1283 = tpu.memref_squeeze %dma_wait3A_1282 : memref<1x125xi32, #tpu.memory_space<vmem>> -> memref<125xi32, #tpu.memory_space<vmem>>
      %dma_wait3A_1284 = arith.constant 0 : i32
      %dma_wait3A_1285 = arith.constant 0 : i32
      %dma_wait3A_1286 = tpu.memref_slice %arg9[%dma_wait3A_1284, %dma_wait3A_1285] : memref<10000x48xf32, #tpu.memory_space<vmem_shared>> -> memref<10000x48xf32, #tpu.memory_space<vmem_shared>>
      %dma_wait3A_1287 = tpu.memref_slice %arg11[%dma_wait3A_1276] : memref<10x!tpu.dma_semaphore, #tpu.memory_space<semaphore_mem>> -> memref<1x!tpu.dma_semaphore, #tpu.memory_space<semaphore_mem>>
      %dma_wait3A_1288 = tpu.memref_squeeze %dma_wait3A_1287 : memref<1x!tpu.dma_semaphore, #tpu.memory_space<semaphore_mem>> -> memref<!tpu.dma_semaphore, #tpu.memory_space<semaphore_mem>>
      tpu.wait_indirect_dma semaphore(%dma_wait3A_1288 : memref<!tpu.dma_semaphore, #tpu.memory_space<semaphore_mem>>) src(%dma_wait3A_1280 : memref<125x48xf32, #tpu.memory_space<vmem>>) dst(%dma_wait3A_1286 : memref<10000x48xf32, #tpu.memory_space<vmem_shared>>)
      %add3A_1289 = arith.constant 5 : i32
      %add3A_1290 = arith.addi %add3A_622, %add3A_1289 : i32
      %add3A_1291 = arith.constant 2 : i32
      %add3A_1292 = arith.addi %add3A_1290, %add3A_1291 : i32
      %dma_wait3A_1293 = arith.constant 7 : i32
      %dma_wait3A_1294 = arith.constant 7 : i32
      %dma_wait3A_1295 = arith.constant 0 : i32
      %dma_wait3A_1296 = arith.constant 0 : i32
      %dma_wait3A_1297 = tpu.memref_slice %arg8[%dma_wait3A_1293, %dma_wait3A_1295, %dma_wait3A_1296] : memref<10x125x48xf32, #tpu.memory_space<vmem>> -> memref<1x125x48xf32, #tpu.memory_space<vmem>>
      %dma_wait3A_1298 = tpu.memref_squeeze %dma_wait3A_1297 : memref<1x125x48xf32, #tpu.memory_space<vmem>> -> memref<125x48xf32, #tpu.memory_space<vmem>>
      %dma_wait3A_1299 = arith.constant 0 : i32
      %dma_wait3A_1300 = tpu.memref_slice %arg7[%add3A_1292, %dma_wait3A_1299] : memref<80x125xi32, #tpu.memory_space<vmem>> -> memref<1x125xi32, #tpu.memory_space<vmem>>
      %dma_wait3A_1301 = tpu.memref_squeeze %dma_wait3A_1300 : memref<1x125xi32, #tpu.memory_space<vmem>> -> memref<125xi32, #tpu.memory_space<vmem>>
      %dma_wait3A_1302 = arith.constant 0 : i32
      %dma_wait3A_1303 = arith.constant 0 : i32
      %dma_wait3A_1304 = tpu.memref_slice %arg9[%dma_wait3A_1302, %dma_wait3A_1303] : memref<10000x48xf32, #tpu.memory_space<vmem_shared>> -> memref<10000x48xf32, #tpu.memory_space<vmem_shared>>
      %dma_wait3A_1305 = tpu.memref_slice %arg11[%dma_wait3A_1294] : memref<10x!tpu.dma_semaphore, #tpu.memory_space<semaphore_mem>> -> memref<1x!tpu.dma_semaphore, #tpu.memory_space<semaphore_mem>>
      %dma_wait3A_1306 = tpu.memref_squeeze %dma_wait3A_1305 : memref<1x!tpu.dma_semaphore, #tpu.memory_space<semaphore_mem>> -> memref<!tpu.dma_semaphore, #tpu.memory_space<semaphore_mem>>
      tpu.wait_indirect_dma semaphore(%dma_wait3A_1306 : memref<!tpu.dma_semaphore, #tpu.memory_space<semaphore_mem>>) src(%dma_wait3A_1298 : memref<125x48xf32, #tpu.memory_space<vmem>>) dst(%dma_wait3A_1304 : memref<10000x48xf32, #tpu.memory_space<vmem_shared>>)
      %add3A_1307 = arith.constant 5 : i32
      %add3A_1308 = arith.addi %add3A_622, %add3A_1307 : i32
      %add3A_1309 = arith.constant 3 : i32
      %add3A_1310 = arith.addi %add3A_1308, %add3A_1309 : i32
      %dma_wait3A_1311 = arith.constant 8 : i32
      %dma_wait3A_1312 = arith.constant 8 : i32
      %dma_wait3A_1313 = arith.constant 0 : i32
      %dma_wait3A_1314 = arith.constant 0 : i32
      %dma_wait3A_1315 = tpu.memref_slice %arg8[%dma_wait3A_1311, %dma_wait3A_1313, %dma_wait3A_1314] : memref<10x125x48xf32, #tpu.memory_space<vmem>> -> memref<1x125x48xf32, #tpu.memory_space<vmem>>
      %dma_wait3A_1316 = tpu.memref_squeeze %dma_wait3A_1315 : memref<1x125x48xf32, #tpu.memory_space<vmem>> -> memref<125x48xf32, #tpu.memory_space<vmem>>
      %dma_wait3A_1317 = arith.constant 0 : i32
      %dma_wait3A_1318 = tpu.memref_slice %arg7[%add3A_1310, %dma_wait3A_1317] : memref<80x125xi32, #tpu.memory_space<vmem>> -> memref<1x125xi32, #tpu.memory_space<vmem>>
      %dma_wait3A_1319 = tpu.memref_squeeze %dma_wait3A_1318 : memref<1x125xi32, #tpu.memory_space<vmem>> -> memref<125xi32, #tpu.memory_space<vmem>>
      %dma_wait3A_1320 = arith.constant 0 : i32
      %dma_wait3A_1321 = arith.constant 0 : i32
      %dma_wait3A_1322 = tpu.memref_slice %arg9[%dma_wait3A_1320, %dma_wait3A_1321] : memref<10000x48xf32, #tpu.memory_space<vmem_shared>> -> memref<10000x48xf32, #tpu.memory_space<vmem_shared>>
      %dma_wait3A_1323 = tpu.memref_slice %arg11[%dma_wait3A_1312] : memref<10x!tpu.dma_semaphore, #tpu.memory_space<semaphore_mem>> -> memref<1x!tpu.dma_semaphore, #tpu.memory_space<semaphore_mem>>
      %dma_wait3A_1324 = tpu.memref_squeeze %dma_wait3A_1323 : memref<1x!tpu.dma_semaphore, #tpu.memory_space<semaphore_mem>> -> memref<!tpu.dma_semaphore, #tpu.memory_space<semaphore_mem>>
      tpu.wait_indirect_dma semaphore(%dma_wait3A_1324 : memref<!tpu.dma_semaphore, #tpu.memory_space<semaphore_mem>>) src(%dma_wait3A_1316 : memref<125x48xf32, #tpu.memory_space<vmem>>) dst(%dma_wait3A_1322 : memref<10000x48xf32, #tpu.memory_space<vmem_shared>>)
      %add3A_1325 = arith.constant 5 : i32
      %add3A_1326 = arith.addi %add3A_622, %add3A_1325 : i32
      %add3A_1327 = arith.constant 4 : i32
      %add3A_1328 = arith.addi %add3A_1326, %add3A_1327 : i32
      %dma_wait3A_1329 = arith.constant 9 : i32
      %dma_wait3A_1330 = arith.constant 9 : i32
      %dma_wait3A_1331 = arith.constant 0 : i32
      %dma_wait3A_1332 = arith.constant 0 : i32
      %dma_wait3A_1333 = tpu.memref_slice %arg8[%dma_wait3A_1329, %dma_wait3A_1331, %dma_wait3A_1332] : memref<10x125x48xf32, #tpu.memory_space<vmem>> -> memref<1x125x48xf32, #tpu.memory_space<vmem>>
      %dma_wait3A_1334 = tpu.memref_squeeze %dma_wait3A_1333 : memref<1x125x48xf32, #tpu.memory_space<vmem>> -> memref<125x48xf32, #tpu.memory_space<vmem>>
      %dma_wait3A_1335 = arith.constant 0 : i32
      %dma_wait3A_1336 = tpu.memref_slice %arg7[%add3A_1328, %dma_wait3A_1335] : memref<80x125xi32, #tpu.memory_space<vmem>> -> memref<1x125xi32, #tpu.memory_space<vmem>>
      %dma_wait3A_1337 = tpu.memref_squeeze %dma_wait3A_1336 : memref<1x125xi32, #tpu.memory_space<vmem>> -> memref<125xi32, #tpu.memory_space<vmem>>
      %dma_wait3A_1338 = arith.constant 0 : i32
      %dma_wait3A_1339 = arith.constant 0 : i32
      %dma_wait3A_1340 = tpu.memref_slice %arg9[%dma_wait3A_1338, %dma_wait3A_1339] : memref<10000x48xf32, #tpu.memory_space<vmem_shared>> -> memref<10000x48xf32, #tpu.memory_space<vmem_shared>>
      %dma_wait3A_1341 = tpu.memref_slice %arg11[%dma_wait3A_1330] : memref<10x!tpu.dma_semaphore, #tpu.memory_space<semaphore_mem>> -> memref<1x!tpu.dma_semaphore, #tpu.memory_space<semaphore_mem>>
      %dma_wait3A_1342 = tpu.memref_squeeze %dma_wait3A_1341 : memref<1x!tpu.dma_semaphore, #tpu.memory_space<semaphore_mem>> -> memref<!tpu.dma_semaphore, #tpu.memory_space<semaphore_mem>>
      tpu.wait_indirect_dma semaphore(%dma_wait3A_1342 : memref<!tpu.dma_semaphore, #tpu.memory_space<semaphore_mem>>) src(%dma_wait3A_1334 : memref<125x48xf32, #tpu.memory_space<vmem>>) dst(%dma_wait3A_1340 : memref<10000x48xf32, #tpu.memory_space<vmem_shared>>)
    }
    %scan3A_83 = arith.constant 7 : i32
    %dma_start3A_84 = arith.constant 75 : i32
    %dma_start3A_85 = arith.constant 5 : i32
    %dma_start3A_86 = arith.constant 5 : i32
    %dma_start3A_87 = arith.constant 0 : i32
    %dma_start3A_88 = arith.constant 0 : i32
    %dma_start3A_89 = tpu.memref_slice %arg8[%dma_start3A_85, %dma_start3A_87, %dma_start3A_88] : memref<10x125x48xf32, #tpu.memory_space<vmem>> -> memref<1x125x48xf32, #tpu.memory_space<vmem>>
    %dma_start3A_90 = tpu.memref_squeeze %dma_start3A_89 : memref<1x125x48xf32, #tpu.memory_space<vmem>> -> memref<125x48xf32, #tpu.memory_space<vmem>>
    %dma_start3A_91 = arith.constant 0 : i32
    %dma_start3A_92 = tpu.memref_slice %arg6[%dma_start3A_84, %dma_start3A_91] : memref<80x125xi32, #tpu.memory_space<vmem>> -> memref<1x125xi32, #tpu.memory_space<vmem>>
    %dma_start3A_93 = tpu.memref_squeeze %dma_start3A_92 : memref<1x125xi32, #tpu.memory_space<vmem>> -> memref<125xi32, #tpu.memory_space<vmem>>
    %dma_start3A_94 = arith.constant 0 : i32
    %dma_start3A_95 = arith.constant 0 : i32
    %dma_start3A_96 = tpu.memref_slice %arg2[%dma_start3A_94, %dma_start3A_95] : memref<10000x48xf32, #tpu.memory_space<hbm>> -> memref<10000x48xf32, #tpu.memory_space<hbm>>
    %dma_start3A_97 = tpu.memref_slice %arg10[%dma_start3A_86] : memref<10x!tpu.dma_semaphore, #tpu.memory_space<semaphore_mem>> -> memref<1x!tpu.dma_semaphore, #tpu.memory_space<semaphore_mem>>
    %dma_start3A_98 = tpu.memref_squeeze %dma_start3A_97 : memref<1x!tpu.dma_semaphore, #tpu.memory_space<semaphore_mem>> -> memref<!tpu.dma_semaphore, #tpu.memory_space<semaphore_mem>>
    tpu.enqueue_indirect_dma source(%dma_start3A_96 : memref<10000x48xf32, #tpu.memory_space<hbm>>) target(%dma_start3A_90 : memref<125x48xf32, #tpu.memory_space<vmem>>) offsets(%dma_start3A_93 : memref<125xi32, #tpu.memory_space<vmem>>) semaphore(%dma_start3A_98 : memref<!tpu.dma_semaphore, #tpu.memory_space<semaphore_mem>>)
    %dma_start3A_99 = arith.constant 76 : i32
    %dma_start3A_100 = arith.constant 6 : i32
    %dma_start3A_101 = arith.constant 6 : i32
    %dma_start3A_102 = arith.constant 0 : i32
    %dma_start3A_103 = arith.constant 0 : i32
    %dma_start3A_104 = tpu.memref_slice %arg8[%dma_start3A_100, %dma_start3A_102, %dma_start3A_103] : memref<10x125x48xf32, #tpu.memory_space<vmem>> -> memref<1x125x48xf32, #tpu.memory_space<vmem>>
    %dma_start3A_105 = tpu.memref_squeeze %dma_start3A_104 : memref<1x125x48xf32, #tpu.memory_space<vmem>> -> memref<125x48xf32, #tpu.memory_space<vmem>>
    %dma_start3A_106 = arith.constant 0 : i32
    %dma_start3A_107 = tpu.memref_slice %arg6[%dma_start3A_99, %dma_start3A_106] : memref<80x125xi32, #tpu.memory_space<vmem>> -> memref<1x125xi32, #tpu.memory_space<vmem>>
    %dma_start3A_108 = tpu.memref_squeeze %dma_start3A_107 : memref<1x125xi32, #tpu.memory_space<vmem>> -> memref<125xi32, #tpu.memory_space<vmem>>
    %dma_start3A_109 = arith.constant 0 : i32
    %dma_start3A_110 = arith.constant 0 : i32
    %dma_start3A_111 = tpu.memref_slice %arg2[%dma_start3A_109, %dma_start3A_110] : memref<10000x48xf32, #tpu.memory_space<hbm>> -> memref<10000x48xf32, #tpu.memory_space<hbm>>
    %dma_start3A_112 = tpu.memref_slice %arg10[%dma_start3A_101] : memref<10x!tpu.dma_semaphore, #tpu.memory_space<semaphore_mem>> -> memref<1x!tpu.dma_semaphore, #tpu.memory_space<semaphore_mem>>
    %dma_start3A_113 = tpu.memref_squeeze %dma_start3A_112 : memref<1x!tpu.dma_semaphore, #tpu.memory_space<semaphore_mem>> -> memref<!tpu.dma_semaphore, #tpu.memory_space<semaphore_mem>>
    tpu.enqueue_indirect_dma source(%dma_start3A_111 : memref<10000x48xf32, #tpu.memory_space<hbm>>) target(%dma_start3A_105 : memref<125x48xf32, #tpu.memory_space<vmem>>) offsets(%dma_start3A_108 : memref<125xi32, #tpu.memory_space<vmem>>) semaphore(%dma_start3A_113 : memref<!tpu.dma_semaphore, #tpu.memory_space<semaphore_mem>>)
    %dma_start3A_114 = arith.constant 77 : i32
    %dma_start3A_115 = arith.constant 7 : i32
    %dma_start3A_116 = arith.constant 7 : i32
    %dma_start3A_117 = arith.constant 0 : i32
    %dma_start3A_118 = arith.constant 0 : i32
    %dma_start3A_119 = tpu.memref_slice %arg8[%dma_start3A_115, %dma_start3A_117, %dma_start3A_118] : memref<10x125x48xf32, #tpu.memory_space<vmem>> -> memref<1x125x48xf32, #tpu.memory_space<vmem>>
    %dma_start3A_120 = tpu.memref_squeeze %dma_start3A_119 : memref<1x125x48xf32, #tpu.memory_space<vmem>> -> memref<125x48xf32, #tpu.memory_space<vmem>>
    %dma_start3A_121 = arith.constant 0 : i32
    %dma_start3A_122 = tpu.memref_slice %arg6[%dma_start3A_114, %dma_start3A_121] : memref<80x125xi32, #tpu.memory_space<vmem>> -> memref<1x125xi32, #tpu.memory_space<vmem>>
    %dma_start3A_123 = tpu.memref_squeeze %dma_start3A_122 : memref<1x125xi32, #tpu.memory_space<vmem>> -> memref<125xi32, #tpu.memory_space<vmem>>
    %dma_start3A_124 = arith.constant 0 : i32
    %dma_start3A_125 = arith.constant 0 : i32
    %dma_start3A_126 = tpu.memref_slice %arg2[%dma_start3A_124, %dma_start3A_125] : memref<10000x48xf32, #tpu.memory_space<hbm>> -> memref<10000x48xf32, #tpu.memory_space<hbm>>
    %dma_start3A_127 = tpu.memref_slice %arg10[%dma_start3A_116] : memref<10x!tpu.dma_semaphore, #tpu.memory_space<semaphore_mem>> -> memref<1x!tpu.dma_semaphore, #tpu.memory_space<semaphore_mem>>
    %dma_start3A_128 = tpu.memref_squeeze %dma_start3A_127 : memref<1x!tpu.dma_semaphore, #tpu.memory_space<semaphore_mem>> -> memref<!tpu.dma_semaphore, #tpu.memory_space<semaphore_mem>>
    tpu.enqueue_indirect_dma source(%dma_start3A_126 : memref<10000x48xf32, #tpu.memory_space<hbm>>) target(%dma_start3A_120 : memref<125x48xf32, #tpu.memory_space<vmem>>) offsets(%dma_start3A_123 : memref<125xi32, #tpu.memory_space<vmem>>) semaphore(%dma_start3A_128 : memref<!tpu.dma_semaphore, #tpu.memory_space<semaphore_mem>>)
    %dma_start3A_129 = arith.constant 78 : i32
    %dma_start3A_130 = arith.constant 8 : i32
    %dma_start3A_131 = arith.constant 8 : i32
    %dma_start3A_132 = arith.constant 0 : i32
    %dma_start3A_133 = arith.constant 0 : i32
    %dma_start3A_134 = tpu.memref_slice %arg8[%dma_start3A_130, %dma_start3A_132, %dma_start3A_133] : memref<10x125x48xf32, #tpu.memory_space<vmem>> -> memref<1x125x48xf32, #tpu.memory_space<vmem>>
    %dma_start3A_135 = tpu.memref_squeeze %dma_start3A_134 : memref<1x125x48xf32, #tpu.memory_space<vmem>> -> memref<125x48xf32, #tpu.memory_space<vmem>>
    %dma_start3A_136 = arith.constant 0 : i32
    %dma_start3A_137 = tpu.memref_slice %arg6[%dma_start3A_129, %dma_start3A_136] : memref<80x125xi32, #tpu.memory_space<vmem>> -> memref<1x125xi32, #tpu.memory_space<vmem>>
    %dma_start3A_138 = tpu.memref_squeeze %dma_start3A_137 : memref<1x125xi32, #tpu.memory_space<vmem>> -> memref<125xi32, #tpu.memory_space<vmem>>
    %dma_start3A_139 = arith.constant 0 : i32
    %dma_start3A_140 = arith.constant 0 : i32
    %dma_start3A_141 = tpu.memref_slice %arg2[%dma_start3A_139, %dma_start3A_140] : memref<10000x48xf32, #tpu.memory_space<hbm>> -> memref<10000x48xf32, #tpu.memory_space<hbm>>
    %dma_start3A_142 = tpu.memref_slice %arg10[%dma_start3A_131] : memref<10x!tpu.dma_semaphore, #tpu.memory_space<semaphore_mem>> -> memref<1x!tpu.dma_semaphore, #tpu.memory_space<semaphore_mem>>
    %dma_start3A_143 = tpu.memref_squeeze %dma_start3A_142 : memref<1x!tpu.dma_semaphore, #tpu.memory_space<semaphore_mem>> -> memref<!tpu.dma_semaphore, #tpu.memory_space<semaphore_mem>>
    tpu.enqueue_indirect_dma source(%dma_start3A_141 : memref<10000x48xf32, #tpu.memory_space<hbm>>) target(%dma_start3A_135 : memref<125x48xf32, #tpu.memory_space<vmem>>) offsets(%dma_start3A_138 : memref<125xi32, #tpu.memory_space<vmem>>) semaphore(%dma_start3A_143 : memref<!tpu.dma_semaphore, #tpu.memory_space<semaphore_mem>>)
    %dma_start3A_144 = arith.constant 79 : i32
    %dma_start3A_145 = arith.constant 9 : i32
    %dma_start3A_146 = arith.constant 9 : i32
    %dma_start3A_147 = arith.constant 0 : i32
    %dma_start3A_148 = arith.constant 0 : i32
    %dma_start3A_149 = tpu.memref_slice %arg8[%dma_start3A_145, %dma_start3A_147, %dma_start3A_148] : memref<10x125x48xf32, #tpu.memory_space<vmem>> -> memref<1x125x48xf32, #tpu.memory_space<vmem>>
    %dma_start3A_150 = tpu.memref_squeeze %dma_start3A_149 : memref<1x125x48xf32, #tpu.memory_space<vmem>> -> memref<125x48xf32, #tpu.memory_space<vmem>>
    %dma_start3A_151 = arith.constant 0 : i32
    %dma_start3A_152 = tpu.memref_slice %arg6[%dma_start3A_144, %dma_start3A_151] : memref<80x125xi32, #tpu.memory_space<vmem>> -> memref<1x125xi32, #tpu.memory_space<vmem>>
    %dma_start3A_153 = tpu.memref_squeeze %dma_start3A_152 : memref<1x125xi32, #tpu.memory_space<vmem>> -> memref<125xi32, #tpu.memory_space<vmem>>
    %dma_start3A_154 = arith.constant 0 : i32
    %dma_start3A_155 = arith.constant 0 : i32
    %dma_start3A_156 = tpu.memref_slice %arg2[%dma_start3A_154, %dma_start3A_155] : memref<10000x48xf32, #tpu.memory_space<hbm>> -> memref<10000x48xf32, #tpu.memory_space<hbm>>
    %dma_start3A_157 = tpu.memref_slice %arg10[%dma_start3A_146] : memref<10x!tpu.dma_semaphore, #tpu.memory_space<semaphore_mem>> -> memref<1x!tpu.dma_semaphore, #tpu.memory_space<semaphore_mem>>
    %dma_start3A_158 = tpu.memref_squeeze %dma_start3A_157 : memref<1x!tpu.dma_semaphore, #tpu.memory_space<semaphore_mem>> -> memref<!tpu.dma_semaphore, #tpu.memory_space<semaphore_mem>>
    tpu.enqueue_indirect_dma source(%dma_start3A_156 : memref<10000x48xf32, #tpu.memory_space<hbm>>) target(%dma_start3A_150 : memref<125x48xf32, #tpu.memory_space<vmem>>) offsets(%dma_start3A_153 : memref<125xi32, #tpu.memory_space<vmem>>) semaphore(%dma_start3A_158 : memref<!tpu.dma_semaphore, #tpu.memory_space<semaphore_mem>>)
    %dma_wait3A = arith.constant 70 : i32
    %dma_wait3A_159 = arith.constant 0 : i32
    %dma_wait3A_160 = arith.constant 0 : i32
    %dma_wait3A_161 = arith.constant 0 : i32
    %dma_wait3A_162 = arith.constant 0 : i32
    %dma_wait3A_163 = tpu.memref_slice %arg8[%dma_wait3A_159, %dma_wait3A_161, %dma_wait3A_162] : memref<10x125x48xf32, #tpu.memory_space<vmem>> -> memref<1x125x48xf32, #tpu.memory_space<vmem>>
    %dma_wait3A_164 = tpu.memref_squeeze %dma_wait3A_163 : memref<1x125x48xf32, #tpu.memory_space<vmem>> -> memref<125x48xf32, #tpu.memory_space<vmem>>
    %dma_wait3A_165 = arith.constant 0 : i32
    %dma_wait3A_166 = tpu.memref_slice %arg6[%dma_wait3A, %dma_wait3A_165] : memref<80x125xi32, #tpu.memory_space<vmem>> -> memref<1x125xi32, #tpu.memory_space<vmem>>
    %dma_wait3A_167 = tpu.memref_squeeze %dma_wait3A_166 : memref<1x125xi32, #tpu.memory_space<vmem>> -> memref<125xi32, #tpu.memory_space<vmem>>
    %dma_wait3A_168 = arith.constant 0 : i32
    %dma_wait3A_169 = arith.constant 0 : i32
    %dma_wait3A_170 = tpu.memref_slice %arg2[%dma_wait3A_168, %dma_wait3A_169] : memref<10000x48xf32, #tpu.memory_space<hbm>> -> memref<10000x48xf32, #tpu.memory_space<hbm>>
    %dma_wait3A_171 = tpu.memref_slice %arg10[%dma_wait3A_160] : memref<10x!tpu.dma_semaphore, #tpu.memory_space<semaphore_mem>> -> memref<1x!tpu.dma_semaphore, #tpu.memory_space<semaphore_mem>>
    %dma_wait3A_172 = tpu.memref_squeeze %dma_wait3A_171 : memref<1x!tpu.dma_semaphore, #tpu.memory_space<semaphore_mem>> -> memref<!tpu.dma_semaphore, #tpu.memory_space<semaphore_mem>>
    tpu.wait_indirect_dma semaphore(%dma_wait3A_172 : memref<!tpu.dma_semaphore, #tpu.memory_space<semaphore_mem>>) src(%dma_wait3A_170 : memref<10000x48xf32, #tpu.memory_space<hbm>>) dst(%dma_wait3A_164 : memref<125x48xf32, #tpu.memory_space<vmem>>)
    %dma_start3A_173 = arith.constant 0 : i32
    %dma_start3A_174 = arith.constant 70 : i32
    %dma_start3A_175 = arith.constant 0 : i32
    %dma_start3A_176 = arith.constant 0 : i32
    %dma_start3A_177 = arith.constant 0 : i32
    %dma_start3A_178 = tpu.memref_slice %arg8[%dma_start3A_173, %dma_start3A_176, %dma_start3A_177] : memref<10x125x48xf32, #tpu.memory_space<vmem>> -> memref<1x125x48xf32, #tpu.memory_space<vmem>>
    %dma_start3A_179 = tpu.memref_squeeze %dma_start3A_178 : memref<1x125x48xf32, #tpu.memory_space<vmem>> -> memref<125x48xf32, #tpu.memory_space<vmem>>
    %dma_start3A_180 = arith.constant 0 : i32
    %dma_start3A_181 = tpu.memref_slice %arg7[%dma_start3A_174, %dma_start3A_180] : memref<80x125xi32, #tpu.memory_space<vmem>> -> memref<1x125xi32, #tpu.memory_space<vmem>>
    %dma_start3A_182 = tpu.memref_squeeze %dma_start3A_181 : memref<1x125xi32, #tpu.memory_space<vmem>> -> memref<125xi32, #tpu.memory_space<vmem>>
    %dma_start3A_183 = arith.constant 0 : i32
    %dma_start3A_184 = arith.constant 0 : i32
    %dma_start3A_185 = tpu.memref_slice %arg9[%dma_start3A_183, %dma_start3A_184] : memref<10000x48xf32, #tpu.memory_space<vmem_shared>> -> memref<10000x48xf32, #tpu.memory_space<vmem_shared>>
    %dma_start3A_186 = tpu.memref_slice %arg11[%dma_start3A_175] : memref<10x!tpu.dma_semaphore, #tpu.memory_space<semaphore_mem>> -> memref<1x!tpu.dma_semaphore, #tpu.memory_space<semaphore_mem>>
    %dma_start3A_187 = tpu.memref_squeeze %dma_start3A_186 : memref<1x!tpu.dma_semaphore, #tpu.memory_space<semaphore_mem>> -> memref<!tpu.dma_semaphore, #tpu.memory_space<semaphore_mem>>
    tpu.enqueue_indirect_dma source(%dma_start3A_179 : memref<125x48xf32, #tpu.memory_space<vmem>>) target(%dma_start3A_185 : memref<10000x48xf32, #tpu.memory_space<vmem_shared>>) offsets(%dma_start3A_182 : memref<125xi32, #tpu.memory_space<vmem>>) semaphore(%dma_start3A_187 : memref<!tpu.dma_semaphore, #tpu.memory_space<semaphore_mem>>) {add = true}
    %dma_wait3A_188 = arith.constant 71 : i32
    %dma_wait3A_189 = arith.constant 1 : i32
    %dma_wait3A_190 = arith.constant 1 : i32
    %dma_wait3A_191 = arith.constant 0 : i32
    %dma_wait3A_192 = arith.constant 0 : i32
    %dma_wait3A_193 = tpu.memref_slice %arg8[%dma_wait3A_189, %dma_wait3A_191, %dma_wait3A_192] : memref<10x125x48xf32, #tpu.memory_space<vmem>> -> memref<1x125x48xf32, #tpu.memory_space<vmem>>
    %dma_wait3A_194 = tpu.memref_squeeze %dma_wait3A_193 : memref<1x125x48xf32, #tpu.memory_space<vmem>> -> memref<125x48xf32, #tpu.memory_space<vmem>>
    %dma_wait3A_195 = arith.constant 0 : i32
    %dma_wait3A_196 = tpu.memref_slice %arg6[%dma_wait3A_188, %dma_wait3A_195] : memref<80x125xi32, #tpu.memory_space<vmem>> -> memref<1x125xi32, #tpu.memory_space<vmem>>
    %dma_wait3A_197 = tpu.memref_squeeze %dma_wait3A_196 : memref<1x125xi32, #tpu.memory_space<vmem>> -> memref<125xi32, #tpu.memory_space<vmem>>
    %dma_wait3A_198 = arith.constant 0 : i32
    %dma_wait3A_199 = arith.constant 0 : i32
    %dma_wait3A_200 = tpu.memref_slice %arg2[%dma_wait3A_198, %dma_wait3A_199] : memref<10000x48xf32, #tpu.memory_space<hbm>> -> memref<10000x48xf32, #tpu.memory_space<hbm>>
    %dma_wait3A_201 = tpu.memref_slice %arg10[%dma_wait3A_190] : memref<10x!tpu.dma_semaphore, #tpu.memory_space<semaphore_mem>> -> memref<1x!tpu.dma_semaphore, #tpu.memory_space<semaphore_mem>>
    %dma_wait3A_202 = tpu.memref_squeeze %dma_wait3A_201 : memref<1x!tpu.dma_semaphore, #tpu.memory_space<semaphore_mem>> -> memref<!tpu.dma_semaphore, #tpu.memory_space<semaphore_mem>>
    tpu.wait_indirect_dma semaphore(%dma_wait3A_202 : memref<!tpu.dma_semaphore, #tpu.memory_space<semaphore_mem>>) src(%dma_wait3A_200 : memref<10000x48xf32, #tpu.memory_space<hbm>>) dst(%dma_wait3A_194 : memref<125x48xf32, #tpu.memory_space<vmem>>)
    %dma_start3A_203 = arith.constant 1 : i32
    %dma_start3A_204 = arith.constant 71 : i32
    %dma_start3A_205 = arith.constant 1 : i32
    %dma_start3A_206 = arith.constant 0 : i32
    %dma_start3A_207 = arith.constant 0 : i32
    %dma_start3A_208 = tpu.memref_slice %arg8[%dma_start3A_203, %dma_start3A_206, %dma_start3A_207] : memref<10x125x48xf32, #tpu.memory_space<vmem>> -> memref<1x125x48xf32, #tpu.memory_space<vmem>>
    %dma_start3A_209 = tpu.memref_squeeze %dma_start3A_208 : memref<1x125x48xf32, #tpu.memory_space<vmem>> -> memref<125x48xf32, #tpu.memory_space<vmem>>
    %dma_start3A_210 = arith.constant 0 : i32
    %dma_start3A_211 = tpu.memref_slice %arg7[%dma_start3A_204, %dma_start3A_210] : memref<80x125xi32, #tpu.memory_space<vmem>> -> memref<1x125xi32, #tpu.memory_space<vmem>>
    %dma_start3A_212 = tpu.memref_squeeze %dma_start3A_211 : memref<1x125xi32, #tpu.memory_space<vmem>> -> memref<125xi32, #tpu.memory_space<vmem>>
    %dma_start3A_213 = arith.constant 0 : i32
    %dma_start3A_214 = arith.constant 0 : i32
    %dma_start3A_215 = tpu.memref_slice %arg9[%dma_start3A_213, %dma_start3A_214] : memref<10000x48xf32, #tpu.memory_space<vmem_shared>> -> memref<10000x48xf32, #tpu.memory_space<vmem_shared>>
    %dma_start3A_216 = tpu.memref_slice %arg11[%dma_start3A_205] : memref<10x!tpu.dma_semaphore, #tpu.memory_space<semaphore_mem>> -> memref<1x!tpu.dma_semaphore, #tpu.memory_space<semaphore_mem>>
    %dma_start3A_217 = tpu.memref_squeeze %dma_start3A_216 : memref<1x!tpu.dma_semaphore, #tpu.memory_space<semaphore_mem>> -> memref<!tpu.dma_semaphore, #tpu.memory_space<semaphore_mem>>
    tpu.enqueue_indirect_dma source(%dma_start3A_209 : memref<125x48xf32, #tpu.memory_space<vmem>>) target(%dma_start3A_215 : memref<10000x48xf32, #tpu.memory_space<vmem_shared>>) offsets(%dma_start3A_212 : memref<125xi32, #tpu.memory_space<vmem>>) semaphore(%dma_start3A_217 : memref<!tpu.dma_semaphore, #tpu.memory_space<semaphore_mem>>) {add = true}
    %dma_wait3A_218 = arith.constant 72 : i32
    %dma_wait3A_219 = arith.constant 2 : i32
    %dma_wait3A_220 = arith.constant 2 : i32
    %dma_wait3A_221 = arith.constant 0 : i32
    %dma_wait3A_222 = arith.constant 0 : i32
    %dma_wait3A_223 = tpu.memref_slice %arg8[%dma_wait3A_219, %dma_wait3A_221, %dma_wait3A_222] : memref<10x125x48xf32, #tpu.memory_space<vmem>> -> memref<1x125x48xf32, #tpu.memory_space<vmem>>
    %dma_wait3A_224 = tpu.memref_squeeze %dma_wait3A_223 : memref<1x125x48xf32, #tpu.memory_space<vmem>> -> memref<125x48xf32, #tpu.memory_space<vmem>>
    %dma_wait3A_225 = arith.constant 0 : i32
    %dma_wait3A_226 = tpu.memref_slice %arg6[%dma_wait3A_218, %dma_wait3A_225] : memref<80x125xi32, #tpu.memory_space<vmem>> -> memref<1x125xi32, #tpu.memory_space<vmem>>
    %dma_wait3A_227 = tpu.memref_squeeze %dma_wait3A_226 : memref<1x125xi32, #tpu.memory_space<vmem>> -> memref<125xi32, #tpu.memory_space<vmem>>
    %dma_wait3A_228 = arith.constant 0 : i32
    %dma_wait3A_229 = arith.constant 0 : i32
    %dma_wait3A_230 = tpu.memref_slice %arg2[%dma_wait3A_228, %dma_wait3A_229] : memref<10000x48xf32, #tpu.memory_space<hbm>> -> memref<10000x48xf32, #tpu.memory_space<hbm>>
    %dma_wait3A_231 = tpu.memref_slice %arg10[%dma_wait3A_220] : memref<10x!tpu.dma_semaphore, #tpu.memory_space<semaphore_mem>> -> memref<1x!tpu.dma_semaphore, #tpu.memory_space<semaphore_mem>>
    %dma_wait3A_232 = tpu.memref_squeeze %dma_wait3A_231 : memref<1x!tpu.dma_semaphore, #tpu.memory_space<semaphore_mem>> -> memref<!tpu.dma_semaphore, #tpu.memory_space<semaphore_mem>>
    tpu.wait_indirect_dma semaphore(%dma_wait3A_232 : memref<!tpu.dma_semaphore, #tpu.memory_space<semaphore_mem>>) src(%dma_wait3A_230 : memref<10000x48xf32, #tpu.memory_space<hbm>>) dst(%dma_wait3A_224 : memref<125x48xf32, #tpu.memory_space<vmem>>)
    %dma_start3A_233 = arith.constant 2 : i32
    %dma_start3A_234 = arith.constant 72 : i32
    %dma_start3A_235 = arith.constant 2 : i32
    %dma_start3A_236 = arith.constant 0 : i32
    %dma_start3A_237 = arith.constant 0 : i32
    %dma_start3A_238 = tpu.memref_slice %arg8[%dma_start3A_233, %dma_start3A_236, %dma_start3A_237] : memref<10x125x48xf32, #tpu.memory_space<vmem>> -> memref<1x125x48xf32, #tpu.memory_space<vmem>>
    %dma_start3A_239 = tpu.memref_squeeze %dma_start3A_238 : memref<1x125x48xf32, #tpu.memory_space<vmem>> -> memref<125x48xf32, #tpu.memory_space<vmem>>
    %dma_start3A_240 = arith.constant 0 : i32
    %dma_start3A_241 = tpu.memref_slice %arg7[%dma_start3A_234, %dma_start3A_240] : memref<80x125xi32, #tpu.memory_space<vmem>> -> memref<1x125xi32, #tpu.memory_space<vmem>>
    %dma_start3A_242 = tpu.memref_squeeze %dma_start3A_241 : memref<1x125xi32, #tpu.memory_space<vmem>> -> memref<125xi32, #tpu.memory_space<vmem>>
    %dma_start3A_243 = arith.constant 0 : i32
    %dma_start3A_244 = arith.constant 0 : i32
    %dma_start3A_245 = tpu.memref_slice %arg9[%dma_start3A_243, %dma_start3A_244] : memref<10000x48xf32, #tpu.memory_space<vmem_shared>> -> memref<10000x48xf32, #tpu.memory_space<vmem_shared>>
    %dma_start3A_246 = tpu.memref_slice %arg11[%dma_start3A_235] : memref<10x!tpu.dma_semaphore, #tpu.memory_space<semaphore_mem>> -> memref<1x!tpu.dma_semaphore, #tpu.memory_space<semaphore_mem>>
    %dma_start3A_247 = tpu.memref_squeeze %dma_start3A_246 : memref<1x!tpu.dma_semaphore, #tpu.memory_space<semaphore_mem>> -> memref<!tpu.dma_semaphore, #tpu.memory_space<semaphore_mem>>
    tpu.enqueue_indirect_dma source(%dma_start3A_239 : memref<125x48xf32, #tpu.memory_space<vmem>>) target(%dma_start3A_245 : memref<10000x48xf32, #tpu.memory_space<vmem_shared>>) offsets(%dma_start3A_242 : memref<125xi32, #tpu.memory_space<vmem>>) semaphore(%dma_start3A_247 : memref<!tpu.dma_semaphore, #tpu.memory_space<semaphore_mem>>) {add = true}
    %dma_wait3A_248 = arith.constant 73 : i32
    %dma_wait3A_249 = arith.constant 3 : i32
    %dma_wait3A_250 = arith.constant 3 : i32
    %dma_wait3A_251 = arith.constant 0 : i32
    %dma_wait3A_252 = arith.constant 0 : i32
    %dma_wait3A_253 = tpu.memref_slice %arg8[%dma_wait3A_249, %dma_wait3A_251, %dma_wait3A_252] : memref<10x125x48xf32, #tpu.memory_space<vmem>> -> memref<1x125x48xf32, #tpu.memory_space<vmem>>
    %dma_wait3A_254 = tpu.memref_squeeze %dma_wait3A_253 : memref<1x125x48xf32, #tpu.memory_space<vmem>> -> memref<125x48xf32, #tpu.memory_space<vmem>>
    %dma_wait3A_255 = arith.constant 0 : i32
    %dma_wait3A_256 = tpu.memref_slice %arg6[%dma_wait3A_248, %dma_wait3A_255] : memref<80x125xi32, #tpu.memory_space<vmem>> -> memref<1x125xi32, #tpu.memory_space<vmem>>
    %dma_wait3A_257 = tpu.memref_squeeze %dma_wait3A_256 : memref<1x125xi32, #tpu.memory_space<vmem>> -> memref<125xi32, #tpu.memory_space<vmem>>
    %dma_wait3A_258 = arith.constant 0 : i32
    %dma_wait3A_259 = arith.constant 0 : i32
    %dma_wait3A_260 = tpu.memref_slice %arg2[%dma_wait3A_258, %dma_wait3A_259] : memref<10000x48xf32, #tpu.memory_space<hbm>> -> memref<10000x48xf32, #tpu.memory_space<hbm>>
    %dma_wait3A_261 = tpu.memref_slice %arg10[%dma_wait3A_250] : memref<10x!tpu.dma_semaphore, #tpu.memory_space<semaphore_mem>> -> memref<1x!tpu.dma_semaphore, #tpu.memory_space<semaphore_mem>>
    %dma_wait3A_262 = tpu.memref_squeeze %dma_wait3A_261 : memref<1x!tpu.dma_semaphore, #tpu.memory_space<semaphore_mem>> -> memref<!tpu.dma_semaphore, #tpu.memory_space<semaphore_mem>>
    tpu.wait_indirect_dma semaphore(%dma_wait3A_262 : memref<!tpu.dma_semaphore, #tpu.memory_space<semaphore_mem>>) src(%dma_wait3A_260 : memref<10000x48xf32, #tpu.memory_space<hbm>>) dst(%dma_wait3A_254 : memref<125x48xf32, #tpu.memory_space<vmem>>)
    %dma_start3A_263 = arith.constant 3 : i32
    %dma_start3A_264 = arith.constant 73 : i32
    %dma_start3A_265 = arith.constant 3 : i32
    %dma_start3A_266 = arith.constant 0 : i32
    %dma_start3A_267 = arith.constant 0 : i32
    %dma_start3A_268 = tpu.memref_slice %arg8[%dma_start3A_263, %dma_start3A_266, %dma_start3A_267] : memref<10x125x48xf32, #tpu.memory_space<vmem>> -> memref<1x125x48xf32, #tpu.memory_space<vmem>>
    %dma_start3A_269 = tpu.memref_squeeze %dma_start3A_268 : memref<1x125x48xf32, #tpu.memory_space<vmem>> -> memref<125x48xf32, #tpu.memory_space<vmem>>
    %dma_start3A_270 = arith.constant 0 : i32
    %dma_start3A_271 = tpu.memref_slice %arg7[%dma_start3A_264, %dma_start3A_270] : memref<80x125xi32, #tpu.memory_space<vmem>> -> memref<1x125xi32, #tpu.memory_space<vmem>>
    %dma_start3A_272 = tpu.memref_squeeze %dma_start3A_271 : memref<1x125xi32, #tpu.memory_space<vmem>> -> memref<125xi32, #tpu.memory_space<vmem>>
    %dma_start3A_273 = arith.constant 0 : i32
    %dma_start3A_274 = arith.constant 0 : i32
    %dma_start3A_275 = tpu.memref_slice %arg9[%dma_start3A_273, %dma_start3A_274] : memref<10000x48xf32, #tpu.memory_space<vmem_shared>> -> memref<10000x48xf32, #tpu.memory_space<vmem_shared>>
    %dma_start3A_276 = tpu.memref_slice %arg11[%dma_start3A_265] : memref<10x!tpu.dma_semaphore, #tpu.memory_space<semaphore_mem>> -> memref<1x!tpu.dma_semaphore, #tpu.memory_space<semaphore_mem>>
    %dma_start3A_277 = tpu.memref_squeeze %dma_start3A_276 : memref<1x!tpu.dma_semaphore, #tpu.memory_space<semaphore_mem>> -> memref<!tpu.dma_semaphore, #tpu.memory_space<semaphore_mem>>
    tpu.enqueue_indirect_dma source(%dma_start3A_269 : memref<125x48xf32, #tpu.memory_space<vmem>>) target(%dma_start3A_275 : memref<10000x48xf32, #tpu.memory_space<vmem_shared>>) offsets(%dma_start3A_272 : memref<125xi32, #tpu.memory_space<vmem>>) semaphore(%dma_start3A_277 : memref<!tpu.dma_semaphore, #tpu.memory_space<semaphore_mem>>) {add = true}
    %dma_wait3A_278 = arith.constant 74 : i32
    %dma_wait3A_279 = arith.constant 4 : i32
    %dma_wait3A_280 = arith.constant 4 : i32
    %dma_wait3A_281 = arith.constant 0 : i32
    %dma_wait3A_282 = arith.constant 0 : i32
    %dma_wait3A_283 = tpu.memref_slice %arg8[%dma_wait3A_279, %dma_wait3A_281, %dma_wait3A_282] : memref<10x125x48xf32, #tpu.memory_space<vmem>> -> memref<1x125x48xf32, #tpu.memory_space<vmem>>
    %dma_wait3A_284 = tpu.memref_squeeze %dma_wait3A_283 : memref<1x125x48xf32, #tpu.memory_space<vmem>> -> memref<125x48xf32, #tpu.memory_space<vmem>>
    %dma_wait3A_285 = arith.constant 0 : i32
    %dma_wait3A_286 = tpu.memref_slice %arg6[%dma_wait3A_278, %dma_wait3A_285] : memref<80x125xi32, #tpu.memory_space<vmem>> -> memref<1x125xi32, #tpu.memory_space<vmem>>
    %dma_wait3A_287 = tpu.memref_squeeze %dma_wait3A_286 : memref<1x125xi32, #tpu.memory_space<vmem>> -> memref<125xi32, #tpu.memory_space<vmem>>
    %dma_wait3A_288 = arith.constant 0 : i32
    %dma_wait3A_289 = arith.constant 0 : i32
    %dma_wait3A_290 = tpu.memref_slice %arg2[%dma_wait3A_288, %dma_wait3A_289] : memref<10000x48xf32, #tpu.memory_space<hbm>> -> memref<10000x48xf32, #tpu.memory_space<hbm>>
    %dma_wait3A_291 = tpu.memref_slice %arg10[%dma_wait3A_280] : memref<10x!tpu.dma_semaphore, #tpu.memory_space<semaphore_mem>> -> memref<1x!tpu.dma_semaphore, #tpu.memory_space<semaphore_mem>>
    %dma_wait3A_292 = tpu.memref_squeeze %dma_wait3A_291 : memref<1x!tpu.dma_semaphore, #tpu.memory_space<semaphore_mem>> -> memref<!tpu.dma_semaphore, #tpu.memory_space<semaphore_mem>>
    tpu.wait_indirect_dma semaphore(%dma_wait3A_292 : memref<!tpu.dma_semaphore, #tpu.memory_space<semaphore_mem>>) src(%dma_wait3A_290 : memref<10000x48xf32, #tpu.memory_space<hbm>>) dst(%dma_wait3A_284 : memref<125x48xf32, #tpu.memory_space<vmem>>)
    %dma_start3A_293 = arith.constant 4 : i32
    %dma_start3A_294 = arith.constant 74 : i32
    %dma_start3A_295 = arith.constant 4 : i32
    %dma_start3A_296 = arith.constant 0 : i32
    %dma_start3A_297 = arith.constant 0 : i32
    %dma_start3A_298 = tpu.memref_slice %arg8[%dma_start3A_293, %dma_start3A_296, %dma_start3A_297] : memref<10x125x48xf32, #tpu.memory_space<vmem>> -> memref<1x125x48xf32, #tpu.memory_space<vmem>>
    %dma_start3A_299 = tpu.memref_squeeze %dma_start3A_298 : memref<1x125x48xf32, #tpu.memory_space<vmem>> -> memref<125x48xf32, #tpu.memory_space<vmem>>
    %dma_start3A_300 = arith.constant 0 : i32
    %dma_start3A_301 = tpu.memref_slice %arg7[%dma_start3A_294, %dma_start3A_300] : memref<80x125xi32, #tpu.memory_space<vmem>> -> memref<1x125xi32, #tpu.memory_space<vmem>>
    %dma_start3A_302 = tpu.memref_squeeze %dma_start3A_301 : memref<1x125xi32, #tpu.memory_space<vmem>> -> memref<125xi32, #tpu.memory_space<vmem>>
    %dma_start3A_303 = arith.constant 0 : i32
    %dma_start3A_304 = arith.constant 0 : i32
    %dma_start3A_305 = tpu.memref_slice %arg9[%dma_start3A_303, %dma_start3A_304] : memref<10000x48xf32, #tpu.memory_space<vmem_shared>> -> memref<10000x48xf32, #tpu.memory_space<vmem_shared>>
    %dma_start3A_306 = tpu.memref_slice %arg11[%dma_start3A_295] : memref<10x!tpu.dma_semaphore, #tpu.memory_space<semaphore_mem>> -> memref<1x!tpu.dma_semaphore, #tpu.memory_space<semaphore_mem>>
    %dma_start3A_307 = tpu.memref_squeeze %dma_start3A_306 : memref<1x!tpu.dma_semaphore, #tpu.memory_space<semaphore_mem>> -> memref<!tpu.dma_semaphore, #tpu.memory_space<semaphore_mem>>
    tpu.enqueue_indirect_dma source(%dma_start3A_299 : memref<125x48xf32, #tpu.memory_space<vmem>>) target(%dma_start3A_305 : memref<10000x48xf32, #tpu.memory_space<vmem_shared>>) offsets(%dma_start3A_302 : memref<125xi32, #tpu.memory_space<vmem>>) semaphore(%dma_start3A_307 : memref<!tpu.dma_semaphore, #tpu.memory_space<semaphore_mem>>) {add = true}
    %dma_wait3A_308 = arith.constant 0 : i32
    %dma_wait3A_309 = arith.constant 70 : i32
    %dma_wait3A_310 = arith.constant 0 : i32
    %dma_wait3A_311 = arith.constant 0 : i32
    %dma_wait3A_312 = arith.constant 0 : i32
    %dma_wait3A_313 = tpu.memref_slice %arg8[%dma_wait3A_308, %dma_wait3A_311, %dma_wait3A_312] : memref<10x125x48xf32, #tpu.memory_space<vmem>> -> memref<1x125x48xf32, #tpu.memory_space<vmem>>
    %dma_wait3A_314 = tpu.memref_squeeze %dma_wait3A_313 : memref<1x125x48xf32, #tpu.memory_space<vmem>> -> memref<125x48xf32, #tpu.memory_space<vmem>>
    %dma_wait3A_315 = arith.constant 0 : i32
    %dma_wait3A_316 = tpu.memref_slice %arg7[%dma_wait3A_309, %dma_wait3A_315] : memref<80x125xi32, #tpu.memory_space<vmem>> -> memref<1x125xi32, #tpu.memory_space<vmem>>
    %dma_wait3A_317 = tpu.memref_squeeze %dma_wait3A_316 : memref<1x125xi32, #tpu.memory_space<vmem>> -> memref<125xi32, #tpu.memory_space<vmem>>
    %dma_wait3A_318 = arith.constant 0 : i32
    %dma_wait3A_319 = arith.constant 0 : i32
    %dma_wait3A_320 = tpu.memref_slice %arg9[%dma_wait3A_318, %dma_wait3A_319] : memref<10000x48xf32, #tpu.memory_space<vmem_shared>> -> memref<10000x48xf32, #tpu.memory_space<vmem_shared>>
    %dma_wait3A_321 = tpu.memref_slice %arg11[%dma_wait3A_310] : memref<10x!tpu.dma_semaphore, #tpu.memory_space<semaphore_mem>> -> memref<1x!tpu.dma_semaphore, #tpu.memory_space<semaphore_mem>>
    %dma_wait3A_322 = tpu.memref_squeeze %dma_wait3A_321 : memref<1x!tpu.dma_semaphore, #tpu.memory_space<semaphore_mem>> -> memref<!tpu.dma_semaphore, #tpu.memory_space<semaphore_mem>>
    tpu.wait_indirect_dma semaphore(%dma_wait3A_322 : memref<!tpu.dma_semaphore, #tpu.memory_space<semaphore_mem>>) src(%dma_wait3A_314 : memref<125x48xf32, #tpu.memory_space<vmem>>) dst(%dma_wait3A_320 : memref<10000x48xf32, #tpu.memory_space<vmem_shared>>)
    %dma_wait3A_323 = arith.constant 1 : i32
    %dma_wait3A_324 = arith.constant 71 : i32
    %dma_wait3A_325 = arith.constant 1 : i32
    %dma_wait3A_326 = arith.constant 0 : i32
    %dma_wait3A_327 = arith.constant 0 : i32
    %dma_wait3A_328 = tpu.memref_slice %arg8[%dma_wait3A_323, %dma_wait3A_326, %dma_wait3A_327] : memref<10x125x48xf32, #tpu.memory_space<vmem>> -> memref<1x125x48xf32, #tpu.memory_space<vmem>>
    %dma_wait3A_329 = tpu.memref_squeeze %dma_wait3A_328 : memref<1x125x48xf32, #tpu.memory_space<vmem>> -> memref<125x48xf32, #tpu.memory_space<vmem>>
    %dma_wait3A_330 = arith.constant 0 : i32
    %dma_wait3A_331 = tpu.memref_slice %arg7[%dma_wait3A_324, %dma_wait3A_330] : memref<80x125xi32, #tpu.memory_space<vmem>> -> memref<1x125xi32, #tpu.memory_space<vmem>>
    %dma_wait3A_332 = tpu.memref_squeeze %dma_wait3A_331 : memref<1x125xi32, #tpu.memory_space<vmem>> -> memref<125xi32, #tpu.memory_space<vmem>>
    %dma_wait3A_333 = arith.constant 0 : i32
    %dma_wait3A_334 = arith.constant 0 : i32
    %dma_wait3A_335 = tpu.memref_slice %arg9[%dma_wait3A_333, %dma_wait3A_334] : memref<10000x48xf32, #tpu.memory_space<vmem_shared>> -> memref<10000x48xf32, #tpu.memory_space<vmem_shared>>
    %dma_wait3A_336 = tpu.memref_slice %arg11[%dma_wait3A_325] : memref<10x!tpu.dma_semaphore, #tpu.memory_space<semaphore_mem>> -> memref<1x!tpu.dma_semaphore, #tpu.memory_space<semaphore_mem>>
    %dma_wait3A_337 = tpu.memref_squeeze %dma_wait3A_336 : memref<1x!tpu.dma_semaphore, #tpu.memory_space<semaphore_mem>> -> memref<!tpu.dma_semaphore, #tpu.memory_space<semaphore_mem>>
    tpu.wait_indirect_dma semaphore(%dma_wait3A_337 : memref<!tpu.dma_semaphore, #tpu.memory_space<semaphore_mem>>) src(%dma_wait3A_329 : memref<125x48xf32, #tpu.memory_space<vmem>>) dst(%dma_wait3A_335 : memref<10000x48xf32, #tpu.memory_space<vmem_shared>>)
    %dma_wait3A_338 = arith.constant 2 : i32
    %dma_wait3A_339 = arith.constant 72 : i32
    %dma_wait3A_340 = arith.constant 2 : i32
    %dma_wait3A_341 = arith.constant 0 : i32
    %dma_wait3A_342 = arith.constant 0 : i32
    %dma_wait3A_343 = tpu.memref_slice %arg8[%dma_wait3A_338, %dma_wait3A_341, %dma_wait3A_342] : memref<10x125x48xf32, #tpu.memory_space<vmem>> -> memref<1x125x48xf32, #tpu.memory_space<vmem>>
    %dma_wait3A_344 = tpu.memref_squeeze %dma_wait3A_343 : memref<1x125x48xf32, #tpu.memory_space<vmem>> -> memref<125x48xf32, #tpu.memory_space<vmem>>
    %dma_wait3A_345 = arith.constant 0 : i32
    %dma_wait3A_346 = tpu.memref_slice %arg7[%dma_wait3A_339, %dma_wait3A_345] : memref<80x125xi32, #tpu.memory_space<vmem>> -> memref<1x125xi32, #tpu.memory_space<vmem>>
    %dma_wait3A_347 = tpu.memref_squeeze %dma_wait3A_346 : memref<1x125xi32, #tpu.memory_space<vmem>> -> memref<125xi32, #tpu.memory_space<vmem>>
    %dma_wait3A_348 = arith.constant 0 : i32
    %dma_wait3A_349 = arith.constant 0 : i32
    %dma_wait3A_350 = tpu.memref_slice %arg9[%dma_wait3A_348, %dma_wait3A_349] : memref<10000x48xf32, #tpu.memory_space<vmem_shared>> -> memref<10000x48xf32, #tpu.memory_space<vmem_shared>>
    %dma_wait3A_351 = tpu.memref_slice %arg11[%dma_wait3A_340] : memref<10x!tpu.dma_semaphore, #tpu.memory_space<semaphore_mem>> -> memref<1x!tpu.dma_semaphore, #tpu.memory_space<semaphore_mem>>
    %dma_wait3A_352 = tpu.memref_squeeze %dma_wait3A_351 : memref<1x!tpu.dma_semaphore, #tpu.memory_space<semaphore_mem>> -> memref<!tpu.dma_semaphore, #tpu.memory_space<semaphore_mem>>
    tpu.wait_indirect_dma semaphore(%dma_wait3A_352 : memref<!tpu.dma_semaphore, #tpu.memory_space<semaphore_mem>>) src(%dma_wait3A_344 : memref<125x48xf32, #tpu.memory_space<vmem>>) dst(%dma_wait3A_350 : memref<10000x48xf32, #tpu.memory_space<vmem_shared>>)
    %dma_wait3A_353 = arith.constant 3 : i32
    %dma_wait3A_354 = arith.constant 73 : i32
    %dma_wait3A_355 = arith.constant 3 : i32
    %dma_wait3A_356 = arith.constant 0 : i32
    %dma_wait3A_357 = arith.constant 0 : i32
    %dma_wait3A_358 = tpu.memref_slice %arg8[%dma_wait3A_353, %dma_wait3A_356, %dma_wait3A_357] : memref<10x125x48xf32, #tpu.memory_space<vmem>> -> memref<1x125x48xf32, #tpu.memory_space<vmem>>
    %dma_wait3A_359 = tpu.memref_squeeze %dma_wait3A_358 : memref<1x125x48xf32, #tpu.memory_space<vmem>> -> memref<125x48xf32, #tpu.memory_space<vmem>>
    %dma_wait3A_360 = arith.constant 0 : i32
    %dma_wait3A_361 = tpu.memref_slice %arg7[%dma_wait3A_354, %dma_wait3A_360] : memref<80x125xi32, #tpu.memory_space<vmem>> -> memref<1x125xi32, #tpu.memory_space<vmem>>
    %dma_wait3A_362 = tpu.memref_squeeze %dma_wait3A_361 : memref<1x125xi32, #tpu.memory_space<vmem>> -> memref<125xi32, #tpu.memory_space<vmem>>
    %dma_wait3A_363 = arith.constant 0 : i32
    %dma_wait3A_364 = arith.constant 0 : i32
    %dma_wait3A_365 = tpu.memref_slice %arg9[%dma_wait3A_363, %dma_wait3A_364] : memref<10000x48xf32, #tpu.memory_space<vmem_shared>> -> memref<10000x48xf32, #tpu.memory_space<vmem_shared>>
    %dma_wait3A_366 = tpu.memref_slice %arg11[%dma_wait3A_355] : memref<10x!tpu.dma_semaphore, #tpu.memory_space<semaphore_mem>> -> memref<1x!tpu.dma_semaphore, #tpu.memory_space<semaphore_mem>>
    %dma_wait3A_367 = tpu.memref_squeeze %dma_wait3A_366 : memref<1x!tpu.dma_semaphore, #tpu.memory_space<semaphore_mem>> -> memref<!tpu.dma_semaphore, #tpu.memory_space<semaphore_mem>>
    tpu.wait_indirect_dma semaphore(%dma_wait3A_367 : memref<!tpu.dma_semaphore, #tpu.memory_space<semaphore_mem>>) src(%dma_wait3A_359 : memref<125x48xf32, #tpu.memory_space<vmem>>) dst(%dma_wait3A_365 : memref<10000x48xf32, #tpu.memory_space<vmem_shared>>)
    %dma_wait3A_368 = arith.constant 4 : i32
    %dma_wait3A_369 = arith.constant 74 : i32
    %dma_wait3A_370 = arith.constant 4 : i32
    %dma_wait3A_371 = arith.constant 0 : i32
    %dma_wait3A_372 = arith.constant 0 : i32
    %dma_wait3A_373 = tpu.memref_slice %arg8[%dma_wait3A_368, %dma_wait3A_371, %dma_wait3A_372] : memref<10x125x48xf32, #tpu.memory_space<vmem>> -> memref<1x125x48xf32, #tpu.memory_space<vmem>>
    %dma_wait3A_374 = tpu.memref_squeeze %dma_wait3A_373 : memref<1x125x48xf32, #tpu.memory_space<vmem>> -> memref<125x48xf32, #tpu.memory_space<vmem>>
    %dma_wait3A_375 = arith.constant 0 : i32
    %dma_wait3A_376 = tpu.memref_slice %arg7[%dma_wait3A_369, %dma_wait3A_375] : memref<80x125xi32, #tpu.memory_space<vmem>> -> memref<1x125xi32, #tpu.memory_space<vmem>>
    %dma_wait3A_377 = tpu.memref_squeeze %dma_wait3A_376 : memref<1x125xi32, #tpu.memory_space<vmem>> -> memref<125xi32, #tpu.memory_space<vmem>>
    %dma_wait3A_378 = arith.constant 0 : i32
    %dma_wait3A_379 = arith.constant 0 : i32
    %dma_wait3A_380 = tpu.memref_slice %arg9[%dma_wait3A_378, %dma_wait3A_379] : memref<10000x48xf32, #tpu.memory_space<vmem_shared>> -> memref<10000x48xf32, #tpu.memory_space<vmem_shared>>
    %dma_wait3A_381 = tpu.memref_slice %arg11[%dma_wait3A_370] : memref<10x!tpu.dma_semaphore, #tpu.memory_space<semaphore_mem>> -> memref<1x!tpu.dma_semaphore, #tpu.memory_space<semaphore_mem>>
    %dma_wait3A_382 = tpu.memref_squeeze %dma_wait3A_381 : memref<1x!tpu.dma_semaphore, #tpu.memory_space<semaphore_mem>> -> memref<!tpu.dma_semaphore, #tpu.memory_space<semaphore_mem>>
    tpu.wait_indirect_dma semaphore(%dma_wait3A_382 : memref<!tpu.dma_semaphore, #tpu.memory_space<semaphore_mem>>) src(%dma_wait3A_374 : memref<125x48xf32, #tpu.memory_space<vmem>>) dst(%dma_wait3A_380 : memref<10000x48xf32, #tpu.memory_space<vmem_shared>>)
    %dma_wait3A_383 = arith.constant 75 : i32
    %dma_wait3A_384 = arith.constant 5 : i32
    %dma_wait3A_385 = arith.constant 5 : i32
    %dma_wait3A_386 = arith.constant 0 : i32
    %dma_wait3A_387 = arith.constant 0 : i32
    %dma_wait3A_388 = tpu.memref_slice %arg8[%dma_wait3A_384, %dma_wait3A_386, %dma_wait3A_387] : memref<10x125x48xf32, #tpu.memory_space<vmem>> -> memref<1x125x48xf32, #tpu.memory_space<vmem>>
    %dma_wait3A_389 = tpu.memref_squeeze %dma_wait3A_388 : memref<1x125x48xf32, #tpu.memory_space<vmem>> -> memref<125x48xf32, #tpu.memory_space<vmem>>
    %dma_wait3A_390 = arith.constant 0 : i32
    %dma_wait3A_391 = tpu.memref_slice %arg6[%dma_wait3A_383, %dma_wait3A_390] : memref<80x125xi32, #tpu.memory_space<vmem>> -> memref<1x125xi32, #tpu.memory_space<vmem>>
    %dma_wait3A_392 = tpu.memref_squeeze %dma_wait3A_391 : memref<1x125xi32, #tpu.memory_space<vmem>> -> memref<125xi32, #tpu.memory_space<vmem>>
    %dma_wait3A_393 = arith.constant 0 : i32
    %dma_wait3A_394 = arith.constant 0 : i32
    %dma_wait3A_395 = tpu.memref_slice %arg2[%dma_wait3A_393, %dma_wait3A_394] : memref<10000x48xf32, #tpu.memory_space<hbm>> -> memref<10000x48xf32, #tpu.memory_space<hbm>>
    %dma_wait3A_396 = tpu.memref_slice %arg10[%dma_wait3A_385] : memref<10x!tpu.dma_semaphore, #tpu.memory_space<semaphore_mem>> -> memref<1x!tpu.dma_semaphore, #tpu.memory_space<semaphore_mem>>
    %dma_wait3A_397 = tpu.memref_squeeze %dma_wait3A_396 : memref<1x!tpu.dma_semaphore, #tpu.memory_space<semaphore_mem>> -> memref<!tpu.dma_semaphore, #tpu.memory_space<semaphore_mem>>
    tpu.wait_indirect_dma semaphore(%dma_wait3A_397 : memref<!tpu.dma_semaphore, #tpu.memory_space<semaphore_mem>>) src(%dma_wait3A_395 : memref<10000x48xf32, #tpu.memory_space<hbm>>) dst(%dma_wait3A_389 : memref<125x48xf32, #tpu.memory_space<vmem>>)
    %dma_start3A_398 = arith.constant 5 : i32
    %dma_start3A_399 = arith.constant 75 : i32
    %dma_start3A_400 = arith.constant 5 : i32
    %dma_start3A_401 = arith.constant 0 : i32
    %dma_start3A_402 = arith.constant 0 : i32
    %dma_start3A_403 = tpu.memref_slice %arg8[%dma_start3A_398, %dma_start3A_401, %dma_start3A_402] : memref<10x125x48xf32, #tpu.memory_space<vmem>> -> memref<1x125x48xf32, #tpu.memory_space<vmem>>
    %dma_start3A_404 = tpu.memref_squeeze %dma_start3A_403 : memref<1x125x48xf32, #tpu.memory_space<vmem>> -> memref<125x48xf32, #tpu.memory_space<vmem>>
    %dma_start3A_405 = arith.constant 0 : i32
    %dma_start3A_406 = tpu.memref_slice %arg7[%dma_start3A_399, %dma_start3A_405] : memref<80x125xi32, #tpu.memory_space<vmem>> -> memref<1x125xi32, #tpu.memory_space<vmem>>
    %dma_start3A_407 = tpu.memref_squeeze %dma_start3A_406 : memref<1x125xi32, #tpu.memory_space<vmem>> -> memref<125xi32, #tpu.memory_space<vmem>>
    %dma_start3A_408 = arith.constant 0 : i32
    %dma_start3A_409 = arith.constant 0 : i32
    %dma_start3A_410 = tpu.memref_slice %arg9[%dma_start3A_408, %dma_start3A_409] : memref<10000x48xf32, #tpu.memory_space<vmem_shared>> -> memref<10000x48xf32, #tpu.memory_space<vmem_shared>>
    %dma_start3A_411 = tpu.memref_slice %arg11[%dma_start3A_400] : memref<10x!tpu.dma_semaphore, #tpu.memory_space<semaphore_mem>> -> memref<1x!tpu.dma_semaphore, #tpu.memory_space<semaphore_mem>>
    %dma_start3A_412 = tpu.memref_squeeze %dma_start3A_411 : memref<1x!tpu.dma_semaphore, #tpu.memory_space<semaphore_mem>> -> memref<!tpu.dma_semaphore, #tpu.memory_space<semaphore_mem>>
    tpu.enqueue_indirect_dma source(%dma_start3A_404 : memref<125x48xf32, #tpu.memory_space<vmem>>) target(%dma_start3A_410 : memref<10000x48xf32, #tpu.memory_space<vmem_shared>>) offsets(%dma_start3A_407 : memref<125xi32, #tpu.memory_space<vmem>>) semaphore(%dma_start3A_412 : memref<!tpu.dma_semaphore, #tpu.memory_space<semaphore_mem>>) {add = true}
    %dma_wait3A_413 = arith.constant 76 : i32
    %dma_wait3A_414 = arith.constant 6 : i32
    %dma_wait3A_415 = arith.constant 6 : i32
    %dma_wait3A_416 = arith.constant 0 : i32
    %dma_wait3A_417 = arith.constant 0 : i32
    %dma_wait3A_418 = tpu.memref_slice %arg8[%dma_wait3A_414, %dma_wait3A_416, %dma_wait3A_417] : memref<10x125x48xf32, #tpu.memory_space<vmem>> -> memref<1x125x48xf32, #tpu.memory_space<vmem>>
    %dma_wait3A_419 = tpu.memref_squeeze %dma_wait3A_418 : memref<1x125x48xf32, #tpu.memory_space<vmem>> -> memref<125x48xf32, #tpu.memory_space<vmem>>
    %dma_wait3A_420 = arith.constant 0 : i32
    %dma_wait3A_421 = tpu.memref_slice %arg6[%dma_wait3A_413, %dma_wait3A_420] : memref<80x125xi32, #tpu.memory_space<vmem>> -> memref<1x125xi32, #tpu.memory_space<vmem>>
    %dma_wait3A_422 = tpu.memref_squeeze %dma_wait3A_421 : memref<1x125xi32, #tpu.memory_space<vmem>> -> memref<125xi32, #tpu.memory_space<vmem>>
    %dma_wait3A_423 = arith.constant 0 : i32
    %dma_wait3A_424 = arith.constant 0 : i32
    %dma_wait3A_425 = tpu.memref_slice %arg2[%dma_wait3A_423, %dma_wait3A_424] : memref<10000x48xf32, #tpu.memory_space<hbm>> -> memref<10000x48xf32, #tpu.memory_space<hbm>>
    %dma_wait3A_426 = tpu.memref_slice %arg10[%dma_wait3A_415] : memref<10x!tpu.dma_semaphore, #tpu.memory_space<semaphore_mem>> -> memref<1x!tpu.dma_semaphore, #tpu.memory_space<semaphore_mem>>
    %dma_wait3A_427 = tpu.memref_squeeze %dma_wait3A_426 : memref<1x!tpu.dma_semaphore, #tpu.memory_space<semaphore_mem>> -> memref<!tpu.dma_semaphore, #tpu.memory_space<semaphore_mem>>
    tpu.wait_indirect_dma semaphore(%dma_wait3A_427 : memref<!tpu.dma_semaphore, #tpu.memory_space<semaphore_mem>>) src(%dma_wait3A_425 : memref<10000x48xf32, #tpu.memory_space<hbm>>) dst(%dma_wait3A_419 : memref<125x48xf32, #tpu.memory_space<vmem>>)
    %dma_start3A_428 = arith.constant 6 : i32
    %dma_start3A_429 = arith.constant 76 : i32
    %dma_start3A_430 = arith.constant 6 : i32
    %dma_start3A_431 = arith.constant 0 : i32
    %dma_start3A_432 = arith.constant 0 : i32
    %dma_start3A_433 = tpu.memref_slice %arg8[%dma_start3A_428, %dma_start3A_431, %dma_start3A_432] : memref<10x125x48xf32, #tpu.memory_space<vmem>> -> memref<1x125x48xf32, #tpu.memory_space<vmem>>
    %dma_start3A_434 = tpu.memref_squeeze %dma_start3A_433 : memref<1x125x48xf32, #tpu.memory_space<vmem>> -> memref<125x48xf32, #tpu.memory_space<vmem>>
    %dma_start3A_435 = arith.constant 0 : i32
    %dma_start3A_436 = tpu.memref_slice %arg7[%dma_start3A_429, %dma_start3A_435] : memref<80x125xi32, #tpu.memory_space<vmem>> -> memref<1x125xi32, #tpu.memory_space<vmem>>
    %dma_start3A_437 = tpu.memref_squeeze %dma_start3A_436 : memref<1x125xi32, #tpu.memory_space<vmem>> -> memref<125xi32, #tpu.memory_space<vmem>>
    %dma_start3A_438 = arith.constant 0 : i32
    %dma_start3A_439 = arith.constant 0 : i32
    %dma_start3A_440 = tpu.memref_slice %arg9[%dma_start3A_438, %dma_start3A_439] : memref<10000x48xf32, #tpu.memory_space<vmem_shared>> -> memref<10000x48xf32, #tpu.memory_space<vmem_shared>>
    %dma_start3A_441 = tpu.memref_slice %arg11[%dma_start3A_430] : memref<10x!tpu.dma_semaphore, #tpu.memory_space<semaphore_mem>> -> memref<1x!tpu.dma_semaphore, #tpu.memory_space<semaphore_mem>>
    %dma_start3A_442 = tpu.memref_squeeze %dma_start3A_441 : memref<1x!tpu.dma_semaphore, #tpu.memory_space<semaphore_mem>> -> memref<!tpu.dma_semaphore, #tpu.memory_space<semaphore_mem>>
    tpu.enqueue_indirect_dma source(%dma_start3A_434 : memref<125x48xf32, #tpu.memory_space<vmem>>) target(%dma_start3A_440 : memref<10000x48xf32, #tpu.memory_space<vmem_shared>>) offsets(%dma_start3A_437 : memref<125xi32, #tpu.memory_space<vmem>>) semaphore(%dma_start3A_442 : memref<!tpu.dma_semaphore, #tpu.memory_space<semaphore_mem>>) {add = true}
    %dma_wait3A_443 = arith.constant 77 : i32
    %dma_wait3A_444 = arith.constant 7 : i32
    %dma_wait3A_445 = arith.constant 7 : i32
    %dma_wait3A_446 = arith.constant 0 : i32
    %dma_wait3A_447 = arith.constant 0 : i32
    %dma_wait3A_448 = tpu.memref_slice %arg8[%dma_wait3A_444, %dma_wait3A_446, %dma_wait3A_447] : memref<10x125x48xf32, #tpu.memory_space<vmem>> -> memref<1x125x48xf32, #tpu.memory_space<vmem>>
    %dma_wait3A_449 = tpu.memref_squeeze %dma_wait3A_448 : memref<1x125x48xf32, #tpu.memory_space<vmem>> -> memref<125x48xf32, #tpu.memory_space<vmem>>
    %dma_wait3A_450 = arith.constant 0 : i32
    %dma_wait3A_451 = tpu.memref_slice %arg6[%dma_wait3A_443, %dma_wait3A_450] : memref<80x125xi32, #tpu.memory_space<vmem>> -> memref<1x125xi32, #tpu.memory_space<vmem>>
    %dma_wait3A_452 = tpu.memref_squeeze %dma_wait3A_451 : memref<1x125xi32, #tpu.memory_space<vmem>> -> memref<125xi32, #tpu.memory_space<vmem>>
    %dma_wait3A_453 = arith.constant 0 : i32
    %dma_wait3A_454 = arith.constant 0 : i32
    %dma_wait3A_455 = tpu.memref_slice %arg2[%dma_wait3A_453, %dma_wait3A_454] : memref<10000x48xf32, #tpu.memory_space<hbm>> -> memref<10000x48xf32, #tpu.memory_space<hbm>>
    %dma_wait3A_456 = tpu.memref_slice %arg10[%dma_wait3A_445] : memref<10x!tpu.dma_semaphore, #tpu.memory_space<semaphore_mem>> -> memref<1x!tpu.dma_semaphore, #tpu.memory_space<semaphore_mem>>
    %dma_wait3A_457 = tpu.memref_squeeze %dma_wait3A_456 : memref<1x!tpu.dma_semaphore, #tpu.memory_space<semaphore_mem>> -> memref<!tpu.dma_semaphore, #tpu.memory_space<semaphore_mem>>
    tpu.wait_indirect_dma semaphore(%dma_wait3A_457 : memref<!tpu.dma_semaphore, #tpu.memory_space<semaphore_mem>>) src(%dma_wait3A_455 : memref<10000x48xf32, #tpu.memory_space<hbm>>) dst(%dma_wait3A_449 : memref<125x48xf32, #tpu.memory_space<vmem>>)
    %dma_start3A_458 = arith.constant 7 : i32
    %dma_start3A_459 = arith.constant 77 : i32
    %dma_start3A_460 = arith.constant 7 : i32
    %dma_start3A_461 = arith.constant 0 : i32
    %dma_start3A_462 = arith.constant 0 : i32
    %dma_start3A_463 = tpu.memref_slice %arg8[%dma_start3A_458, %dma_start3A_461, %dma_start3A_462] : memref<10x125x48xf32, #tpu.memory_space<vmem>> -> memref<1x125x48xf32, #tpu.memory_space<vmem>>
    %dma_start3A_464 = tpu.memref_squeeze %dma_start3A_463 : memref<1x125x48xf32, #tpu.memory_space<vmem>> -> memref<125x48xf32, #tpu.memory_space<vmem>>
    %dma_start3A_465 = arith.constant 0 : i32
    %dma_start3A_466 = tpu.memref_slice %arg7[%dma_start3A_459, %dma_start3A_465] : memref<80x125xi32, #tpu.memory_space<vmem>> -> memref<1x125xi32, #tpu.memory_space<vmem>>
    %dma_start3A_467 = tpu.memref_squeeze %dma_start3A_466 : memref<1x125xi32, #tpu.memory_space<vmem>> -> memref<125xi32, #tpu.memory_space<vmem>>
    %dma_start3A_468 = arith.constant 0 : i32
    %dma_start3A_469 = arith.constant 0 : i32
    %dma_start3A_470 = tpu.memref_slice %arg9[%dma_start3A_468, %dma_start3A_469] : memref<10000x48xf32, #tpu.memory_space<vmem_shared>> -> memref<10000x48xf32, #tpu.memory_space<vmem_shared>>
    %dma_start3A_471 = tpu.memref_slice %arg11[%dma_start3A_460] : memref<10x!tpu.dma_semaphore, #tpu.memory_space<semaphore_mem>> -> memref<1x!tpu.dma_semaphore, #tpu.memory_space<semaphore_mem>>
    %dma_start3A_472 = tpu.memref_squeeze %dma_start3A_471 : memref<1x!tpu.dma_semaphore, #tpu.memory_space<semaphore_mem>> -> memref<!tpu.dma_semaphore, #tpu.memory_space<semaphore_mem>>
    tpu.enqueue_indirect_dma source(%dma_start3A_464 : memref<125x48xf32, #tpu.memory_space<vmem>>) target(%dma_start3A_470 : memref<10000x48xf32, #tpu.memory_space<vmem_shared>>) offsets(%dma_start3A_467 : memref<125xi32, #tpu.memory_space<vmem>>) semaphore(%dma_start3A_472 : memref<!tpu.dma_semaphore, #tpu.memory_space<semaphore_mem>>) {add = true}
    %dma_wait3A_473 = arith.constant 78 : i32
    %dma_wait3A_474 = arith.constant 8 : i32
    %dma_wait3A_475 = arith.constant 8 : i32
    %dma_wait3A_476 = arith.constant 0 : i32
    %dma_wait3A_477 = arith.constant 0 : i32
    %dma_wait3A_478 = tpu.memref_slice %arg8[%dma_wait3A_474, %dma_wait3A_476, %dma_wait3A_477] : memref<10x125x48xf32, #tpu.memory_space<vmem>> -> memref<1x125x48xf32, #tpu.memory_space<vmem>>
    %dma_wait3A_479 = tpu.memref_squeeze %dma_wait3A_478 : memref<1x125x48xf32, #tpu.memory_space<vmem>> -> memref<125x48xf32, #tpu.memory_space<vmem>>
    %dma_wait3A_480 = arith.constant 0 : i32
    %dma_wait3A_481 = tpu.memref_slice %arg6[%dma_wait3A_473, %dma_wait3A_480] : memref<80x125xi32, #tpu.memory_space<vmem>> -> memref<1x125xi32, #tpu.memory_space<vmem>>
    %dma_wait3A_482 = tpu.memref_squeeze %dma_wait3A_481 : memref<1x125xi32, #tpu.memory_space<vmem>> -> memref<125xi32, #tpu.memory_space<vmem>>
    %dma_wait3A_483 = arith.constant 0 : i32
    %dma_wait3A_484 = arith.constant 0 : i32
    %dma_wait3A_485 = tpu.memref_slice %arg2[%dma_wait3A_483, %dma_wait3A_484] : memref<10000x48xf32, #tpu.memory_space<hbm>> -> memref<10000x48xf32, #tpu.memory_space<hbm>>
    %dma_wait3A_486 = tpu.memref_slice %arg10[%dma_wait3A_475] : memref<10x!tpu.dma_semaphore, #tpu.memory_space<semaphore_mem>> -> memref<1x!tpu.dma_semaphore, #tpu.memory_space<semaphore_mem>>
    %dma_wait3A_487 = tpu.memref_squeeze %dma_wait3A_486 : memref<1x!tpu.dma_semaphore, #tpu.memory_space<semaphore_mem>> -> memref<!tpu.dma_semaphore, #tpu.memory_space<semaphore_mem>>
    tpu.wait_indirect_dma semaphore(%dma_wait3A_487 : memref<!tpu.dma_semaphore, #tpu.memory_space<semaphore_mem>>) src(%dma_wait3A_485 : memref<10000x48xf32, #tpu.memory_space<hbm>>) dst(%dma_wait3A_479 : memref<125x48xf32, #tpu.memory_space<vmem>>)
    %dma_start3A_488 = arith.constant 8 : i32
    %dma_start3A_489 = arith.constant 78 : i32
    %dma_start3A_490 = arith.constant 8 : i32
    %dma_start3A_491 = arith.constant 0 : i32
    %dma_start3A_492 = arith.constant 0 : i32
    %dma_start3A_493 = tpu.memref_slice %arg8[%dma_start3A_488, %dma_start3A_491, %dma_start3A_492] : memref<10x125x48xf32, #tpu.memory_space<vmem>> -> memref<1x125x48xf32, #tpu.memory_space<vmem>>
    %dma_start3A_494 = tpu.memref_squeeze %dma_start3A_493 : memref<1x125x48xf32, #tpu.memory_space<vmem>> -> memref<125x48xf32, #tpu.memory_space<vmem>>
    %dma_start3A_495 = arith.constant 0 : i32
    %dma_start3A_496 = tpu.memref_slice %arg7[%dma_start3A_489, %dma_start3A_495] : memref<80x125xi32, #tpu.memory_space<vmem>> -> memref<1x125xi32, #tpu.memory_space<vmem>>
    %dma_start3A_497 = tpu.memref_squeeze %dma_start3A_496 : memref<1x125xi32, #tpu.memory_space<vmem>> -> memref<125xi32, #tpu.memory_space<vmem>>
    %dma_start3A_498 = arith.constant 0 : i32
    %dma_start3A_499 = arith.constant 0 : i32
    %dma_start3A_500 = tpu.memref_slice %arg9[%dma_start3A_498, %dma_start3A_499] : memref<10000x48xf32, #tpu.memory_space<vmem_shared>> -> memref<10000x48xf32, #tpu.memory_space<vmem_shared>>
    %dma_start3A_501 = tpu.memref_slice %arg11[%dma_start3A_490] : memref<10x!tpu.dma_semaphore, #tpu.memory_space<semaphore_mem>> -> memref<1x!tpu.dma_semaphore, #tpu.memory_space<semaphore_mem>>
    %dma_start3A_502 = tpu.memref_squeeze %dma_start3A_501 : memref<1x!tpu.dma_semaphore, #tpu.memory_space<semaphore_mem>> -> memref<!tpu.dma_semaphore, #tpu.memory_space<semaphore_mem>>
    tpu.enqueue_indirect_dma source(%dma_start3A_494 : memref<125x48xf32, #tpu.memory_space<vmem>>) target(%dma_start3A_500 : memref<10000x48xf32, #tpu.memory_space<vmem_shared>>) offsets(%dma_start3A_497 : memref<125xi32, #tpu.memory_space<vmem>>) semaphore(%dma_start3A_502 : memref<!tpu.dma_semaphore, #tpu.memory_space<semaphore_mem>>) {add = true}
    %dma_wait3A_503 = arith.constant 79 : i32
    %dma_wait3A_504 = arith.constant 9 : i32
    %dma_wait3A_505 = arith.constant 9 : i32
    %dma_wait3A_506 = arith.constant 0 : i32
    %dma_wait3A_507 = arith.constant 0 : i32
    %dma_wait3A_508 = tpu.memref_slice %arg8[%dma_wait3A_504, %dma_wait3A_506, %dma_wait3A_507] : memref<10x125x48xf32, #tpu.memory_space<vmem>> -> memref<1x125x48xf32, #tpu.memory_space<vmem>>
    %dma_wait3A_509 = tpu.memref_squeeze %dma_wait3A_508 : memref<1x125x48xf32, #tpu.memory_space<vmem>> -> memref<125x48xf32, #tpu.memory_space<vmem>>
    %dma_wait3A_510 = arith.constant 0 : i32
    %dma_wait3A_511 = tpu.memref_slice %arg6[%dma_wait3A_503, %dma_wait3A_510] : memref<80x125xi32, #tpu.memory_space<vmem>> -> memref<1x125xi32, #tpu.memory_space<vmem>>
    %dma_wait3A_512 = tpu.memref_squeeze %dma_wait3A_511 : memref<1x125xi32, #tpu.memory_space<vmem>> -> memref<125xi32, #tpu.memory_space<vmem>>
    %dma_wait3A_513 = arith.constant 0 : i32
    %dma_wait3A_514 = arith.constant 0 : i32
    %dma_wait3A_515 = tpu.memref_slice %arg2[%dma_wait3A_513, %dma_wait3A_514] : memref<10000x48xf32, #tpu.memory_space<hbm>> -> memref<10000x48xf32, #tpu.memory_space<hbm>>
    %dma_wait3A_516 = tpu.memref_slice %arg10[%dma_wait3A_505] : memref<10x!tpu.dma_semaphore, #tpu.memory_space<semaphore_mem>> -> memref<1x!tpu.dma_semaphore, #tpu.memory_space<semaphore_mem>>
    %dma_wait3A_517 = tpu.memref_squeeze %dma_wait3A_516 : memref<1x!tpu.dma_semaphore, #tpu.memory_space<semaphore_mem>> -> memref<!tpu.dma_semaphore, #tpu.memory_space<semaphore_mem>>
    tpu.wait_indirect_dma semaphore(%dma_wait3A_517 : memref<!tpu.dma_semaphore, #tpu.memory_space<semaphore_mem>>) src(%dma_wait3A_515 : memref<10000x48xf32, #tpu.memory_space<hbm>>) dst(%dma_wait3A_509 : memref<125x48xf32, #tpu.memory_space<vmem>>)
    %dma_start3A_518 = arith.constant 9 : i32
    %dma_start3A_519 = arith.constant 79 : i32
    %dma_start3A_520 = arith.constant 9 : i32
    %dma_start3A_521 = arith.constant 0 : i32
    %dma_start3A_522 = arith.constant 0 : i32
    %dma_start3A_523 = tpu.memref_slice %arg8[%dma_start3A_518, %dma_start3A_521, %dma_start3A_522] : memref<10x125x48xf32, #tpu.memory_space<vmem>> -> memref<1x125x48xf32, #tpu.memory_space<vmem>>
    %dma_start3A_524 = tpu.memref_squeeze %dma_start3A_523 : memref<1x125x48xf32, #tpu.memory_space<vmem>> -> memref<125x48xf32, #tpu.memory_space<vmem>>
    %dma_start3A_525 = arith.constant 0 : i32
    %dma_start3A_526 = tpu.memref_slice %arg7[%dma_start3A_519, %dma_start3A_525] : memref<80x125xi32, #tpu.memory_space<vmem>> -> memref<1x125xi32, #tpu.memory_space<vmem>>
    %dma_start3A_527 = tpu.memref_squeeze %dma_start3A_526 : memref<1x125xi32, #tpu.memory_space<vmem>> -> memref<125xi32, #tpu.memory_space<vmem>>
    %dma_start3A_528 = arith.constant 0 : i32
    %dma_start3A_529 = arith.constant 0 : i32
    %dma_start3A_530 = tpu.memref_slice %arg9[%dma_start3A_528, %dma_start3A_529] : memref<10000x48xf32, #tpu.memory_space<vmem_shared>> -> memref<10000x48xf32, #tpu.memory_space<vmem_shared>>
    %dma_start3A_531 = tpu.memref_slice %arg11[%dma_start3A_520] : memref<10x!tpu.dma_semaphore, #tpu.memory_space<semaphore_mem>> -> memref<1x!tpu.dma_semaphore, #tpu.memory_space<semaphore_mem>>
    %dma_start3A_532 = tpu.memref_squeeze %dma_start3A_531 : memref<1x!tpu.dma_semaphore, #tpu.memory_space<semaphore_mem>> -> memref<!tpu.dma_semaphore, #tpu.memory_space<semaphore_mem>>
    tpu.enqueue_indirect_dma source(%dma_start3A_524 : memref<125x48xf32, #tpu.memory_space<vmem>>) target(%dma_start3A_530 : memref<10000x48xf32, #tpu.memory_space<vmem_shared>>) offsets(%dma_start3A_527 : memref<125xi32, #tpu.memory_space<vmem>>) semaphore(%dma_start3A_532 : memref<!tpu.dma_semaphore, #tpu.memory_space<semaphore_mem>>) {add = true}
    %dma_wait3A_533 = arith.constant 5 : i32
    %dma_wait3A_534 = arith.constant 75 : i32
    %dma_wait3A_535 = arith.constant 5 : i32
    %dma_wait3A_536 = arith.constant 0 : i32
    %dma_wait3A_537 = arith.constant 0 : i32
    %dma_wait3A_538 = tpu.memref_slice %arg8[%dma_wait3A_533, %dma_wait3A_536, %dma_wait3A_537] : memref<10x125x48xf32, #tpu.memory_space<vmem>> -> memref<1x125x48xf32, #tpu.memory_space<vmem>>
    %dma_wait3A_539 = tpu.memref_squeeze %dma_wait3A_538 : memref<1x125x48xf32, #tpu.memory_space<vmem>> -> memref<125x48xf32, #tpu.memory_space<vmem>>
    %dma_wait3A_540 = arith.constant 0 : i32
    %dma_wait3A_541 = tpu.memref_slice %arg7[%dma_wait3A_534, %dma_wait3A_540] : memref<80x125xi32, #tpu.memory_space<vmem>> -> memref<1x125xi32, #tpu.memory_space<vmem>>
    %dma_wait3A_542 = tpu.memref_squeeze %dma_wait3A_541 : memref<1x125xi32, #tpu.memory_space<vmem>> -> memref<125xi32, #tpu.memory_space<vmem>>
    %dma_wait3A_543 = arith.constant 0 : i32
    %dma_wait3A_544 = arith.constant 0 : i32
    %dma_wait3A_545 = tpu.memref_slice %arg9[%dma_wait3A_543, %dma_wait3A_544] : memref<10000x48xf32, #tpu.memory_space<vmem_shared>> -> memref<10000x48xf32, #tpu.memory_space<vmem_shared>>
    %dma_wait3A_546 = tpu.memref_slice %arg11[%dma_wait3A_535] : memref<10x!tpu.dma_semaphore, #tpu.memory_space<semaphore_mem>> -> memref<1x!tpu.dma_semaphore, #tpu.memory_space<semaphore_mem>>
    %dma_wait3A_547 = tpu.memref_squeeze %dma_wait3A_546 : memref<1x!tpu.dma_semaphore, #tpu.memory_space<semaphore_mem>> -> memref<!tpu.dma_semaphore, #tpu.memory_space<semaphore_mem>>
    tpu.wait_indirect_dma semaphore(%dma_wait3A_547 : memref<!tpu.dma_semaphore, #tpu.memory_space<semaphore_mem>>) src(%dma_wait3A_539 : memref<125x48xf32, #tpu.memory_space<vmem>>) dst(%dma_wait3A_545 : memref<10000x48xf32, #tpu.memory_space<vmem_shared>>)
    %dma_wait3A_548 = arith.constant 6 : i32
    %dma_wait3A_549 = arith.constant 76 : i32
    %dma_wait3A_550 = arith.constant 6 : i32
    %dma_wait3A_551 = arith.constant 0 : i32
    %dma_wait3A_552 = arith.constant 0 : i32
    %dma_wait3A_553 = tpu.memref_slice %arg8[%dma_wait3A_548, %dma_wait3A_551, %dma_wait3A_552] : memref<10x125x48xf32, #tpu.memory_space<vmem>> -> memref<1x125x48xf32, #tpu.memory_space<vmem>>
    %dma_wait3A_554 = tpu.memref_squeeze %dma_wait3A_553 : memref<1x125x48xf32, #tpu.memory_space<vmem>> -> memref<125x48xf32, #tpu.memory_space<vmem>>
    %dma_wait3A_555 = arith.constant 0 : i32
    %dma_wait3A_556 = tpu.memref_slice %arg7[%dma_wait3A_549, %dma_wait3A_555] : memref<80x125xi32, #tpu.memory_space<vmem>> -> memref<1x125xi32, #tpu.memory_space<vmem>>
    %dma_wait3A_557 = tpu.memref_squeeze %dma_wait3A_556 : memref<1x125xi32, #tpu.memory_space<vmem>> -> memref<125xi32, #tpu.memory_space<vmem>>
    %dma_wait3A_558 = arith.constant 0 : i32
    %dma_wait3A_559 = arith.constant 0 : i32
    %dma_wait3A_560 = tpu.memref_slice %arg9[%dma_wait3A_558, %dma_wait3A_559] : memref<10000x48xf32, #tpu.memory_space<vmem_shared>> -> memref<10000x48xf32, #tpu.memory_space<vmem_shared>>
    %dma_wait3A_561 = tpu.memref_slice %arg11[%dma_wait3A_550] : memref<10x!tpu.dma_semaphore, #tpu.memory_space<semaphore_mem>> -> memref<1x!tpu.dma_semaphore, #tpu.memory_space<semaphore_mem>>
    %dma_wait3A_562 = tpu.memref_squeeze %dma_wait3A_561 : memref<1x!tpu.dma_semaphore, #tpu.memory_space<semaphore_mem>> -> memref<!tpu.dma_semaphore, #tpu.memory_space<semaphore_mem>>
    tpu.wait_indirect_dma semaphore(%dma_wait3A_562 : memref<!tpu.dma_semaphore, #tpu.memory_space<semaphore_mem>>) src(%dma_wait3A_554 : memref<125x48xf32, #tpu.memory_space<vmem>>) dst(%dma_wait3A_560 : memref<10000x48xf32, #tpu.memory_space<vmem_shared>>)
    %dma_wait3A_563 = arith.constant 7 : i32
    %dma_wait3A_564 = arith.constant 77 : i32
    %dma_wait3A_565 = arith.constant 7 : i32
    %dma_wait3A_566 = arith.constant 0 : i32
    %dma_wait3A_567 = arith.constant 0 : i32
    %dma_wait3A_568 = tpu.memref_slice %arg8[%dma_wait3A_563, %dma_wait3A_566, %dma_wait3A_567] : memref<10x125x48xf32, #tpu.memory_space<vmem>> -> memref<1x125x48xf32, #tpu.memory_space<vmem>>
    %dma_wait3A_569 = tpu.memref_squeeze %dma_wait3A_568 : memref<1x125x48xf32, #tpu.memory_space<vmem>> -> memref<125x48xf32, #tpu.memory_space<vmem>>
    %dma_wait3A_570 = arith.constant 0 : i32
    %dma_wait3A_571 = tpu.memref_slice %arg7[%dma_wait3A_564, %dma_wait3A_570] : memref<80x125xi32, #tpu.memory_space<vmem>> -> memref<1x125xi32, #tpu.memory_space<vmem>>
    %dma_wait3A_572 = tpu.memref_squeeze %dma_wait3A_571 : memref<1x125xi32, #tpu.memory_space<vmem>> -> memref<125xi32, #tpu.memory_space<vmem>>
    %dma_wait3A_573 = arith.constant 0 : i32
    %dma_wait3A_574 = arith.constant 0 : i32
    %dma_wait3A_575 = tpu.memref_slice %arg9[%dma_wait3A_573, %dma_wait3A_574] : memref<10000x48xf32, #tpu.memory_space<vmem_shared>> -> memref<10000x48xf32, #tpu.memory_space<vmem_shared>>
    %dma_wait3A_576 = tpu.memref_slice %arg11[%dma_wait3A_565] : memref<10x!tpu.dma_semaphore, #tpu.memory_space<semaphore_mem>> -> memref<1x!tpu.dma_semaphore, #tpu.memory_space<semaphore_mem>>
    %dma_wait3A_577 = tpu.memref_squeeze %dma_wait3A_576 : memref<1x!tpu.dma_semaphore, #tpu.memory_space<semaphore_mem>> -> memref<!tpu.dma_semaphore, #tpu.memory_space<semaphore_mem>>
    tpu.wait_indirect_dma semaphore(%dma_wait3A_577 : memref<!tpu.dma_semaphore, #tpu.memory_space<semaphore_mem>>) src(%dma_wait3A_569 : memref<125x48xf32, #tpu.memory_space<vmem>>) dst(%dma_wait3A_575 : memref<10000x48xf32, #tpu.memory_space<vmem_shared>>)
    %dma_wait3A_578 = arith.constant 8 : i32
    %dma_wait3A_579 = arith.constant 78 : i32
    %dma_wait3A_580 = arith.constant 8 : i32
    %dma_wait3A_581 = arith.constant 0 : i32
    %dma_wait3A_582 = arith.constant 0 : i32
    %dma_wait3A_583 = tpu.memref_slice %arg8[%dma_wait3A_578, %dma_wait3A_581, %dma_wait3A_582] : memref<10x125x48xf32, #tpu.memory_space<vmem>> -> memref<1x125x48xf32, #tpu.memory_space<vmem>>
    %dma_wait3A_584 = tpu.memref_squeeze %dma_wait3A_583 : memref<1x125x48xf32, #tpu.memory_space<vmem>> -> memref<125x48xf32, #tpu.memory_space<vmem>>
    %dma_wait3A_585 = arith.constant 0 : i32
    %dma_wait3A_586 = tpu.memref_slice %arg7[%dma_wait3A_579, %dma_wait3A_585] : memref<80x125xi32, #tpu.memory_space<vmem>> -> memref<1x125xi32, #tpu.memory_space<vmem>>
    %dma_wait3A_587 = tpu.memref_squeeze %dma_wait3A_586 : memref<1x125xi32, #tpu.memory_space<vmem>> -> memref<125xi32, #tpu.memory_space<vmem>>
    %dma_wait3A_588 = arith.constant 0 : i32
    %dma_wait3A_589 = arith.constant 0 : i32
    %dma_wait3A_590 = tpu.memref_slice %arg9[%dma_wait3A_588, %dma_wait3A_589] : memref<10000x48xf32, #tpu.memory_space<vmem_shared>> -> memref<10000x48xf32, #tpu.memory_space<vmem_shared>>
    %dma_wait3A_591 = tpu.memref_slice %arg11[%dma_wait3A_580] : memref<10x!tpu.dma_semaphore, #tpu.memory_space<semaphore_mem>> -> memref<1x!tpu.dma_semaphore, #tpu.memory_space<semaphore_mem>>
    %dma_wait3A_592 = tpu.memref_squeeze %dma_wait3A_591 : memref<1x!tpu.dma_semaphore, #tpu.memory_space<semaphore_mem>> -> memref<!tpu.dma_semaphore, #tpu.memory_space<semaphore_mem>>
    tpu.wait_indirect_dma semaphore(%dma_wait3A_592 : memref<!tpu.dma_semaphore, #tpu.memory_space<semaphore_mem>>) src(%dma_wait3A_584 : memref<125x48xf32, #tpu.memory_space<vmem>>) dst(%dma_wait3A_590 : memref<10000x48xf32, #tpu.memory_space<vmem_shared>>)
    %dma_wait3A_593 = arith.constant 9 : i32
    %dma_wait3A_594 = arith.constant 79 : i32
    %dma_wait3A_595 = arith.constant 9 : i32
    %dma_wait3A_596 = arith.constant 0 : i32
    %dma_wait3A_597 = arith.constant 0 : i32
    %dma_wait3A_598 = tpu.memref_slice %arg8[%dma_wait3A_593, %dma_wait3A_596, %dma_wait3A_597] : memref<10x125x48xf32, #tpu.memory_space<vmem>> -> memref<1x125x48xf32, #tpu.memory_space<vmem>>
    %dma_wait3A_599 = tpu.memref_squeeze %dma_wait3A_598 : memref<1x125x48xf32, #tpu.memory_space<vmem>> -> memref<125x48xf32, #tpu.memory_space<vmem>>
    %dma_wait3A_600 = arith.constant 0 : i32
    %dma_wait3A_601 = tpu.memref_slice %arg7[%dma_wait3A_594, %dma_wait3A_600] : memref<80x125xi32, #tpu.memory_space<vmem>> -> memref<1x125xi32, #tpu.memory_space<vmem>>
    %dma_wait3A_602 = tpu.memref_squeeze %dma_wait3A_601 : memref<1x125xi32, #tpu.memory_space<vmem>> -> memref<125xi32, #tpu.memory_space<vmem>>
    %dma_wait3A_603 = arith.constant 0 : i32
    %dma_wait3A_604 = arith.constant 0 : i32
    %dma_wait3A_605 = tpu.memref_slice %arg9[%dma_wait3A_603, %dma_wait3A_604] : memref<10000x48xf32, #tpu.memory_space<vmem_shared>> -> memref<10000x48xf32, #tpu.memory_space<vmem_shared>>
    %dma_wait3A_606 = tpu.memref_slice %arg11[%dma_wait3A_595] : memref<10x!tpu.dma_semaphore, #tpu.memory_space<semaphore_mem>> -> memref<1x!tpu.dma_semaphore, #tpu.memory_space<semaphore_mem>>
    %dma_wait3A_607 = tpu.memref_squeeze %dma_wait3A_606 : memref<1x!tpu.dma_semaphore, #tpu.memory_space<semaphore_mem>> -> memref<!tpu.dma_semaphore, #tpu.memory_space<semaphore_mem>>
    tpu.wait_indirect_dma semaphore(%dma_wait3A_607 : memref<!tpu.dma_semaphore, #tpu.memory_space<semaphore_mem>>) src(%dma_wait3A_599 : memref<125x48xf32, #tpu.memory_space<vmem>>) dst(%dma_wait3A_605 : memref<10000x48xf32, #tpu.memory_space<vmem_shared>>)
    %barrier3A_608 = arith.constant 0 : index
    tpu.barrier barrier_id(%barrier3A_608)
    %mul3A_609 = arith.constant 624 : i32
    %mul3A_610 = arith.muli %arg1, %mul3A_609 : i32
    %mul3A_611 = arith.constant 624 : i32
    %mul3A_612 = arith.muli %arg1, %mul3A_611 : i32
    "tpu.region"() ({
      %run_scoped3A_618 = tpu.sem_alloc : memref<!tpu.dma_semaphore, #tpu.memory_space<semaphore_mem>>
      %dma_start3A_619 = arith.constant 0 : i32
      %dma_start3A_620 = arith.constant 0 : i32
      %dma_start3A_621 = tpu.memref_slice %arg5[%arg0, %dma_start3A_619, %dma_start3A_620] : memref<2x10000x48xf32, #tpu.memory_space<hbm>> -> memref<1x10000x48xf32, #tpu.memory_space<hbm>>
      %dma_start3A_622 = tpu.memref_squeeze %dma_start3A_621 : memref<1x10000x48xf32, #tpu.memory_space<hbm>> -> memref<10000x48xf32, #tpu.memory_space<hbm>>
      %dma_start3A_623 = arith.constant 0 : i32
      %dma_start3A_624 = tpu.memref_slice %dma_start3A_622[%mul3A_612, %dma_start3A_623] : memref<10000x48xf32, #tpu.memory_space<hbm>> -> memref<624x48xf32, #tpu.memory_space<hbm>>
      %dma_start3A_625 = arith.constant 0 : i32
      %dma_start3A_626 = tpu.memref_slice %arg9[%mul3A_610, %dma_start3A_625] : memref<10000x48xf32, #tpu.memory_space<vmem_shared>> -> memref<624x48xf32, #tpu.memory_space<vmem_shared>>
      tpu.enqueue_dma source(%dma_start3A_626 : memref<624x48xf32, #tpu.memory_space<vmem_shared>>) target(%dma_start3A_624 : memref<624x48xf32, #tpu.memory_space<hbm>>) target_semaphore(%run_scoped3A_618 : memref<!tpu.dma_semaphore, #tpu.memory_space<semaphore_mem>>)
      %dma_wait3A_627 = arith.constant 0 : i32
      %dma_wait3A_628 = arith.constant 0 : i32
      %dma_wait3A_629 = tpu.memref_slice %arg5[%arg0, %dma_wait3A_627, %dma_wait3A_628] : memref<2x10000x48xf32, #tpu.memory_space<hbm>> -> memref<1x10000x48xf32, #tpu.memory_space<hbm>>
      %dma_wait3A_630 = tpu.memref_squeeze %dma_wait3A_629 : memref<1x10000x48xf32, #tpu.memory_space<hbm>> -> memref<10000x48xf32, #tpu.memory_space<hbm>>
      %dma_wait3A_631 = arith.constant 0 : i32
      %dma_wait3A_632 = tpu.memref_slice %dma_wait3A_630[%mul3A_612, %dma_wait3A_631] : memref<10000x48xf32, #tpu.memory_space<hbm>> -> memref<624x48xf32, #tpu.memory_space<hbm>>
      %dma_wait3A_633 = arith.constant 0 : i32
      %dma_wait3A_634 = tpu.memref_slice %arg9[%mul3A_610, %dma_wait3A_633] : memref<10000x48xf32, #tpu.memory_space<vmem_shared>> -> memref<624x48xf32, #tpu.memory_space<vmem_shared>>
      tpu.wait_dma2 semaphore(%run_scoped3A_618 : memref<!tpu.dma_semaphore, #tpu.memory_space<semaphore_mem>>) src(%dma_wait3A_634 : memref<624x48xf32, #tpu.memory_space<vmem_shared>>) dst(%dma_wait3A_632 : memref<624x48xf32, #tpu.memory_space<hbm>>)
      tpu.yield
    }) : () -> ()
    %eq3A_613 = arith.constant 0 : i32
    %eq3A_614 = arith.cmpi eq, %arg1, %eq3A_613 : i32
    %convert_element_type3A_615 = arith.extui %eq3A_614 : i1 to i32
    %cond3A_616 = arith.constant 0 : i32
    %cond3A_617 = arith.cmpi ne, %convert_element_type3A_615, %cond3A_616 : i32
    scf.if %cond3A_617 {
      "tpu.region"() ({
        %run_scoped3A_618 = tpu.sem_alloc : memref<!tpu.dma_semaphore, #tpu.memory_space<semaphore_mem>>
        %dma_start3A_619 = arith.constant 0 : i32
        %dma_start3A_620 = arith.constant 0 : i32
        %dma_start3A_621 = tpu.memref_slice %arg5[%arg0, %dma_start3A_619, %dma_start3A_620] : memref<2x10000x48xf32, #tpu.memory_space<hbm>> -> memref<1x10000x48xf32, #tpu.memory_space<hbm>>
        %dma_start3A_622 = tpu.memref_squeeze %dma_start3A_621 : memref<1x10000x48xf32, #tpu.memory_space<hbm>> -> memref<10000x48xf32, #tpu.memory_space<hbm>>
        %dma_start3A_623 = arith.constant 9984 : i32
        %dma_start3A_624 = arith.constant 0 : i32
        %dma_start3A_625 = tpu.memref_slice %dma_start3A_622[%dma_start3A_623, %dma_start3A_624] : memref<10000x48xf32, #tpu.memory_space<hbm>> -> memref<16x48xf32, #tpu.memory_space<hbm>>
        %dma_start3A_626 = arith.constant 9984 : i32
        %dma_start3A_627 = arith.constant 0 : i32
        %dma_start3A_628 = tpu.memref_slice %arg9[%dma_start3A_626, %dma_start3A_627] : memref<10000x48xf32, #tpu.memory_space<vmem_shared>> -> memref<16x48xf32, #tpu.memory_space<vmem_shared>>
        tpu.enqueue_dma source(%dma_start3A_628 : memref<16x48xf32, #tpu.memory_space<vmem_shared>>) target(%dma_start3A_625 : memref<16x48xf32, #tpu.memory_space<hbm>>) target_semaphore(%run_scoped3A_618 : memref<!tpu.dma_semaphore, #tpu.memory_space<semaphore_mem>>)
        %dma_wait3A_629 = arith.constant 0 : i32
        %dma_wait3A_630 = arith.constant 0 : i32
        %dma_wait3A_631 = tpu.memref_slice %arg5[%arg0, %dma_wait3A_629, %dma_wait3A_630] : memref<2x10000x48xf32, #tpu.memory_space<hbm>> -> memref<1x10000x48xf32, #tpu.memory_space<hbm>>
        %dma_wait3A_632 = tpu.memref_squeeze %dma_wait3A_631 : memref<1x10000x48xf32, #tpu.memory_space<hbm>> -> memref<10000x48xf32, #tpu.memory_space<hbm>>
        %dma_wait3A_633 = arith.constant 9984 : i32
        %dma_wait3A_634 = arith.constant 0 : i32
        %dma_wait3A_635 = tpu.memref_slice %dma_wait3A_632[%dma_wait3A_633, %dma_wait3A_634] : memref<10000x48xf32, #tpu.memory_space<hbm>> -> memref<16x48xf32, #tpu.memory_space<hbm>>
        %dma_wait3A_636 = arith.constant 9984 : i32
        %dma_wait3A_637 = arith.constant 0 : i32
        %dma_wait3A_638 = tpu.memref_slice %arg9[%dma_wait3A_636, %dma_wait3A_637] : memref<10000x48xf32, #tpu.memory_space<vmem_shared>> -> memref<16x48xf32, #tpu.memory_space<vmem_shared>>
        tpu.wait_dma2 semaphore(%run_scoped3A_618 : memref<!tpu.dma_semaphore, #tpu.memory_space<semaphore_mem>>) src(%dma_wait3A_638 : memref<16x48xf32, #tpu.memory_space<vmem_shared>>) dst(%dma_wait3A_635 : memref<16x48xf32, #tpu.memory_space<hbm>>)
        tpu.yield
      }) : () -> ()
    } else {
    }
    return
  }
}

#map = affine_map<(d0, d1) -> (0, 0)>
#map1 = affine_map<(d0, d1) -> (0, 0, 0, 0)>
#map2 = affine_map<(d0, d1) -> (0, 0, 0)>
module attributes {stable_mosaic.version = 14 : i64} {
  func.func @agg(%arg0: i32, %arg1: i32, %arg2: memref<10000x16xf32, #tpu.memory_space<hbm>>, %arg3: memref<2x32x80x125xi32, #tpu.memory_space<hbm>>, %arg4: memref<624x16xf32, #tpu.memory_space<hbm>>, %arg5: memref<2x10000x16xf32, #tpu.memory_space<hbm>>, %arg6: memref<80x125xi32, #tpu.memory_space<vmem>>, %arg7: memref<80x125xi32, #tpu.memory_space<vmem>>, %arg8: memref<10x125x16xf32, #tpu.memory_space<vmem>>, %arg9: memref<10000x16xf32, #tpu.memory_space<vmem_shared>>, %arg10: memref<10x!tpu.dma_semaphore, #tpu.memory_space<semaphore_mem>>, %arg11: memref<10x!tpu.dma_semaphore, #tpu.memory_space<semaphore_mem>>) attributes {dimension_semantics = [#tpu.dimension_semantics<core_parallel>, #tpu.dimension_semantics<subcore_parallel>], iteration_bounds = array<i64: 2, 16>, scalar_prefetch = 0 : i64, scratch_operands = 6 : i64, tpu.core_type = #tpu.core_type<sc_vector_subcore>, window_params = [{transform_indices = #map}, {transform_indices = #map1}, {transform_indices = #map}, {transform_indices = #map2}]} {
    %mul3A = arith.constant 16 : i32
    %mul3A_0 = arith.muli %arg0, %mul3A : i32
    %add3A = arith.addi %mul3A_0, %arg1 : i32
    %mul3A_1 = arith.constant 624 : i32
    %mul3A_2 = arith.muli %arg1, %mul3A_1 : i32
    "tpu.region"() ({
      %run_scoped3A_618 = tpu.sem_alloc : memref<!tpu.dma_semaphore, #tpu.memory_space<semaphore_mem>>
      %dma_start3A_619 = arith.constant 0 : i32
      %dma_start3A_620 = tpu.memref_slice %arg9[%mul3A_2, %dma_start3A_619] : memref<10000x16xf32, #tpu.memory_space<vmem_shared>> -> memref<624x16xf32, #tpu.memory_space<vmem_shared>>
      %dma_start3A_621 = arith.constant 0 : i32
      %dma_start3A_622 = arith.constant 0 : i32
      %dma_start3A_623 = tpu.memref_slice %arg4[%dma_start3A_621, %dma_start3A_622] : memref<624x16xf32, #tpu.memory_space<hbm>> -> memref<624x16xf32, #tpu.memory_space<hbm>>
      tpu.enqueue_dma source(%dma_start3A_623 : memref<624x16xf32, #tpu.memory_space<hbm>>) target(%dma_start3A_620 : memref<624x16xf32, #tpu.memory_space<vmem_shared>>) target_semaphore(%run_scoped3A_618 : memref<!tpu.dma_semaphore, #tpu.memory_space<semaphore_mem>>)
      %dma_wait3A_624 = arith.constant 0 : i32
      %dma_wait3A_625 = tpu.memref_slice %arg9[%mul3A_2, %dma_wait3A_624] : memref<10000x16xf32, #tpu.memory_space<vmem_shared>> -> memref<624x16xf32, #tpu.memory_space<vmem_shared>>
      %dma_wait3A_626 = arith.constant 0 : i32
      %dma_wait3A_627 = arith.constant 0 : i32
      %dma_wait3A_628 = tpu.memref_slice %arg4[%dma_wait3A_626, %dma_wait3A_627] : memref<624x16xf32, #tpu.memory_space<hbm>> -> memref<624x16xf32, #tpu.memory_space<hbm>>
      tpu.wait_dma2 semaphore(%run_scoped3A_618 : memref<!tpu.dma_semaphore, #tpu.memory_space<semaphore_mem>>) src(%dma_wait3A_628 : memref<624x16xf32, #tpu.memory_space<hbm>>) dst(%dma_wait3A_625 : memref<624x16xf32, #tpu.memory_space<vmem_shared>>)
      tpu.yield
    }) : () -> ()
    %eq3A = arith.constant 0 : i32
    %eq3A_3 = arith.cmpi eq, %arg1, %eq3A : i32
    %convert_element_type3A = arith.extui %eq3A_3 : i1 to i32
    %cond3A = arith.constant 0 : i32
    %cond3A_4 = arith.cmpi ne, %convert_element_type3A, %cond3A : i32
    scf.if %cond3A_4 {
      "tpu.region"() ({
        %run_scoped3A_618 = tpu.sem_alloc : memref<!tpu.dma_semaphore, #tpu.memory_space<semaphore_mem>>
        %dma_start3A_619 = arith.constant 9984 : i32
        %dma_start3A_620 = arith.constant 0 : i32
        %dma_start3A_621 = tpu.memref_slice %arg9[%dma_start3A_619, %dma_start3A_620] : memref<10000x16xf32, #tpu.memory_space<vmem_shared>> -> memref<16x16xf32, #tpu.memory_space<vmem_shared>>
        %dma_start3A_622 = arith.constant 0 : i32
        %dma_start3A_623 = arith.constant 0 : i32
        %dma_start3A_624 = tpu.memref_slice %arg4[%dma_start3A_622, %dma_start3A_623] : memref<624x16xf32, #tpu.memory_space<hbm>> -> memref<16x16xf32, #tpu.memory_space<hbm>>
        tpu.enqueue_dma source(%dma_start3A_624 : memref<16x16xf32, #tpu.memory_space<hbm>>) target(%dma_start3A_621 : memref<16x16xf32, #tpu.memory_space<vmem_shared>>) target_semaphore(%run_scoped3A_618 : memref<!tpu.dma_semaphore, #tpu.memory_space<semaphore_mem>>)
        %dma_wait3A_625 = arith.constant 9984 : i32
        %dma_wait3A_626 = arith.constant 0 : i32
        %dma_wait3A_627 = tpu.memref_slice %arg9[%dma_wait3A_625, %dma_wait3A_626] : memref<10000x16xf32, #tpu.memory_space<vmem_shared>> -> memref<16x16xf32, #tpu.memory_space<vmem_shared>>
        %dma_wait3A_628 = arith.constant 0 : i32
        %dma_wait3A_629 = arith.constant 0 : i32
        %dma_wait3A_630 = tpu.memref_slice %arg4[%dma_wait3A_628, %dma_wait3A_629] : memref<624x16xf32, #tpu.memory_space<hbm>> -> memref<16x16xf32, #tpu.memory_space<hbm>>
        tpu.wait_dma2 semaphore(%run_scoped3A_618 : memref<!tpu.dma_semaphore, #tpu.memory_space<semaphore_mem>>) src(%dma_wait3A_630 : memref<16x16xf32, #tpu.memory_space<hbm>>) dst(%dma_wait3A_627 : memref<16x16xf32, #tpu.memory_space<vmem_shared>>)
        tpu.yield
      }) : () -> ()
    } else {
    }
    %run_scoped3A = arith.constant 0 : i32
    "tpu.region"() ({
      %run_scoped3A_618 = tpu.sem_alloc : memref<!tpu.dma_semaphore, #tpu.memory_space<semaphore_mem>>
      %dma_start3A_619 = arith.constant 0 : i32
      %dma_start3A_620 = arith.constant 0 : i32
      %dma_start3A_621 = tpu.memref_slice %arg3[%run_scoped3A, %add3A, %dma_start3A_619, %dma_start3A_620] : memref<2x32x80x125xi32, #tpu.memory_space<hbm>> -> memref<1x1x80x125xi32, #tpu.memory_space<hbm>>
      %dma_start3A_622 = tpu.memref_squeeze %dma_start3A_621 : memref<1x1x80x125xi32, #tpu.memory_space<hbm>> -> memref<80x125xi32, #tpu.memory_space<hbm>>
      %dma_start3A_623 = arith.constant 0 : i32
      %dma_start3A_624 = arith.constant 0 : i32
      %dma_start3A_625 = tpu.memref_slice %arg3[%run_scoped3A, %add3A, %dma_start3A_623, %dma_start3A_624] : memref<2x32x80x125xi32, #tpu.memory_space<hbm>> -> memref<1x1x80x125xi32, #tpu.memory_space<hbm>>
      %dma_start3A_626 = tpu.memref_squeeze %dma_start3A_625 : memref<1x1x80x125xi32, #tpu.memory_space<hbm>> -> memref<80x125xi32, #tpu.memory_space<hbm>>
      tpu.enqueue_dma source(%dma_start3A_626 : memref<80x125xi32, #tpu.memory_space<hbm>>) target(%arg6 : memref<80x125xi32, #tpu.memory_space<vmem>>) target_semaphore(%run_scoped3A_618 : memref<!tpu.dma_semaphore, #tpu.memory_space<semaphore_mem>>)
      %dma_wait3A_627 = arith.constant 0 : i32
      %dma_wait3A_628 = arith.constant 0 : i32
      %dma_wait3A_629 = tpu.memref_slice %arg3[%run_scoped3A, %add3A, %dma_wait3A_627, %dma_wait3A_628] : memref<2x32x80x125xi32, #tpu.memory_space<hbm>> -> memref<1x1x80x125xi32, #tpu.memory_space<hbm>>
      %dma_wait3A_630 = tpu.memref_squeeze %dma_wait3A_629 : memref<1x1x80x125xi32, #tpu.memory_space<hbm>> -> memref<80x125xi32, #tpu.memory_space<hbm>>
      %dma_wait3A_631 = arith.constant 0 : i32
      %dma_wait3A_632 = arith.constant 0 : i32
      %dma_wait3A_633 = tpu.memref_slice %arg3[%run_scoped3A, %add3A, %dma_wait3A_631, %dma_wait3A_632] : memref<2x32x80x125xi32, #tpu.memory_space<hbm>> -> memref<1x1x80x125xi32, #tpu.memory_space<hbm>>
      %dma_wait3A_634 = tpu.memref_squeeze %dma_wait3A_633 : memref<1x1x80x125xi32, #tpu.memory_space<hbm>> -> memref<80x125xi32, #tpu.memory_space<hbm>>
      tpu.wait_dma2 semaphore(%run_scoped3A_618 : memref<!tpu.dma_semaphore, #tpu.memory_space<semaphore_mem>>) src(%dma_wait3A_634 : memref<80x125xi32, #tpu.memory_space<hbm>>) dst(%arg6 : memref<80x125xi32, #tpu.memory_space<vmem>>)
      tpu.yield
    }) : () -> ()
    %run_scoped3A_5 = arith.constant 1 : i32
    "tpu.region"() ({
      %run_scoped3A_618 = tpu.sem_alloc : memref<!tpu.dma_semaphore, #tpu.memory_space<semaphore_mem>>
      %dma_start3A_619 = arith.constant 0 : i32
      %dma_start3A_620 = arith.constant 0 : i32
      %dma_start3A_621 = tpu.memref_slice %arg3[%run_scoped3A_5, %add3A, %dma_start3A_619, %dma_start3A_620] : memref<2x32x80x125xi32, #tpu.memory_space<hbm>> -> memref<1x1x80x125xi32, #tpu.memory_space<hbm>>
      %dma_start3A_622 = tpu.memref_squeeze %dma_start3A_621 : memref<1x1x80x125xi32, #tpu.memory_space<hbm>> -> memref<80x125xi32, #tpu.memory_space<hbm>>
      %dma_start3A_623 = arith.constant 0 : i32
      %dma_start3A_624 = arith.constant 0 : i32
      %dma_start3A_625 = tpu.memref_slice %arg3[%run_scoped3A_5, %add3A, %dma_start3A_623, %dma_start3A_624] : memref<2x32x80x125xi32, #tpu.memory_space<hbm>> -> memref<1x1x80x125xi32, #tpu.memory_space<hbm>>
      %dma_start3A_626 = tpu.memref_squeeze %dma_start3A_625 : memref<1x1x80x125xi32, #tpu.memory_space<hbm>> -> memref<80x125xi32, #tpu.memory_space<hbm>>
      tpu.enqueue_dma source(%dma_start3A_626 : memref<80x125xi32, #tpu.memory_space<hbm>>) target(%arg7 : memref<80x125xi32, #tpu.memory_space<vmem>>) target_semaphore(%run_scoped3A_618 : memref<!tpu.dma_semaphore, #tpu.memory_space<semaphore_mem>>)
      %dma_wait3A_627 = arith.constant 0 : i32
      %dma_wait3A_628 = arith.constant 0 : i32
      %dma_wait3A_629 = tpu.memref_slice %arg3[%run_scoped3A_5, %add3A, %dma_wait3A_627, %dma_wait3A_628] : memref<2x32x80x125xi32, #tpu.memory_space<hbm>> -> memref<1x1x80x125xi32, #tpu.memory_space<hbm>>
      %dma_wait3A_630 = tpu.memref_squeeze %dma_wait3A_629 : memref<1x1x80x125xi32, #tpu.memory_space<hbm>> -> memref<80x125xi32, #tpu.memory_space<hbm>>
      %dma_wait3A_631 = arith.constant 0 : i32
      %dma_wait3A_632 = arith.constant 0 : i32
      %dma_wait3A_633 = tpu.memref_slice %arg3[%run_scoped3A_5, %add3A, %dma_wait3A_631, %dma_wait3A_632] : memref<2x32x80x125xi32, #tpu.memory_space<hbm>> -> memref<1x1x80x125xi32, #tpu.memory_space<hbm>>
      %dma_wait3A_634 = tpu.memref_squeeze %dma_wait3A_633 : memref<1x1x80x125xi32, #tpu.memory_space<hbm>> -> memref<80x125xi32, #tpu.memory_space<hbm>>
      tpu.wait_dma2 semaphore(%run_scoped3A_618 : memref<!tpu.dma_semaphore, #tpu.memory_space<semaphore_mem>>) src(%dma_wait3A_634 : memref<80x125xi32, #tpu.memory_space<hbm>>) dst(%arg7 : memref<80x125xi32, #tpu.memory_space<vmem>>)
      tpu.yield
    }) : () -> ()
    %barrier3A = arith.constant 0 : index
    tpu.barrier barrier_id(%barrier3A)
    %dma_start3A = arith.constant 0 : i32
    %dma_start3A_6 = arith.constant 0 : i32
    %dma_start3A_7 = arith.constant 0 : i32
    %dma_start3A_8 = arith.constant 0 : i32
    %dma_start3A_9 = arith.constant 0 : i32
    %dma_start3A_10 = tpu.memref_slice %arg8[%dma_start3A_6, %dma_start3A_8, %dma_start3A_9] : memref<10x125x16xf32, #tpu.memory_space<vmem>> -> memref<1x125x16xf32, #tpu.memory_space<vmem>>
    %dma_start3A_11 = tpu.memref_squeeze %dma_start3A_10 : memref<1x125x16xf32, #tpu.memory_space<vmem>> -> memref<125x16xf32, #tpu.memory_space<vmem>>
    %dma_start3A_12 = arith.constant 0 : i32
    %dma_start3A_13 = tpu.memref_slice %arg6[%dma_start3A, %dma_start3A_12] : memref<80x125xi32, #tpu.memory_space<vmem>> -> memref<1x125xi32, #tpu.memory_space<vmem>>
    %dma_start3A_14 = tpu.memref_squeeze %dma_start3A_13 : memref<1x125xi32, #tpu.memory_space<vmem>> -> memref<125xi32, #tpu.memory_space<vmem>>
    %dma_start3A_15 = arith.constant 0 : i32
    %dma_start3A_16 = arith.constant 0 : i32
    %dma_start3A_17 = tpu.memref_slice %arg2[%dma_start3A_15, %dma_start3A_16] : memref<10000x16xf32, #tpu.memory_space<hbm>> -> memref<10000x16xf32, #tpu.memory_space<hbm>>
    %dma_start3A_18 = tpu.memref_slice %arg10[%dma_start3A_7] : memref<10x!tpu.dma_semaphore, #tpu.memory_space<semaphore_mem>> -> memref<1x!tpu.dma_semaphore, #tpu.memory_space<semaphore_mem>>
    %dma_start3A_19 = tpu.memref_squeeze %dma_start3A_18 : memref<1x!tpu.dma_semaphore, #tpu.memory_space<semaphore_mem>> -> memref<!tpu.dma_semaphore, #tpu.memory_space<semaphore_mem>>
    tpu.enqueue_indirect_dma source(%dma_start3A_17 : memref<10000x16xf32, #tpu.memory_space<hbm>>) target(%dma_start3A_11 : memref<125x16xf32, #tpu.memory_space<vmem>>) offsets(%dma_start3A_14 : memref<125xi32, #tpu.memory_space<vmem>>) semaphore(%dma_start3A_19 : memref<!tpu.dma_semaphore, #tpu.memory_space<semaphore_mem>>)
    %dma_start3A_20 = arith.constant 1 : i32
    %dma_start3A_21 = arith.constant 1 : i32
    %dma_start3A_22 = arith.constant 1 : i32
    %dma_start3A_23 = arith.constant 0 : i32
    %dma_start3A_24 = arith.constant 0 : i32
    %dma_start3A_25 = tpu.memref_slice %arg8[%dma_start3A_21, %dma_start3A_23, %dma_start3A_24] : memref<10x125x16xf32, #tpu.memory_space<vmem>> -> memref<1x125x16xf32, #tpu.memory_space<vmem>>
    %dma_start3A_26 = tpu.memref_squeeze %dma_start3A_25 : memref<1x125x16xf32, #tpu.memory_space<vmem>> -> memref<125x16xf32, #tpu.memory_space<vmem>>
    %dma_start3A_27 = arith.constant 0 : i32
    %dma_start3A_28 = tpu.memref_slice %arg6[%dma_start3A_20, %dma_start3A_27] : memref<80x125xi32, #tpu.memory_space<vmem>> -> memref<1x125xi32, #tpu.memory_space<vmem>>
    %dma_start3A_29 = tpu.memref_squeeze %dma_start3A_28 : memref<1x125xi32, #tpu.memory_space<vmem>> -> memref<125xi32, #tpu.memory_space<vmem>>
    %dma_start3A_30 = arith.constant 0 : i32
    %dma_start3A_31 = arith.constant 0 : i32
    %dma_start3A_32 = tpu.memref_slice %arg2[%dma_start3A_30, %dma_start3A_31] : memref<10000x16xf32, #tpu.memory_space<hbm>> -> memref<10000x16xf32, #tpu.memory_space<hbm>>
    %dma_start3A_33 = tpu.memref_slice %arg10[%dma_start3A_22] : memref<10x!tpu.dma_semaphore, #tpu.memory_space<semaphore_mem>> -> memref<1x!tpu.dma_semaphore, #tpu.memory_space<semaphore_mem>>
    %dma_start3A_34 = tpu.memref_squeeze %dma_start3A_33 : memref<1x!tpu.dma_semaphore, #tpu.memory_space<semaphore_mem>> -> memref<!tpu.dma_semaphore, #tpu.memory_space<semaphore_mem>>
    tpu.enqueue_indirect_dma source(%dma_start3A_32 : memref<10000x16xf32, #tpu.memory_space<hbm>>) target(%dma_start3A_26 : memref<125x16xf32, #tpu.memory_space<vmem>>) offsets(%dma_start3A_29 : memref<125xi32, #tpu.memory_space<vmem>>) semaphore(%dma_start3A_34 : memref<!tpu.dma_semaphore, #tpu.memory_space<semaphore_mem>>)
    %dma_start3A_35 = arith.constant 2 : i32
    %dma_start3A_36 = arith.constant 2 : i32
    %dma_start3A_37 = arith.constant 2 : i32
    %dma_start3A_38 = arith.constant 0 : i32
    %dma_start3A_39 = arith.constant 0 : i32
    %dma_start3A_40 = tpu.memref_slice %arg8[%dma_start3A_36, %dma_start3A_38, %dma_start3A_39] : memref<10x125x16xf32, #tpu.memory_space<vmem>> -> memref<1x125x16xf32, #tpu.memory_space<vmem>>
    %dma_start3A_41 = tpu.memref_squeeze %dma_start3A_40 : memref<1x125x16xf32, #tpu.memory_space<vmem>> -> memref<125x16xf32, #tpu.memory_space<vmem>>
    %dma_start3A_42 = arith.constant 0 : i32
    %dma_start3A_43 = tpu.memref_slice %arg6[%dma_start3A_35, %dma_start3A_42] : memref<80x125xi32, #tpu.memory_space<vmem>> -> memref<1x125xi32, #tpu.memory_space<vmem>>
    %dma_start3A_44 = tpu.memref_squeeze %dma_start3A_43 : memref<1x125xi32, #tpu.memory_space<vmem>> -> memref<125xi32, #tpu.memory_space<vmem>>
    %dma_start3A_45 = arith.constant 0 : i32
    %dma_start3A_46 = arith.constant 0 : i32
    %dma_start3A_47 = tpu.memref_slice %arg2[%dma_start3A_45, %dma_start3A_46] : memref<10000x16xf32, #tpu.memory_space<hbm>> -> memref<10000x16xf32, #tpu.memory_space<hbm>>
    %dma_start3A_48 = tpu.memref_slice %arg10[%dma_start3A_37] : memref<10x!tpu.dma_semaphore, #tpu.memory_space<semaphore_mem>> -> memref<1x!tpu.dma_semaphore, #tpu.memory_space<semaphore_mem>>
    %dma_start3A_49 = tpu.memref_squeeze %dma_start3A_48 : memref<1x!tpu.dma_semaphore, #tpu.memory_space<semaphore_mem>> -> memref<!tpu.dma_semaphore, #tpu.memory_space<semaphore_mem>>
    tpu.enqueue_indirect_dma source(%dma_start3A_47 : memref<10000x16xf32, #tpu.memory_space<hbm>>) target(%dma_start3A_41 : memref<125x16xf32, #tpu.memory_space<vmem>>) offsets(%dma_start3A_44 : memref<125xi32, #tpu.memory_space<vmem>>) semaphore(%dma_start3A_49 : memref<!tpu.dma_semaphore, #tpu.memory_space<semaphore_mem>>)
    %dma_start3A_50 = arith.constant 3 : i32
    %dma_start3A_51 = arith.constant 3 : i32
    %dma_start3A_52 = arith.constant 3 : i32
    %dma_start3A_53 = arith.constant 0 : i32
    %dma_start3A_54 = arith.constant 0 : i32
    %dma_start3A_55 = tpu.memref_slice %arg8[%dma_start3A_51, %dma_start3A_53, %dma_start3A_54] : memref<10x125x16xf32, #tpu.memory_space<vmem>> -> memref<1x125x16xf32, #tpu.memory_space<vmem>>
    %dma_start3A_56 = tpu.memref_squeeze %dma_start3A_55 : memref<1x125x16xf32, #tpu.memory_space<vmem>> -> memref<125x16xf32, #tpu.memory_space<vmem>>
    %dma_start3A_57 = arith.constant 0 : i32
    %dma_start3A_58 = tpu.memref_slice %arg6[%dma_start3A_50, %dma_start3A_57] : memref<80x125xi32, #tpu.memory_space<vmem>> -> memref<1x125xi32, #tpu.memory_space<vmem>>
    %dma_start3A_59 = tpu.memref_squeeze %dma_start3A_58 : memref<1x125xi32, #tpu.memory_space<vmem>> -> memref<125xi32, #tpu.memory_space<vmem>>
    %dma_start3A_60 = arith.constant 0 : i32
    %dma_start3A_61 = arith.constant 0 : i32
    %dma_start3A_62 = tpu.memref_slice %arg2[%dma_start3A_60, %dma_start3A_61] : memref<10000x16xf32, #tpu.memory_space<hbm>> -> memref<10000x16xf32, #tpu.memory_space<hbm>>
    %dma_start3A_63 = tpu.memref_slice %arg10[%dma_start3A_52] : memref<10x!tpu.dma_semaphore, #tpu.memory_space<semaphore_mem>> -> memref<1x!tpu.dma_semaphore, #tpu.memory_space<semaphore_mem>>
    %dma_start3A_64 = tpu.memref_squeeze %dma_start3A_63 : memref<1x!tpu.dma_semaphore, #tpu.memory_space<semaphore_mem>> -> memref<!tpu.dma_semaphore, #tpu.memory_space<semaphore_mem>>
    tpu.enqueue_indirect_dma source(%dma_start3A_62 : memref<10000x16xf32, #tpu.memory_space<hbm>>) target(%dma_start3A_56 : memref<125x16xf32, #tpu.memory_space<vmem>>) offsets(%dma_start3A_59 : memref<125xi32, #tpu.memory_space<vmem>>) semaphore(%dma_start3A_64 : memref<!tpu.dma_semaphore, #tpu.memory_space<semaphore_mem>>)
    %dma_start3A_65 = arith.constant 4 : i32
    %dma_start3A_66 = arith.constant 4 : i32
    %dma_start3A_67 = arith.constant 4 : i32
    %dma_start3A_68 = arith.constant 0 : i32
    %dma_start3A_69 = arith.constant 0 : i32
    %dma_start3A_70 = tpu.memref_slice %arg8[%dma_start3A_66, %dma_start3A_68, %dma_start3A_69] : memref<10x125x16xf32, #tpu.memory_space<vmem>> -> memref<1x125x16xf32, #tpu.memory_space<vmem>>
    %dma_start3A_71 = tpu.memref_squeeze %dma_start3A_70 : memref<1x125x16xf32, #tpu.memory_space<vmem>> -> memref<125x16xf32, #tpu.memory_space<vmem>>
    %dma_start3A_72 = arith.constant 0 : i32
    %dma_start3A_73 = tpu.memref_slice %arg6[%dma_start3A_65, %dma_start3A_72] : memref<80x125xi32, #tpu.memory_space<vmem>> -> memref<1x125xi32, #tpu.memory_space<vmem>>
    %dma_start3A_74 = tpu.memref_squeeze %dma_start3A_73 : memref<1x125xi32, #tpu.memory_space<vmem>> -> memref<125xi32, #tpu.memory_space<vmem>>
    %dma_start3A_75 = arith.constant 0 : i32
    %dma_start3A_76 = arith.constant 0 : i32
    %dma_start3A_77 = tpu.memref_slice %arg2[%dma_start3A_75, %dma_start3A_76] : memref<10000x16xf32, #tpu.memory_space<hbm>> -> memref<10000x16xf32, #tpu.memory_space<hbm>>
    %dma_start3A_78 = tpu.memref_slice %arg10[%dma_start3A_67] : memref<10x!tpu.dma_semaphore, #tpu.memory_space<semaphore_mem>> -> memref<1x!tpu.dma_semaphore, #tpu.memory_space<semaphore_mem>>
    %dma_start3A_79 = tpu.memref_squeeze %dma_start3A_78 : memref<1x!tpu.dma_semaphore, #tpu.memory_space<semaphore_mem>> -> memref<!tpu.dma_semaphore, #tpu.memory_space<semaphore_mem>>
    tpu.enqueue_indirect_dma source(%dma_start3A_77 : memref<10000x16xf32, #tpu.memory_space<hbm>>) target(%dma_start3A_71 : memref<125x16xf32, #tpu.memory_space<vmem>>) offsets(%dma_start3A_74 : memref<125xi32, #tpu.memory_space<vmem>>) semaphore(%dma_start3A_79 : memref<!tpu.dma_semaphore, #tpu.memory_space<semaphore_mem>>)
    %scan3A = arith.constant 0 : i32
    %scan3A_80 = arith.constant 7 : i32
    %scan3A_81 = arith.addi %scan3A, %scan3A_80 : i32
    %scan3A_82 = arith.constant 1 : i32
    scf.for %scan3A_618 = %scan3A to %scan3A_81 step %scan3A_82  : i32 {
      %mul3A_619 = arith.constant 10 : i32
      %mul3A_620 = arith.muli %scan3A_618, %mul3A_619 : i32
      %add3A_621 = arith.constant 0 : i32
      %add3A_622 = arith.addi %add3A_621, %mul3A_620 : i32
      %add3A_623 = arith.constant 5 : i32
      %add3A_624 = arith.addi %add3A_622, %add3A_623 : i32
      %add3A_625 = arith.constant 0 : i32
      %add3A_626 = arith.addi %add3A_624, %add3A_625 : i32
      %dma_start3A_627 = arith.constant 5 : i32
      %dma_start3A_628 = arith.constant 5 : i32
      %dma_start3A_629 = arith.constant 0 : i32
      %dma_start3A_630 = arith.constant 0 : i32
      %dma_start3A_631 = tpu.memref_slice %arg8[%dma_start3A_627, %dma_start3A_629, %dma_start3A_630] : memref<10x125x16xf32, #tpu.memory_space<vmem>> -> memref<1x125x16xf32, #tpu.memory_space<vmem>>
      %dma_start3A_632 = tpu.memref_squeeze %dma_start3A_631 : memref<1x125x16xf32, #tpu.memory_space<vmem>> -> memref<125x16xf32, #tpu.memory_space<vmem>>
      %dma_start3A_633 = arith.constant 0 : i32
      %dma_start3A_634 = tpu.memref_slice %arg6[%add3A_626, %dma_start3A_633] : memref<80x125xi32, #tpu.memory_space<vmem>> -> memref<1x125xi32, #tpu.memory_space<vmem>>
      %dma_start3A_635 = tpu.memref_squeeze %dma_start3A_634 : memref<1x125xi32, #tpu.memory_space<vmem>> -> memref<125xi32, #tpu.memory_space<vmem>>
      %dma_start3A_636 = arith.constant 0 : i32
      %dma_start3A_637 = arith.constant 0 : i32
      %dma_start3A_638 = tpu.memref_slice %arg2[%dma_start3A_636, %dma_start3A_637] : memref<10000x16xf32, #tpu.memory_space<hbm>> -> memref<10000x16xf32, #tpu.memory_space<hbm>>
      %dma_start3A_639 = tpu.memref_slice %arg10[%dma_start3A_628] : memref<10x!tpu.dma_semaphore, #tpu.memory_space<semaphore_mem>> -> memref<1x!tpu.dma_semaphore, #tpu.memory_space<semaphore_mem>>
      %dma_start3A_640 = tpu.memref_squeeze %dma_start3A_639 : memref<1x!tpu.dma_semaphore, #tpu.memory_space<semaphore_mem>> -> memref<!tpu.dma_semaphore, #tpu.memory_space<semaphore_mem>>
      tpu.enqueue_indirect_dma source(%dma_start3A_638 : memref<10000x16xf32, #tpu.memory_space<hbm>>) target(%dma_start3A_632 : memref<125x16xf32, #tpu.memory_space<vmem>>) offsets(%dma_start3A_635 : memref<125xi32, #tpu.memory_space<vmem>>) semaphore(%dma_start3A_640 : memref<!tpu.dma_semaphore, #tpu.memory_space<semaphore_mem>>)
      %add3A_641 = arith.constant 5 : i32
      %add3A_642 = arith.addi %add3A_622, %add3A_641 : i32
      %add3A_643 = arith.constant 1 : i32
      %add3A_644 = arith.addi %add3A_642, %add3A_643 : i32
      %dma_start3A_645 = arith.constant 6 : i32
      %dma_start3A_646 = arith.constant 6 : i32
      %dma_start3A_647 = arith.constant 0 : i32
      %dma_start3A_648 = arith.constant 0 : i32
      %dma_start3A_649 = tpu.memref_slice %arg8[%dma_start3A_645, %dma_start3A_647, %dma_start3A_648] : memref<10x125x16xf32, #tpu.memory_space<vmem>> -> memref<1x125x16xf32, #tpu.memory_space<vmem>>
      %dma_start3A_650 = tpu.memref_squeeze %dma_start3A_649 : memref<1x125x16xf32, #tpu.memory_space<vmem>> -> memref<125x16xf32, #tpu.memory_space<vmem>>
      %dma_start3A_651 = arith.constant 0 : i32
      %dma_start3A_652 = tpu.memref_slice %arg6[%add3A_644, %dma_start3A_651] : memref<80x125xi32, #tpu.memory_space<vmem>> -> memref<1x125xi32, #tpu.memory_space<vmem>>
      %dma_start3A_653 = tpu.memref_squeeze %dma_start3A_652 : memref<1x125xi32, #tpu.memory_space<vmem>> -> memref<125xi32, #tpu.memory_space<vmem>>
      %dma_start3A_654 = arith.constant 0 : i32
      %dma_start3A_655 = arith.constant 0 : i32
      %dma_start3A_656 = tpu.memref_slice %arg2[%dma_start3A_654, %dma_start3A_655] : memref<10000x16xf32, #tpu.memory_space<hbm>> -> memref<10000x16xf32, #tpu.memory_space<hbm>>
      %dma_start3A_657 = tpu.memref_slice %arg10[%dma_start3A_646] : memref<10x!tpu.dma_semaphore, #tpu.memory_space<semaphore_mem>> -> memref<1x!tpu.dma_semaphore, #tpu.memory_space<semaphore_mem>>
      %dma_start3A_658 = tpu.memref_squeeze %dma_start3A_657 : memref<1x!tpu.dma_semaphore, #tpu.memory_space<semaphore_mem>> -> memref<!tpu.dma_semaphore, #tpu.memory_space<semaphore_mem>>
      tpu.enqueue_indirect_dma source(%dma_start3A_656 : memref<10000x16xf32, #tpu.memory_space<hbm>>) target(%dma_start3A_650 : memref<125x16xf32, #tpu.memory_space<vmem>>) offsets(%dma_start3A_653 : memref<125xi32, #tpu.memory_space<vmem>>) semaphore(%dma_start3A_658 : memref<!tpu.dma_semaphore, #tpu.memory_space<semaphore_mem>>)
      %add3A_659 = arith.constant 5 : i32
      %add3A_660 = arith.addi %add3A_622, %add3A_659 : i32
      %add3A_661 = arith.constant 2 : i32
      %add3A_662 = arith.addi %add3A_660, %add3A_661 : i32
      %dma_start3A_663 = arith.constant 7 : i32
      %dma_start3A_664 = arith.constant 7 : i32
      %dma_start3A_665 = arith.constant 0 : i32
      %dma_start3A_666 = arith.constant 0 : i32
      %dma_start3A_667 = tpu.memref_slice %arg8[%dma_start3A_663, %dma_start3A_665, %dma_start3A_666] : memref<10x125x16xf32, #tpu.memory_space<vmem>> -> memref<1x125x16xf32, #tpu.memory_space<vmem>>
      %dma_start3A_668 = tpu.memref_squeeze %dma_start3A_667 : memref<1x125x16xf32, #tpu.memory_space<vmem>> -> memref<125x16xf32, #tpu.memory_space<vmem>>
      %dma_start3A_669 = arith.constant 0 : i32
      %dma_start3A_670 = tpu.memref_slice %arg6[%add3A_662, %dma_start3A_669] : memref<80x125xi32, #tpu.memory_space<vmem>> -> memref<1x125xi32, #tpu.memory_space<vmem>>
      %dma_start3A_671 = tpu.memref_squeeze %dma_start3A_670 : memref<1x125xi32, #tpu.memory_space<vmem>> -> memref<125xi32, #tpu.memory_space<vmem>>
      %dma_start3A_672 = arith.constant 0 : i32
      %dma_start3A_673 = arith.constant 0 : i32
      %dma_start3A_674 = tpu.memref_slice %arg2[%dma_start3A_672, %dma_start3A_673] : memref<10000x16xf32, #tpu.memory_space<hbm>> -> memref<10000x16xf32, #tpu.memory_space<hbm>>
      %dma_start3A_675 = tpu.memref_slice %arg10[%dma_start3A_664] : memref<10x!tpu.dma_semaphore, #tpu.memory_space<semaphore_mem>> -> memref<1x!tpu.dma_semaphore, #tpu.memory_space<semaphore_mem>>
      %dma_start3A_676 = tpu.memref_squeeze %dma_start3A_675 : memref<1x!tpu.dma_semaphore, #tpu.memory_space<semaphore_mem>> -> memref<!tpu.dma_semaphore, #tpu.memory_space<semaphore_mem>>
      tpu.enqueue_indirect_dma source(%dma_start3A_674 : memref<10000x16xf32, #tpu.memory_space<hbm>>) target(%dma_start3A_668 : memref<125x16xf32, #tpu.memory_space<vmem>>) offsets(%dma_start3A_671 : memref<125xi32, #tpu.memory_space<vmem>>) semaphore(%dma_start3A_676 : memref<!tpu.dma_semaphore, #tpu.memory_space<semaphore_mem>>)
      %add3A_677 = arith.constant 5 : i32
      %add3A_678 = arith.addi %add3A_622, %add3A_677 : i32
      %add3A_679 = arith.constant 3 : i32
      %add3A_680 = arith.addi %add3A_678, %add3A_679 : i32
      %dma_start3A_681 = arith.constant 8 : i32
      %dma_start3A_682 = arith.constant 8 : i32
      %dma_start3A_683 = arith.constant 0 : i32
      %dma_start3A_684 = arith.constant 0 : i32
      %dma_start3A_685 = tpu.memref_slice %arg8[%dma_start3A_681, %dma_start3A_683, %dma_start3A_684] : memref<10x125x16xf32, #tpu.memory_space<vmem>> -> memref<1x125x16xf32, #tpu.memory_space<vmem>>
      %dma_start3A_686 = tpu.memref_squeeze %dma_start3A_685 : memref<1x125x16xf32, #tpu.memory_space<vmem>> -> memref<125x16xf32, #tpu.memory_space<vmem>>
      %dma_start3A_687 = arith.constant 0 : i32
      %dma_start3A_688 = tpu.memref_slice %arg6[%add3A_680, %dma_start3A_687] : memref<80x125xi32, #tpu.memory_space<vmem>> -> memref<1x125xi32, #tpu.memory_space<vmem>>
      %dma_start3A_689 = tpu.memref_squeeze %dma_start3A_688 : memref<1x125xi32, #tpu.memory_space<vmem>> -> memref<125xi32, #tpu.memory_space<vmem>>
      %dma_start3A_690 = arith.constant 0 : i32
      %dma_start3A_691 = arith.constant 0 : i32
      %dma_start3A_692 = tpu.memref_slice %arg2[%dma_start3A_690, %dma_start3A_691] : memref<10000x16xf32, #tpu.memory_space<hbm>> -> memref<10000x16xf32, #tpu.memory_space<hbm>>
      %dma_start3A_693 = tpu.memref_slice %arg10[%dma_start3A_682] : memref<10x!tpu.dma_semaphore, #tpu.memory_space<semaphore_mem>> -> memref<1x!tpu.dma_semaphore, #tpu.memory_space<semaphore_mem>>
      %dma_start3A_694 = tpu.memref_squeeze %dma_start3A_693 : memref<1x!tpu.dma_semaphore, #tpu.memory_space<semaphore_mem>> -> memref<!tpu.dma_semaphore, #tpu.memory_space<semaphore_mem>>
      tpu.enqueue_indirect_dma source(%dma_start3A_692 : memref<10000x16xf32, #tpu.memory_space<hbm>>) target(%dma_start3A_686 : memref<125x16xf32, #tpu.memory_space<vmem>>) offsets(%dma_start3A_689 : memref<125xi32, #tpu.memory_space<vmem>>) semaphore(%dma_start3A_694 : memref<!tpu.dma_semaphore, #tpu.memory_space<semaphore_mem>>)
      %add3A_695 = arith.constant 5 : i32
      %add3A_696 = arith.addi %add3A_622, %add3A_695 : i32
      %add3A_697 = arith.constant 4 : i32
      %add3A_698 = arith.addi %add3A_696, %add3A_697 : i32
      %dma_start3A_699 = arith.constant 9 : i32
      %dma_start3A_700 = arith.constant 9 : i32
      %dma_start3A_701 = arith.constant 0 : i32
      %dma_start3A_702 = arith.constant 0 : i32
      %dma_start3A_703 = tpu.memref_slice %arg8[%dma_start3A_699, %dma_start3A_701, %dma_start3A_702] : memref<10x125x16xf32, #tpu.memory_space<vmem>> -> memref<1x125x16xf32, #tpu.memory_space<vmem>>
      %dma_start3A_704 = tpu.memref_squeeze %dma_start3A_703 : memref<1x125x16xf32, #tpu.memory_space<vmem>> -> memref<125x16xf32, #tpu.memory_space<vmem>>
      %dma_start3A_705 = arith.constant 0 : i32
      %dma_start3A_706 = tpu.memref_slice %arg6[%add3A_698, %dma_start3A_705] : memref<80x125xi32, #tpu.memory_space<vmem>> -> memref<1x125xi32, #tpu.memory_space<vmem>>
      %dma_start3A_707 = tpu.memref_squeeze %dma_start3A_706 : memref<1x125xi32, #tpu.memory_space<vmem>> -> memref<125xi32, #tpu.memory_space<vmem>>
      %dma_start3A_708 = arith.constant 0 : i32
      %dma_start3A_709 = arith.constant 0 : i32
      %dma_start3A_710 = tpu.memref_slice %arg2[%dma_start3A_708, %dma_start3A_709] : memref<10000x16xf32, #tpu.memory_space<hbm>> -> memref<10000x16xf32, #tpu.memory_space<hbm>>
      %dma_start3A_711 = tpu.memref_slice %arg10[%dma_start3A_700] : memref<10x!tpu.dma_semaphore, #tpu.memory_space<semaphore_mem>> -> memref<1x!tpu.dma_semaphore, #tpu.memory_space<semaphore_mem>>
      %dma_start3A_712 = tpu.memref_squeeze %dma_start3A_711 : memref<1x!tpu.dma_semaphore, #tpu.memory_space<semaphore_mem>> -> memref<!tpu.dma_semaphore, #tpu.memory_space<semaphore_mem>>
      tpu.enqueue_indirect_dma source(%dma_start3A_710 : memref<10000x16xf32, #tpu.memory_space<hbm>>) target(%dma_start3A_704 : memref<125x16xf32, #tpu.memory_space<vmem>>) offsets(%dma_start3A_707 : memref<125xi32, #tpu.memory_space<vmem>>) semaphore(%dma_start3A_712 : memref<!tpu.dma_semaphore, #tpu.memory_space<semaphore_mem>>)
      %add3A_713 = arith.constant 0 : i32
      %add3A_714 = arith.addi %add3A_622, %add3A_713 : i32
      %add3A_715 = arith.constant 0 : i32
      %add3A_716 = arith.addi %add3A_714, %add3A_715 : i32
      %dma_wait3A_717 = arith.constant 0 : i32
      %dma_wait3A_718 = arith.constant 0 : i32
      %dma_wait3A_719 = arith.constant 0 : i32
      %dma_wait3A_720 = arith.constant 0 : i32
      %dma_wait3A_721 = tpu.memref_slice %arg8[%dma_wait3A_717, %dma_wait3A_719, %dma_wait3A_720] : memref<10x125x16xf32, #tpu.memory_space<vmem>> -> memref<1x125x16xf32, #tpu.memory_space<vmem>>
      %dma_wait3A_722 = tpu.memref_squeeze %dma_wait3A_721 : memref<1x125x16xf32, #tpu.memory_space<vmem>> -> memref<125x16xf32, #tpu.memory_space<vmem>>
      %dma_wait3A_723 = arith.constant 0 : i32
      %dma_wait3A_724 = tpu.memref_slice %arg6[%add3A_716, %dma_wait3A_723] : memref<80x125xi32, #tpu.memory_space<vmem>> -> memref<1x125xi32, #tpu.memory_space<vmem>>
      %dma_wait3A_725 = tpu.memref_squeeze %dma_wait3A_724 : memref<1x125xi32, #tpu.memory_space<vmem>> -> memref<125xi32, #tpu.memory_space<vmem>>
      %dma_wait3A_726 = arith.constant 0 : i32
      %dma_wait3A_727 = arith.constant 0 : i32
      %dma_wait3A_728 = tpu.memref_slice %arg2[%dma_wait3A_726, %dma_wait3A_727] : memref<10000x16xf32, #tpu.memory_space<hbm>> -> memref<10000x16xf32, #tpu.memory_space<hbm>>
      %dma_wait3A_729 = tpu.memref_slice %arg10[%dma_wait3A_718] : memref<10x!tpu.dma_semaphore, #tpu.memory_space<semaphore_mem>> -> memref<1x!tpu.dma_semaphore, #tpu.memory_space<semaphore_mem>>
      %dma_wait3A_730 = tpu.memref_squeeze %dma_wait3A_729 : memref<1x!tpu.dma_semaphore, #tpu.memory_space<semaphore_mem>> -> memref<!tpu.dma_semaphore, #tpu.memory_space<semaphore_mem>>
      tpu.wait_indirect_dma semaphore(%dma_wait3A_730 : memref<!tpu.dma_semaphore, #tpu.memory_space<semaphore_mem>>) src(%dma_wait3A_728 : memref<10000x16xf32, #tpu.memory_space<hbm>>) dst(%dma_wait3A_722 : memref<125x16xf32, #tpu.memory_space<vmem>>)
      %add3A_731 = arith.constant 0 : i32
      %add3A_732 = arith.addi %add3A_622, %add3A_731 : i32
      %add3A_733 = arith.constant 0 : i32
      %add3A_734 = arith.addi %add3A_732, %add3A_733 : i32
      %dma_start3A_735 = arith.constant 0 : i32
      %dma_start3A_736 = arith.constant 0 : i32
      %dma_start3A_737 = arith.constant 0 : i32
      %dma_start3A_738 = arith.constant 0 : i32
      %dma_start3A_739 = tpu.memref_slice %arg8[%dma_start3A_735, %dma_start3A_737, %dma_start3A_738] : memref<10x125x16xf32, #tpu.memory_space<vmem>> -> memref<1x125x16xf32, #tpu.memory_space<vmem>>
      %dma_start3A_740 = tpu.memref_squeeze %dma_start3A_739 : memref<1x125x16xf32, #tpu.memory_space<vmem>> -> memref<125x16xf32, #tpu.memory_space<vmem>>
      %dma_start3A_741 = arith.constant 0 : i32
      %dma_start3A_742 = tpu.memref_slice %arg7[%add3A_734, %dma_start3A_741] : memref<80x125xi32, #tpu.memory_space<vmem>> -> memref<1x125xi32, #tpu.memory_space<vmem>>
      %dma_start3A_743 = tpu.memref_squeeze %dma_start3A_742 : memref<1x125xi32, #tpu.memory_space<vmem>> -> memref<125xi32, #tpu.memory_space<vmem>>
      %dma_start3A_744 = arith.constant 0 : i32
      %dma_start3A_745 = arith.constant 0 : i32
      %dma_start3A_746 = tpu.memref_slice %arg9[%dma_start3A_744, %dma_start3A_745] : memref<10000x16xf32, #tpu.memory_space<vmem_shared>> -> memref<10000x16xf32, #tpu.memory_space<vmem_shared>>
      %dma_start3A_747 = tpu.memref_slice %arg11[%dma_start3A_736] : memref<10x!tpu.dma_semaphore, #tpu.memory_space<semaphore_mem>> -> memref<1x!tpu.dma_semaphore, #tpu.memory_space<semaphore_mem>>
      %dma_start3A_748 = tpu.memref_squeeze %dma_start3A_747 : memref<1x!tpu.dma_semaphore, #tpu.memory_space<semaphore_mem>> -> memref<!tpu.dma_semaphore, #tpu.memory_space<semaphore_mem>>
      tpu.enqueue_indirect_dma source(%dma_start3A_740 : memref<125x16xf32, #tpu.memory_space<vmem>>) target(%dma_start3A_746 : memref<10000x16xf32, #tpu.memory_space<vmem_shared>>) offsets(%dma_start3A_743 : memref<125xi32, #tpu.memory_space<vmem>>) semaphore(%dma_start3A_748 : memref<!tpu.dma_semaphore, #tpu.memory_space<semaphore_mem>>) {add = true}
      %add3A_749 = arith.constant 0 : i32
      %add3A_750 = arith.addi %add3A_622, %add3A_749 : i32
      %add3A_751 = arith.constant 1 : i32
      %add3A_752 = arith.addi %add3A_750, %add3A_751 : i32
      %dma_wait3A_753 = arith.constant 1 : i32
      %dma_wait3A_754 = arith.constant 1 : i32
      %dma_wait3A_755 = arith.constant 0 : i32
      %dma_wait3A_756 = arith.constant 0 : i32
      %dma_wait3A_757 = tpu.memref_slice %arg8[%dma_wait3A_753, %dma_wait3A_755, %dma_wait3A_756] : memref<10x125x16xf32, #tpu.memory_space<vmem>> -> memref<1x125x16xf32, #tpu.memory_space<vmem>>
      %dma_wait3A_758 = tpu.memref_squeeze %dma_wait3A_757 : memref<1x125x16xf32, #tpu.memory_space<vmem>> -> memref<125x16xf32, #tpu.memory_space<vmem>>
      %dma_wait3A_759 = arith.constant 0 : i32
      %dma_wait3A_760 = tpu.memref_slice %arg6[%add3A_752, %dma_wait3A_759] : memref<80x125xi32, #tpu.memory_space<vmem>> -> memref<1x125xi32, #tpu.memory_space<vmem>>
      %dma_wait3A_761 = tpu.memref_squeeze %dma_wait3A_760 : memref<1x125xi32, #tpu.memory_space<vmem>> -> memref<125xi32, #tpu.memory_space<vmem>>
      %dma_wait3A_762 = arith.constant 0 : i32
      %dma_wait3A_763 = arith.constant 0 : i32
      %dma_wait3A_764 = tpu.memref_slice %arg2[%dma_wait3A_762, %dma_wait3A_763] : memref<10000x16xf32, #tpu.memory_space<hbm>> -> memref<10000x16xf32, #tpu.memory_space<hbm>>
      %dma_wait3A_765 = tpu.memref_slice %arg10[%dma_wait3A_754] : memref<10x!tpu.dma_semaphore, #tpu.memory_space<semaphore_mem>> -> memref<1x!tpu.dma_semaphore, #tpu.memory_space<semaphore_mem>>
      %dma_wait3A_766 = tpu.memref_squeeze %dma_wait3A_765 : memref<1x!tpu.dma_semaphore, #tpu.memory_space<semaphore_mem>> -> memref<!tpu.dma_semaphore, #tpu.memory_space<semaphore_mem>>
      tpu.wait_indirect_dma semaphore(%dma_wait3A_766 : memref<!tpu.dma_semaphore, #tpu.memory_space<semaphore_mem>>) src(%dma_wait3A_764 : memref<10000x16xf32, #tpu.memory_space<hbm>>) dst(%dma_wait3A_758 : memref<125x16xf32, #tpu.memory_space<vmem>>)
      %add3A_767 = arith.constant 0 : i32
      %add3A_768 = arith.addi %add3A_622, %add3A_767 : i32
      %add3A_769 = arith.constant 1 : i32
      %add3A_770 = arith.addi %add3A_768, %add3A_769 : i32
      %dma_start3A_771 = arith.constant 1 : i32
      %dma_start3A_772 = arith.constant 1 : i32
      %dma_start3A_773 = arith.constant 0 : i32
      %dma_start3A_774 = arith.constant 0 : i32
      %dma_start3A_775 = tpu.memref_slice %arg8[%dma_start3A_771, %dma_start3A_773, %dma_start3A_774] : memref<10x125x16xf32, #tpu.memory_space<vmem>> -> memref<1x125x16xf32, #tpu.memory_space<vmem>>
      %dma_start3A_776 = tpu.memref_squeeze %dma_start3A_775 : memref<1x125x16xf32, #tpu.memory_space<vmem>> -> memref<125x16xf32, #tpu.memory_space<vmem>>
      %dma_start3A_777 = arith.constant 0 : i32
      %dma_start3A_778 = tpu.memref_slice %arg7[%add3A_770, %dma_start3A_777] : memref<80x125xi32, #tpu.memory_space<vmem>> -> memref<1x125xi32, #tpu.memory_space<vmem>>
      %dma_start3A_779 = tpu.memref_squeeze %dma_start3A_778 : memref<1x125xi32, #tpu.memory_space<vmem>> -> memref<125xi32, #tpu.memory_space<vmem>>
      %dma_start3A_780 = arith.constant 0 : i32
      %dma_start3A_781 = arith.constant 0 : i32
      %dma_start3A_782 = tpu.memref_slice %arg9[%dma_start3A_780, %dma_start3A_781] : memref<10000x16xf32, #tpu.memory_space<vmem_shared>> -> memref<10000x16xf32, #tpu.memory_space<vmem_shared>>
      %dma_start3A_783 = tpu.memref_slice %arg11[%dma_start3A_772] : memref<10x!tpu.dma_semaphore, #tpu.memory_space<semaphore_mem>> -> memref<1x!tpu.dma_semaphore, #tpu.memory_space<semaphore_mem>>
      %dma_start3A_784 = tpu.memref_squeeze %dma_start3A_783 : memref<1x!tpu.dma_semaphore, #tpu.memory_space<semaphore_mem>> -> memref<!tpu.dma_semaphore, #tpu.memory_space<semaphore_mem>>
      tpu.enqueue_indirect_dma source(%dma_start3A_776 : memref<125x16xf32, #tpu.memory_space<vmem>>) target(%dma_start3A_782 : memref<10000x16xf32, #tpu.memory_space<vmem_shared>>) offsets(%dma_start3A_779 : memref<125xi32, #tpu.memory_space<vmem>>) semaphore(%dma_start3A_784 : memref<!tpu.dma_semaphore, #tpu.memory_space<semaphore_mem>>) {add = true}
      %add3A_785 = arith.constant 0 : i32
      %add3A_786 = arith.addi %add3A_622, %add3A_785 : i32
      %add3A_787 = arith.constant 2 : i32
      %add3A_788 = arith.addi %add3A_786, %add3A_787 : i32
      %dma_wait3A_789 = arith.constant 2 : i32
      %dma_wait3A_790 = arith.constant 2 : i32
      %dma_wait3A_791 = arith.constant 0 : i32
      %dma_wait3A_792 = arith.constant 0 : i32
      %dma_wait3A_793 = tpu.memref_slice %arg8[%dma_wait3A_789, %dma_wait3A_791, %dma_wait3A_792] : memref<10x125x16xf32, #tpu.memory_space<vmem>> -> memref<1x125x16xf32, #tpu.memory_space<vmem>>
      %dma_wait3A_794 = tpu.memref_squeeze %dma_wait3A_793 : memref<1x125x16xf32, #tpu.memory_space<vmem>> -> memref<125x16xf32, #tpu.memory_space<vmem>>
      %dma_wait3A_795 = arith.constant 0 : i32
      %dma_wait3A_796 = tpu.memref_slice %arg6[%add3A_788, %dma_wait3A_795] : memref<80x125xi32, #tpu.memory_space<vmem>> -> memref<1x125xi32, #tpu.memory_space<vmem>>
      %dma_wait3A_797 = tpu.memref_squeeze %dma_wait3A_796 : memref<1x125xi32, #tpu.memory_space<vmem>> -> memref<125xi32, #tpu.memory_space<vmem>>
      %dma_wait3A_798 = arith.constant 0 : i32
      %dma_wait3A_799 = arith.constant 0 : i32
      %dma_wait3A_800 = tpu.memref_slice %arg2[%dma_wait3A_798, %dma_wait3A_799] : memref<10000x16xf32, #tpu.memory_space<hbm>> -> memref<10000x16xf32, #tpu.memory_space<hbm>>
      %dma_wait3A_801 = tpu.memref_slice %arg10[%dma_wait3A_790] : memref<10x!tpu.dma_semaphore, #tpu.memory_space<semaphore_mem>> -> memref<1x!tpu.dma_semaphore, #tpu.memory_space<semaphore_mem>>
      %dma_wait3A_802 = tpu.memref_squeeze %dma_wait3A_801 : memref<1x!tpu.dma_semaphore, #tpu.memory_space<semaphore_mem>> -> memref<!tpu.dma_semaphore, #tpu.memory_space<semaphore_mem>>
      tpu.wait_indirect_dma semaphore(%dma_wait3A_802 : memref<!tpu.dma_semaphore, #tpu.memory_space<semaphore_mem>>) src(%dma_wait3A_800 : memref<10000x16xf32, #tpu.memory_space<hbm>>) dst(%dma_wait3A_794 : memref<125x16xf32, #tpu.memory_space<vmem>>)
      %add3A_803 = arith.constant 0 : i32
      %add3A_804 = arith.addi %add3A_622, %add3A_803 : i32
      %add3A_805 = arith.constant 2 : i32
      %add3A_806 = arith.addi %add3A_804, %add3A_805 : i32
      %dma_start3A_807 = arith.constant 2 : i32
      %dma_start3A_808 = arith.constant 2 : i32
      %dma_start3A_809 = arith.constant 0 : i32
      %dma_start3A_810 = arith.constant 0 : i32
      %dma_start3A_811 = tpu.memref_slice %arg8[%dma_start3A_807, %dma_start3A_809, %dma_start3A_810] : memref<10x125x16xf32, #tpu.memory_space<vmem>> -> memref<1x125x16xf32, #tpu.memory_space<vmem>>
      %dma_start3A_812 = tpu.memref_squeeze %dma_start3A_811 : memref<1x125x16xf32, #tpu.memory_space<vmem>> -> memref<125x16xf32, #tpu.memory_space<vmem>>
      %dma_start3A_813 = arith.constant 0 : i32
      %dma_start3A_814 = tpu.memref_slice %arg7[%add3A_806, %dma_start3A_813] : memref<80x125xi32, #tpu.memory_space<vmem>> -> memref<1x125xi32, #tpu.memory_space<vmem>>
      %dma_start3A_815 = tpu.memref_squeeze %dma_start3A_814 : memref<1x125xi32, #tpu.memory_space<vmem>> -> memref<125xi32, #tpu.memory_space<vmem>>
      %dma_start3A_816 = arith.constant 0 : i32
      %dma_start3A_817 = arith.constant 0 : i32
      %dma_start3A_818 = tpu.memref_slice %arg9[%dma_start3A_816, %dma_start3A_817] : memref<10000x16xf32, #tpu.memory_space<vmem_shared>> -> memref<10000x16xf32, #tpu.memory_space<vmem_shared>>
      %dma_start3A_819 = tpu.memref_slice %arg11[%dma_start3A_808] : memref<10x!tpu.dma_semaphore, #tpu.memory_space<semaphore_mem>> -> memref<1x!tpu.dma_semaphore, #tpu.memory_space<semaphore_mem>>
      %dma_start3A_820 = tpu.memref_squeeze %dma_start3A_819 : memref<1x!tpu.dma_semaphore, #tpu.memory_space<semaphore_mem>> -> memref<!tpu.dma_semaphore, #tpu.memory_space<semaphore_mem>>
      tpu.enqueue_indirect_dma source(%dma_start3A_812 : memref<125x16xf32, #tpu.memory_space<vmem>>) target(%dma_start3A_818 : memref<10000x16xf32, #tpu.memory_space<vmem_shared>>) offsets(%dma_start3A_815 : memref<125xi32, #tpu.memory_space<vmem>>) semaphore(%dma_start3A_820 : memref<!tpu.dma_semaphore, #tpu.memory_space<semaphore_mem>>) {add = true}
      %add3A_821 = arith.constant 0 : i32
      %add3A_822 = arith.addi %add3A_622, %add3A_821 : i32
      %add3A_823 = arith.constant 3 : i32
      %add3A_824 = arith.addi %add3A_822, %add3A_823 : i32
      %dma_wait3A_825 = arith.constant 3 : i32
      %dma_wait3A_826 = arith.constant 3 : i32
      %dma_wait3A_827 = arith.constant 0 : i32
      %dma_wait3A_828 = arith.constant 0 : i32
      %dma_wait3A_829 = tpu.memref_slice %arg8[%dma_wait3A_825, %dma_wait3A_827, %dma_wait3A_828] : memref<10x125x16xf32, #tpu.memory_space<vmem>> -> memref<1x125x16xf32, #tpu.memory_space<vmem>>
      %dma_wait3A_830 = tpu.memref_squeeze %dma_wait3A_829 : memref<1x125x16xf32, #tpu.memory_space<vmem>> -> memref<125x16xf32, #tpu.memory_space<vmem>>
      %dma_wait3A_831 = arith.constant 0 : i32
      %dma_wait3A_832 = tpu.memref_slice %arg6[%add3A_824, %dma_wait3A_831] : memref<80x125xi32, #tpu.memory_space<vmem>> -> memref<1x125xi32, #tpu.memory_space<vmem>>
      %dma_wait3A_833 = tpu.memref_squeeze %dma_wait3A_832 : memref<1x125xi32, #tpu.memory_space<vmem>> -> memref<125xi32, #tpu.memory_space<vmem>>
      %dma_wait3A_834 = arith.constant 0 : i32
      %dma_wait3A_835 = arith.constant 0 : i32
      %dma_wait3A_836 = tpu.memref_slice %arg2[%dma_wait3A_834, %dma_wait3A_835] : memref<10000x16xf32, #tpu.memory_space<hbm>> -> memref<10000x16xf32, #tpu.memory_space<hbm>>
      %dma_wait3A_837 = tpu.memref_slice %arg10[%dma_wait3A_826] : memref<10x!tpu.dma_semaphore, #tpu.memory_space<semaphore_mem>> -> memref<1x!tpu.dma_semaphore, #tpu.memory_space<semaphore_mem>>
      %dma_wait3A_838 = tpu.memref_squeeze %dma_wait3A_837 : memref<1x!tpu.dma_semaphore, #tpu.memory_space<semaphore_mem>> -> memref<!tpu.dma_semaphore, #tpu.memory_space<semaphore_mem>>
      tpu.wait_indirect_dma semaphore(%dma_wait3A_838 : memref<!tpu.dma_semaphore, #tpu.memory_space<semaphore_mem>>) src(%dma_wait3A_836 : memref<10000x16xf32, #tpu.memory_space<hbm>>) dst(%dma_wait3A_830 : memref<125x16xf32, #tpu.memory_space<vmem>>)
      %add3A_839 = arith.constant 0 : i32
      %add3A_840 = arith.addi %add3A_622, %add3A_839 : i32
      %add3A_841 = arith.constant 3 : i32
      %add3A_842 = arith.addi %add3A_840, %add3A_841 : i32
      %dma_start3A_843 = arith.constant 3 : i32
      %dma_start3A_844 = arith.constant 3 : i32
      %dma_start3A_845 = arith.constant 0 : i32
      %dma_start3A_846 = arith.constant 0 : i32
      %dma_start3A_847 = tpu.memref_slice %arg8[%dma_start3A_843, %dma_start3A_845, %dma_start3A_846] : memref<10x125x16xf32, #tpu.memory_space<vmem>> -> memref<1x125x16xf32, #tpu.memory_space<vmem>>
      %dma_start3A_848 = tpu.memref_squeeze %dma_start3A_847 : memref<1x125x16xf32, #tpu.memory_space<vmem>> -> memref<125x16xf32, #tpu.memory_space<vmem>>
      %dma_start3A_849 = arith.constant 0 : i32
      %dma_start3A_850 = tpu.memref_slice %arg7[%add3A_842, %dma_start3A_849] : memref<80x125xi32, #tpu.memory_space<vmem>> -> memref<1x125xi32, #tpu.memory_space<vmem>>
      %dma_start3A_851 = tpu.memref_squeeze %dma_start3A_850 : memref<1x125xi32, #tpu.memory_space<vmem>> -> memref<125xi32, #tpu.memory_space<vmem>>
      %dma_start3A_852 = arith.constant 0 : i32
      %dma_start3A_853 = arith.constant 0 : i32
      %dma_start3A_854 = tpu.memref_slice %arg9[%dma_start3A_852, %dma_start3A_853] : memref<10000x16xf32, #tpu.memory_space<vmem_shared>> -> memref<10000x16xf32, #tpu.memory_space<vmem_shared>>
      %dma_start3A_855 = tpu.memref_slice %arg11[%dma_start3A_844] : memref<10x!tpu.dma_semaphore, #tpu.memory_space<semaphore_mem>> -> memref<1x!tpu.dma_semaphore, #tpu.memory_space<semaphore_mem>>
      %dma_start3A_856 = tpu.memref_squeeze %dma_start3A_855 : memref<1x!tpu.dma_semaphore, #tpu.memory_space<semaphore_mem>> -> memref<!tpu.dma_semaphore, #tpu.memory_space<semaphore_mem>>
      tpu.enqueue_indirect_dma source(%dma_start3A_848 : memref<125x16xf32, #tpu.memory_space<vmem>>) target(%dma_start3A_854 : memref<10000x16xf32, #tpu.memory_space<vmem_shared>>) offsets(%dma_start3A_851 : memref<125xi32, #tpu.memory_space<vmem>>) semaphore(%dma_start3A_856 : memref<!tpu.dma_semaphore, #tpu.memory_space<semaphore_mem>>) {add = true}
      %add3A_857 = arith.constant 0 : i32
      %add3A_858 = arith.addi %add3A_622, %add3A_857 : i32
      %add3A_859 = arith.constant 4 : i32
      %add3A_860 = arith.addi %add3A_858, %add3A_859 : i32
      %dma_wait3A_861 = arith.constant 4 : i32
      %dma_wait3A_862 = arith.constant 4 : i32
      %dma_wait3A_863 = arith.constant 0 : i32
      %dma_wait3A_864 = arith.constant 0 : i32
      %dma_wait3A_865 = tpu.memref_slice %arg8[%dma_wait3A_861, %dma_wait3A_863, %dma_wait3A_864] : memref<10x125x16xf32, #tpu.memory_space<vmem>> -> memref<1x125x16xf32, #tpu.memory_space<vmem>>
      %dma_wait3A_866 = tpu.memref_squeeze %dma_wait3A_865 : memref<1x125x16xf32, #tpu.memory_space<vmem>> -> memref<125x16xf32, #tpu.memory_space<vmem>>
      %dma_wait3A_867 = arith.constant 0 : i32
      %dma_wait3A_868 = tpu.memref_slice %arg6[%add3A_860, %dma_wait3A_867] : memref<80x125xi32, #tpu.memory_space<vmem>> -> memref<1x125xi32, #tpu.memory_space<vmem>>
      %dma_wait3A_869 = tpu.memref_squeeze %dma_wait3A_868 : memref<1x125xi32, #tpu.memory_space<vmem>> -> memref<125xi32, #tpu.memory_space<vmem>>
      %dma_wait3A_870 = arith.constant 0 : i32
      %dma_wait3A_871 = arith.constant 0 : i32
      %dma_wait3A_872 = tpu.memref_slice %arg2[%dma_wait3A_870, %dma_wait3A_871] : memref<10000x16xf32, #tpu.memory_space<hbm>> -> memref<10000x16xf32, #tpu.memory_space<hbm>>
      %dma_wait3A_873 = tpu.memref_slice %arg10[%dma_wait3A_862] : memref<10x!tpu.dma_semaphore, #tpu.memory_space<semaphore_mem>> -> memref<1x!tpu.dma_semaphore, #tpu.memory_space<semaphore_mem>>
      %dma_wait3A_874 = tpu.memref_squeeze %dma_wait3A_873 : memref<1x!tpu.dma_semaphore, #tpu.memory_space<semaphore_mem>> -> memref<!tpu.dma_semaphore, #tpu.memory_space<semaphore_mem>>
      tpu.wait_indirect_dma semaphore(%dma_wait3A_874 : memref<!tpu.dma_semaphore, #tpu.memory_space<semaphore_mem>>) src(%dma_wait3A_872 : memref<10000x16xf32, #tpu.memory_space<hbm>>) dst(%dma_wait3A_866 : memref<125x16xf32, #tpu.memory_space<vmem>>)
      %add3A_875 = arith.constant 0 : i32
      %add3A_876 = arith.addi %add3A_622, %add3A_875 : i32
      %add3A_877 = arith.constant 4 : i32
      %add3A_878 = arith.addi %add3A_876, %add3A_877 : i32
      %dma_start3A_879 = arith.constant 4 : i32
      %dma_start3A_880 = arith.constant 4 : i32
      %dma_start3A_881 = arith.constant 0 : i32
      %dma_start3A_882 = arith.constant 0 : i32
      %dma_start3A_883 = tpu.memref_slice %arg8[%dma_start3A_879, %dma_start3A_881, %dma_start3A_882] : memref<10x125x16xf32, #tpu.memory_space<vmem>> -> memref<1x125x16xf32, #tpu.memory_space<vmem>>
      %dma_start3A_884 = tpu.memref_squeeze %dma_start3A_883 : memref<1x125x16xf32, #tpu.memory_space<vmem>> -> memref<125x16xf32, #tpu.memory_space<vmem>>
      %dma_start3A_885 = arith.constant 0 : i32
      %dma_start3A_886 = tpu.memref_slice %arg7[%add3A_878, %dma_start3A_885] : memref<80x125xi32, #tpu.memory_space<vmem>> -> memref<1x125xi32, #tpu.memory_space<vmem>>
      %dma_start3A_887 = tpu.memref_squeeze %dma_start3A_886 : memref<1x125xi32, #tpu.memory_space<vmem>> -> memref<125xi32, #tpu.memory_space<vmem>>
      %dma_start3A_888 = arith.constant 0 : i32
      %dma_start3A_889 = arith.constant 0 : i32
      %dma_start3A_890 = tpu.memref_slice %arg9[%dma_start3A_888, %dma_start3A_889] : memref<10000x16xf32, #tpu.memory_space<vmem_shared>> -> memref<10000x16xf32, #tpu.memory_space<vmem_shared>>
      %dma_start3A_891 = tpu.memref_slice %arg11[%dma_start3A_880] : memref<10x!tpu.dma_semaphore, #tpu.memory_space<semaphore_mem>> -> memref<1x!tpu.dma_semaphore, #tpu.memory_space<semaphore_mem>>
      %dma_start3A_892 = tpu.memref_squeeze %dma_start3A_891 : memref<1x!tpu.dma_semaphore, #tpu.memory_space<semaphore_mem>> -> memref<!tpu.dma_semaphore, #tpu.memory_space<semaphore_mem>>
      tpu.enqueue_indirect_dma source(%dma_start3A_884 : memref<125x16xf32, #tpu.memory_space<vmem>>) target(%dma_start3A_890 : memref<10000x16xf32, #tpu.memory_space<vmem_shared>>) offsets(%dma_start3A_887 : memref<125xi32, #tpu.memory_space<vmem>>) semaphore(%dma_start3A_892 : memref<!tpu.dma_semaphore, #tpu.memory_space<semaphore_mem>>) {add = true}
      %add3A_893 = arith.constant 0 : i32
      %add3A_894 = arith.addi %add3A_622, %add3A_893 : i32
      %add3A_895 = arith.constant 0 : i32
      %add3A_896 = arith.addi %add3A_894, %add3A_895 : i32
      %dma_wait3A_897 = arith.constant 0 : i32
      %dma_wait3A_898 = arith.constant 0 : i32
      %dma_wait3A_899 = arith.constant 0 : i32
      %dma_wait3A_900 = arith.constant 0 : i32
      %dma_wait3A_901 = tpu.memref_slice %arg8[%dma_wait3A_897, %dma_wait3A_899, %dma_wait3A_900] : memref<10x125x16xf32, #tpu.memory_space<vmem>> -> memref<1x125x16xf32, #tpu.memory_space<vmem>>
      %dma_wait3A_902 = tpu.memref_squeeze %dma_wait3A_901 : memref<1x125x16xf32, #tpu.memory_space<vmem>> -> memref<125x16xf32, #tpu.memory_space<vmem>>
      %dma_wait3A_903 = arith.constant 0 : i32
      %dma_wait3A_904 = tpu.memref_slice %arg7[%add3A_896, %dma_wait3A_903] : memref<80x125xi32, #tpu.memory_space<vmem>> -> memref<1x125xi32, #tpu.memory_space<vmem>>
      %dma_wait3A_905 = tpu.memref_squeeze %dma_wait3A_904 : memref<1x125xi32, #tpu.memory_space<vmem>> -> memref<125xi32, #tpu.memory_space<vmem>>
      %dma_wait3A_906 = arith.constant 0 : i32
      %dma_wait3A_907 = arith.constant 0 : i32
      %dma_wait3A_908 = tpu.memref_slice %arg9[%dma_wait3A_906, %dma_wait3A_907] : memref<10000x16xf32, #tpu.memory_space<vmem_shared>> -> memref<10000x16xf32, #tpu.memory_space<vmem_shared>>
      %dma_wait3A_909 = tpu.memref_slice %arg11[%dma_wait3A_898] : memref<10x!tpu.dma_semaphore, #tpu.memory_space<semaphore_mem>> -> memref<1x!tpu.dma_semaphore, #tpu.memory_space<semaphore_mem>>
      %dma_wait3A_910 = tpu.memref_squeeze %dma_wait3A_909 : memref<1x!tpu.dma_semaphore, #tpu.memory_space<semaphore_mem>> -> memref<!tpu.dma_semaphore, #tpu.memory_space<semaphore_mem>>
      tpu.wait_indirect_dma semaphore(%dma_wait3A_910 : memref<!tpu.dma_semaphore, #tpu.memory_space<semaphore_mem>>) src(%dma_wait3A_902 : memref<125x16xf32, #tpu.memory_space<vmem>>) dst(%dma_wait3A_908 : memref<10000x16xf32, #tpu.memory_space<vmem_shared>>)
      %add3A_911 = arith.constant 0 : i32
      %add3A_912 = arith.addi %add3A_622, %add3A_911 : i32
      %add3A_913 = arith.constant 1 : i32
      %add3A_914 = arith.addi %add3A_912, %add3A_913 : i32
      %dma_wait3A_915 = arith.constant 1 : i32
      %dma_wait3A_916 = arith.constant 1 : i32
      %dma_wait3A_917 = arith.constant 0 : i32
      %dma_wait3A_918 = arith.constant 0 : i32
      %dma_wait3A_919 = tpu.memref_slice %arg8[%dma_wait3A_915, %dma_wait3A_917, %dma_wait3A_918] : memref<10x125x16xf32, #tpu.memory_space<vmem>> -> memref<1x125x16xf32, #tpu.memory_space<vmem>>
      %dma_wait3A_920 = tpu.memref_squeeze %dma_wait3A_919 : memref<1x125x16xf32, #tpu.memory_space<vmem>> -> memref<125x16xf32, #tpu.memory_space<vmem>>
      %dma_wait3A_921 = arith.constant 0 : i32
      %dma_wait3A_922 = tpu.memref_slice %arg7[%add3A_914, %dma_wait3A_921] : memref<80x125xi32, #tpu.memory_space<vmem>> -> memref<1x125xi32, #tpu.memory_space<vmem>>
      %dma_wait3A_923 = tpu.memref_squeeze %dma_wait3A_922 : memref<1x125xi32, #tpu.memory_space<vmem>> -> memref<125xi32, #tpu.memory_space<vmem>>
      %dma_wait3A_924 = arith.constant 0 : i32
      %dma_wait3A_925 = arith.constant 0 : i32
      %dma_wait3A_926 = tpu.memref_slice %arg9[%dma_wait3A_924, %dma_wait3A_925] : memref<10000x16xf32, #tpu.memory_space<vmem_shared>> -> memref<10000x16xf32, #tpu.memory_space<vmem_shared>>
      %dma_wait3A_927 = tpu.memref_slice %arg11[%dma_wait3A_916] : memref<10x!tpu.dma_semaphore, #tpu.memory_space<semaphore_mem>> -> memref<1x!tpu.dma_semaphore, #tpu.memory_space<semaphore_mem>>
      %dma_wait3A_928 = tpu.memref_squeeze %dma_wait3A_927 : memref<1x!tpu.dma_semaphore, #tpu.memory_space<semaphore_mem>> -> memref<!tpu.dma_semaphore, #tpu.memory_space<semaphore_mem>>
      tpu.wait_indirect_dma semaphore(%dma_wait3A_928 : memref<!tpu.dma_semaphore, #tpu.memory_space<semaphore_mem>>) src(%dma_wait3A_920 : memref<125x16xf32, #tpu.memory_space<vmem>>) dst(%dma_wait3A_926 : memref<10000x16xf32, #tpu.memory_space<vmem_shared>>)
      %add3A_929 = arith.constant 0 : i32
      %add3A_930 = arith.addi %add3A_622, %add3A_929 : i32
      %add3A_931 = arith.constant 2 : i32
      %add3A_932 = arith.addi %add3A_930, %add3A_931 : i32
      %dma_wait3A_933 = arith.constant 2 : i32
      %dma_wait3A_934 = arith.constant 2 : i32
      %dma_wait3A_935 = arith.constant 0 : i32
      %dma_wait3A_936 = arith.constant 0 : i32
      %dma_wait3A_937 = tpu.memref_slice %arg8[%dma_wait3A_933, %dma_wait3A_935, %dma_wait3A_936] : memref<10x125x16xf32, #tpu.memory_space<vmem>> -> memref<1x125x16xf32, #tpu.memory_space<vmem>>
      %dma_wait3A_938 = tpu.memref_squeeze %dma_wait3A_937 : memref<1x125x16xf32, #tpu.memory_space<vmem>> -> memref<125x16xf32, #tpu.memory_space<vmem>>
      %dma_wait3A_939 = arith.constant 0 : i32
      %dma_wait3A_940 = tpu.memref_slice %arg7[%add3A_932, %dma_wait3A_939] : memref<80x125xi32, #tpu.memory_space<vmem>> -> memref<1x125xi32, #tpu.memory_space<vmem>>
      %dma_wait3A_941 = tpu.memref_squeeze %dma_wait3A_940 : memref<1x125xi32, #tpu.memory_space<vmem>> -> memref<125xi32, #tpu.memory_space<vmem>>
      %dma_wait3A_942 = arith.constant 0 : i32
      %dma_wait3A_943 = arith.constant 0 : i32
      %dma_wait3A_944 = tpu.memref_slice %arg9[%dma_wait3A_942, %dma_wait3A_943] : memref<10000x16xf32, #tpu.memory_space<vmem_shared>> -> memref<10000x16xf32, #tpu.memory_space<vmem_shared>>
      %dma_wait3A_945 = tpu.memref_slice %arg11[%dma_wait3A_934] : memref<10x!tpu.dma_semaphore, #tpu.memory_space<semaphore_mem>> -> memref<1x!tpu.dma_semaphore, #tpu.memory_space<semaphore_mem>>
      %dma_wait3A_946 = tpu.memref_squeeze %dma_wait3A_945 : memref<1x!tpu.dma_semaphore, #tpu.memory_space<semaphore_mem>> -> memref<!tpu.dma_semaphore, #tpu.memory_space<semaphore_mem>>
      tpu.wait_indirect_dma semaphore(%dma_wait3A_946 : memref<!tpu.dma_semaphore, #tpu.memory_space<semaphore_mem>>) src(%dma_wait3A_938 : memref<125x16xf32, #tpu.memory_space<vmem>>) dst(%dma_wait3A_944 : memref<10000x16xf32, #tpu.memory_space<vmem_shared>>)
      %add3A_947 = arith.constant 0 : i32
      %add3A_948 = arith.addi %add3A_622, %add3A_947 : i32
      %add3A_949 = arith.constant 3 : i32
      %add3A_950 = arith.addi %add3A_948, %add3A_949 : i32
      %dma_wait3A_951 = arith.constant 3 : i32
      %dma_wait3A_952 = arith.constant 3 : i32
      %dma_wait3A_953 = arith.constant 0 : i32
      %dma_wait3A_954 = arith.constant 0 : i32
      %dma_wait3A_955 = tpu.memref_slice %arg8[%dma_wait3A_951, %dma_wait3A_953, %dma_wait3A_954] : memref<10x125x16xf32, #tpu.memory_space<vmem>> -> memref<1x125x16xf32, #tpu.memory_space<vmem>>
      %dma_wait3A_956 = tpu.memref_squeeze %dma_wait3A_955 : memref<1x125x16xf32, #tpu.memory_space<vmem>> -> memref<125x16xf32, #tpu.memory_space<vmem>>
      %dma_wait3A_957 = arith.constant 0 : i32
      %dma_wait3A_958 = tpu.memref_slice %arg7[%add3A_950, %dma_wait3A_957] : memref<80x125xi32, #tpu.memory_space<vmem>> -> memref<1x125xi32, #tpu.memory_space<vmem>>
      %dma_wait3A_959 = tpu.memref_squeeze %dma_wait3A_958 : memref<1x125xi32, #tpu.memory_space<vmem>> -> memref<125xi32, #tpu.memory_space<vmem>>
      %dma_wait3A_960 = arith.constant 0 : i32
      %dma_wait3A_961 = arith.constant 0 : i32
      %dma_wait3A_962 = tpu.memref_slice %arg9[%dma_wait3A_960, %dma_wait3A_961] : memref<10000x16xf32, #tpu.memory_space<vmem_shared>> -> memref<10000x16xf32, #tpu.memory_space<vmem_shared>>
      %dma_wait3A_963 = tpu.memref_slice %arg11[%dma_wait3A_952] : memref<10x!tpu.dma_semaphore, #tpu.memory_space<semaphore_mem>> -> memref<1x!tpu.dma_semaphore, #tpu.memory_space<semaphore_mem>>
      %dma_wait3A_964 = tpu.memref_squeeze %dma_wait3A_963 : memref<1x!tpu.dma_semaphore, #tpu.memory_space<semaphore_mem>> -> memref<!tpu.dma_semaphore, #tpu.memory_space<semaphore_mem>>
      tpu.wait_indirect_dma semaphore(%dma_wait3A_964 : memref<!tpu.dma_semaphore, #tpu.memory_space<semaphore_mem>>) src(%dma_wait3A_956 : memref<125x16xf32, #tpu.memory_space<vmem>>) dst(%dma_wait3A_962 : memref<10000x16xf32, #tpu.memory_space<vmem_shared>>)
      %add3A_965 = arith.constant 0 : i32
      %add3A_966 = arith.addi %add3A_622, %add3A_965 : i32
      %add3A_967 = arith.constant 4 : i32
      %add3A_968 = arith.addi %add3A_966, %add3A_967 : i32
      %dma_wait3A_969 = arith.constant 4 : i32
      %dma_wait3A_970 = arith.constant 4 : i32
      %dma_wait3A_971 = arith.constant 0 : i32
      %dma_wait3A_972 = arith.constant 0 : i32
      %dma_wait3A_973 = tpu.memref_slice %arg8[%dma_wait3A_969, %dma_wait3A_971, %dma_wait3A_972] : memref<10x125x16xf32, #tpu.memory_space<vmem>> -> memref<1x125x16xf32, #tpu.memory_space<vmem>>
      %dma_wait3A_974 = tpu.memref_squeeze %dma_wait3A_973 : memref<1x125x16xf32, #tpu.memory_space<vmem>> -> memref<125x16xf32, #tpu.memory_space<vmem>>
      %dma_wait3A_975 = arith.constant 0 : i32
      %dma_wait3A_976 = tpu.memref_slice %arg7[%add3A_968, %dma_wait3A_975] : memref<80x125xi32, #tpu.memory_space<vmem>> -> memref<1x125xi32, #tpu.memory_space<vmem>>
      %dma_wait3A_977 = tpu.memref_squeeze %dma_wait3A_976 : memref<1x125xi32, #tpu.memory_space<vmem>> -> memref<125xi32, #tpu.memory_space<vmem>>
      %dma_wait3A_978 = arith.constant 0 : i32
      %dma_wait3A_979 = arith.constant 0 : i32
      %dma_wait3A_980 = tpu.memref_slice %arg9[%dma_wait3A_978, %dma_wait3A_979] : memref<10000x16xf32, #tpu.memory_space<vmem_shared>> -> memref<10000x16xf32, #tpu.memory_space<vmem_shared>>
      %dma_wait3A_981 = tpu.memref_slice %arg11[%dma_wait3A_970] : memref<10x!tpu.dma_semaphore, #tpu.memory_space<semaphore_mem>> -> memref<1x!tpu.dma_semaphore, #tpu.memory_space<semaphore_mem>>
      %dma_wait3A_982 = tpu.memref_squeeze %dma_wait3A_981 : memref<1x!tpu.dma_semaphore, #tpu.memory_space<semaphore_mem>> -> memref<!tpu.dma_semaphore, #tpu.memory_space<semaphore_mem>>
      tpu.wait_indirect_dma semaphore(%dma_wait3A_982 : memref<!tpu.dma_semaphore, #tpu.memory_space<semaphore_mem>>) src(%dma_wait3A_974 : memref<125x16xf32, #tpu.memory_space<vmem>>) dst(%dma_wait3A_980 : memref<10000x16xf32, #tpu.memory_space<vmem_shared>>)
      %add3A_983 = arith.constant 10 : i32
      %add3A_984 = arith.addi %add3A_622, %add3A_983 : i32
      %add3A_985 = arith.constant 0 : i32
      %add3A_986 = arith.addi %add3A_984, %add3A_985 : i32
      %dma_start3A_987 = arith.constant 0 : i32
      %dma_start3A_988 = arith.constant 0 : i32
      %dma_start3A_989 = arith.constant 0 : i32
      %dma_start3A_990 = arith.constant 0 : i32
      %dma_start3A_991 = tpu.memref_slice %arg8[%dma_start3A_987, %dma_start3A_989, %dma_start3A_990] : memref<10x125x16xf32, #tpu.memory_space<vmem>> -> memref<1x125x16xf32, #tpu.memory_space<vmem>>
      %dma_start3A_992 = tpu.memref_squeeze %dma_start3A_991 : memref<1x125x16xf32, #tpu.memory_space<vmem>> -> memref<125x16xf32, #tpu.memory_space<vmem>>
      %dma_start3A_993 = arith.constant 0 : i32
      %dma_start3A_994 = tpu.memref_slice %arg6[%add3A_986, %dma_start3A_993] : memref<80x125xi32, #tpu.memory_space<vmem>> -> memref<1x125xi32, #tpu.memory_space<vmem>>
      %dma_start3A_995 = tpu.memref_squeeze %dma_start3A_994 : memref<1x125xi32, #tpu.memory_space<vmem>> -> memref<125xi32, #tpu.memory_space<vmem>>
      %dma_start3A_996 = arith.constant 0 : i32
      %dma_start3A_997 = arith.constant 0 : i32
      %dma_start3A_998 = tpu.memref_slice %arg2[%dma_start3A_996, %dma_start3A_997] : memref<10000x16xf32, #tpu.memory_space<hbm>> -> memref<10000x16xf32, #tpu.memory_space<hbm>>
      %dma_start3A_999 = tpu.memref_slice %arg10[%dma_start3A_988] : memref<10x!tpu.dma_semaphore, #tpu.memory_space<semaphore_mem>> -> memref<1x!tpu.dma_semaphore, #tpu.memory_space<semaphore_mem>>
      %dma_start3A_1000 = tpu.memref_squeeze %dma_start3A_999 : memref<1x!tpu.dma_semaphore, #tpu.memory_space<semaphore_mem>> -> memref<!tpu.dma_semaphore, #tpu.memory_space<semaphore_mem>>
      tpu.enqueue_indirect_dma source(%dma_start3A_998 : memref<10000x16xf32, #tpu.memory_space<hbm>>) target(%dma_start3A_992 : memref<125x16xf32, #tpu.memory_space<vmem>>) offsets(%dma_start3A_995 : memref<125xi32, #tpu.memory_space<vmem>>) semaphore(%dma_start3A_1000 : memref<!tpu.dma_semaphore, #tpu.memory_space<semaphore_mem>>)
      %add3A_1001 = arith.constant 10 : i32
      %add3A_1002 = arith.addi %add3A_622, %add3A_1001 : i32
      %add3A_1003 = arith.constant 1 : i32
      %add3A_1004 = arith.addi %add3A_1002, %add3A_1003 : i32
      %dma_start3A_1005 = arith.constant 1 : i32
      %dma_start3A_1006 = arith.constant 1 : i32
      %dma_start3A_1007 = arith.constant 0 : i32
      %dma_start3A_1008 = arith.constant 0 : i32
      %dma_start3A_1009 = tpu.memref_slice %arg8[%dma_start3A_1005, %dma_start3A_1007, %dma_start3A_1008] : memref<10x125x16xf32, #tpu.memory_space<vmem>> -> memref<1x125x16xf32, #tpu.memory_space<vmem>>
      %dma_start3A_1010 = tpu.memref_squeeze %dma_start3A_1009 : memref<1x125x16xf32, #tpu.memory_space<vmem>> -> memref<125x16xf32, #tpu.memory_space<vmem>>
      %dma_start3A_1011 = arith.constant 0 : i32
      %dma_start3A_1012 = tpu.memref_slice %arg6[%add3A_1004, %dma_start3A_1011] : memref<80x125xi32, #tpu.memory_space<vmem>> -> memref<1x125xi32, #tpu.memory_space<vmem>>
      %dma_start3A_1013 = tpu.memref_squeeze %dma_start3A_1012 : memref<1x125xi32, #tpu.memory_space<vmem>> -> memref<125xi32, #tpu.memory_space<vmem>>
      %dma_start3A_1014 = arith.constant 0 : i32
      %dma_start3A_1015 = arith.constant 0 : i32
      %dma_start3A_1016 = tpu.memref_slice %arg2[%dma_start3A_1014, %dma_start3A_1015] : memref<10000x16xf32, #tpu.memory_space<hbm>> -> memref<10000x16xf32, #tpu.memory_space<hbm>>
      %dma_start3A_1017 = tpu.memref_slice %arg10[%dma_start3A_1006] : memref<10x!tpu.dma_semaphore, #tpu.memory_space<semaphore_mem>> -> memref<1x!tpu.dma_semaphore, #tpu.memory_space<semaphore_mem>>
      %dma_start3A_1018 = tpu.memref_squeeze %dma_start3A_1017 : memref<1x!tpu.dma_semaphore, #tpu.memory_space<semaphore_mem>> -> memref<!tpu.dma_semaphore, #tpu.memory_space<semaphore_mem>>
      tpu.enqueue_indirect_dma source(%dma_start3A_1016 : memref<10000x16xf32, #tpu.memory_space<hbm>>) target(%dma_start3A_1010 : memref<125x16xf32, #tpu.memory_space<vmem>>) offsets(%dma_start3A_1013 : memref<125xi32, #tpu.memory_space<vmem>>) semaphore(%dma_start3A_1018 : memref<!tpu.dma_semaphore, #tpu.memory_space<semaphore_mem>>)
      %add3A_1019 = arith.constant 10 : i32
      %add3A_1020 = arith.addi %add3A_622, %add3A_1019 : i32
      %add3A_1021 = arith.constant 2 : i32
      %add3A_1022 = arith.addi %add3A_1020, %add3A_1021 : i32
      %dma_start3A_1023 = arith.constant 2 : i32
      %dma_start3A_1024 = arith.constant 2 : i32
      %dma_start3A_1025 = arith.constant 0 : i32
      %dma_start3A_1026 = arith.constant 0 : i32
      %dma_start3A_1027 = tpu.memref_slice %arg8[%dma_start3A_1023, %dma_start3A_1025, %dma_start3A_1026] : memref<10x125x16xf32, #tpu.memory_space<vmem>> -> memref<1x125x16xf32, #tpu.memory_space<vmem>>
      %dma_start3A_1028 = tpu.memref_squeeze %dma_start3A_1027 : memref<1x125x16xf32, #tpu.memory_space<vmem>> -> memref<125x16xf32, #tpu.memory_space<vmem>>
      %dma_start3A_1029 = arith.constant 0 : i32
      %dma_start3A_1030 = tpu.memref_slice %arg6[%add3A_1022, %dma_start3A_1029] : memref<80x125xi32, #tpu.memory_space<vmem>> -> memref<1x125xi32, #tpu.memory_space<vmem>>
      %dma_start3A_1031 = tpu.memref_squeeze %dma_start3A_1030 : memref<1x125xi32, #tpu.memory_space<vmem>> -> memref<125xi32, #tpu.memory_space<vmem>>
      %dma_start3A_1032 = arith.constant 0 : i32
      %dma_start3A_1033 = arith.constant 0 : i32
      %dma_start3A_1034 = tpu.memref_slice %arg2[%dma_start3A_1032, %dma_start3A_1033] : memref<10000x16xf32, #tpu.memory_space<hbm>> -> memref<10000x16xf32, #tpu.memory_space<hbm>>
      %dma_start3A_1035 = tpu.memref_slice %arg10[%dma_start3A_1024] : memref<10x!tpu.dma_semaphore, #tpu.memory_space<semaphore_mem>> -> memref<1x!tpu.dma_semaphore, #tpu.memory_space<semaphore_mem>>
      %dma_start3A_1036 = tpu.memref_squeeze %dma_start3A_1035 : memref<1x!tpu.dma_semaphore, #tpu.memory_space<semaphore_mem>> -> memref<!tpu.dma_semaphore, #tpu.memory_space<semaphore_mem>>
      tpu.enqueue_indirect_dma source(%dma_start3A_1034 : memref<10000x16xf32, #tpu.memory_space<hbm>>) target(%dma_start3A_1028 : memref<125x16xf32, #tpu.memory_space<vmem>>) offsets(%dma_start3A_1031 : memref<125xi32, #tpu.memory_space<vmem>>) semaphore(%dma_start3A_1036 : memref<!tpu.dma_semaphore, #tpu.memory_space<semaphore_mem>>)
      %add3A_1037 = arith.constant 10 : i32
      %add3A_1038 = arith.addi %add3A_622, %add3A_1037 : i32
      %add3A_1039 = arith.constant 3 : i32
      %add3A_1040 = arith.addi %add3A_1038, %add3A_1039 : i32
      %dma_start3A_1041 = arith.constant 3 : i32
      %dma_start3A_1042 = arith.constant 3 : i32
      %dma_start3A_1043 = arith.constant 0 : i32
      %dma_start3A_1044 = arith.constant 0 : i32
      %dma_start3A_1045 = tpu.memref_slice %arg8[%dma_start3A_1041, %dma_start3A_1043, %dma_start3A_1044] : memref<10x125x16xf32, #tpu.memory_space<vmem>> -> memref<1x125x16xf32, #tpu.memory_space<vmem>>
      %dma_start3A_1046 = tpu.memref_squeeze %dma_start3A_1045 : memref<1x125x16xf32, #tpu.memory_space<vmem>> -> memref<125x16xf32, #tpu.memory_space<vmem>>
      %dma_start3A_1047 = arith.constant 0 : i32
      %dma_start3A_1048 = tpu.memref_slice %arg6[%add3A_1040, %dma_start3A_1047] : memref<80x125xi32, #tpu.memory_space<vmem>> -> memref<1x125xi32, #tpu.memory_space<vmem>>
      %dma_start3A_1049 = tpu.memref_squeeze %dma_start3A_1048 : memref<1x125xi32, #tpu.memory_space<vmem>> -> memref<125xi32, #tpu.memory_space<vmem>>
      %dma_start3A_1050 = arith.constant 0 : i32
      %dma_start3A_1051 = arith.constant 0 : i32
      %dma_start3A_1052 = tpu.memref_slice %arg2[%dma_start3A_1050, %dma_start3A_1051] : memref<10000x16xf32, #tpu.memory_space<hbm>> -> memref<10000x16xf32, #tpu.memory_space<hbm>>
      %dma_start3A_1053 = tpu.memref_slice %arg10[%dma_start3A_1042] : memref<10x!tpu.dma_semaphore, #tpu.memory_space<semaphore_mem>> -> memref<1x!tpu.dma_semaphore, #tpu.memory_space<semaphore_mem>>
      %dma_start3A_1054 = tpu.memref_squeeze %dma_start3A_1053 : memref<1x!tpu.dma_semaphore, #tpu.memory_space<semaphore_mem>> -> memref<!tpu.dma_semaphore, #tpu.memory_space<semaphore_mem>>
      tpu.enqueue_indirect_dma source(%dma_start3A_1052 : memref<10000x16xf32, #tpu.memory_space<hbm>>) target(%dma_start3A_1046 : memref<125x16xf32, #tpu.memory_space<vmem>>) offsets(%dma_start3A_1049 : memref<125xi32, #tpu.memory_space<vmem>>) semaphore(%dma_start3A_1054 : memref<!tpu.dma_semaphore, #tpu.memory_space<semaphore_mem>>)
      %add3A_1055 = arith.constant 10 : i32
      %add3A_1056 = arith.addi %add3A_622, %add3A_1055 : i32
      %add3A_1057 = arith.constant 4 : i32
      %add3A_1058 = arith.addi %add3A_1056, %add3A_1057 : i32
      %dma_start3A_1059 = arith.constant 4 : i32
      %dma_start3A_1060 = arith.constant 4 : i32
      %dma_start3A_1061 = arith.constant 0 : i32
      %dma_start3A_1062 = arith.constant 0 : i32
      %dma_start3A_1063 = tpu.memref_slice %arg8[%dma_start3A_1059, %dma_start3A_1061, %dma_start3A_1062] : memref<10x125x16xf32, #tpu.memory_space<vmem>> -> memref<1x125x16xf32, #tpu.memory_space<vmem>>
      %dma_start3A_1064 = tpu.memref_squeeze %dma_start3A_1063 : memref<1x125x16xf32, #tpu.memory_space<vmem>> -> memref<125x16xf32, #tpu.memory_space<vmem>>
      %dma_start3A_1065 = arith.constant 0 : i32
      %dma_start3A_1066 = tpu.memref_slice %arg6[%add3A_1058, %dma_start3A_1065] : memref<80x125xi32, #tpu.memory_space<vmem>> -> memref<1x125xi32, #tpu.memory_space<vmem>>
      %dma_start3A_1067 = tpu.memref_squeeze %dma_start3A_1066 : memref<1x125xi32, #tpu.memory_space<vmem>> -> memref<125xi32, #tpu.memory_space<vmem>>
      %dma_start3A_1068 = arith.constant 0 : i32
      %dma_start3A_1069 = arith.constant 0 : i32
      %dma_start3A_1070 = tpu.memref_slice %arg2[%dma_start3A_1068, %dma_start3A_1069] : memref<10000x16xf32, #tpu.memory_space<hbm>> -> memref<10000x16xf32, #tpu.memory_space<hbm>>
      %dma_start3A_1071 = tpu.memref_slice %arg10[%dma_start3A_1060] : memref<10x!tpu.dma_semaphore, #tpu.memory_space<semaphore_mem>> -> memref<1x!tpu.dma_semaphore, #tpu.memory_space<semaphore_mem>>
      %dma_start3A_1072 = tpu.memref_squeeze %dma_start3A_1071 : memref<1x!tpu.dma_semaphore, #tpu.memory_space<semaphore_mem>> -> memref<!tpu.dma_semaphore, #tpu.memory_space<semaphore_mem>>
      tpu.enqueue_indirect_dma source(%dma_start3A_1070 : memref<10000x16xf32, #tpu.memory_space<hbm>>) target(%dma_start3A_1064 : memref<125x16xf32, #tpu.memory_space<vmem>>) offsets(%dma_start3A_1067 : memref<125xi32, #tpu.memory_space<vmem>>) semaphore(%dma_start3A_1072 : memref<!tpu.dma_semaphore, #tpu.memory_space<semaphore_mem>>)
      %add3A_1073 = arith.constant 5 : i32
      %add3A_1074 = arith.addi %add3A_622, %add3A_1073 : i32
      %add3A_1075 = arith.constant 0 : i32
      %add3A_1076 = arith.addi %add3A_1074, %add3A_1075 : i32
      %dma_wait3A_1077 = arith.constant 5 : i32
      %dma_wait3A_1078 = arith.constant 5 : i32
      %dma_wait3A_1079 = arith.constant 0 : i32
      %dma_wait3A_1080 = arith.constant 0 : i32
      %dma_wait3A_1081 = tpu.memref_slice %arg8[%dma_wait3A_1077, %dma_wait3A_1079, %dma_wait3A_1080] : memref<10x125x16xf32, #tpu.memory_space<vmem>> -> memref<1x125x16xf32, #tpu.memory_space<vmem>>
      %dma_wait3A_1082 = tpu.memref_squeeze %dma_wait3A_1081 : memref<1x125x16xf32, #tpu.memory_space<vmem>> -> memref<125x16xf32, #tpu.memory_space<vmem>>
      %dma_wait3A_1083 = arith.constant 0 : i32
      %dma_wait3A_1084 = tpu.memref_slice %arg6[%add3A_1076, %dma_wait3A_1083] : memref<80x125xi32, #tpu.memory_space<vmem>> -> memref<1x125xi32, #tpu.memory_space<vmem>>
      %dma_wait3A_1085 = tpu.memref_squeeze %dma_wait3A_1084 : memref<1x125xi32, #tpu.memory_space<vmem>> -> memref<125xi32, #tpu.memory_space<vmem>>
      %dma_wait3A_1086 = arith.constant 0 : i32
      %dma_wait3A_1087 = arith.constant 0 : i32
      %dma_wait3A_1088 = tpu.memref_slice %arg2[%dma_wait3A_1086, %dma_wait3A_1087] : memref<10000x16xf32, #tpu.memory_space<hbm>> -> memref<10000x16xf32, #tpu.memory_space<hbm>>
      %dma_wait3A_1089 = tpu.memref_slice %arg10[%dma_wait3A_1078] : memref<10x!tpu.dma_semaphore, #tpu.memory_space<semaphore_mem>> -> memref<1x!tpu.dma_semaphore, #tpu.memory_space<semaphore_mem>>
      %dma_wait3A_1090 = tpu.memref_squeeze %dma_wait3A_1089 : memref<1x!tpu.dma_semaphore, #tpu.memory_space<semaphore_mem>> -> memref<!tpu.dma_semaphore, #tpu.memory_space<semaphore_mem>>
      tpu.wait_indirect_dma semaphore(%dma_wait3A_1090 : memref<!tpu.dma_semaphore, #tpu.memory_space<semaphore_mem>>) src(%dma_wait3A_1088 : memref<10000x16xf32, #tpu.memory_space<hbm>>) dst(%dma_wait3A_1082 : memref<125x16xf32, #tpu.memory_space<vmem>>)
      %add3A_1091 = arith.constant 5 : i32
      %add3A_1092 = arith.addi %add3A_622, %add3A_1091 : i32
      %add3A_1093 = arith.constant 0 : i32
      %add3A_1094 = arith.addi %add3A_1092, %add3A_1093 : i32
      %dma_start3A_1095 = arith.constant 5 : i32
      %dma_start3A_1096 = arith.constant 5 : i32
      %dma_start3A_1097 = arith.constant 0 : i32
      %dma_start3A_1098 = arith.constant 0 : i32
      %dma_start3A_1099 = tpu.memref_slice %arg8[%dma_start3A_1095, %dma_start3A_1097, %dma_start3A_1098] : memref<10x125x16xf32, #tpu.memory_space<vmem>> -> memref<1x125x16xf32, #tpu.memory_space<vmem>>
      %dma_start3A_1100 = tpu.memref_squeeze %dma_start3A_1099 : memref<1x125x16xf32, #tpu.memory_space<vmem>> -> memref<125x16xf32, #tpu.memory_space<vmem>>
      %dma_start3A_1101 = arith.constant 0 : i32
      %dma_start3A_1102 = tpu.memref_slice %arg7[%add3A_1094, %dma_start3A_1101] : memref<80x125xi32, #tpu.memory_space<vmem>> -> memref<1x125xi32, #tpu.memory_space<vmem>>
      %dma_start3A_1103 = tpu.memref_squeeze %dma_start3A_1102 : memref<1x125xi32, #tpu.memory_space<vmem>> -> memref<125xi32, #tpu.memory_space<vmem>>
      %dma_start3A_1104 = arith.constant 0 : i32
      %dma_start3A_1105 = arith.constant 0 : i32
      %dma_start3A_1106 = tpu.memref_slice %arg9[%dma_start3A_1104, %dma_start3A_1105] : memref<10000x16xf32, #tpu.memory_space<vmem_shared>> -> memref<10000x16xf32, #tpu.memory_space<vmem_shared>>
      %dma_start3A_1107 = tpu.memref_slice %arg11[%dma_start3A_1096] : memref<10x!tpu.dma_semaphore, #tpu.memory_space<semaphore_mem>> -> memref<1x!tpu.dma_semaphore, #tpu.memory_space<semaphore_mem>>
      %dma_start3A_1108 = tpu.memref_squeeze %dma_start3A_1107 : memref<1x!tpu.dma_semaphore, #tpu.memory_space<semaphore_mem>> -> memref<!tpu.dma_semaphore, #tpu.memory_space<semaphore_mem>>
      tpu.enqueue_indirect_dma source(%dma_start3A_1100 : memref<125x16xf32, #tpu.memory_space<vmem>>) target(%dma_start3A_1106 : memref<10000x16xf32, #tpu.memory_space<vmem_shared>>) offsets(%dma_start3A_1103 : memref<125xi32, #tpu.memory_space<vmem>>) semaphore(%dma_start3A_1108 : memref<!tpu.dma_semaphore, #tpu.memory_space<semaphore_mem>>) {add = true}
      %add3A_1109 = arith.constant 5 : i32
      %add3A_1110 = arith.addi %add3A_622, %add3A_1109 : i32
      %add3A_1111 = arith.constant 1 : i32
      %add3A_1112 = arith.addi %add3A_1110, %add3A_1111 : i32
      %dma_wait3A_1113 = arith.constant 6 : i32
      %dma_wait3A_1114 = arith.constant 6 : i32
      %dma_wait3A_1115 = arith.constant 0 : i32
      %dma_wait3A_1116 = arith.constant 0 : i32
      %dma_wait3A_1117 = tpu.memref_slice %arg8[%dma_wait3A_1113, %dma_wait3A_1115, %dma_wait3A_1116] : memref<10x125x16xf32, #tpu.memory_space<vmem>> -> memref<1x125x16xf32, #tpu.memory_space<vmem>>
      %dma_wait3A_1118 = tpu.memref_squeeze %dma_wait3A_1117 : memref<1x125x16xf32, #tpu.memory_space<vmem>> -> memref<125x16xf32, #tpu.memory_space<vmem>>
      %dma_wait3A_1119 = arith.constant 0 : i32
      %dma_wait3A_1120 = tpu.memref_slice %arg6[%add3A_1112, %dma_wait3A_1119] : memref<80x125xi32, #tpu.memory_space<vmem>> -> memref<1x125xi32, #tpu.memory_space<vmem>>
      %dma_wait3A_1121 = tpu.memref_squeeze %dma_wait3A_1120 : memref<1x125xi32, #tpu.memory_space<vmem>> -> memref<125xi32, #tpu.memory_space<vmem>>
      %dma_wait3A_1122 = arith.constant 0 : i32
      %dma_wait3A_1123 = arith.constant 0 : i32
      %dma_wait3A_1124 = tpu.memref_slice %arg2[%dma_wait3A_1122, %dma_wait3A_1123] : memref<10000x16xf32, #tpu.memory_space<hbm>> -> memref<10000x16xf32, #tpu.memory_space<hbm>>
      %dma_wait3A_1125 = tpu.memref_slice %arg10[%dma_wait3A_1114] : memref<10x!tpu.dma_semaphore, #tpu.memory_space<semaphore_mem>> -> memref<1x!tpu.dma_semaphore, #tpu.memory_space<semaphore_mem>>
      %dma_wait3A_1126 = tpu.memref_squeeze %dma_wait3A_1125 : memref<1x!tpu.dma_semaphore, #tpu.memory_space<semaphore_mem>> -> memref<!tpu.dma_semaphore, #tpu.memory_space<semaphore_mem>>
      tpu.wait_indirect_dma semaphore(%dma_wait3A_1126 : memref<!tpu.dma_semaphore, #tpu.memory_space<semaphore_mem>>) src(%dma_wait3A_1124 : memref<10000x16xf32, #tpu.memory_space<hbm>>) dst(%dma_wait3A_1118 : memref<125x16xf32, #tpu.memory_space<vmem>>)
      %add3A_1127 = arith.constant 5 : i32
      %add3A_1128 = arith.addi %add3A_622, %add3A_1127 : i32
      %add3A_1129 = arith.constant 1 : i32
      %add3A_1130 = arith.addi %add3A_1128, %add3A_1129 : i32
      %dma_start3A_1131 = arith.constant 6 : i32
      %dma_start3A_1132 = arith.constant 6 : i32
      %dma_start3A_1133 = arith.constant 0 : i32
      %dma_start3A_1134 = arith.constant 0 : i32
      %dma_start3A_1135 = tpu.memref_slice %arg8[%dma_start3A_1131, %dma_start3A_1133, %dma_start3A_1134] : memref<10x125x16xf32, #tpu.memory_space<vmem>> -> memref<1x125x16xf32, #tpu.memory_space<vmem>>
      %dma_start3A_1136 = tpu.memref_squeeze %dma_start3A_1135 : memref<1x125x16xf32, #tpu.memory_space<vmem>> -> memref<125x16xf32, #tpu.memory_space<vmem>>
      %dma_start3A_1137 = arith.constant 0 : i32
      %dma_start3A_1138 = tpu.memref_slice %arg7[%add3A_1130, %dma_start3A_1137] : memref<80x125xi32, #tpu.memory_space<vmem>> -> memref<1x125xi32, #tpu.memory_space<vmem>>
      %dma_start3A_1139 = tpu.memref_squeeze %dma_start3A_1138 : memref<1x125xi32, #tpu.memory_space<vmem>> -> memref<125xi32, #tpu.memory_space<vmem>>
      %dma_start3A_1140 = arith.constant 0 : i32
      %dma_start3A_1141 = arith.constant 0 : i32
      %dma_start3A_1142 = tpu.memref_slice %arg9[%dma_start3A_1140, %dma_start3A_1141] : memref<10000x16xf32, #tpu.memory_space<vmem_shared>> -> memref<10000x16xf32, #tpu.memory_space<vmem_shared>>
      %dma_start3A_1143 = tpu.memref_slice %arg11[%dma_start3A_1132] : memref<10x!tpu.dma_semaphore, #tpu.memory_space<semaphore_mem>> -> memref<1x!tpu.dma_semaphore, #tpu.memory_space<semaphore_mem>>
      %dma_start3A_1144 = tpu.memref_squeeze %dma_start3A_1143 : memref<1x!tpu.dma_semaphore, #tpu.memory_space<semaphore_mem>> -> memref<!tpu.dma_semaphore, #tpu.memory_space<semaphore_mem>>
      tpu.enqueue_indirect_dma source(%dma_start3A_1136 : memref<125x16xf32, #tpu.memory_space<vmem>>) target(%dma_start3A_1142 : memref<10000x16xf32, #tpu.memory_space<vmem_shared>>) offsets(%dma_start3A_1139 : memref<125xi32, #tpu.memory_space<vmem>>) semaphore(%dma_start3A_1144 : memref<!tpu.dma_semaphore, #tpu.memory_space<semaphore_mem>>) {add = true}
      %add3A_1145 = arith.constant 5 : i32
      %add3A_1146 = arith.addi %add3A_622, %add3A_1145 : i32
      %add3A_1147 = arith.constant 2 : i32
      %add3A_1148 = arith.addi %add3A_1146, %add3A_1147 : i32
      %dma_wait3A_1149 = arith.constant 7 : i32
      %dma_wait3A_1150 = arith.constant 7 : i32
      %dma_wait3A_1151 = arith.constant 0 : i32
      %dma_wait3A_1152 = arith.constant 0 : i32
      %dma_wait3A_1153 = tpu.memref_slice %arg8[%dma_wait3A_1149, %dma_wait3A_1151, %dma_wait3A_1152] : memref<10x125x16xf32, #tpu.memory_space<vmem>> -> memref<1x125x16xf32, #tpu.memory_space<vmem>>
      %dma_wait3A_1154 = tpu.memref_squeeze %dma_wait3A_1153 : memref<1x125x16xf32, #tpu.memory_space<vmem>> -> memref<125x16xf32, #tpu.memory_space<vmem>>
      %dma_wait3A_1155 = arith.constant 0 : i32
      %dma_wait3A_1156 = tpu.memref_slice %arg6[%add3A_1148, %dma_wait3A_1155] : memref<80x125xi32, #tpu.memory_space<vmem>> -> memref<1x125xi32, #tpu.memory_space<vmem>>
      %dma_wait3A_1157 = tpu.memref_squeeze %dma_wait3A_1156 : memref<1x125xi32, #tpu.memory_space<vmem>> -> memref<125xi32, #tpu.memory_space<vmem>>
      %dma_wait3A_1158 = arith.constant 0 : i32
      %dma_wait3A_1159 = arith.constant 0 : i32
      %dma_wait3A_1160 = tpu.memref_slice %arg2[%dma_wait3A_1158, %dma_wait3A_1159] : memref<10000x16xf32, #tpu.memory_space<hbm>> -> memref<10000x16xf32, #tpu.memory_space<hbm>>
      %dma_wait3A_1161 = tpu.memref_slice %arg10[%dma_wait3A_1150] : memref<10x!tpu.dma_semaphore, #tpu.memory_space<semaphore_mem>> -> memref<1x!tpu.dma_semaphore, #tpu.memory_space<semaphore_mem>>
      %dma_wait3A_1162 = tpu.memref_squeeze %dma_wait3A_1161 : memref<1x!tpu.dma_semaphore, #tpu.memory_space<semaphore_mem>> -> memref<!tpu.dma_semaphore, #tpu.memory_space<semaphore_mem>>
      tpu.wait_indirect_dma semaphore(%dma_wait3A_1162 : memref<!tpu.dma_semaphore, #tpu.memory_space<semaphore_mem>>) src(%dma_wait3A_1160 : memref<10000x16xf32, #tpu.memory_space<hbm>>) dst(%dma_wait3A_1154 : memref<125x16xf32, #tpu.memory_space<vmem>>)
      %add3A_1163 = arith.constant 5 : i32
      %add3A_1164 = arith.addi %add3A_622, %add3A_1163 : i32
      %add3A_1165 = arith.constant 2 : i32
      %add3A_1166 = arith.addi %add3A_1164, %add3A_1165 : i32
      %dma_start3A_1167 = arith.constant 7 : i32
      %dma_start3A_1168 = arith.constant 7 : i32
      %dma_start3A_1169 = arith.constant 0 : i32
      %dma_start3A_1170 = arith.constant 0 : i32
      %dma_start3A_1171 = tpu.memref_slice %arg8[%dma_start3A_1167, %dma_start3A_1169, %dma_start3A_1170] : memref<10x125x16xf32, #tpu.memory_space<vmem>> -> memref<1x125x16xf32, #tpu.memory_space<vmem>>
      %dma_start3A_1172 = tpu.memref_squeeze %dma_start3A_1171 : memref<1x125x16xf32, #tpu.memory_space<vmem>> -> memref<125x16xf32, #tpu.memory_space<vmem>>
      %dma_start3A_1173 = arith.constant 0 : i32
      %dma_start3A_1174 = tpu.memref_slice %arg7[%add3A_1166, %dma_start3A_1173] : memref<80x125xi32, #tpu.memory_space<vmem>> -> memref<1x125xi32, #tpu.memory_space<vmem>>
      %dma_start3A_1175 = tpu.memref_squeeze %dma_start3A_1174 : memref<1x125xi32, #tpu.memory_space<vmem>> -> memref<125xi32, #tpu.memory_space<vmem>>
      %dma_start3A_1176 = arith.constant 0 : i32
      %dma_start3A_1177 = arith.constant 0 : i32
      %dma_start3A_1178 = tpu.memref_slice %arg9[%dma_start3A_1176, %dma_start3A_1177] : memref<10000x16xf32, #tpu.memory_space<vmem_shared>> -> memref<10000x16xf32, #tpu.memory_space<vmem_shared>>
      %dma_start3A_1179 = tpu.memref_slice %arg11[%dma_start3A_1168] : memref<10x!tpu.dma_semaphore, #tpu.memory_space<semaphore_mem>> -> memref<1x!tpu.dma_semaphore, #tpu.memory_space<semaphore_mem>>
      %dma_start3A_1180 = tpu.memref_squeeze %dma_start3A_1179 : memref<1x!tpu.dma_semaphore, #tpu.memory_space<semaphore_mem>> -> memref<!tpu.dma_semaphore, #tpu.memory_space<semaphore_mem>>
      tpu.enqueue_indirect_dma source(%dma_start3A_1172 : memref<125x16xf32, #tpu.memory_space<vmem>>) target(%dma_start3A_1178 : memref<10000x16xf32, #tpu.memory_space<vmem_shared>>) offsets(%dma_start3A_1175 : memref<125xi32, #tpu.memory_space<vmem>>) semaphore(%dma_start3A_1180 : memref<!tpu.dma_semaphore, #tpu.memory_space<semaphore_mem>>) {add = true}
      %add3A_1181 = arith.constant 5 : i32
      %add3A_1182 = arith.addi %add3A_622, %add3A_1181 : i32
      %add3A_1183 = arith.constant 3 : i32
      %add3A_1184 = arith.addi %add3A_1182, %add3A_1183 : i32
      %dma_wait3A_1185 = arith.constant 8 : i32
      %dma_wait3A_1186 = arith.constant 8 : i32
      %dma_wait3A_1187 = arith.constant 0 : i32
      %dma_wait3A_1188 = arith.constant 0 : i32
      %dma_wait3A_1189 = tpu.memref_slice %arg8[%dma_wait3A_1185, %dma_wait3A_1187, %dma_wait3A_1188] : memref<10x125x16xf32, #tpu.memory_space<vmem>> -> memref<1x125x16xf32, #tpu.memory_space<vmem>>
      %dma_wait3A_1190 = tpu.memref_squeeze %dma_wait3A_1189 : memref<1x125x16xf32, #tpu.memory_space<vmem>> -> memref<125x16xf32, #tpu.memory_space<vmem>>
      %dma_wait3A_1191 = arith.constant 0 : i32
      %dma_wait3A_1192 = tpu.memref_slice %arg6[%add3A_1184, %dma_wait3A_1191] : memref<80x125xi32, #tpu.memory_space<vmem>> -> memref<1x125xi32, #tpu.memory_space<vmem>>
      %dma_wait3A_1193 = tpu.memref_squeeze %dma_wait3A_1192 : memref<1x125xi32, #tpu.memory_space<vmem>> -> memref<125xi32, #tpu.memory_space<vmem>>
      %dma_wait3A_1194 = arith.constant 0 : i32
      %dma_wait3A_1195 = arith.constant 0 : i32
      %dma_wait3A_1196 = tpu.memref_slice %arg2[%dma_wait3A_1194, %dma_wait3A_1195] : memref<10000x16xf32, #tpu.memory_space<hbm>> -> memref<10000x16xf32, #tpu.memory_space<hbm>>
      %dma_wait3A_1197 = tpu.memref_slice %arg10[%dma_wait3A_1186] : memref<10x!tpu.dma_semaphore, #tpu.memory_space<semaphore_mem>> -> memref<1x!tpu.dma_semaphore, #tpu.memory_space<semaphore_mem>>
      %dma_wait3A_1198 = tpu.memref_squeeze %dma_wait3A_1197 : memref<1x!tpu.dma_semaphore, #tpu.memory_space<semaphore_mem>> -> memref<!tpu.dma_semaphore, #tpu.memory_space<semaphore_mem>>
      tpu.wait_indirect_dma semaphore(%dma_wait3A_1198 : memref<!tpu.dma_semaphore, #tpu.memory_space<semaphore_mem>>) src(%dma_wait3A_1196 : memref<10000x16xf32, #tpu.memory_space<hbm>>) dst(%dma_wait3A_1190 : memref<125x16xf32, #tpu.memory_space<vmem>>)
      %add3A_1199 = arith.constant 5 : i32
      %add3A_1200 = arith.addi %add3A_622, %add3A_1199 : i32
      %add3A_1201 = arith.constant 3 : i32
      %add3A_1202 = arith.addi %add3A_1200, %add3A_1201 : i32
      %dma_start3A_1203 = arith.constant 8 : i32
      %dma_start3A_1204 = arith.constant 8 : i32
      %dma_start3A_1205 = arith.constant 0 : i32
      %dma_start3A_1206 = arith.constant 0 : i32
      %dma_start3A_1207 = tpu.memref_slice %arg8[%dma_start3A_1203, %dma_start3A_1205, %dma_start3A_1206] : memref<10x125x16xf32, #tpu.memory_space<vmem>> -> memref<1x125x16xf32, #tpu.memory_space<vmem>>
      %dma_start3A_1208 = tpu.memref_squeeze %dma_start3A_1207 : memref<1x125x16xf32, #tpu.memory_space<vmem>> -> memref<125x16xf32, #tpu.memory_space<vmem>>
      %dma_start3A_1209 = arith.constant 0 : i32
      %dma_start3A_1210 = tpu.memref_slice %arg7[%add3A_1202, %dma_start3A_1209] : memref<80x125xi32, #tpu.memory_space<vmem>> -> memref<1x125xi32, #tpu.memory_space<vmem>>
      %dma_start3A_1211 = tpu.memref_squeeze %dma_start3A_1210 : memref<1x125xi32, #tpu.memory_space<vmem>> -> memref<125xi32, #tpu.memory_space<vmem>>
      %dma_start3A_1212 = arith.constant 0 : i32
      %dma_start3A_1213 = arith.constant 0 : i32
      %dma_start3A_1214 = tpu.memref_slice %arg9[%dma_start3A_1212, %dma_start3A_1213] : memref<10000x16xf32, #tpu.memory_space<vmem_shared>> -> memref<10000x16xf32, #tpu.memory_space<vmem_shared>>
      %dma_start3A_1215 = tpu.memref_slice %arg11[%dma_start3A_1204] : memref<10x!tpu.dma_semaphore, #tpu.memory_space<semaphore_mem>> -> memref<1x!tpu.dma_semaphore, #tpu.memory_space<semaphore_mem>>
      %dma_start3A_1216 = tpu.memref_squeeze %dma_start3A_1215 : memref<1x!tpu.dma_semaphore, #tpu.memory_space<semaphore_mem>> -> memref<!tpu.dma_semaphore, #tpu.memory_space<semaphore_mem>>
      tpu.enqueue_indirect_dma source(%dma_start3A_1208 : memref<125x16xf32, #tpu.memory_space<vmem>>) target(%dma_start3A_1214 : memref<10000x16xf32, #tpu.memory_space<vmem_shared>>) offsets(%dma_start3A_1211 : memref<125xi32, #tpu.memory_space<vmem>>) semaphore(%dma_start3A_1216 : memref<!tpu.dma_semaphore, #tpu.memory_space<semaphore_mem>>) {add = true}
      %add3A_1217 = arith.constant 5 : i32
      %add3A_1218 = arith.addi %add3A_622, %add3A_1217 : i32
      %add3A_1219 = arith.constant 4 : i32
      %add3A_1220 = arith.addi %add3A_1218, %add3A_1219 : i32
      %dma_wait3A_1221 = arith.constant 9 : i32
      %dma_wait3A_1222 = arith.constant 9 : i32
      %dma_wait3A_1223 = arith.constant 0 : i32
      %dma_wait3A_1224 = arith.constant 0 : i32
      %dma_wait3A_1225 = tpu.memref_slice %arg8[%dma_wait3A_1221, %dma_wait3A_1223, %dma_wait3A_1224] : memref<10x125x16xf32, #tpu.memory_space<vmem>> -> memref<1x125x16xf32, #tpu.memory_space<vmem>>
      %dma_wait3A_1226 = tpu.memref_squeeze %dma_wait3A_1225 : memref<1x125x16xf32, #tpu.memory_space<vmem>> -> memref<125x16xf32, #tpu.memory_space<vmem>>
      %dma_wait3A_1227 = arith.constant 0 : i32
      %dma_wait3A_1228 = tpu.memref_slice %arg6[%add3A_1220, %dma_wait3A_1227] : memref<80x125xi32, #tpu.memory_space<vmem>> -> memref<1x125xi32, #tpu.memory_space<vmem>>
      %dma_wait3A_1229 = tpu.memref_squeeze %dma_wait3A_1228 : memref<1x125xi32, #tpu.memory_space<vmem>> -> memref<125xi32, #tpu.memory_space<vmem>>
      %dma_wait3A_1230 = arith.constant 0 : i32
      %dma_wait3A_1231 = arith.constant 0 : i32
      %dma_wait3A_1232 = tpu.memref_slice %arg2[%dma_wait3A_1230, %dma_wait3A_1231] : memref<10000x16xf32, #tpu.memory_space<hbm>> -> memref<10000x16xf32, #tpu.memory_space<hbm>>
      %dma_wait3A_1233 = tpu.memref_slice %arg10[%dma_wait3A_1222] : memref<10x!tpu.dma_semaphore, #tpu.memory_space<semaphore_mem>> -> memref<1x!tpu.dma_semaphore, #tpu.memory_space<semaphore_mem>>
      %dma_wait3A_1234 = tpu.memref_squeeze %dma_wait3A_1233 : memref<1x!tpu.dma_semaphore, #tpu.memory_space<semaphore_mem>> -> memref<!tpu.dma_semaphore, #tpu.memory_space<semaphore_mem>>
      tpu.wait_indirect_dma semaphore(%dma_wait3A_1234 : memref<!tpu.dma_semaphore, #tpu.memory_space<semaphore_mem>>) src(%dma_wait3A_1232 : memref<10000x16xf32, #tpu.memory_space<hbm>>) dst(%dma_wait3A_1226 : memref<125x16xf32, #tpu.memory_space<vmem>>)
      %add3A_1235 = arith.constant 5 : i32
      %add3A_1236 = arith.addi %add3A_622, %add3A_1235 : i32
      %add3A_1237 = arith.constant 4 : i32
      %add3A_1238 = arith.addi %add3A_1236, %add3A_1237 : i32
      %dma_start3A_1239 = arith.constant 9 : i32
      %dma_start3A_1240 = arith.constant 9 : i32
      %dma_start3A_1241 = arith.constant 0 : i32
      %dma_start3A_1242 = arith.constant 0 : i32
      %dma_start3A_1243 = tpu.memref_slice %arg8[%dma_start3A_1239, %dma_start3A_1241, %dma_start3A_1242] : memref<10x125x16xf32, #tpu.memory_space<vmem>> -> memref<1x125x16xf32, #tpu.memory_space<vmem>>
      %dma_start3A_1244 = tpu.memref_squeeze %dma_start3A_1243 : memref<1x125x16xf32, #tpu.memory_space<vmem>> -> memref<125x16xf32, #tpu.memory_space<vmem>>
      %dma_start3A_1245 = arith.constant 0 : i32
      %dma_start3A_1246 = tpu.memref_slice %arg7[%add3A_1238, %dma_start3A_1245] : memref<80x125xi32, #tpu.memory_space<vmem>> -> memref<1x125xi32, #tpu.memory_space<vmem>>
      %dma_start3A_1247 = tpu.memref_squeeze %dma_start3A_1246 : memref<1x125xi32, #tpu.memory_space<vmem>> -> memref<125xi32, #tpu.memory_space<vmem>>
      %dma_start3A_1248 = arith.constant 0 : i32
      %dma_start3A_1249 = arith.constant 0 : i32
      %dma_start3A_1250 = tpu.memref_slice %arg9[%dma_start3A_1248, %dma_start3A_1249] : memref<10000x16xf32, #tpu.memory_space<vmem_shared>> -> memref<10000x16xf32, #tpu.memory_space<vmem_shared>>
      %dma_start3A_1251 = tpu.memref_slice %arg11[%dma_start3A_1240] : memref<10x!tpu.dma_semaphore, #tpu.memory_space<semaphore_mem>> -> memref<1x!tpu.dma_semaphore, #tpu.memory_space<semaphore_mem>>
      %dma_start3A_1252 = tpu.memref_squeeze %dma_start3A_1251 : memref<1x!tpu.dma_semaphore, #tpu.memory_space<semaphore_mem>> -> memref<!tpu.dma_semaphore, #tpu.memory_space<semaphore_mem>>
      tpu.enqueue_indirect_dma source(%dma_start3A_1244 : memref<125x16xf32, #tpu.memory_space<vmem>>) target(%dma_start3A_1250 : memref<10000x16xf32, #tpu.memory_space<vmem_shared>>) offsets(%dma_start3A_1247 : memref<125xi32, #tpu.memory_space<vmem>>) semaphore(%dma_start3A_1252 : memref<!tpu.dma_semaphore, #tpu.memory_space<semaphore_mem>>) {add = true}
      %add3A_1253 = arith.constant 5 : i32
      %add3A_1254 = arith.addi %add3A_622, %add3A_1253 : i32
      %add3A_1255 = arith.constant 0 : i32
      %add3A_1256 = arith.addi %add3A_1254, %add3A_1255 : i32
      %dma_wait3A_1257 = arith.constant 5 : i32
      %dma_wait3A_1258 = arith.constant 5 : i32
      %dma_wait3A_1259 = arith.constant 0 : i32
      %dma_wait3A_1260 = arith.constant 0 : i32
      %dma_wait3A_1261 = tpu.memref_slice %arg8[%dma_wait3A_1257, %dma_wait3A_1259, %dma_wait3A_1260] : memref<10x125x16xf32, #tpu.memory_space<vmem>> -> memref<1x125x16xf32, #tpu.memory_space<vmem>>
      %dma_wait3A_1262 = tpu.memref_squeeze %dma_wait3A_1261 : memref<1x125x16xf32, #tpu.memory_space<vmem>> -> memref<125x16xf32, #tpu.memory_space<vmem>>
      %dma_wait3A_1263 = arith.constant 0 : i32
      %dma_wait3A_1264 = tpu.memref_slice %arg7[%add3A_1256, %dma_wait3A_1263] : memref<80x125xi32, #tpu.memory_space<vmem>> -> memref<1x125xi32, #tpu.memory_space<vmem>>
      %dma_wait3A_1265 = tpu.memref_squeeze %dma_wait3A_1264 : memref<1x125xi32, #tpu.memory_space<vmem>> -> memref<125xi32, #tpu.memory_space<vmem>>
      %dma_wait3A_1266 = arith.constant 0 : i32
      %dma_wait3A_1267 = arith.constant 0 : i32
      %dma_wait3A_1268 = tpu.memref_slice %arg9[%dma_wait3A_1266, %dma_wait3A_1267] : memref<10000x16xf32, #tpu.memory_space<vmem_shared>> -> memref<10000x16xf32, #tpu.memory_space<vmem_shared>>
      %dma_wait3A_1269 = tpu.memref_slice %arg11[%dma_wait3A_1258] : memref<10x!tpu.dma_semaphore, #tpu.memory_space<semaphore_mem>> -> memref<1x!tpu.dma_semaphore, #tpu.memory_space<semaphore_mem>>
      %dma_wait3A_1270 = tpu.memref_squeeze %dma_wait3A_1269 : memref<1x!tpu.dma_semaphore, #tpu.memory_space<semaphore_mem>> -> memref<!tpu.dma_semaphore, #tpu.memory_space<semaphore_mem>>
      tpu.wait_indirect_dma semaphore(%dma_wait3A_1270 : memref<!tpu.dma_semaphore, #tpu.memory_space<semaphore_mem>>) src(%dma_wait3A_1262 : memref<125x16xf32, #tpu.memory_space<vmem>>) dst(%dma_wait3A_1268 : memref<10000x16xf32, #tpu.memory_space<vmem_shared>>)
      %add3A_1271 = arith.constant 5 : i32
      %add3A_1272 = arith.addi %add3A_622, %add3A_1271 : i32
      %add3A_1273 = arith.constant 1 : i32
      %add3A_1274 = arith.addi %add3A_1272, %add3A_1273 : i32
      %dma_wait3A_1275 = arith.constant 6 : i32
      %dma_wait3A_1276 = arith.constant 6 : i32
      %dma_wait3A_1277 = arith.constant 0 : i32
      %dma_wait3A_1278 = arith.constant 0 : i32
      %dma_wait3A_1279 = tpu.memref_slice %arg8[%dma_wait3A_1275, %dma_wait3A_1277, %dma_wait3A_1278] : memref<10x125x16xf32, #tpu.memory_space<vmem>> -> memref<1x125x16xf32, #tpu.memory_space<vmem>>
      %dma_wait3A_1280 = tpu.memref_squeeze %dma_wait3A_1279 : memref<1x125x16xf32, #tpu.memory_space<vmem>> -> memref<125x16xf32, #tpu.memory_space<vmem>>
      %dma_wait3A_1281 = arith.constant 0 : i32
      %dma_wait3A_1282 = tpu.memref_slice %arg7[%add3A_1274, %dma_wait3A_1281] : memref<80x125xi32, #tpu.memory_space<vmem>> -> memref<1x125xi32, #tpu.memory_space<vmem>>
      %dma_wait3A_1283 = tpu.memref_squeeze %dma_wait3A_1282 : memref<1x125xi32, #tpu.memory_space<vmem>> -> memref<125xi32, #tpu.memory_space<vmem>>
      %dma_wait3A_1284 = arith.constant 0 : i32
      %dma_wait3A_1285 = arith.constant 0 : i32
      %dma_wait3A_1286 = tpu.memref_slice %arg9[%dma_wait3A_1284, %dma_wait3A_1285] : memref<10000x16xf32, #tpu.memory_space<vmem_shared>> -> memref<10000x16xf32, #tpu.memory_space<vmem_shared>>
      %dma_wait3A_1287 = tpu.memref_slice %arg11[%dma_wait3A_1276] : memref<10x!tpu.dma_semaphore, #tpu.memory_space<semaphore_mem>> -> memref<1x!tpu.dma_semaphore, #tpu.memory_space<semaphore_mem>>
      %dma_wait3A_1288 = tpu.memref_squeeze %dma_wait3A_1287 : memref<1x!tpu.dma_semaphore, #tpu.memory_space<semaphore_mem>> -> memref<!tpu.dma_semaphore, #tpu.memory_space<semaphore_mem>>
      tpu.wait_indirect_dma semaphore(%dma_wait3A_1288 : memref<!tpu.dma_semaphore, #tpu.memory_space<semaphore_mem>>) src(%dma_wait3A_1280 : memref<125x16xf32, #tpu.memory_space<vmem>>) dst(%dma_wait3A_1286 : memref<10000x16xf32, #tpu.memory_space<vmem_shared>>)
      %add3A_1289 = arith.constant 5 : i32
      %add3A_1290 = arith.addi %add3A_622, %add3A_1289 : i32
      %add3A_1291 = arith.constant 2 : i32
      %add3A_1292 = arith.addi %add3A_1290, %add3A_1291 : i32
      %dma_wait3A_1293 = arith.constant 7 : i32
      %dma_wait3A_1294 = arith.constant 7 : i32
      %dma_wait3A_1295 = arith.constant 0 : i32
      %dma_wait3A_1296 = arith.constant 0 : i32
      %dma_wait3A_1297 = tpu.memref_slice %arg8[%dma_wait3A_1293, %dma_wait3A_1295, %dma_wait3A_1296] : memref<10x125x16xf32, #tpu.memory_space<vmem>> -> memref<1x125x16xf32, #tpu.memory_space<vmem>>
      %dma_wait3A_1298 = tpu.memref_squeeze %dma_wait3A_1297 : memref<1x125x16xf32, #tpu.memory_space<vmem>> -> memref<125x16xf32, #tpu.memory_space<vmem>>
      %dma_wait3A_1299 = arith.constant 0 : i32
      %dma_wait3A_1300 = tpu.memref_slice %arg7[%add3A_1292, %dma_wait3A_1299] : memref<80x125xi32, #tpu.memory_space<vmem>> -> memref<1x125xi32, #tpu.memory_space<vmem>>
      %dma_wait3A_1301 = tpu.memref_squeeze %dma_wait3A_1300 : memref<1x125xi32, #tpu.memory_space<vmem>> -> memref<125xi32, #tpu.memory_space<vmem>>
      %dma_wait3A_1302 = arith.constant 0 : i32
      %dma_wait3A_1303 = arith.constant 0 : i32
      %dma_wait3A_1304 = tpu.memref_slice %arg9[%dma_wait3A_1302, %dma_wait3A_1303] : memref<10000x16xf32, #tpu.memory_space<vmem_shared>> -> memref<10000x16xf32, #tpu.memory_space<vmem_shared>>
      %dma_wait3A_1305 = tpu.memref_slice %arg11[%dma_wait3A_1294] : memref<10x!tpu.dma_semaphore, #tpu.memory_space<semaphore_mem>> -> memref<1x!tpu.dma_semaphore, #tpu.memory_space<semaphore_mem>>
      %dma_wait3A_1306 = tpu.memref_squeeze %dma_wait3A_1305 : memref<1x!tpu.dma_semaphore, #tpu.memory_space<semaphore_mem>> -> memref<!tpu.dma_semaphore, #tpu.memory_space<semaphore_mem>>
      tpu.wait_indirect_dma semaphore(%dma_wait3A_1306 : memref<!tpu.dma_semaphore, #tpu.memory_space<semaphore_mem>>) src(%dma_wait3A_1298 : memref<125x16xf32, #tpu.memory_space<vmem>>) dst(%dma_wait3A_1304 : memref<10000x16xf32, #tpu.memory_space<vmem_shared>>)
      %add3A_1307 = arith.constant 5 : i32
      %add3A_1308 = arith.addi %add3A_622, %add3A_1307 : i32
      %add3A_1309 = arith.constant 3 : i32
      %add3A_1310 = arith.addi %add3A_1308, %add3A_1309 : i32
      %dma_wait3A_1311 = arith.constant 8 : i32
      %dma_wait3A_1312 = arith.constant 8 : i32
      %dma_wait3A_1313 = arith.constant 0 : i32
      %dma_wait3A_1314 = arith.constant 0 : i32
      %dma_wait3A_1315 = tpu.memref_slice %arg8[%dma_wait3A_1311, %dma_wait3A_1313, %dma_wait3A_1314] : memref<10x125x16xf32, #tpu.memory_space<vmem>> -> memref<1x125x16xf32, #tpu.memory_space<vmem>>
      %dma_wait3A_1316 = tpu.memref_squeeze %dma_wait3A_1315 : memref<1x125x16xf32, #tpu.memory_space<vmem>> -> memref<125x16xf32, #tpu.memory_space<vmem>>
      %dma_wait3A_1317 = arith.constant 0 : i32
      %dma_wait3A_1318 = tpu.memref_slice %arg7[%add3A_1310, %dma_wait3A_1317] : memref<80x125xi32, #tpu.memory_space<vmem>> -> memref<1x125xi32, #tpu.memory_space<vmem>>
      %dma_wait3A_1319 = tpu.memref_squeeze %dma_wait3A_1318 : memref<1x125xi32, #tpu.memory_space<vmem>> -> memref<125xi32, #tpu.memory_space<vmem>>
      %dma_wait3A_1320 = arith.constant 0 : i32
      %dma_wait3A_1321 = arith.constant 0 : i32
      %dma_wait3A_1322 = tpu.memref_slice %arg9[%dma_wait3A_1320, %dma_wait3A_1321] : memref<10000x16xf32, #tpu.memory_space<vmem_shared>> -> memref<10000x16xf32, #tpu.memory_space<vmem_shared>>
      %dma_wait3A_1323 = tpu.memref_slice %arg11[%dma_wait3A_1312] : memref<10x!tpu.dma_semaphore, #tpu.memory_space<semaphore_mem>> -> memref<1x!tpu.dma_semaphore, #tpu.memory_space<semaphore_mem>>
      %dma_wait3A_1324 = tpu.memref_squeeze %dma_wait3A_1323 : memref<1x!tpu.dma_semaphore, #tpu.memory_space<semaphore_mem>> -> memref<!tpu.dma_semaphore, #tpu.memory_space<semaphore_mem>>
      tpu.wait_indirect_dma semaphore(%dma_wait3A_1324 : memref<!tpu.dma_semaphore, #tpu.memory_space<semaphore_mem>>) src(%dma_wait3A_1316 : memref<125x16xf32, #tpu.memory_space<vmem>>) dst(%dma_wait3A_1322 : memref<10000x16xf32, #tpu.memory_space<vmem_shared>>)
      %add3A_1325 = arith.constant 5 : i32
      %add3A_1326 = arith.addi %add3A_622, %add3A_1325 : i32
      %add3A_1327 = arith.constant 4 : i32
      %add3A_1328 = arith.addi %add3A_1326, %add3A_1327 : i32
      %dma_wait3A_1329 = arith.constant 9 : i32
      %dma_wait3A_1330 = arith.constant 9 : i32
      %dma_wait3A_1331 = arith.constant 0 : i32
      %dma_wait3A_1332 = arith.constant 0 : i32
      %dma_wait3A_1333 = tpu.memref_slice %arg8[%dma_wait3A_1329, %dma_wait3A_1331, %dma_wait3A_1332] : memref<10x125x16xf32, #tpu.memory_space<vmem>> -> memref<1x125x16xf32, #tpu.memory_space<vmem>>
      %dma_wait3A_1334 = tpu.memref_squeeze %dma_wait3A_1333 : memref<1x125x16xf32, #tpu.memory_space<vmem>> -> memref<125x16xf32, #tpu.memory_space<vmem>>
      %dma_wait3A_1335 = arith.constant 0 : i32
      %dma_wait3A_1336 = tpu.memref_slice %arg7[%add3A_1328, %dma_wait3A_1335] : memref<80x125xi32, #tpu.memory_space<vmem>> -> memref<1x125xi32, #tpu.memory_space<vmem>>
      %dma_wait3A_1337 = tpu.memref_squeeze %dma_wait3A_1336 : memref<1x125xi32, #tpu.memory_space<vmem>> -> memref<125xi32, #tpu.memory_space<vmem>>
      %dma_wait3A_1338 = arith.constant 0 : i32
      %dma_wait3A_1339 = arith.constant 0 : i32
      %dma_wait3A_1340 = tpu.memref_slice %arg9[%dma_wait3A_1338, %dma_wait3A_1339] : memref<10000x16xf32, #tpu.memory_space<vmem_shared>> -> memref<10000x16xf32, #tpu.memory_space<vmem_shared>>
      %dma_wait3A_1341 = tpu.memref_slice %arg11[%dma_wait3A_1330] : memref<10x!tpu.dma_semaphore, #tpu.memory_space<semaphore_mem>> -> memref<1x!tpu.dma_semaphore, #tpu.memory_space<semaphore_mem>>
      %dma_wait3A_1342 = tpu.memref_squeeze %dma_wait3A_1341 : memref<1x!tpu.dma_semaphore, #tpu.memory_space<semaphore_mem>> -> memref<!tpu.dma_semaphore, #tpu.memory_space<semaphore_mem>>
      tpu.wait_indirect_dma semaphore(%dma_wait3A_1342 : memref<!tpu.dma_semaphore, #tpu.memory_space<semaphore_mem>>) src(%dma_wait3A_1334 : memref<125x16xf32, #tpu.memory_space<vmem>>) dst(%dma_wait3A_1340 : memref<10000x16xf32, #tpu.memory_space<vmem_shared>>)
    }
    %scan3A_83 = arith.constant 7 : i32
    %dma_start3A_84 = arith.constant 75 : i32
    %dma_start3A_85 = arith.constant 5 : i32
    %dma_start3A_86 = arith.constant 5 : i32
    %dma_start3A_87 = arith.constant 0 : i32
    %dma_start3A_88 = arith.constant 0 : i32
    %dma_start3A_89 = tpu.memref_slice %arg8[%dma_start3A_85, %dma_start3A_87, %dma_start3A_88] : memref<10x125x16xf32, #tpu.memory_space<vmem>> -> memref<1x125x16xf32, #tpu.memory_space<vmem>>
    %dma_start3A_90 = tpu.memref_squeeze %dma_start3A_89 : memref<1x125x16xf32, #tpu.memory_space<vmem>> -> memref<125x16xf32, #tpu.memory_space<vmem>>
    %dma_start3A_91 = arith.constant 0 : i32
    %dma_start3A_92 = tpu.memref_slice %arg6[%dma_start3A_84, %dma_start3A_91] : memref<80x125xi32, #tpu.memory_space<vmem>> -> memref<1x125xi32, #tpu.memory_space<vmem>>
    %dma_start3A_93 = tpu.memref_squeeze %dma_start3A_92 : memref<1x125xi32, #tpu.memory_space<vmem>> -> memref<125xi32, #tpu.memory_space<vmem>>
    %dma_start3A_94 = arith.constant 0 : i32
    %dma_start3A_95 = arith.constant 0 : i32
    %dma_start3A_96 = tpu.memref_slice %arg2[%dma_start3A_94, %dma_start3A_95] : memref<10000x16xf32, #tpu.memory_space<hbm>> -> memref<10000x16xf32, #tpu.memory_space<hbm>>
    %dma_start3A_97 = tpu.memref_slice %arg10[%dma_start3A_86] : memref<10x!tpu.dma_semaphore, #tpu.memory_space<semaphore_mem>> -> memref<1x!tpu.dma_semaphore, #tpu.memory_space<semaphore_mem>>
    %dma_start3A_98 = tpu.memref_squeeze %dma_start3A_97 : memref<1x!tpu.dma_semaphore, #tpu.memory_space<semaphore_mem>> -> memref<!tpu.dma_semaphore, #tpu.memory_space<semaphore_mem>>
    tpu.enqueue_indirect_dma source(%dma_start3A_96 : memref<10000x16xf32, #tpu.memory_space<hbm>>) target(%dma_start3A_90 : memref<125x16xf32, #tpu.memory_space<vmem>>) offsets(%dma_start3A_93 : memref<125xi32, #tpu.memory_space<vmem>>) semaphore(%dma_start3A_98 : memref<!tpu.dma_semaphore, #tpu.memory_space<semaphore_mem>>)
    %dma_start3A_99 = arith.constant 76 : i32
    %dma_start3A_100 = arith.constant 6 : i32
    %dma_start3A_101 = arith.constant 6 : i32
    %dma_start3A_102 = arith.constant 0 : i32
    %dma_start3A_103 = arith.constant 0 : i32
    %dma_start3A_104 = tpu.memref_slice %arg8[%dma_start3A_100, %dma_start3A_102, %dma_start3A_103] : memref<10x125x16xf32, #tpu.memory_space<vmem>> -> memref<1x125x16xf32, #tpu.memory_space<vmem>>
    %dma_start3A_105 = tpu.memref_squeeze %dma_start3A_104 : memref<1x125x16xf32, #tpu.memory_space<vmem>> -> memref<125x16xf32, #tpu.memory_space<vmem>>
    %dma_start3A_106 = arith.constant 0 : i32
    %dma_start3A_107 = tpu.memref_slice %arg6[%dma_start3A_99, %dma_start3A_106] : memref<80x125xi32, #tpu.memory_space<vmem>> -> memref<1x125xi32, #tpu.memory_space<vmem>>
    %dma_start3A_108 = tpu.memref_squeeze %dma_start3A_107 : memref<1x125xi32, #tpu.memory_space<vmem>> -> memref<125xi32, #tpu.memory_space<vmem>>
    %dma_start3A_109 = arith.constant 0 : i32
    %dma_start3A_110 = arith.constant 0 : i32
    %dma_start3A_111 = tpu.memref_slice %arg2[%dma_start3A_109, %dma_start3A_110] : memref<10000x16xf32, #tpu.memory_space<hbm>> -> memref<10000x16xf32, #tpu.memory_space<hbm>>
    %dma_start3A_112 = tpu.memref_slice %arg10[%dma_start3A_101] : memref<10x!tpu.dma_semaphore, #tpu.memory_space<semaphore_mem>> -> memref<1x!tpu.dma_semaphore, #tpu.memory_space<semaphore_mem>>
    %dma_start3A_113 = tpu.memref_squeeze %dma_start3A_112 : memref<1x!tpu.dma_semaphore, #tpu.memory_space<semaphore_mem>> -> memref<!tpu.dma_semaphore, #tpu.memory_space<semaphore_mem>>
    tpu.enqueue_indirect_dma source(%dma_start3A_111 : memref<10000x16xf32, #tpu.memory_space<hbm>>) target(%dma_start3A_105 : memref<125x16xf32, #tpu.memory_space<vmem>>) offsets(%dma_start3A_108 : memref<125xi32, #tpu.memory_space<vmem>>) semaphore(%dma_start3A_113 : memref<!tpu.dma_semaphore, #tpu.memory_space<semaphore_mem>>)
    %dma_start3A_114 = arith.constant 77 : i32
    %dma_start3A_115 = arith.constant 7 : i32
    %dma_start3A_116 = arith.constant 7 : i32
    %dma_start3A_117 = arith.constant 0 : i32
    %dma_start3A_118 = arith.constant 0 : i32
    %dma_start3A_119 = tpu.memref_slice %arg8[%dma_start3A_115, %dma_start3A_117, %dma_start3A_118] : memref<10x125x16xf32, #tpu.memory_space<vmem>> -> memref<1x125x16xf32, #tpu.memory_space<vmem>>
    %dma_start3A_120 = tpu.memref_squeeze %dma_start3A_119 : memref<1x125x16xf32, #tpu.memory_space<vmem>> -> memref<125x16xf32, #tpu.memory_space<vmem>>
    %dma_start3A_121 = arith.constant 0 : i32
    %dma_start3A_122 = tpu.memref_slice %arg6[%dma_start3A_114, %dma_start3A_121] : memref<80x125xi32, #tpu.memory_space<vmem>> -> memref<1x125xi32, #tpu.memory_space<vmem>>
    %dma_start3A_123 = tpu.memref_squeeze %dma_start3A_122 : memref<1x125xi32, #tpu.memory_space<vmem>> -> memref<125xi32, #tpu.memory_space<vmem>>
    %dma_start3A_124 = arith.constant 0 : i32
    %dma_start3A_125 = arith.constant 0 : i32
    %dma_start3A_126 = tpu.memref_slice %arg2[%dma_start3A_124, %dma_start3A_125] : memref<10000x16xf32, #tpu.memory_space<hbm>> -> memref<10000x16xf32, #tpu.memory_space<hbm>>
    %dma_start3A_127 = tpu.memref_slice %arg10[%dma_start3A_116] : memref<10x!tpu.dma_semaphore, #tpu.memory_space<semaphore_mem>> -> memref<1x!tpu.dma_semaphore, #tpu.memory_space<semaphore_mem>>
    %dma_start3A_128 = tpu.memref_squeeze %dma_start3A_127 : memref<1x!tpu.dma_semaphore, #tpu.memory_space<semaphore_mem>> -> memref<!tpu.dma_semaphore, #tpu.memory_space<semaphore_mem>>
    tpu.enqueue_indirect_dma source(%dma_start3A_126 : memref<10000x16xf32, #tpu.memory_space<hbm>>) target(%dma_start3A_120 : memref<125x16xf32, #tpu.memory_space<vmem>>) offsets(%dma_start3A_123 : memref<125xi32, #tpu.memory_space<vmem>>) semaphore(%dma_start3A_128 : memref<!tpu.dma_semaphore, #tpu.memory_space<semaphore_mem>>)
    %dma_start3A_129 = arith.constant 78 : i32
    %dma_start3A_130 = arith.constant 8 : i32
    %dma_start3A_131 = arith.constant 8 : i32
    %dma_start3A_132 = arith.constant 0 : i32
    %dma_start3A_133 = arith.constant 0 : i32
    %dma_start3A_134 = tpu.memref_slice %arg8[%dma_start3A_130, %dma_start3A_132, %dma_start3A_133] : memref<10x125x16xf32, #tpu.memory_space<vmem>> -> memref<1x125x16xf32, #tpu.memory_space<vmem>>
    %dma_start3A_135 = tpu.memref_squeeze %dma_start3A_134 : memref<1x125x16xf32, #tpu.memory_space<vmem>> -> memref<125x16xf32, #tpu.memory_space<vmem>>
    %dma_start3A_136 = arith.constant 0 : i32
    %dma_start3A_137 = tpu.memref_slice %arg6[%dma_start3A_129, %dma_start3A_136] : memref<80x125xi32, #tpu.memory_space<vmem>> -> memref<1x125xi32, #tpu.memory_space<vmem>>
    %dma_start3A_138 = tpu.memref_squeeze %dma_start3A_137 : memref<1x125xi32, #tpu.memory_space<vmem>> -> memref<125xi32, #tpu.memory_space<vmem>>
    %dma_start3A_139 = arith.constant 0 : i32
    %dma_start3A_140 = arith.constant 0 : i32
    %dma_start3A_141 = tpu.memref_slice %arg2[%dma_start3A_139, %dma_start3A_140] : memref<10000x16xf32, #tpu.memory_space<hbm>> -> memref<10000x16xf32, #tpu.memory_space<hbm>>
    %dma_start3A_142 = tpu.memref_slice %arg10[%dma_start3A_131] : memref<10x!tpu.dma_semaphore, #tpu.memory_space<semaphore_mem>> -> memref<1x!tpu.dma_semaphore, #tpu.memory_space<semaphore_mem>>
    %dma_start3A_143 = tpu.memref_squeeze %dma_start3A_142 : memref<1x!tpu.dma_semaphore, #tpu.memory_space<semaphore_mem>> -> memref<!tpu.dma_semaphore, #tpu.memory_space<semaphore_mem>>
    tpu.enqueue_indirect_dma source(%dma_start3A_141 : memref<10000x16xf32, #tpu.memory_space<hbm>>) target(%dma_start3A_135 : memref<125x16xf32, #tpu.memory_space<vmem>>) offsets(%dma_start3A_138 : memref<125xi32, #tpu.memory_space<vmem>>) semaphore(%dma_start3A_143 : memref<!tpu.dma_semaphore, #tpu.memory_space<semaphore_mem>>)
    %dma_start3A_144 = arith.constant 79 : i32
    %dma_start3A_145 = arith.constant 9 : i32
    %dma_start3A_146 = arith.constant 9 : i32
    %dma_start3A_147 = arith.constant 0 : i32
    %dma_start3A_148 = arith.constant 0 : i32
    %dma_start3A_149 = tpu.memref_slice %arg8[%dma_start3A_145, %dma_start3A_147, %dma_start3A_148] : memref<10x125x16xf32, #tpu.memory_space<vmem>> -> memref<1x125x16xf32, #tpu.memory_space<vmem>>
    %dma_start3A_150 = tpu.memref_squeeze %dma_start3A_149 : memref<1x125x16xf32, #tpu.memory_space<vmem>> -> memref<125x16xf32, #tpu.memory_space<vmem>>
    %dma_start3A_151 = arith.constant 0 : i32
    %dma_start3A_152 = tpu.memref_slice %arg6[%dma_start3A_144, %dma_start3A_151] : memref<80x125xi32, #tpu.memory_space<vmem>> -> memref<1x125xi32, #tpu.memory_space<vmem>>
    %dma_start3A_153 = tpu.memref_squeeze %dma_start3A_152 : memref<1x125xi32, #tpu.memory_space<vmem>> -> memref<125xi32, #tpu.memory_space<vmem>>
    %dma_start3A_154 = arith.constant 0 : i32
    %dma_start3A_155 = arith.constant 0 : i32
    %dma_start3A_156 = tpu.memref_slice %arg2[%dma_start3A_154, %dma_start3A_155] : memref<10000x16xf32, #tpu.memory_space<hbm>> -> memref<10000x16xf32, #tpu.memory_space<hbm>>
    %dma_start3A_157 = tpu.memref_slice %arg10[%dma_start3A_146] : memref<10x!tpu.dma_semaphore, #tpu.memory_space<semaphore_mem>> -> memref<1x!tpu.dma_semaphore, #tpu.memory_space<semaphore_mem>>
    %dma_start3A_158 = tpu.memref_squeeze %dma_start3A_157 : memref<1x!tpu.dma_semaphore, #tpu.memory_space<semaphore_mem>> -> memref<!tpu.dma_semaphore, #tpu.memory_space<semaphore_mem>>
    tpu.enqueue_indirect_dma source(%dma_start3A_156 : memref<10000x16xf32, #tpu.memory_space<hbm>>) target(%dma_start3A_150 : memref<125x16xf32, #tpu.memory_space<vmem>>) offsets(%dma_start3A_153 : memref<125xi32, #tpu.memory_space<vmem>>) semaphore(%dma_start3A_158 : memref<!tpu.dma_semaphore, #tpu.memory_space<semaphore_mem>>)
    %dma_wait3A = arith.constant 70 : i32
    %dma_wait3A_159 = arith.constant 0 : i32
    %dma_wait3A_160 = arith.constant 0 : i32
    %dma_wait3A_161 = arith.constant 0 : i32
    %dma_wait3A_162 = arith.constant 0 : i32
    %dma_wait3A_163 = tpu.memref_slice %arg8[%dma_wait3A_159, %dma_wait3A_161, %dma_wait3A_162] : memref<10x125x16xf32, #tpu.memory_space<vmem>> -> memref<1x125x16xf32, #tpu.memory_space<vmem>>
    %dma_wait3A_164 = tpu.memref_squeeze %dma_wait3A_163 : memref<1x125x16xf32, #tpu.memory_space<vmem>> -> memref<125x16xf32, #tpu.memory_space<vmem>>
    %dma_wait3A_165 = arith.constant 0 : i32
    %dma_wait3A_166 = tpu.memref_slice %arg6[%dma_wait3A, %dma_wait3A_165] : memref<80x125xi32, #tpu.memory_space<vmem>> -> memref<1x125xi32, #tpu.memory_space<vmem>>
    %dma_wait3A_167 = tpu.memref_squeeze %dma_wait3A_166 : memref<1x125xi32, #tpu.memory_space<vmem>> -> memref<125xi32, #tpu.memory_space<vmem>>
    %dma_wait3A_168 = arith.constant 0 : i32
    %dma_wait3A_169 = arith.constant 0 : i32
    %dma_wait3A_170 = tpu.memref_slice %arg2[%dma_wait3A_168, %dma_wait3A_169] : memref<10000x16xf32, #tpu.memory_space<hbm>> -> memref<10000x16xf32, #tpu.memory_space<hbm>>
    %dma_wait3A_171 = tpu.memref_slice %arg10[%dma_wait3A_160] : memref<10x!tpu.dma_semaphore, #tpu.memory_space<semaphore_mem>> -> memref<1x!tpu.dma_semaphore, #tpu.memory_space<semaphore_mem>>
    %dma_wait3A_172 = tpu.memref_squeeze %dma_wait3A_171 : memref<1x!tpu.dma_semaphore, #tpu.memory_space<semaphore_mem>> -> memref<!tpu.dma_semaphore, #tpu.memory_space<semaphore_mem>>
    tpu.wait_indirect_dma semaphore(%dma_wait3A_172 : memref<!tpu.dma_semaphore, #tpu.memory_space<semaphore_mem>>) src(%dma_wait3A_170 : memref<10000x16xf32, #tpu.memory_space<hbm>>) dst(%dma_wait3A_164 : memref<125x16xf32, #tpu.memory_space<vmem>>)
    %dma_start3A_173 = arith.constant 0 : i32
    %dma_start3A_174 = arith.constant 70 : i32
    %dma_start3A_175 = arith.constant 0 : i32
    %dma_start3A_176 = arith.constant 0 : i32
    %dma_start3A_177 = arith.constant 0 : i32
    %dma_start3A_178 = tpu.memref_slice %arg8[%dma_start3A_173, %dma_start3A_176, %dma_start3A_177] : memref<10x125x16xf32, #tpu.memory_space<vmem>> -> memref<1x125x16xf32, #tpu.memory_space<vmem>>
    %dma_start3A_179 = tpu.memref_squeeze %dma_start3A_178 : memref<1x125x16xf32, #tpu.memory_space<vmem>> -> memref<125x16xf32, #tpu.memory_space<vmem>>
    %dma_start3A_180 = arith.constant 0 : i32
    %dma_start3A_181 = tpu.memref_slice %arg7[%dma_start3A_174, %dma_start3A_180] : memref<80x125xi32, #tpu.memory_space<vmem>> -> memref<1x125xi32, #tpu.memory_space<vmem>>
    %dma_start3A_182 = tpu.memref_squeeze %dma_start3A_181 : memref<1x125xi32, #tpu.memory_space<vmem>> -> memref<125xi32, #tpu.memory_space<vmem>>
    %dma_start3A_183 = arith.constant 0 : i32
    %dma_start3A_184 = arith.constant 0 : i32
    %dma_start3A_185 = tpu.memref_slice %arg9[%dma_start3A_183, %dma_start3A_184] : memref<10000x16xf32, #tpu.memory_space<vmem_shared>> -> memref<10000x16xf32, #tpu.memory_space<vmem_shared>>
    %dma_start3A_186 = tpu.memref_slice %arg11[%dma_start3A_175] : memref<10x!tpu.dma_semaphore, #tpu.memory_space<semaphore_mem>> -> memref<1x!tpu.dma_semaphore, #tpu.memory_space<semaphore_mem>>
    %dma_start3A_187 = tpu.memref_squeeze %dma_start3A_186 : memref<1x!tpu.dma_semaphore, #tpu.memory_space<semaphore_mem>> -> memref<!tpu.dma_semaphore, #tpu.memory_space<semaphore_mem>>
    tpu.enqueue_indirect_dma source(%dma_start3A_179 : memref<125x16xf32, #tpu.memory_space<vmem>>) target(%dma_start3A_185 : memref<10000x16xf32, #tpu.memory_space<vmem_shared>>) offsets(%dma_start3A_182 : memref<125xi32, #tpu.memory_space<vmem>>) semaphore(%dma_start3A_187 : memref<!tpu.dma_semaphore, #tpu.memory_space<semaphore_mem>>) {add = true}
    %dma_wait3A_188 = arith.constant 71 : i32
    %dma_wait3A_189 = arith.constant 1 : i32
    %dma_wait3A_190 = arith.constant 1 : i32
    %dma_wait3A_191 = arith.constant 0 : i32
    %dma_wait3A_192 = arith.constant 0 : i32
    %dma_wait3A_193 = tpu.memref_slice %arg8[%dma_wait3A_189, %dma_wait3A_191, %dma_wait3A_192] : memref<10x125x16xf32, #tpu.memory_space<vmem>> -> memref<1x125x16xf32, #tpu.memory_space<vmem>>
    %dma_wait3A_194 = tpu.memref_squeeze %dma_wait3A_193 : memref<1x125x16xf32, #tpu.memory_space<vmem>> -> memref<125x16xf32, #tpu.memory_space<vmem>>
    %dma_wait3A_195 = arith.constant 0 : i32
    %dma_wait3A_196 = tpu.memref_slice %arg6[%dma_wait3A_188, %dma_wait3A_195] : memref<80x125xi32, #tpu.memory_space<vmem>> -> memref<1x125xi32, #tpu.memory_space<vmem>>
    %dma_wait3A_197 = tpu.memref_squeeze %dma_wait3A_196 : memref<1x125xi32, #tpu.memory_space<vmem>> -> memref<125xi32, #tpu.memory_space<vmem>>
    %dma_wait3A_198 = arith.constant 0 : i32
    %dma_wait3A_199 = arith.constant 0 : i32
    %dma_wait3A_200 = tpu.memref_slice %arg2[%dma_wait3A_198, %dma_wait3A_199] : memref<10000x16xf32, #tpu.memory_space<hbm>> -> memref<10000x16xf32, #tpu.memory_space<hbm>>
    %dma_wait3A_201 = tpu.memref_slice %arg10[%dma_wait3A_190] : memref<10x!tpu.dma_semaphore, #tpu.memory_space<semaphore_mem>> -> memref<1x!tpu.dma_semaphore, #tpu.memory_space<semaphore_mem>>
    %dma_wait3A_202 = tpu.memref_squeeze %dma_wait3A_201 : memref<1x!tpu.dma_semaphore, #tpu.memory_space<semaphore_mem>> -> memref<!tpu.dma_semaphore, #tpu.memory_space<semaphore_mem>>
    tpu.wait_indirect_dma semaphore(%dma_wait3A_202 : memref<!tpu.dma_semaphore, #tpu.memory_space<semaphore_mem>>) src(%dma_wait3A_200 : memref<10000x16xf32, #tpu.memory_space<hbm>>) dst(%dma_wait3A_194 : memref<125x16xf32, #tpu.memory_space<vmem>>)
    %dma_start3A_203 = arith.constant 1 : i32
    %dma_start3A_204 = arith.constant 71 : i32
    %dma_start3A_205 = arith.constant 1 : i32
    %dma_start3A_206 = arith.constant 0 : i32
    %dma_start3A_207 = arith.constant 0 : i32
    %dma_start3A_208 = tpu.memref_slice %arg8[%dma_start3A_203, %dma_start3A_206, %dma_start3A_207] : memref<10x125x16xf32, #tpu.memory_space<vmem>> -> memref<1x125x16xf32, #tpu.memory_space<vmem>>
    %dma_start3A_209 = tpu.memref_squeeze %dma_start3A_208 : memref<1x125x16xf32, #tpu.memory_space<vmem>> -> memref<125x16xf32, #tpu.memory_space<vmem>>
    %dma_start3A_210 = arith.constant 0 : i32
    %dma_start3A_211 = tpu.memref_slice %arg7[%dma_start3A_204, %dma_start3A_210] : memref<80x125xi32, #tpu.memory_space<vmem>> -> memref<1x125xi32, #tpu.memory_space<vmem>>
    %dma_start3A_212 = tpu.memref_squeeze %dma_start3A_211 : memref<1x125xi32, #tpu.memory_space<vmem>> -> memref<125xi32, #tpu.memory_space<vmem>>
    %dma_start3A_213 = arith.constant 0 : i32
    %dma_start3A_214 = arith.constant 0 : i32
    %dma_start3A_215 = tpu.memref_slice %arg9[%dma_start3A_213, %dma_start3A_214] : memref<10000x16xf32, #tpu.memory_space<vmem_shared>> -> memref<10000x16xf32, #tpu.memory_space<vmem_shared>>
    %dma_start3A_216 = tpu.memref_slice %arg11[%dma_start3A_205] : memref<10x!tpu.dma_semaphore, #tpu.memory_space<semaphore_mem>> -> memref<1x!tpu.dma_semaphore, #tpu.memory_space<semaphore_mem>>
    %dma_start3A_217 = tpu.memref_squeeze %dma_start3A_216 : memref<1x!tpu.dma_semaphore, #tpu.memory_space<semaphore_mem>> -> memref<!tpu.dma_semaphore, #tpu.memory_space<semaphore_mem>>
    tpu.enqueue_indirect_dma source(%dma_start3A_209 : memref<125x16xf32, #tpu.memory_space<vmem>>) target(%dma_start3A_215 : memref<10000x16xf32, #tpu.memory_space<vmem_shared>>) offsets(%dma_start3A_212 : memref<125xi32, #tpu.memory_space<vmem>>) semaphore(%dma_start3A_217 : memref<!tpu.dma_semaphore, #tpu.memory_space<semaphore_mem>>) {add = true}
    %dma_wait3A_218 = arith.constant 72 : i32
    %dma_wait3A_219 = arith.constant 2 : i32
    %dma_wait3A_220 = arith.constant 2 : i32
    %dma_wait3A_221 = arith.constant 0 : i32
    %dma_wait3A_222 = arith.constant 0 : i32
    %dma_wait3A_223 = tpu.memref_slice %arg8[%dma_wait3A_219, %dma_wait3A_221, %dma_wait3A_222] : memref<10x125x16xf32, #tpu.memory_space<vmem>> -> memref<1x125x16xf32, #tpu.memory_space<vmem>>
    %dma_wait3A_224 = tpu.memref_squeeze %dma_wait3A_223 : memref<1x125x16xf32, #tpu.memory_space<vmem>> -> memref<125x16xf32, #tpu.memory_space<vmem>>
    %dma_wait3A_225 = arith.constant 0 : i32
    %dma_wait3A_226 = tpu.memref_slice %arg6[%dma_wait3A_218, %dma_wait3A_225] : memref<80x125xi32, #tpu.memory_space<vmem>> -> memref<1x125xi32, #tpu.memory_space<vmem>>
    %dma_wait3A_227 = tpu.memref_squeeze %dma_wait3A_226 : memref<1x125xi32, #tpu.memory_space<vmem>> -> memref<125xi32, #tpu.memory_space<vmem>>
    %dma_wait3A_228 = arith.constant 0 : i32
    %dma_wait3A_229 = arith.constant 0 : i32
    %dma_wait3A_230 = tpu.memref_slice %arg2[%dma_wait3A_228, %dma_wait3A_229] : memref<10000x16xf32, #tpu.memory_space<hbm>> -> memref<10000x16xf32, #tpu.memory_space<hbm>>
    %dma_wait3A_231 = tpu.memref_slice %arg10[%dma_wait3A_220] : memref<10x!tpu.dma_semaphore, #tpu.memory_space<semaphore_mem>> -> memref<1x!tpu.dma_semaphore, #tpu.memory_space<semaphore_mem>>
    %dma_wait3A_232 = tpu.memref_squeeze %dma_wait3A_231 : memref<1x!tpu.dma_semaphore, #tpu.memory_space<semaphore_mem>> -> memref<!tpu.dma_semaphore, #tpu.memory_space<semaphore_mem>>
    tpu.wait_indirect_dma semaphore(%dma_wait3A_232 : memref<!tpu.dma_semaphore, #tpu.memory_space<semaphore_mem>>) src(%dma_wait3A_230 : memref<10000x16xf32, #tpu.memory_space<hbm>>) dst(%dma_wait3A_224 : memref<125x16xf32, #tpu.memory_space<vmem>>)
    %dma_start3A_233 = arith.constant 2 : i32
    %dma_start3A_234 = arith.constant 72 : i32
    %dma_start3A_235 = arith.constant 2 : i32
    %dma_start3A_236 = arith.constant 0 : i32
    %dma_start3A_237 = arith.constant 0 : i32
    %dma_start3A_238 = tpu.memref_slice %arg8[%dma_start3A_233, %dma_start3A_236, %dma_start3A_237] : memref<10x125x16xf32, #tpu.memory_space<vmem>> -> memref<1x125x16xf32, #tpu.memory_space<vmem>>
    %dma_start3A_239 = tpu.memref_squeeze %dma_start3A_238 : memref<1x125x16xf32, #tpu.memory_space<vmem>> -> memref<125x16xf32, #tpu.memory_space<vmem>>
    %dma_start3A_240 = arith.constant 0 : i32
    %dma_start3A_241 = tpu.memref_slice %arg7[%dma_start3A_234, %dma_start3A_240] : memref<80x125xi32, #tpu.memory_space<vmem>> -> memref<1x125xi32, #tpu.memory_space<vmem>>
    %dma_start3A_242 = tpu.memref_squeeze %dma_start3A_241 : memref<1x125xi32, #tpu.memory_space<vmem>> -> memref<125xi32, #tpu.memory_space<vmem>>
    %dma_start3A_243 = arith.constant 0 : i32
    %dma_start3A_244 = arith.constant 0 : i32
    %dma_start3A_245 = tpu.memref_slice %arg9[%dma_start3A_243, %dma_start3A_244] : memref<10000x16xf32, #tpu.memory_space<vmem_shared>> -> memref<10000x16xf32, #tpu.memory_space<vmem_shared>>
    %dma_start3A_246 = tpu.memref_slice %arg11[%dma_start3A_235] : memref<10x!tpu.dma_semaphore, #tpu.memory_space<semaphore_mem>> -> memref<1x!tpu.dma_semaphore, #tpu.memory_space<semaphore_mem>>
    %dma_start3A_247 = tpu.memref_squeeze %dma_start3A_246 : memref<1x!tpu.dma_semaphore, #tpu.memory_space<semaphore_mem>> -> memref<!tpu.dma_semaphore, #tpu.memory_space<semaphore_mem>>
    tpu.enqueue_indirect_dma source(%dma_start3A_239 : memref<125x16xf32, #tpu.memory_space<vmem>>) target(%dma_start3A_245 : memref<10000x16xf32, #tpu.memory_space<vmem_shared>>) offsets(%dma_start3A_242 : memref<125xi32, #tpu.memory_space<vmem>>) semaphore(%dma_start3A_247 : memref<!tpu.dma_semaphore, #tpu.memory_space<semaphore_mem>>) {add = true}
    %dma_wait3A_248 = arith.constant 73 : i32
    %dma_wait3A_249 = arith.constant 3 : i32
    %dma_wait3A_250 = arith.constant 3 : i32
    %dma_wait3A_251 = arith.constant 0 : i32
    %dma_wait3A_252 = arith.constant 0 : i32
    %dma_wait3A_253 = tpu.memref_slice %arg8[%dma_wait3A_249, %dma_wait3A_251, %dma_wait3A_252] : memref<10x125x16xf32, #tpu.memory_space<vmem>> -> memref<1x125x16xf32, #tpu.memory_space<vmem>>
    %dma_wait3A_254 = tpu.memref_squeeze %dma_wait3A_253 : memref<1x125x16xf32, #tpu.memory_space<vmem>> -> memref<125x16xf32, #tpu.memory_space<vmem>>
    %dma_wait3A_255 = arith.constant 0 : i32
    %dma_wait3A_256 = tpu.memref_slice %arg6[%dma_wait3A_248, %dma_wait3A_255] : memref<80x125xi32, #tpu.memory_space<vmem>> -> memref<1x125xi32, #tpu.memory_space<vmem>>
    %dma_wait3A_257 = tpu.memref_squeeze %dma_wait3A_256 : memref<1x125xi32, #tpu.memory_space<vmem>> -> memref<125xi32, #tpu.memory_space<vmem>>
    %dma_wait3A_258 = arith.constant 0 : i32
    %dma_wait3A_259 = arith.constant 0 : i32
    %dma_wait3A_260 = tpu.memref_slice %arg2[%dma_wait3A_258, %dma_wait3A_259] : memref<10000x16xf32, #tpu.memory_space<hbm>> -> memref<10000x16xf32, #tpu.memory_space<hbm>>
    %dma_wait3A_261 = tpu.memref_slice %arg10[%dma_wait3A_250] : memref<10x!tpu.dma_semaphore, #tpu.memory_space<semaphore_mem>> -> memref<1x!tpu.dma_semaphore, #tpu.memory_space<semaphore_mem>>
    %dma_wait3A_262 = tpu.memref_squeeze %dma_wait3A_261 : memref<1x!tpu.dma_semaphore, #tpu.memory_space<semaphore_mem>> -> memref<!tpu.dma_semaphore, #tpu.memory_space<semaphore_mem>>
    tpu.wait_indirect_dma semaphore(%dma_wait3A_262 : memref<!tpu.dma_semaphore, #tpu.memory_space<semaphore_mem>>) src(%dma_wait3A_260 : memref<10000x16xf32, #tpu.memory_space<hbm>>) dst(%dma_wait3A_254 : memref<125x16xf32, #tpu.memory_space<vmem>>)
    %dma_start3A_263 = arith.constant 3 : i32
    %dma_start3A_264 = arith.constant 73 : i32
    %dma_start3A_265 = arith.constant 3 : i32
    %dma_start3A_266 = arith.constant 0 : i32
    %dma_start3A_267 = arith.constant 0 : i32
    %dma_start3A_268 = tpu.memref_slice %arg8[%dma_start3A_263, %dma_start3A_266, %dma_start3A_267] : memref<10x125x16xf32, #tpu.memory_space<vmem>> -> memref<1x125x16xf32, #tpu.memory_space<vmem>>
    %dma_start3A_269 = tpu.memref_squeeze %dma_start3A_268 : memref<1x125x16xf32, #tpu.memory_space<vmem>> -> memref<125x16xf32, #tpu.memory_space<vmem>>
    %dma_start3A_270 = arith.constant 0 : i32
    %dma_start3A_271 = tpu.memref_slice %arg7[%dma_start3A_264, %dma_start3A_270] : memref<80x125xi32, #tpu.memory_space<vmem>> -> memref<1x125xi32, #tpu.memory_space<vmem>>
    %dma_start3A_272 = tpu.memref_squeeze %dma_start3A_271 : memref<1x125xi32, #tpu.memory_space<vmem>> -> memref<125xi32, #tpu.memory_space<vmem>>
    %dma_start3A_273 = arith.constant 0 : i32
    %dma_start3A_274 = arith.constant 0 : i32
    %dma_start3A_275 = tpu.memref_slice %arg9[%dma_start3A_273, %dma_start3A_274] : memref<10000x16xf32, #tpu.memory_space<vmem_shared>> -> memref<10000x16xf32, #tpu.memory_space<vmem_shared>>
    %dma_start3A_276 = tpu.memref_slice %arg11[%dma_start3A_265] : memref<10x!tpu.dma_semaphore, #tpu.memory_space<semaphore_mem>> -> memref<1x!tpu.dma_semaphore, #tpu.memory_space<semaphore_mem>>
    %dma_start3A_277 = tpu.memref_squeeze %dma_start3A_276 : memref<1x!tpu.dma_semaphore, #tpu.memory_space<semaphore_mem>> -> memref<!tpu.dma_semaphore, #tpu.memory_space<semaphore_mem>>
    tpu.enqueue_indirect_dma source(%dma_start3A_269 : memref<125x16xf32, #tpu.memory_space<vmem>>) target(%dma_start3A_275 : memref<10000x16xf32, #tpu.memory_space<vmem_shared>>) offsets(%dma_start3A_272 : memref<125xi32, #tpu.memory_space<vmem>>) semaphore(%dma_start3A_277 : memref<!tpu.dma_semaphore, #tpu.memory_space<semaphore_mem>>) {add = true}
    %dma_wait3A_278 = arith.constant 74 : i32
    %dma_wait3A_279 = arith.constant 4 : i32
    %dma_wait3A_280 = arith.constant 4 : i32
    %dma_wait3A_281 = arith.constant 0 : i32
    %dma_wait3A_282 = arith.constant 0 : i32
    %dma_wait3A_283 = tpu.memref_slice %arg8[%dma_wait3A_279, %dma_wait3A_281, %dma_wait3A_282] : memref<10x125x16xf32, #tpu.memory_space<vmem>> -> memref<1x125x16xf32, #tpu.memory_space<vmem>>
    %dma_wait3A_284 = tpu.memref_squeeze %dma_wait3A_283 : memref<1x125x16xf32, #tpu.memory_space<vmem>> -> memref<125x16xf32, #tpu.memory_space<vmem>>
    %dma_wait3A_285 = arith.constant 0 : i32
    %dma_wait3A_286 = tpu.memref_slice %arg6[%dma_wait3A_278, %dma_wait3A_285] : memref<80x125xi32, #tpu.memory_space<vmem>> -> memref<1x125xi32, #tpu.memory_space<vmem>>
    %dma_wait3A_287 = tpu.memref_squeeze %dma_wait3A_286 : memref<1x125xi32, #tpu.memory_space<vmem>> -> memref<125xi32, #tpu.memory_space<vmem>>
    %dma_wait3A_288 = arith.constant 0 : i32
    %dma_wait3A_289 = arith.constant 0 : i32
    %dma_wait3A_290 = tpu.memref_slice %arg2[%dma_wait3A_288, %dma_wait3A_289] : memref<10000x16xf32, #tpu.memory_space<hbm>> -> memref<10000x16xf32, #tpu.memory_space<hbm>>
    %dma_wait3A_291 = tpu.memref_slice %arg10[%dma_wait3A_280] : memref<10x!tpu.dma_semaphore, #tpu.memory_space<semaphore_mem>> -> memref<1x!tpu.dma_semaphore, #tpu.memory_space<semaphore_mem>>
    %dma_wait3A_292 = tpu.memref_squeeze %dma_wait3A_291 : memref<1x!tpu.dma_semaphore, #tpu.memory_space<semaphore_mem>> -> memref<!tpu.dma_semaphore, #tpu.memory_space<semaphore_mem>>
    tpu.wait_indirect_dma semaphore(%dma_wait3A_292 : memref<!tpu.dma_semaphore, #tpu.memory_space<semaphore_mem>>) src(%dma_wait3A_290 : memref<10000x16xf32, #tpu.memory_space<hbm>>) dst(%dma_wait3A_284 : memref<125x16xf32, #tpu.memory_space<vmem>>)
    %dma_start3A_293 = arith.constant 4 : i32
    %dma_start3A_294 = arith.constant 74 : i32
    %dma_start3A_295 = arith.constant 4 : i32
    %dma_start3A_296 = arith.constant 0 : i32
    %dma_start3A_297 = arith.constant 0 : i32
    %dma_start3A_298 = tpu.memref_slice %arg8[%dma_start3A_293, %dma_start3A_296, %dma_start3A_297] : memref<10x125x16xf32, #tpu.memory_space<vmem>> -> memref<1x125x16xf32, #tpu.memory_space<vmem>>
    %dma_start3A_299 = tpu.memref_squeeze %dma_start3A_298 : memref<1x125x16xf32, #tpu.memory_space<vmem>> -> memref<125x16xf32, #tpu.memory_space<vmem>>
    %dma_start3A_300 = arith.constant 0 : i32
    %dma_start3A_301 = tpu.memref_slice %arg7[%dma_start3A_294, %dma_start3A_300] : memref<80x125xi32, #tpu.memory_space<vmem>> -> memref<1x125xi32, #tpu.memory_space<vmem>>
    %dma_start3A_302 = tpu.memref_squeeze %dma_start3A_301 : memref<1x125xi32, #tpu.memory_space<vmem>> -> memref<125xi32, #tpu.memory_space<vmem>>
    %dma_start3A_303 = arith.constant 0 : i32
    %dma_start3A_304 = arith.constant 0 : i32
    %dma_start3A_305 = tpu.memref_slice %arg9[%dma_start3A_303, %dma_start3A_304] : memref<10000x16xf32, #tpu.memory_space<vmem_shared>> -> memref<10000x16xf32, #tpu.memory_space<vmem_shared>>
    %dma_start3A_306 = tpu.memref_slice %arg11[%dma_start3A_295] : memref<10x!tpu.dma_semaphore, #tpu.memory_space<semaphore_mem>> -> memref<1x!tpu.dma_semaphore, #tpu.memory_space<semaphore_mem>>
    %dma_start3A_307 = tpu.memref_squeeze %dma_start3A_306 : memref<1x!tpu.dma_semaphore, #tpu.memory_space<semaphore_mem>> -> memref<!tpu.dma_semaphore, #tpu.memory_space<semaphore_mem>>
    tpu.enqueue_indirect_dma source(%dma_start3A_299 : memref<125x16xf32, #tpu.memory_space<vmem>>) target(%dma_start3A_305 : memref<10000x16xf32, #tpu.memory_space<vmem_shared>>) offsets(%dma_start3A_302 : memref<125xi32, #tpu.memory_space<vmem>>) semaphore(%dma_start3A_307 : memref<!tpu.dma_semaphore, #tpu.memory_space<semaphore_mem>>) {add = true}
    %dma_wait3A_308 = arith.constant 0 : i32
    %dma_wait3A_309 = arith.constant 70 : i32
    %dma_wait3A_310 = arith.constant 0 : i32
    %dma_wait3A_311 = arith.constant 0 : i32
    %dma_wait3A_312 = arith.constant 0 : i32
    %dma_wait3A_313 = tpu.memref_slice %arg8[%dma_wait3A_308, %dma_wait3A_311, %dma_wait3A_312] : memref<10x125x16xf32, #tpu.memory_space<vmem>> -> memref<1x125x16xf32, #tpu.memory_space<vmem>>
    %dma_wait3A_314 = tpu.memref_squeeze %dma_wait3A_313 : memref<1x125x16xf32, #tpu.memory_space<vmem>> -> memref<125x16xf32, #tpu.memory_space<vmem>>
    %dma_wait3A_315 = arith.constant 0 : i32
    %dma_wait3A_316 = tpu.memref_slice %arg7[%dma_wait3A_309, %dma_wait3A_315] : memref<80x125xi32, #tpu.memory_space<vmem>> -> memref<1x125xi32, #tpu.memory_space<vmem>>
    %dma_wait3A_317 = tpu.memref_squeeze %dma_wait3A_316 : memref<1x125xi32, #tpu.memory_space<vmem>> -> memref<125xi32, #tpu.memory_space<vmem>>
    %dma_wait3A_318 = arith.constant 0 : i32
    %dma_wait3A_319 = arith.constant 0 : i32
    %dma_wait3A_320 = tpu.memref_slice %arg9[%dma_wait3A_318, %dma_wait3A_319] : memref<10000x16xf32, #tpu.memory_space<vmem_shared>> -> memref<10000x16xf32, #tpu.memory_space<vmem_shared>>
    %dma_wait3A_321 = tpu.memref_slice %arg11[%dma_wait3A_310] : memref<10x!tpu.dma_semaphore, #tpu.memory_space<semaphore_mem>> -> memref<1x!tpu.dma_semaphore, #tpu.memory_space<semaphore_mem>>
    %dma_wait3A_322 = tpu.memref_squeeze %dma_wait3A_321 : memref<1x!tpu.dma_semaphore, #tpu.memory_space<semaphore_mem>> -> memref<!tpu.dma_semaphore, #tpu.memory_space<semaphore_mem>>
    tpu.wait_indirect_dma semaphore(%dma_wait3A_322 : memref<!tpu.dma_semaphore, #tpu.memory_space<semaphore_mem>>) src(%dma_wait3A_314 : memref<125x16xf32, #tpu.memory_space<vmem>>) dst(%dma_wait3A_320 : memref<10000x16xf32, #tpu.memory_space<vmem_shared>>)
    %dma_wait3A_323 = arith.constant 1 : i32
    %dma_wait3A_324 = arith.constant 71 : i32
    %dma_wait3A_325 = arith.constant 1 : i32
    %dma_wait3A_326 = arith.constant 0 : i32
    %dma_wait3A_327 = arith.constant 0 : i32
    %dma_wait3A_328 = tpu.memref_slice %arg8[%dma_wait3A_323, %dma_wait3A_326, %dma_wait3A_327] : memref<10x125x16xf32, #tpu.memory_space<vmem>> -> memref<1x125x16xf32, #tpu.memory_space<vmem>>
    %dma_wait3A_329 = tpu.memref_squeeze %dma_wait3A_328 : memref<1x125x16xf32, #tpu.memory_space<vmem>> -> memref<125x16xf32, #tpu.memory_space<vmem>>
    %dma_wait3A_330 = arith.constant 0 : i32
    %dma_wait3A_331 = tpu.memref_slice %arg7[%dma_wait3A_324, %dma_wait3A_330] : memref<80x125xi32, #tpu.memory_space<vmem>> -> memref<1x125xi32, #tpu.memory_space<vmem>>
    %dma_wait3A_332 = tpu.memref_squeeze %dma_wait3A_331 : memref<1x125xi32, #tpu.memory_space<vmem>> -> memref<125xi32, #tpu.memory_space<vmem>>
    %dma_wait3A_333 = arith.constant 0 : i32
    %dma_wait3A_334 = arith.constant 0 : i32
    %dma_wait3A_335 = tpu.memref_slice %arg9[%dma_wait3A_333, %dma_wait3A_334] : memref<10000x16xf32, #tpu.memory_space<vmem_shared>> -> memref<10000x16xf32, #tpu.memory_space<vmem_shared>>
    %dma_wait3A_336 = tpu.memref_slice %arg11[%dma_wait3A_325] : memref<10x!tpu.dma_semaphore, #tpu.memory_space<semaphore_mem>> -> memref<1x!tpu.dma_semaphore, #tpu.memory_space<semaphore_mem>>
    %dma_wait3A_337 = tpu.memref_squeeze %dma_wait3A_336 : memref<1x!tpu.dma_semaphore, #tpu.memory_space<semaphore_mem>> -> memref<!tpu.dma_semaphore, #tpu.memory_space<semaphore_mem>>
    tpu.wait_indirect_dma semaphore(%dma_wait3A_337 : memref<!tpu.dma_semaphore, #tpu.memory_space<semaphore_mem>>) src(%dma_wait3A_329 : memref<125x16xf32, #tpu.memory_space<vmem>>) dst(%dma_wait3A_335 : memref<10000x16xf32, #tpu.memory_space<vmem_shared>>)
    %dma_wait3A_338 = arith.constant 2 : i32
    %dma_wait3A_339 = arith.constant 72 : i32
    %dma_wait3A_340 = arith.constant 2 : i32
    %dma_wait3A_341 = arith.constant 0 : i32
    %dma_wait3A_342 = arith.constant 0 : i32
    %dma_wait3A_343 = tpu.memref_slice %arg8[%dma_wait3A_338, %dma_wait3A_341, %dma_wait3A_342] : memref<10x125x16xf32, #tpu.memory_space<vmem>> -> memref<1x125x16xf32, #tpu.memory_space<vmem>>
    %dma_wait3A_344 = tpu.memref_squeeze %dma_wait3A_343 : memref<1x125x16xf32, #tpu.memory_space<vmem>> -> memref<125x16xf32, #tpu.memory_space<vmem>>
    %dma_wait3A_345 = arith.constant 0 : i32
    %dma_wait3A_346 = tpu.memref_slice %arg7[%dma_wait3A_339, %dma_wait3A_345] : memref<80x125xi32, #tpu.memory_space<vmem>> -> memref<1x125xi32, #tpu.memory_space<vmem>>
    %dma_wait3A_347 = tpu.memref_squeeze %dma_wait3A_346 : memref<1x125xi32, #tpu.memory_space<vmem>> -> memref<125xi32, #tpu.memory_space<vmem>>
    %dma_wait3A_348 = arith.constant 0 : i32
    %dma_wait3A_349 = arith.constant 0 : i32
    %dma_wait3A_350 = tpu.memref_slice %arg9[%dma_wait3A_348, %dma_wait3A_349] : memref<10000x16xf32, #tpu.memory_space<vmem_shared>> -> memref<10000x16xf32, #tpu.memory_space<vmem_shared>>
    %dma_wait3A_351 = tpu.memref_slice %arg11[%dma_wait3A_340] : memref<10x!tpu.dma_semaphore, #tpu.memory_space<semaphore_mem>> -> memref<1x!tpu.dma_semaphore, #tpu.memory_space<semaphore_mem>>
    %dma_wait3A_352 = tpu.memref_squeeze %dma_wait3A_351 : memref<1x!tpu.dma_semaphore, #tpu.memory_space<semaphore_mem>> -> memref<!tpu.dma_semaphore, #tpu.memory_space<semaphore_mem>>
    tpu.wait_indirect_dma semaphore(%dma_wait3A_352 : memref<!tpu.dma_semaphore, #tpu.memory_space<semaphore_mem>>) src(%dma_wait3A_344 : memref<125x16xf32, #tpu.memory_space<vmem>>) dst(%dma_wait3A_350 : memref<10000x16xf32, #tpu.memory_space<vmem_shared>>)
    %dma_wait3A_353 = arith.constant 3 : i32
    %dma_wait3A_354 = arith.constant 73 : i32
    %dma_wait3A_355 = arith.constant 3 : i32
    %dma_wait3A_356 = arith.constant 0 : i32
    %dma_wait3A_357 = arith.constant 0 : i32
    %dma_wait3A_358 = tpu.memref_slice %arg8[%dma_wait3A_353, %dma_wait3A_356, %dma_wait3A_357] : memref<10x125x16xf32, #tpu.memory_space<vmem>> -> memref<1x125x16xf32, #tpu.memory_space<vmem>>
    %dma_wait3A_359 = tpu.memref_squeeze %dma_wait3A_358 : memref<1x125x16xf32, #tpu.memory_space<vmem>> -> memref<125x16xf32, #tpu.memory_space<vmem>>
    %dma_wait3A_360 = arith.constant 0 : i32
    %dma_wait3A_361 = tpu.memref_slice %arg7[%dma_wait3A_354, %dma_wait3A_360] : memref<80x125xi32, #tpu.memory_space<vmem>> -> memref<1x125xi32, #tpu.memory_space<vmem>>
    %dma_wait3A_362 = tpu.memref_squeeze %dma_wait3A_361 : memref<1x125xi32, #tpu.memory_space<vmem>> -> memref<125xi32, #tpu.memory_space<vmem>>
    %dma_wait3A_363 = arith.constant 0 : i32
    %dma_wait3A_364 = arith.constant 0 : i32
    %dma_wait3A_365 = tpu.memref_slice %arg9[%dma_wait3A_363, %dma_wait3A_364] : memref<10000x16xf32, #tpu.memory_space<vmem_shared>> -> memref<10000x16xf32, #tpu.memory_space<vmem_shared>>
    %dma_wait3A_366 = tpu.memref_slice %arg11[%dma_wait3A_355] : memref<10x!tpu.dma_semaphore, #tpu.memory_space<semaphore_mem>> -> memref<1x!tpu.dma_semaphore, #tpu.memory_space<semaphore_mem>>
    %dma_wait3A_367 = tpu.memref_squeeze %dma_wait3A_366 : memref<1x!tpu.dma_semaphore, #tpu.memory_space<semaphore_mem>> -> memref<!tpu.dma_semaphore, #tpu.memory_space<semaphore_mem>>
    tpu.wait_indirect_dma semaphore(%dma_wait3A_367 : memref<!tpu.dma_semaphore, #tpu.memory_space<semaphore_mem>>) src(%dma_wait3A_359 : memref<125x16xf32, #tpu.memory_space<vmem>>) dst(%dma_wait3A_365 : memref<10000x16xf32, #tpu.memory_space<vmem_shared>>)
    %dma_wait3A_368 = arith.constant 4 : i32
    %dma_wait3A_369 = arith.constant 74 : i32
    %dma_wait3A_370 = arith.constant 4 : i32
    %dma_wait3A_371 = arith.constant 0 : i32
    %dma_wait3A_372 = arith.constant 0 : i32
    %dma_wait3A_373 = tpu.memref_slice %arg8[%dma_wait3A_368, %dma_wait3A_371, %dma_wait3A_372] : memref<10x125x16xf32, #tpu.memory_space<vmem>> -> memref<1x125x16xf32, #tpu.memory_space<vmem>>
    %dma_wait3A_374 = tpu.memref_squeeze %dma_wait3A_373 : memref<1x125x16xf32, #tpu.memory_space<vmem>> -> memref<125x16xf32, #tpu.memory_space<vmem>>
    %dma_wait3A_375 = arith.constant 0 : i32
    %dma_wait3A_376 = tpu.memref_slice %arg7[%dma_wait3A_369, %dma_wait3A_375] : memref<80x125xi32, #tpu.memory_space<vmem>> -> memref<1x125xi32, #tpu.memory_space<vmem>>
    %dma_wait3A_377 = tpu.memref_squeeze %dma_wait3A_376 : memref<1x125xi32, #tpu.memory_space<vmem>> -> memref<125xi32, #tpu.memory_space<vmem>>
    %dma_wait3A_378 = arith.constant 0 : i32
    %dma_wait3A_379 = arith.constant 0 : i32
    %dma_wait3A_380 = tpu.memref_slice %arg9[%dma_wait3A_378, %dma_wait3A_379] : memref<10000x16xf32, #tpu.memory_space<vmem_shared>> -> memref<10000x16xf32, #tpu.memory_space<vmem_shared>>
    %dma_wait3A_381 = tpu.memref_slice %arg11[%dma_wait3A_370] : memref<10x!tpu.dma_semaphore, #tpu.memory_space<semaphore_mem>> -> memref<1x!tpu.dma_semaphore, #tpu.memory_space<semaphore_mem>>
    %dma_wait3A_382 = tpu.memref_squeeze %dma_wait3A_381 : memref<1x!tpu.dma_semaphore, #tpu.memory_space<semaphore_mem>> -> memref<!tpu.dma_semaphore, #tpu.memory_space<semaphore_mem>>
    tpu.wait_indirect_dma semaphore(%dma_wait3A_382 : memref<!tpu.dma_semaphore, #tpu.memory_space<semaphore_mem>>) src(%dma_wait3A_374 : memref<125x16xf32, #tpu.memory_space<vmem>>) dst(%dma_wait3A_380 : memref<10000x16xf32, #tpu.memory_space<vmem_shared>>)
    %dma_wait3A_383 = arith.constant 75 : i32
    %dma_wait3A_384 = arith.constant 5 : i32
    %dma_wait3A_385 = arith.constant 5 : i32
    %dma_wait3A_386 = arith.constant 0 : i32
    %dma_wait3A_387 = arith.constant 0 : i32
    %dma_wait3A_388 = tpu.memref_slice %arg8[%dma_wait3A_384, %dma_wait3A_386, %dma_wait3A_387] : memref<10x125x16xf32, #tpu.memory_space<vmem>> -> memref<1x125x16xf32, #tpu.memory_space<vmem>>
    %dma_wait3A_389 = tpu.memref_squeeze %dma_wait3A_388 : memref<1x125x16xf32, #tpu.memory_space<vmem>> -> memref<125x16xf32, #tpu.memory_space<vmem>>
    %dma_wait3A_390 = arith.constant 0 : i32
    %dma_wait3A_391 = tpu.memref_slice %arg6[%dma_wait3A_383, %dma_wait3A_390] : memref<80x125xi32, #tpu.memory_space<vmem>> -> memref<1x125xi32, #tpu.memory_space<vmem>>
    %dma_wait3A_392 = tpu.memref_squeeze %dma_wait3A_391 : memref<1x125xi32, #tpu.memory_space<vmem>> -> memref<125xi32, #tpu.memory_space<vmem>>
    %dma_wait3A_393 = arith.constant 0 : i32
    %dma_wait3A_394 = arith.constant 0 : i32
    %dma_wait3A_395 = tpu.memref_slice %arg2[%dma_wait3A_393, %dma_wait3A_394] : memref<10000x16xf32, #tpu.memory_space<hbm>> -> memref<10000x16xf32, #tpu.memory_space<hbm>>
    %dma_wait3A_396 = tpu.memref_slice %arg10[%dma_wait3A_385] : memref<10x!tpu.dma_semaphore, #tpu.memory_space<semaphore_mem>> -> memref<1x!tpu.dma_semaphore, #tpu.memory_space<semaphore_mem>>
    %dma_wait3A_397 = tpu.memref_squeeze %dma_wait3A_396 : memref<1x!tpu.dma_semaphore, #tpu.memory_space<semaphore_mem>> -> memref<!tpu.dma_semaphore, #tpu.memory_space<semaphore_mem>>
    tpu.wait_indirect_dma semaphore(%dma_wait3A_397 : memref<!tpu.dma_semaphore, #tpu.memory_space<semaphore_mem>>) src(%dma_wait3A_395 : memref<10000x16xf32, #tpu.memory_space<hbm>>) dst(%dma_wait3A_389 : memref<125x16xf32, #tpu.memory_space<vmem>>)
    %dma_start3A_398 = arith.constant 5 : i32
    %dma_start3A_399 = arith.constant 75 : i32
    %dma_start3A_400 = arith.constant 5 : i32
    %dma_start3A_401 = arith.constant 0 : i32
    %dma_start3A_402 = arith.constant 0 : i32
    %dma_start3A_403 = tpu.memref_slice %arg8[%dma_start3A_398, %dma_start3A_401, %dma_start3A_402] : memref<10x125x16xf32, #tpu.memory_space<vmem>> -> memref<1x125x16xf32, #tpu.memory_space<vmem>>
    %dma_start3A_404 = tpu.memref_squeeze %dma_start3A_403 : memref<1x125x16xf32, #tpu.memory_space<vmem>> -> memref<125x16xf32, #tpu.memory_space<vmem>>
    %dma_start3A_405 = arith.constant 0 : i32
    %dma_start3A_406 = tpu.memref_slice %arg7[%dma_start3A_399, %dma_start3A_405] : memref<80x125xi32, #tpu.memory_space<vmem>> -> memref<1x125xi32, #tpu.memory_space<vmem>>
    %dma_start3A_407 = tpu.memref_squeeze %dma_start3A_406 : memref<1x125xi32, #tpu.memory_space<vmem>> -> memref<125xi32, #tpu.memory_space<vmem>>
    %dma_start3A_408 = arith.constant 0 : i32
    %dma_start3A_409 = arith.constant 0 : i32
    %dma_start3A_410 = tpu.memref_slice %arg9[%dma_start3A_408, %dma_start3A_409] : memref<10000x16xf32, #tpu.memory_space<vmem_shared>> -> memref<10000x16xf32, #tpu.memory_space<vmem_shared>>
    %dma_start3A_411 = tpu.memref_slice %arg11[%dma_start3A_400] : memref<10x!tpu.dma_semaphore, #tpu.memory_space<semaphore_mem>> -> memref<1x!tpu.dma_semaphore, #tpu.memory_space<semaphore_mem>>
    %dma_start3A_412 = tpu.memref_squeeze %dma_start3A_411 : memref<1x!tpu.dma_semaphore, #tpu.memory_space<semaphore_mem>> -> memref<!tpu.dma_semaphore, #tpu.memory_space<semaphore_mem>>
    tpu.enqueue_indirect_dma source(%dma_start3A_404 : memref<125x16xf32, #tpu.memory_space<vmem>>) target(%dma_start3A_410 : memref<10000x16xf32, #tpu.memory_space<vmem_shared>>) offsets(%dma_start3A_407 : memref<125xi32, #tpu.memory_space<vmem>>) semaphore(%dma_start3A_412 : memref<!tpu.dma_semaphore, #tpu.memory_space<semaphore_mem>>) {add = true}
    %dma_wait3A_413 = arith.constant 76 : i32
    %dma_wait3A_414 = arith.constant 6 : i32
    %dma_wait3A_415 = arith.constant 6 : i32
    %dma_wait3A_416 = arith.constant 0 : i32
    %dma_wait3A_417 = arith.constant 0 : i32
    %dma_wait3A_418 = tpu.memref_slice %arg8[%dma_wait3A_414, %dma_wait3A_416, %dma_wait3A_417] : memref<10x125x16xf32, #tpu.memory_space<vmem>> -> memref<1x125x16xf32, #tpu.memory_space<vmem>>
    %dma_wait3A_419 = tpu.memref_squeeze %dma_wait3A_418 : memref<1x125x16xf32, #tpu.memory_space<vmem>> -> memref<125x16xf32, #tpu.memory_space<vmem>>
    %dma_wait3A_420 = arith.constant 0 : i32
    %dma_wait3A_421 = tpu.memref_slice %arg6[%dma_wait3A_413, %dma_wait3A_420] : memref<80x125xi32, #tpu.memory_space<vmem>> -> memref<1x125xi32, #tpu.memory_space<vmem>>
    %dma_wait3A_422 = tpu.memref_squeeze %dma_wait3A_421 : memref<1x125xi32, #tpu.memory_space<vmem>> -> memref<125xi32, #tpu.memory_space<vmem>>
    %dma_wait3A_423 = arith.constant 0 : i32
    %dma_wait3A_424 = arith.constant 0 : i32
    %dma_wait3A_425 = tpu.memref_slice %arg2[%dma_wait3A_423, %dma_wait3A_424] : memref<10000x16xf32, #tpu.memory_space<hbm>> -> memref<10000x16xf32, #tpu.memory_space<hbm>>
    %dma_wait3A_426 = tpu.memref_slice %arg10[%dma_wait3A_415] : memref<10x!tpu.dma_semaphore, #tpu.memory_space<semaphore_mem>> -> memref<1x!tpu.dma_semaphore, #tpu.memory_space<semaphore_mem>>
    %dma_wait3A_427 = tpu.memref_squeeze %dma_wait3A_426 : memref<1x!tpu.dma_semaphore, #tpu.memory_space<semaphore_mem>> -> memref<!tpu.dma_semaphore, #tpu.memory_space<semaphore_mem>>
    tpu.wait_indirect_dma semaphore(%dma_wait3A_427 : memref<!tpu.dma_semaphore, #tpu.memory_space<semaphore_mem>>) src(%dma_wait3A_425 : memref<10000x16xf32, #tpu.memory_space<hbm>>) dst(%dma_wait3A_419 : memref<125x16xf32, #tpu.memory_space<vmem>>)
    %dma_start3A_428 = arith.constant 6 : i32
    %dma_start3A_429 = arith.constant 76 : i32
    %dma_start3A_430 = arith.constant 6 : i32
    %dma_start3A_431 = arith.constant 0 : i32
    %dma_start3A_432 = arith.constant 0 : i32
    %dma_start3A_433 = tpu.memref_slice %arg8[%dma_start3A_428, %dma_start3A_431, %dma_start3A_432] : memref<10x125x16xf32, #tpu.memory_space<vmem>> -> memref<1x125x16xf32, #tpu.memory_space<vmem>>
    %dma_start3A_434 = tpu.memref_squeeze %dma_start3A_433 : memref<1x125x16xf32, #tpu.memory_space<vmem>> -> memref<125x16xf32, #tpu.memory_space<vmem>>
    %dma_start3A_435 = arith.constant 0 : i32
    %dma_start3A_436 = tpu.memref_slice %arg7[%dma_start3A_429, %dma_start3A_435] : memref<80x125xi32, #tpu.memory_space<vmem>> -> memref<1x125xi32, #tpu.memory_space<vmem>>
    %dma_start3A_437 = tpu.memref_squeeze %dma_start3A_436 : memref<1x125xi32, #tpu.memory_space<vmem>> -> memref<125xi32, #tpu.memory_space<vmem>>
    %dma_start3A_438 = arith.constant 0 : i32
    %dma_start3A_439 = arith.constant 0 : i32
    %dma_start3A_440 = tpu.memref_slice %arg9[%dma_start3A_438, %dma_start3A_439] : memref<10000x16xf32, #tpu.memory_space<vmem_shared>> -> memref<10000x16xf32, #tpu.memory_space<vmem_shared>>
    %dma_start3A_441 = tpu.memref_slice %arg11[%dma_start3A_430] : memref<10x!tpu.dma_semaphore, #tpu.memory_space<semaphore_mem>> -> memref<1x!tpu.dma_semaphore, #tpu.memory_space<semaphore_mem>>
    %dma_start3A_442 = tpu.memref_squeeze %dma_start3A_441 : memref<1x!tpu.dma_semaphore, #tpu.memory_space<semaphore_mem>> -> memref<!tpu.dma_semaphore, #tpu.memory_space<semaphore_mem>>
    tpu.enqueue_indirect_dma source(%dma_start3A_434 : memref<125x16xf32, #tpu.memory_space<vmem>>) target(%dma_start3A_440 : memref<10000x16xf32, #tpu.memory_space<vmem_shared>>) offsets(%dma_start3A_437 : memref<125xi32, #tpu.memory_space<vmem>>) semaphore(%dma_start3A_442 : memref<!tpu.dma_semaphore, #tpu.memory_space<semaphore_mem>>) {add = true}
    %dma_wait3A_443 = arith.constant 77 : i32
    %dma_wait3A_444 = arith.constant 7 : i32
    %dma_wait3A_445 = arith.constant 7 : i32
    %dma_wait3A_446 = arith.constant 0 : i32
    %dma_wait3A_447 = arith.constant 0 : i32
    %dma_wait3A_448 = tpu.memref_slice %arg8[%dma_wait3A_444, %dma_wait3A_446, %dma_wait3A_447] : memref<10x125x16xf32, #tpu.memory_space<vmem>> -> memref<1x125x16xf32, #tpu.memory_space<vmem>>
    %dma_wait3A_449 = tpu.memref_squeeze %dma_wait3A_448 : memref<1x125x16xf32, #tpu.memory_space<vmem>> -> memref<125x16xf32, #tpu.memory_space<vmem>>
    %dma_wait3A_450 = arith.constant 0 : i32
    %dma_wait3A_451 = tpu.memref_slice %arg6[%dma_wait3A_443, %dma_wait3A_450] : memref<80x125xi32, #tpu.memory_space<vmem>> -> memref<1x125xi32, #tpu.memory_space<vmem>>
    %dma_wait3A_452 = tpu.memref_squeeze %dma_wait3A_451 : memref<1x125xi32, #tpu.memory_space<vmem>> -> memref<125xi32, #tpu.memory_space<vmem>>
    %dma_wait3A_453 = arith.constant 0 : i32
    %dma_wait3A_454 = arith.constant 0 : i32
    %dma_wait3A_455 = tpu.memref_slice %arg2[%dma_wait3A_453, %dma_wait3A_454] : memref<10000x16xf32, #tpu.memory_space<hbm>> -> memref<10000x16xf32, #tpu.memory_space<hbm>>
    %dma_wait3A_456 = tpu.memref_slice %arg10[%dma_wait3A_445] : memref<10x!tpu.dma_semaphore, #tpu.memory_space<semaphore_mem>> -> memref<1x!tpu.dma_semaphore, #tpu.memory_space<semaphore_mem>>
    %dma_wait3A_457 = tpu.memref_squeeze %dma_wait3A_456 : memref<1x!tpu.dma_semaphore, #tpu.memory_space<semaphore_mem>> -> memref<!tpu.dma_semaphore, #tpu.memory_space<semaphore_mem>>
    tpu.wait_indirect_dma semaphore(%dma_wait3A_457 : memref<!tpu.dma_semaphore, #tpu.memory_space<semaphore_mem>>) src(%dma_wait3A_455 : memref<10000x16xf32, #tpu.memory_space<hbm>>) dst(%dma_wait3A_449 : memref<125x16xf32, #tpu.memory_space<vmem>>)
    %dma_start3A_458 = arith.constant 7 : i32
    %dma_start3A_459 = arith.constant 77 : i32
    %dma_start3A_460 = arith.constant 7 : i32
    %dma_start3A_461 = arith.constant 0 : i32
    %dma_start3A_462 = arith.constant 0 : i32
    %dma_start3A_463 = tpu.memref_slice %arg8[%dma_start3A_458, %dma_start3A_461, %dma_start3A_462] : memref<10x125x16xf32, #tpu.memory_space<vmem>> -> memref<1x125x16xf32, #tpu.memory_space<vmem>>
    %dma_start3A_464 = tpu.memref_squeeze %dma_start3A_463 : memref<1x125x16xf32, #tpu.memory_space<vmem>> -> memref<125x16xf32, #tpu.memory_space<vmem>>
    %dma_start3A_465 = arith.constant 0 : i32
    %dma_start3A_466 = tpu.memref_slice %arg7[%dma_start3A_459, %dma_start3A_465] : memref<80x125xi32, #tpu.memory_space<vmem>> -> memref<1x125xi32, #tpu.memory_space<vmem>>
    %dma_start3A_467 = tpu.memref_squeeze %dma_start3A_466 : memref<1x125xi32, #tpu.memory_space<vmem>> -> memref<125xi32, #tpu.memory_space<vmem>>
    %dma_start3A_468 = arith.constant 0 : i32
    %dma_start3A_469 = arith.constant 0 : i32
    %dma_start3A_470 = tpu.memref_slice %arg9[%dma_start3A_468, %dma_start3A_469] : memref<10000x16xf32, #tpu.memory_space<vmem_shared>> -> memref<10000x16xf32, #tpu.memory_space<vmem_shared>>
    %dma_start3A_471 = tpu.memref_slice %arg11[%dma_start3A_460] : memref<10x!tpu.dma_semaphore, #tpu.memory_space<semaphore_mem>> -> memref<1x!tpu.dma_semaphore, #tpu.memory_space<semaphore_mem>>
    %dma_start3A_472 = tpu.memref_squeeze %dma_start3A_471 : memref<1x!tpu.dma_semaphore, #tpu.memory_space<semaphore_mem>> -> memref<!tpu.dma_semaphore, #tpu.memory_space<semaphore_mem>>
    tpu.enqueue_indirect_dma source(%dma_start3A_464 : memref<125x16xf32, #tpu.memory_space<vmem>>) target(%dma_start3A_470 : memref<10000x16xf32, #tpu.memory_space<vmem_shared>>) offsets(%dma_start3A_467 : memref<125xi32, #tpu.memory_space<vmem>>) semaphore(%dma_start3A_472 : memref<!tpu.dma_semaphore, #tpu.memory_space<semaphore_mem>>) {add = true}
    %dma_wait3A_473 = arith.constant 78 : i32
    %dma_wait3A_474 = arith.constant 8 : i32
    %dma_wait3A_475 = arith.constant 8 : i32
    %dma_wait3A_476 = arith.constant 0 : i32
    %dma_wait3A_477 = arith.constant 0 : i32
    %dma_wait3A_478 = tpu.memref_slice %arg8[%dma_wait3A_474, %dma_wait3A_476, %dma_wait3A_477] : memref<10x125x16xf32, #tpu.memory_space<vmem>> -> memref<1x125x16xf32, #tpu.memory_space<vmem>>
    %dma_wait3A_479 = tpu.memref_squeeze %dma_wait3A_478 : memref<1x125x16xf32, #tpu.memory_space<vmem>> -> memref<125x16xf32, #tpu.memory_space<vmem>>
    %dma_wait3A_480 = arith.constant 0 : i32
    %dma_wait3A_481 = tpu.memref_slice %arg6[%dma_wait3A_473, %dma_wait3A_480] : memref<80x125xi32, #tpu.memory_space<vmem>> -> memref<1x125xi32, #tpu.memory_space<vmem>>
    %dma_wait3A_482 = tpu.memref_squeeze %dma_wait3A_481 : memref<1x125xi32, #tpu.memory_space<vmem>> -> memref<125xi32, #tpu.memory_space<vmem>>
    %dma_wait3A_483 = arith.constant 0 : i32
    %dma_wait3A_484 = arith.constant 0 : i32
    %dma_wait3A_485 = tpu.memref_slice %arg2[%dma_wait3A_483, %dma_wait3A_484] : memref<10000x16xf32, #tpu.memory_space<hbm>> -> memref<10000x16xf32, #tpu.memory_space<hbm>>
    %dma_wait3A_486 = tpu.memref_slice %arg10[%dma_wait3A_475] : memref<10x!tpu.dma_semaphore, #tpu.memory_space<semaphore_mem>> -> memref<1x!tpu.dma_semaphore, #tpu.memory_space<semaphore_mem>>
    %dma_wait3A_487 = tpu.memref_squeeze %dma_wait3A_486 : memref<1x!tpu.dma_semaphore, #tpu.memory_space<semaphore_mem>> -> memref<!tpu.dma_semaphore, #tpu.memory_space<semaphore_mem>>
    tpu.wait_indirect_dma semaphore(%dma_wait3A_487 : memref<!tpu.dma_semaphore, #tpu.memory_space<semaphore_mem>>) src(%dma_wait3A_485 : memref<10000x16xf32, #tpu.memory_space<hbm>>) dst(%dma_wait3A_479 : memref<125x16xf32, #tpu.memory_space<vmem>>)
    %dma_start3A_488 = arith.constant 8 : i32
    %dma_start3A_489 = arith.constant 78 : i32
    %dma_start3A_490 = arith.constant 8 : i32
    %dma_start3A_491 = arith.constant 0 : i32
    %dma_start3A_492 = arith.constant 0 : i32
    %dma_start3A_493 = tpu.memref_slice %arg8[%dma_start3A_488, %dma_start3A_491, %dma_start3A_492] : memref<10x125x16xf32, #tpu.memory_space<vmem>> -> memref<1x125x16xf32, #tpu.memory_space<vmem>>
    %dma_start3A_494 = tpu.memref_squeeze %dma_start3A_493 : memref<1x125x16xf32, #tpu.memory_space<vmem>> -> memref<125x16xf32, #tpu.memory_space<vmem>>
    %dma_start3A_495 = arith.constant 0 : i32
    %dma_start3A_496 = tpu.memref_slice %arg7[%dma_start3A_489, %dma_start3A_495] : memref<80x125xi32, #tpu.memory_space<vmem>> -> memref<1x125xi32, #tpu.memory_space<vmem>>
    %dma_start3A_497 = tpu.memref_squeeze %dma_start3A_496 : memref<1x125xi32, #tpu.memory_space<vmem>> -> memref<125xi32, #tpu.memory_space<vmem>>
    %dma_start3A_498 = arith.constant 0 : i32
    %dma_start3A_499 = arith.constant 0 : i32
    %dma_start3A_500 = tpu.memref_slice %arg9[%dma_start3A_498, %dma_start3A_499] : memref<10000x16xf32, #tpu.memory_space<vmem_shared>> -> memref<10000x16xf32, #tpu.memory_space<vmem_shared>>
    %dma_start3A_501 = tpu.memref_slice %arg11[%dma_start3A_490] : memref<10x!tpu.dma_semaphore, #tpu.memory_space<semaphore_mem>> -> memref<1x!tpu.dma_semaphore, #tpu.memory_space<semaphore_mem>>
    %dma_start3A_502 = tpu.memref_squeeze %dma_start3A_501 : memref<1x!tpu.dma_semaphore, #tpu.memory_space<semaphore_mem>> -> memref<!tpu.dma_semaphore, #tpu.memory_space<semaphore_mem>>
    tpu.enqueue_indirect_dma source(%dma_start3A_494 : memref<125x16xf32, #tpu.memory_space<vmem>>) target(%dma_start3A_500 : memref<10000x16xf32, #tpu.memory_space<vmem_shared>>) offsets(%dma_start3A_497 : memref<125xi32, #tpu.memory_space<vmem>>) semaphore(%dma_start3A_502 : memref<!tpu.dma_semaphore, #tpu.memory_space<semaphore_mem>>) {add = true}
    %dma_wait3A_503 = arith.constant 79 : i32
    %dma_wait3A_504 = arith.constant 9 : i32
    %dma_wait3A_505 = arith.constant 9 : i32
    %dma_wait3A_506 = arith.constant 0 : i32
    %dma_wait3A_507 = arith.constant 0 : i32
    %dma_wait3A_508 = tpu.memref_slice %arg8[%dma_wait3A_504, %dma_wait3A_506, %dma_wait3A_507] : memref<10x125x16xf32, #tpu.memory_space<vmem>> -> memref<1x125x16xf32, #tpu.memory_space<vmem>>
    %dma_wait3A_509 = tpu.memref_squeeze %dma_wait3A_508 : memref<1x125x16xf32, #tpu.memory_space<vmem>> -> memref<125x16xf32, #tpu.memory_space<vmem>>
    %dma_wait3A_510 = arith.constant 0 : i32
    %dma_wait3A_511 = tpu.memref_slice %arg6[%dma_wait3A_503, %dma_wait3A_510] : memref<80x125xi32, #tpu.memory_space<vmem>> -> memref<1x125xi32, #tpu.memory_space<vmem>>
    %dma_wait3A_512 = tpu.memref_squeeze %dma_wait3A_511 : memref<1x125xi32, #tpu.memory_space<vmem>> -> memref<125xi32, #tpu.memory_space<vmem>>
    %dma_wait3A_513 = arith.constant 0 : i32
    %dma_wait3A_514 = arith.constant 0 : i32
    %dma_wait3A_515 = tpu.memref_slice %arg2[%dma_wait3A_513, %dma_wait3A_514] : memref<10000x16xf32, #tpu.memory_space<hbm>> -> memref<10000x16xf32, #tpu.memory_space<hbm>>
    %dma_wait3A_516 = tpu.memref_slice %arg10[%dma_wait3A_505] : memref<10x!tpu.dma_semaphore, #tpu.memory_space<semaphore_mem>> -> memref<1x!tpu.dma_semaphore, #tpu.memory_space<semaphore_mem>>
    %dma_wait3A_517 = tpu.memref_squeeze %dma_wait3A_516 : memref<1x!tpu.dma_semaphore, #tpu.memory_space<semaphore_mem>> -> memref<!tpu.dma_semaphore, #tpu.memory_space<semaphore_mem>>
    tpu.wait_indirect_dma semaphore(%dma_wait3A_517 : memref<!tpu.dma_semaphore, #tpu.memory_space<semaphore_mem>>) src(%dma_wait3A_515 : memref<10000x16xf32, #tpu.memory_space<hbm>>) dst(%dma_wait3A_509 : memref<125x16xf32, #tpu.memory_space<vmem>>)
    %dma_start3A_518 = arith.constant 9 : i32
    %dma_start3A_519 = arith.constant 79 : i32
    %dma_start3A_520 = arith.constant 9 : i32
    %dma_start3A_521 = arith.constant 0 : i32
    %dma_start3A_522 = arith.constant 0 : i32
    %dma_start3A_523 = tpu.memref_slice %arg8[%dma_start3A_518, %dma_start3A_521, %dma_start3A_522] : memref<10x125x16xf32, #tpu.memory_space<vmem>> -> memref<1x125x16xf32, #tpu.memory_space<vmem>>
    %dma_start3A_524 = tpu.memref_squeeze %dma_start3A_523 : memref<1x125x16xf32, #tpu.memory_space<vmem>> -> memref<125x16xf32, #tpu.memory_space<vmem>>
    %dma_start3A_525 = arith.constant 0 : i32
    %dma_start3A_526 = tpu.memref_slice %arg7[%dma_start3A_519, %dma_start3A_525] : memref<80x125xi32, #tpu.memory_space<vmem>> -> memref<1x125xi32, #tpu.memory_space<vmem>>
    %dma_start3A_527 = tpu.memref_squeeze %dma_start3A_526 : memref<1x125xi32, #tpu.memory_space<vmem>> -> memref<125xi32, #tpu.memory_space<vmem>>
    %dma_start3A_528 = arith.constant 0 : i32
    %dma_start3A_529 = arith.constant 0 : i32
    %dma_start3A_530 = tpu.memref_slice %arg9[%dma_start3A_528, %dma_start3A_529] : memref<10000x16xf32, #tpu.memory_space<vmem_shared>> -> memref<10000x16xf32, #tpu.memory_space<vmem_shared>>
    %dma_start3A_531 = tpu.memref_slice %arg11[%dma_start3A_520] : memref<10x!tpu.dma_semaphore, #tpu.memory_space<semaphore_mem>> -> memref<1x!tpu.dma_semaphore, #tpu.memory_space<semaphore_mem>>
    %dma_start3A_532 = tpu.memref_squeeze %dma_start3A_531 : memref<1x!tpu.dma_semaphore, #tpu.memory_space<semaphore_mem>> -> memref<!tpu.dma_semaphore, #tpu.memory_space<semaphore_mem>>
    tpu.enqueue_indirect_dma source(%dma_start3A_524 : memref<125x16xf32, #tpu.memory_space<vmem>>) target(%dma_start3A_530 : memref<10000x16xf32, #tpu.memory_space<vmem_shared>>) offsets(%dma_start3A_527 : memref<125xi32, #tpu.memory_space<vmem>>) semaphore(%dma_start3A_532 : memref<!tpu.dma_semaphore, #tpu.memory_space<semaphore_mem>>) {add = true}
    %dma_wait3A_533 = arith.constant 5 : i32
    %dma_wait3A_534 = arith.constant 75 : i32
    %dma_wait3A_535 = arith.constant 5 : i32
    %dma_wait3A_536 = arith.constant 0 : i32
    %dma_wait3A_537 = arith.constant 0 : i32
    %dma_wait3A_538 = tpu.memref_slice %arg8[%dma_wait3A_533, %dma_wait3A_536, %dma_wait3A_537] : memref<10x125x16xf32, #tpu.memory_space<vmem>> -> memref<1x125x16xf32, #tpu.memory_space<vmem>>
    %dma_wait3A_539 = tpu.memref_squeeze %dma_wait3A_538 : memref<1x125x16xf32, #tpu.memory_space<vmem>> -> memref<125x16xf32, #tpu.memory_space<vmem>>
    %dma_wait3A_540 = arith.constant 0 : i32
    %dma_wait3A_541 = tpu.memref_slice %arg7[%dma_wait3A_534, %dma_wait3A_540] : memref<80x125xi32, #tpu.memory_space<vmem>> -> memref<1x125xi32, #tpu.memory_space<vmem>>
    %dma_wait3A_542 = tpu.memref_squeeze %dma_wait3A_541 : memref<1x125xi32, #tpu.memory_space<vmem>> -> memref<125xi32, #tpu.memory_space<vmem>>
    %dma_wait3A_543 = arith.constant 0 : i32
    %dma_wait3A_544 = arith.constant 0 : i32
    %dma_wait3A_545 = tpu.memref_slice %arg9[%dma_wait3A_543, %dma_wait3A_544] : memref<10000x16xf32, #tpu.memory_space<vmem_shared>> -> memref<10000x16xf32, #tpu.memory_space<vmem_shared>>
    %dma_wait3A_546 = tpu.memref_slice %arg11[%dma_wait3A_535] : memref<10x!tpu.dma_semaphore, #tpu.memory_space<semaphore_mem>> -> memref<1x!tpu.dma_semaphore, #tpu.memory_space<semaphore_mem>>
    %dma_wait3A_547 = tpu.memref_squeeze %dma_wait3A_546 : memref<1x!tpu.dma_semaphore, #tpu.memory_space<semaphore_mem>> -> memref<!tpu.dma_semaphore, #tpu.memory_space<semaphore_mem>>
    tpu.wait_indirect_dma semaphore(%dma_wait3A_547 : memref<!tpu.dma_semaphore, #tpu.memory_space<semaphore_mem>>) src(%dma_wait3A_539 : memref<125x16xf32, #tpu.memory_space<vmem>>) dst(%dma_wait3A_545 : memref<10000x16xf32, #tpu.memory_space<vmem_shared>>)
    %dma_wait3A_548 = arith.constant 6 : i32
    %dma_wait3A_549 = arith.constant 76 : i32
    %dma_wait3A_550 = arith.constant 6 : i32
    %dma_wait3A_551 = arith.constant 0 : i32
    %dma_wait3A_552 = arith.constant 0 : i32
    %dma_wait3A_553 = tpu.memref_slice %arg8[%dma_wait3A_548, %dma_wait3A_551, %dma_wait3A_552] : memref<10x125x16xf32, #tpu.memory_space<vmem>> -> memref<1x125x16xf32, #tpu.memory_space<vmem>>
    %dma_wait3A_554 = tpu.memref_squeeze %dma_wait3A_553 : memref<1x125x16xf32, #tpu.memory_space<vmem>> -> memref<125x16xf32, #tpu.memory_space<vmem>>
    %dma_wait3A_555 = arith.constant 0 : i32
    %dma_wait3A_556 = tpu.memref_slice %arg7[%dma_wait3A_549, %dma_wait3A_555] : memref<80x125xi32, #tpu.memory_space<vmem>> -> memref<1x125xi32, #tpu.memory_space<vmem>>
    %dma_wait3A_557 = tpu.memref_squeeze %dma_wait3A_556 : memref<1x125xi32, #tpu.memory_space<vmem>> -> memref<125xi32, #tpu.memory_space<vmem>>
    %dma_wait3A_558 = arith.constant 0 : i32
    %dma_wait3A_559 = arith.constant 0 : i32
    %dma_wait3A_560 = tpu.memref_slice %arg9[%dma_wait3A_558, %dma_wait3A_559] : memref<10000x16xf32, #tpu.memory_space<vmem_shared>> -> memref<10000x16xf32, #tpu.memory_space<vmem_shared>>
    %dma_wait3A_561 = tpu.memref_slice %arg11[%dma_wait3A_550] : memref<10x!tpu.dma_semaphore, #tpu.memory_space<semaphore_mem>> -> memref<1x!tpu.dma_semaphore, #tpu.memory_space<semaphore_mem>>
    %dma_wait3A_562 = tpu.memref_squeeze %dma_wait3A_561 : memref<1x!tpu.dma_semaphore, #tpu.memory_space<semaphore_mem>> -> memref<!tpu.dma_semaphore, #tpu.memory_space<semaphore_mem>>
    tpu.wait_indirect_dma semaphore(%dma_wait3A_562 : memref<!tpu.dma_semaphore, #tpu.memory_space<semaphore_mem>>) src(%dma_wait3A_554 : memref<125x16xf32, #tpu.memory_space<vmem>>) dst(%dma_wait3A_560 : memref<10000x16xf32, #tpu.memory_space<vmem_shared>>)
    %dma_wait3A_563 = arith.constant 7 : i32
    %dma_wait3A_564 = arith.constant 77 : i32
    %dma_wait3A_565 = arith.constant 7 : i32
    %dma_wait3A_566 = arith.constant 0 : i32
    %dma_wait3A_567 = arith.constant 0 : i32
    %dma_wait3A_568 = tpu.memref_slice %arg8[%dma_wait3A_563, %dma_wait3A_566, %dma_wait3A_567] : memref<10x125x16xf32, #tpu.memory_space<vmem>> -> memref<1x125x16xf32, #tpu.memory_space<vmem>>
    %dma_wait3A_569 = tpu.memref_squeeze %dma_wait3A_568 : memref<1x125x16xf32, #tpu.memory_space<vmem>> -> memref<125x16xf32, #tpu.memory_space<vmem>>
    %dma_wait3A_570 = arith.constant 0 : i32
    %dma_wait3A_571 = tpu.memref_slice %arg7[%dma_wait3A_564, %dma_wait3A_570] : memref<80x125xi32, #tpu.memory_space<vmem>> -> memref<1x125xi32, #tpu.memory_space<vmem>>
    %dma_wait3A_572 = tpu.memref_squeeze %dma_wait3A_571 : memref<1x125xi32, #tpu.memory_space<vmem>> -> memref<125xi32, #tpu.memory_space<vmem>>
    %dma_wait3A_573 = arith.constant 0 : i32
    %dma_wait3A_574 = arith.constant 0 : i32
    %dma_wait3A_575 = tpu.memref_slice %arg9[%dma_wait3A_573, %dma_wait3A_574] : memref<10000x16xf32, #tpu.memory_space<vmem_shared>> -> memref<10000x16xf32, #tpu.memory_space<vmem_shared>>
    %dma_wait3A_576 = tpu.memref_slice %arg11[%dma_wait3A_565] : memref<10x!tpu.dma_semaphore, #tpu.memory_space<semaphore_mem>> -> memref<1x!tpu.dma_semaphore, #tpu.memory_space<semaphore_mem>>
    %dma_wait3A_577 = tpu.memref_squeeze %dma_wait3A_576 : memref<1x!tpu.dma_semaphore, #tpu.memory_space<semaphore_mem>> -> memref<!tpu.dma_semaphore, #tpu.memory_space<semaphore_mem>>
    tpu.wait_indirect_dma semaphore(%dma_wait3A_577 : memref<!tpu.dma_semaphore, #tpu.memory_space<semaphore_mem>>) src(%dma_wait3A_569 : memref<125x16xf32, #tpu.memory_space<vmem>>) dst(%dma_wait3A_575 : memref<10000x16xf32, #tpu.memory_space<vmem_shared>>)
    %dma_wait3A_578 = arith.constant 8 : i32
    %dma_wait3A_579 = arith.constant 78 : i32
    %dma_wait3A_580 = arith.constant 8 : i32
    %dma_wait3A_581 = arith.constant 0 : i32
    %dma_wait3A_582 = arith.constant 0 : i32
    %dma_wait3A_583 = tpu.memref_slice %arg8[%dma_wait3A_578, %dma_wait3A_581, %dma_wait3A_582] : memref<10x125x16xf32, #tpu.memory_space<vmem>> -> memref<1x125x16xf32, #tpu.memory_space<vmem>>
    %dma_wait3A_584 = tpu.memref_squeeze %dma_wait3A_583 : memref<1x125x16xf32, #tpu.memory_space<vmem>> -> memref<125x16xf32, #tpu.memory_space<vmem>>
    %dma_wait3A_585 = arith.constant 0 : i32
    %dma_wait3A_586 = tpu.memref_slice %arg7[%dma_wait3A_579, %dma_wait3A_585] : memref<80x125xi32, #tpu.memory_space<vmem>> -> memref<1x125xi32, #tpu.memory_space<vmem>>
    %dma_wait3A_587 = tpu.memref_squeeze %dma_wait3A_586 : memref<1x125xi32, #tpu.memory_space<vmem>> -> memref<125xi32, #tpu.memory_space<vmem>>
    %dma_wait3A_588 = arith.constant 0 : i32
    %dma_wait3A_589 = arith.constant 0 : i32
    %dma_wait3A_590 = tpu.memref_slice %arg9[%dma_wait3A_588, %dma_wait3A_589] : memref<10000x16xf32, #tpu.memory_space<vmem_shared>> -> memref<10000x16xf32, #tpu.memory_space<vmem_shared>>
    %dma_wait3A_591 = tpu.memref_slice %arg11[%dma_wait3A_580] : memref<10x!tpu.dma_semaphore, #tpu.memory_space<semaphore_mem>> -> memref<1x!tpu.dma_semaphore, #tpu.memory_space<semaphore_mem>>
    %dma_wait3A_592 = tpu.memref_squeeze %dma_wait3A_591 : memref<1x!tpu.dma_semaphore, #tpu.memory_space<semaphore_mem>> -> memref<!tpu.dma_semaphore, #tpu.memory_space<semaphore_mem>>
    tpu.wait_indirect_dma semaphore(%dma_wait3A_592 : memref<!tpu.dma_semaphore, #tpu.memory_space<semaphore_mem>>) src(%dma_wait3A_584 : memref<125x16xf32, #tpu.memory_space<vmem>>) dst(%dma_wait3A_590 : memref<10000x16xf32, #tpu.memory_space<vmem_shared>>)
    %dma_wait3A_593 = arith.constant 9 : i32
    %dma_wait3A_594 = arith.constant 79 : i32
    %dma_wait3A_595 = arith.constant 9 : i32
    %dma_wait3A_596 = arith.constant 0 : i32
    %dma_wait3A_597 = arith.constant 0 : i32
    %dma_wait3A_598 = tpu.memref_slice %arg8[%dma_wait3A_593, %dma_wait3A_596, %dma_wait3A_597] : memref<10x125x16xf32, #tpu.memory_space<vmem>> -> memref<1x125x16xf32, #tpu.memory_space<vmem>>
    %dma_wait3A_599 = tpu.memref_squeeze %dma_wait3A_598 : memref<1x125x16xf32, #tpu.memory_space<vmem>> -> memref<125x16xf32, #tpu.memory_space<vmem>>
    %dma_wait3A_600 = arith.constant 0 : i32
    %dma_wait3A_601 = tpu.memref_slice %arg7[%dma_wait3A_594, %dma_wait3A_600] : memref<80x125xi32, #tpu.memory_space<vmem>> -> memref<1x125xi32, #tpu.memory_space<vmem>>
    %dma_wait3A_602 = tpu.memref_squeeze %dma_wait3A_601 : memref<1x125xi32, #tpu.memory_space<vmem>> -> memref<125xi32, #tpu.memory_space<vmem>>
    %dma_wait3A_603 = arith.constant 0 : i32
    %dma_wait3A_604 = arith.constant 0 : i32
    %dma_wait3A_605 = tpu.memref_slice %arg9[%dma_wait3A_603, %dma_wait3A_604] : memref<10000x16xf32, #tpu.memory_space<vmem_shared>> -> memref<10000x16xf32, #tpu.memory_space<vmem_shared>>
    %dma_wait3A_606 = tpu.memref_slice %arg11[%dma_wait3A_595] : memref<10x!tpu.dma_semaphore, #tpu.memory_space<semaphore_mem>> -> memref<1x!tpu.dma_semaphore, #tpu.memory_space<semaphore_mem>>
    %dma_wait3A_607 = tpu.memref_squeeze %dma_wait3A_606 : memref<1x!tpu.dma_semaphore, #tpu.memory_space<semaphore_mem>> -> memref<!tpu.dma_semaphore, #tpu.memory_space<semaphore_mem>>
    tpu.wait_indirect_dma semaphore(%dma_wait3A_607 : memref<!tpu.dma_semaphore, #tpu.memory_space<semaphore_mem>>) src(%dma_wait3A_599 : memref<125x16xf32, #tpu.memory_space<vmem>>) dst(%dma_wait3A_605 : memref<10000x16xf32, #tpu.memory_space<vmem_shared>>)
    %barrier3A_608 = arith.constant 0 : index
    tpu.barrier barrier_id(%barrier3A_608)
    %mul3A_609 = arith.constant 624 : i32
    %mul3A_610 = arith.muli %arg1, %mul3A_609 : i32
    %mul3A_611 = arith.constant 624 : i32
    %mul3A_612 = arith.muli %arg1, %mul3A_611 : i32
    "tpu.region"() ({
      %run_scoped3A_618 = tpu.sem_alloc : memref<!tpu.dma_semaphore, #tpu.memory_space<semaphore_mem>>
      %dma_start3A_619 = arith.constant 0 : i32
      %dma_start3A_620 = arith.constant 0 : i32
      %dma_start3A_621 = tpu.memref_slice %arg5[%arg0, %dma_start3A_619, %dma_start3A_620] : memref<2x10000x16xf32, #tpu.memory_space<hbm>> -> memref<1x10000x16xf32, #tpu.memory_space<hbm>>
      %dma_start3A_622 = tpu.memref_squeeze %dma_start3A_621 : memref<1x10000x16xf32, #tpu.memory_space<hbm>> -> memref<10000x16xf32, #tpu.memory_space<hbm>>
      %dma_start3A_623 = arith.constant 0 : i32
      %dma_start3A_624 = tpu.memref_slice %dma_start3A_622[%mul3A_612, %dma_start3A_623] : memref<10000x16xf32, #tpu.memory_space<hbm>> -> memref<624x16xf32, #tpu.memory_space<hbm>>
      %dma_start3A_625 = arith.constant 0 : i32
      %dma_start3A_626 = tpu.memref_slice %arg9[%mul3A_610, %dma_start3A_625] : memref<10000x16xf32, #tpu.memory_space<vmem_shared>> -> memref<624x16xf32, #tpu.memory_space<vmem_shared>>
      tpu.enqueue_dma source(%dma_start3A_626 : memref<624x16xf32, #tpu.memory_space<vmem_shared>>) target(%dma_start3A_624 : memref<624x16xf32, #tpu.memory_space<hbm>>) target_semaphore(%run_scoped3A_618 : memref<!tpu.dma_semaphore, #tpu.memory_space<semaphore_mem>>)
      %dma_wait3A_627 = arith.constant 0 : i32
      %dma_wait3A_628 = arith.constant 0 : i32
      %dma_wait3A_629 = tpu.memref_slice %arg5[%arg0, %dma_wait3A_627, %dma_wait3A_628] : memref<2x10000x16xf32, #tpu.memory_space<hbm>> -> memref<1x10000x16xf32, #tpu.memory_space<hbm>>
      %dma_wait3A_630 = tpu.memref_squeeze %dma_wait3A_629 : memref<1x10000x16xf32, #tpu.memory_space<hbm>> -> memref<10000x16xf32, #tpu.memory_space<hbm>>
      %dma_wait3A_631 = arith.constant 0 : i32
      %dma_wait3A_632 = tpu.memref_slice %dma_wait3A_630[%mul3A_612, %dma_wait3A_631] : memref<10000x16xf32, #tpu.memory_space<hbm>> -> memref<624x16xf32, #tpu.memory_space<hbm>>
      %dma_wait3A_633 = arith.constant 0 : i32
      %dma_wait3A_634 = tpu.memref_slice %arg9[%mul3A_610, %dma_wait3A_633] : memref<10000x16xf32, #tpu.memory_space<vmem_shared>> -> memref<624x16xf32, #tpu.memory_space<vmem_shared>>
      tpu.wait_dma2 semaphore(%run_scoped3A_618 : memref<!tpu.dma_semaphore, #tpu.memory_space<semaphore_mem>>) src(%dma_wait3A_634 : memref<624x16xf32, #tpu.memory_space<vmem_shared>>) dst(%dma_wait3A_632 : memref<624x16xf32, #tpu.memory_space<hbm>>)
      tpu.yield
    }) : () -> ()
    %eq3A_613 = arith.constant 0 : i32
    %eq3A_614 = arith.cmpi eq, %arg1, %eq3A_613 : i32
    %convert_element_type3A_615 = arith.extui %eq3A_614 : i1 to i32
    %cond3A_616 = arith.constant 0 : i32
    %cond3A_617 = arith.cmpi ne, %convert_element_type3A_615, %cond3A_616 : i32
    scf.if %cond3A_617 {
      "tpu.region"() ({
        %run_scoped3A_618 = tpu.sem_alloc : memref<!tpu.dma_semaphore, #tpu.memory_space<semaphore_mem>>
        %dma_start3A_619 = arith.constant 0 : i32
        %dma_start3A_620 = arith.constant 0 : i32
        %dma_start3A_621 = tpu.memref_slice %arg5[%arg0, %dma_start3A_619, %dma_start3A_620] : memref<2x10000x16xf32, #tpu.memory_space<hbm>> -> memref<1x10000x16xf32, #tpu.memory_space<hbm>>
        %dma_start3A_622 = tpu.memref_squeeze %dma_start3A_621 : memref<1x10000x16xf32, #tpu.memory_space<hbm>> -> memref<10000x16xf32, #tpu.memory_space<hbm>>
        %dma_start3A_623 = arith.constant 9984 : i32
        %dma_start3A_624 = arith.constant 0 : i32
        %dma_start3A_625 = tpu.memref_slice %dma_start3A_622[%dma_start3A_623, %dma_start3A_624] : memref<10000x16xf32, #tpu.memory_space<hbm>> -> memref<16x16xf32, #tpu.memory_space<hbm>>
        %dma_start3A_626 = arith.constant 9984 : i32
        %dma_start3A_627 = arith.constant 0 : i32
        %dma_start3A_628 = tpu.memref_slice %arg9[%dma_start3A_626, %dma_start3A_627] : memref<10000x16xf32, #tpu.memory_space<vmem_shared>> -> memref<16x16xf32, #tpu.memory_space<vmem_shared>>
        tpu.enqueue_dma source(%dma_start3A_628 : memref<16x16xf32, #tpu.memory_space<vmem_shared>>) target(%dma_start3A_625 : memref<16x16xf32, #tpu.memory_space<hbm>>) target_semaphore(%run_scoped3A_618 : memref<!tpu.dma_semaphore, #tpu.memory_space<semaphore_mem>>)
        %dma_wait3A_629 = arith.constant 0 : i32
        %dma_wait3A_630 = arith.constant 0 : i32
        %dma_wait3A_631 = tpu.memref_slice %arg5[%arg0, %dma_wait3A_629, %dma_wait3A_630] : memref<2x10000x16xf32, #tpu.memory_space<hbm>> -> memref<1x10000x16xf32, #tpu.memory_space<hbm>>
        %dma_wait3A_632 = tpu.memref_squeeze %dma_wait3A_631 : memref<1x10000x16xf32, #tpu.memory_space<hbm>> -> memref<10000x16xf32, #tpu.memory_space<hbm>>
        %dma_wait3A_633 = arith.constant 9984 : i32
        %dma_wait3A_634 = arith.constant 0 : i32
        %dma_wait3A_635 = tpu.memref_slice %dma_wait3A_632[%dma_wait3A_633, %dma_wait3A_634] : memref<10000x16xf32, #tpu.memory_space<hbm>> -> memref<16x16xf32, #tpu.memory_space<hbm>>
        %dma_wait3A_636 = arith.constant 9984 : i32
        %dma_wait3A_637 = arith.constant 0 : i32
        %dma_wait3A_638 = tpu.memref_slice %arg9[%dma_wait3A_636, %dma_wait3A_637] : memref<10000x16xf32, #tpu.memory_space<vmem_shared>> -> memref<16x16xf32, #tpu.memory_space<vmem_shared>>
        tpu.wait_dma2 semaphore(%run_scoped3A_618 : memref<!tpu.dma_semaphore, #tpu.memory_space<semaphore_mem>>) src(%dma_wait3A_638 : memref<16x16xf32, #tpu.memory_space<vmem_shared>>) dst(%dma_wait3A_635 : memref<16x16xf32, #tpu.memory_space<hbm>>)
        tpu.yield
      }) : () -> ()
    } else {
    }
    return
  }
}

module attributes {stable_mosaic.version = 14 : i64} {
  func.func @_proj_body(%arg0: i32, %arg1: memref<2000x128xf32, #tpu.memory_space<vmem>>, %arg2: memref<128x32xf32, #tpu.memory_space<vmem>>, %arg3: memref<2000x48xf32, #tpu.memory_space<vmem>>) attributes {dimension_semantics = [#tpu.dimension_semantics<arbitrary>], iteration_bounds = array<i64: 5>, scalar_prefetch = 0 : i64, scratch_operands = 0 : i64, tpu.core_type = #tpu.core_type<tc>, window_params = [{transform_indices = @transform_0, window_bounds = array<i64: 2000, 128>}, {pipeline_mode = #tpu.pipeline_mode<synchronous>, transform_indices = @transform_1, window_bounds = array<i64: 128, 32>}, {transform_indices = @transform_2, window_bounds = array<i64: 2000, 48>}]} {
    %get3A = arith.constant 0 : index
    %get3A_0 = arith.constant 0 : index
    %get3A_1 = vector.load %arg1[%get3A, %get3A_0] : memref<2000x128xf32, #tpu.memory_space<vmem>>, vector<2000x128xf32>
    %get3A_2 = arith.constant 0 : index
    %get3A_3 = arith.constant 0 : index
    %get3A_4 = vector.load %arg2[%get3A_2, %get3A_3] : memref<128x32xf32, #tpu.memory_space<vmem>>, vector<128x32xf32>
    %dot_general3A = arith.constant dense<0.000000e+00> : vector<2000x32xf32>
    %dot_general3A_5 = tpu.matmul %get3A_1, %get3A_4, %dot_general3A {dimension_numbers = #tpu.dot_dimension_numbers<[1], [0], [0], [1], [0, 0, 1, 1], [], []>, transpose_lhs_hint = false} : vector<2000x128xf32>, vector<128x32xf32>, vector<2000x32xf32> -> vector<2000x32xf32>
    %swap3A = arith.constant 0 : index
    %swap3A_6 = arith.constant 0 : index
    %swap3A_7 = vector.load %arg3[%swap3A, %swap3A_6] : memref<2000x48xf32, #tpu.memory_space<vmem>>, vector<2000x32xf32>
    tpu.vector_store %arg3[%swap3A, %swap3A_6], %dot_general3A_5 {strides = array<i32>} : memref<2000x48xf32, #tpu.memory_space<vmem>>, vector<2000x32xf32>,
    %broadcast_in_dim3A = arith.constant 1.000000e+00 : f32
    %broadcast_in_dim3A_8 = vector.broadcast %broadcast_in_dim3A : f32 to vector<2000x1xf32>
    %swap3A_9 = arith.constant 0 : index
    %swap3A_10 = arith.constant 32 : index
    %swap3A_11 = vector.load %arg3[%swap3A_9, %swap3A_10] : memref<2000x48xf32, #tpu.memory_space<vmem>>, vector<2000x1xf32>
    tpu.vector_store %arg3[%swap3A_9, %swap3A_10], %broadcast_in_dim3A_8 {strides = array<i32>} : memref<2000x48xf32, #tpu.memory_space<vmem>>, vector<2000x1xf32>,
    %broadcast_in_dim3A_12 = arith.constant 0.000000e+00 : f32
    %broadcast_in_dim3A_13 = vector.broadcast %broadcast_in_dim3A_12 : f32 to vector<2000x15xf32>
    %swap3A_14 = arith.constant 0 : index
    %swap3A_15 = arith.constant 33 : index
    %swap3A_16 = vector.load %arg3[%swap3A_14, %swap3A_15] : memref<2000x48xf32, #tpu.memory_space<vmem>>, vector<2000x15xf32>
    tpu.vector_store %arg3[%swap3A_14, %swap3A_15], %broadcast_in_dim3A_13 {strides = array<i32>} : memref<2000x48xf32, #tpu.memory_space<vmem>>, vector<2000x15xf32>,
    return
  }
  func.func @transform_0(%arg0: i32) -> (i32, i32) {
    %c0_i32 = arith.constant 0 : i32
    %c0_i32_0 = arith.constant 0 : i32
    return %arg0, %c0_i32 : i32, i32
  }
  func.func @transform_1(%arg0: i32) -> (i32, i32) {
    %c0_i32 = arith.constant 0 : i32
    %c0_i32_0 = arith.constant 0 : i32
    %c0_i32_1 = arith.constant 0 : i32
    return %c0_i32, %c0_i32_0 : i32, i32
  }
  func.func @transform_2(%arg0: i32) -> (i32, i32) {
    %c0_i32 = arith.constant 0 : i32
    %c0_i32_0 = arith.constant 0 : i32
    return %arg0, %c0_i32 : i32, i32
  }
}

module attributes {stable_mosaic.version = 14 : i64} {
  func.func @_mid_body(%arg0: i32, %arg1: memref<2000x48xf32, #tpu.memory_space<vmem>>, %arg2: memref<2x2000x48xf32, #tpu.memory_space<vmem>>, %arg3: memref<1x32xf32, #tpu.memory_space<vmem>>, %arg4: memref<32x2xf32, #tpu.memory_space<vmem>>, %arg5: memref<2000x16xf32, #tpu.memory_space<vmem>>) attributes {dimension_semantics = [#tpu.dimension_semantics<arbitrary>], iteration_bounds = array<i64: 5>, scalar_prefetch = 0 : i64, scratch_operands = 0 : i64, tpu.core_type = #tpu.core_type<tc>, window_params = [{transform_indices = @transform_0, window_bounds = array<i64: 2000, 48>}, {transform_indices = @transform_1, window_bounds = array<i64: 2, 2000, 48>}, {pipeline_mode = #tpu.pipeline_mode<synchronous>, transform_indices = @transform_2, window_bounds = array<i64: 1, 32>}, {pipeline_mode = #tpu.pipeline_mode<synchronous>, transform_indices = @transform_3, window_bounds = array<i64: 32, 2>}, {transform_indices = @transform_4, window_bounds = array<i64: 2000, 16>}]} {
    %get3A = arith.constant 0 : index
    %get3A_0 = arith.constant 0 : index
    %get3A_1 = arith.constant 0 : index
    %get3A_2 = vector.load %arg2[%get3A, %get3A_0, %get3A_1] : memref<2x2000x48xf32, #tpu.memory_space<vmem>>, vector<1x2000x48xf32>
    %get3A_3 = vector.shape_cast %get3A_2 : vector<1x2000x48xf32> to vector<2000x48xf32>
    %get3A_4 = arith.constant 1 : index
    %get3A_5 = arith.constant 0 : index
    %get3A_6 = arith.constant 0 : index
    %get3A_7 = vector.load %arg2[%get3A_4, %get3A_5, %get3A_6] : memref<2x2000x48xf32, #tpu.memory_space<vmem>>, vector<1x2000x48xf32>
    %get3A_8 = vector.shape_cast %get3A_7 : vector<1x2000x48xf32> to vector<2000x48xf32>
    %add3A = arith.addf %get3A_3, %get3A_8 : vector<2000x48xf32>
    %slice3A = vector.extract_strided_slice %add3A {offsets = [0, 32], sizes = [2000, 1], strides = [1, 1]} : vector<2000x48xf32> to vector<2000x1xf32>
    %max3A = arith.constant 1.000000e+00 : f32
    %max3A_9 = vector.broadcast %max3A : f32 to vector<2000x1xf32>
    %max3A_10 = arith.maximumf %slice3A, %max3A_9 : vector<2000x1xf32>
    %get3A_11 = arith.constant 0 : index
    %get3A_12 = arith.constant 0 : index
    %get3A_13 = vector.load %arg1[%get3A_11, %get3A_12] : memref<2000x48xf32, #tpu.memory_space<vmem>>, vector<2000x32xf32>
    %slice3A_14 = vector.extract_strided_slice %add3A {offsets = [0, 0], sizes = [2000, 32], strides = [1, 1]} : vector<2000x48xf32> to vector<2000x32xf32>
    %div3A = vector.broadcast %max3A_10 : vector<2000x1xf32> to vector<2000x32xf32>
    %div3A_15 = arith.divf %slice3A_14, %div3A : vector<2000x32xf32>
    %add3A_16 = arith.addf %get3A_13, %div3A_15 : vector<2000x32xf32>
    %get3A_17 = arith.constant 0 : index
    %get3A_18 = arith.constant 0 : index
    %get3A_19 = vector.load %arg3[%get3A_17, %get3A_18] : memref<1x32xf32, #tpu.memory_space<vmem>>, vector<1x32xf32>
    %add3A_20 = vector.broadcast %get3A_19 : vector<1x32xf32> to vector<2000x32xf32>
    %add3A_21 = arith.addf %add3A_16, %add3A_20 : vector<2000x32xf32>
    %max3A_22 = arith.constant 0.000000e+00 : f32
    %max3A_23 = vector.broadcast %max3A_22 : f32 to vector<2000x32xf32>
    %max3A_24 = arith.maximumf %add3A_21, %max3A_23 : vector<2000x32xf32>
    %get3A_25 = arith.constant 0 : index
    %get3A_26 = arith.constant 0 : index
    %get3A_27 = vector.load %arg4[%get3A_25, %get3A_26] : memref<32x2xf32, #tpu.memory_space<vmem>>, vector<32x2xf32>
    %dot_general3A = arith.constant dense<0.000000e+00> : vector<2000x2xf32>
    %dot_general3A_28 = tpu.matmul %max3A_24, %get3A_27, %dot_general3A {dimension_numbers = #tpu.dot_dimension_numbers<[1], [0], [0], [1], [0, 0, 1, 1], [], []>, transpose_lhs_hint = false} : vector<2000x32xf32>, vector<32x2xf32>, vector<2000x2xf32> -> vector<2000x2xf32>
    %swap3A = arith.constant 0 : index
    %swap3A_29 = arith.constant 0 : index
    %swap3A_30 = vector.load %arg5[%swap3A, %swap3A_29] : memref<2000x16xf32, #tpu.memory_space<vmem>>, vector<2000x2xf32>
    tpu.vector_store %arg5[%swap3A, %swap3A_29], %dot_general3A_28 {strides = array<i32>} : memref<2000x16xf32, #tpu.memory_space<vmem>>, vector<2000x2xf32>,
    %broadcast_in_dim3A = arith.constant 1.000000e+00 : f32
    %broadcast_in_dim3A_31 = vector.broadcast %broadcast_in_dim3A : f32 to vector<2000x1xf32>
    %swap3A_32 = arith.constant 0 : index
    %swap3A_33 = arith.constant 2 : index
    %swap3A_34 = vector.load %arg5[%swap3A_32, %swap3A_33] : memref<2000x16xf32, #tpu.memory_space<vmem>>, vector<2000x1xf32>
    tpu.vector_store %arg5[%swap3A_32, %swap3A_33], %broadcast_in_dim3A_31 {strides = array<i32>} : memref<2000x16xf32, #tpu.memory_space<vmem>>, vector<2000x1xf32>,
    %broadcast_in_dim3A_35 = arith.constant 0.000000e+00 : f32
    %broadcast_in_dim3A_36 = vector.broadcast %broadcast_in_dim3A_35 : f32 to vector<2000x13xf32>
    %swap3A_37 = arith.constant 0 : index
    %swap3A_38 = arith.constant 3 : index
    %swap3A_39 = vector.load %arg5[%swap3A_37, %swap3A_38] : memref<2000x16xf32, #tpu.memory_space<vmem>>, vector<2000x13xf32>
    tpu.vector_store %arg5[%swap3A_37, %swap3A_38], %broadcast_in_dim3A_36 {strides = array<i32>} : memref<2000x16xf32, #tpu.memory_space<vmem>>, vector<2000x13xf32>,
    return
  }
  func.func @transform_0(%arg0: i32) -> (i32, i32) {
    %c0_i32 = arith.constant 0 : i32
    %c0_i32_0 = arith.constant 0 : i32
    return %arg0, %c0_i32 : i32, i32
  }
  func.func @transform_1(%arg0: i32) -> (i32, i32, i32) {
    %c0_i32 = arith.constant 0 : i32
    %c0_i32_0 = arith.constant 0 : i32
    %c0_i32_1 = arith.constant 0 : i32
    return %c0_i32, %arg0, %c0_i32_0 : i32, i32, i32
  }
  func.func @transform_2(%arg0: i32) -> (i32, i32) {
    %c0_i32 = arith.constant 0 : i32
    %c0_i32_0 = arith.constant 0 : i32
    %c0_i32_1 = arith.constant 0 : i32
    return %c0_i32, %c0_i32_0 : i32, i32
  }
  func.func @transform_3(%arg0: i32) -> (i32, i32) {
    %c0_i32 = arith.constant 0 : i32
    %c0_i32_0 = arith.constant 0 : i32
    %c0_i32_1 = arith.constant 0 : i32
    return %c0_i32, %c0_i32_0 : i32, i32
  }
  func.func @transform_4(%arg0: i32) -> (i32, i32) {
    %c0_i32 = arith.constant 0 : i32
    %c0_i32_0 = arith.constant 0 : i32
    return %arg0, %c0_i32 : i32, i32
  }
}

module attributes {stable_mosaic.version = 14 : i64} {
  func.func @_fin_body(%arg0: i32, %arg1: memref<2000x16xf32, #tpu.memory_space<vmem>>, %arg2: memref<2x2000x16xf32, #tpu.memory_space<vmem>>, %arg3: memref<1x2xf32, #tpu.memory_space<vmem>>, %arg4: memref<2000x2xf32, #tpu.memory_space<vmem>>) attributes {dimension_semantics = [#tpu.dimension_semantics<arbitrary>], iteration_bounds = array<i64: 5>, scalar_prefetch = 0 : i64, scratch_operands = 0 : i64, tpu.core_type = #tpu.core_type<tc>, window_params = [{transform_indices = @transform_0, window_bounds = array<i64: 2000, 16>}, {transform_indices = @transform_1, window_bounds = array<i64: 2, 2000, 16>}, {pipeline_mode = #tpu.pipeline_mode<synchronous>, transform_indices = @transform_2, window_bounds = array<i64: 1, 2>}, {transform_indices = @transform_3, window_bounds = array<i64: 2000, 2>}]} {
    %get3A = arith.constant 0 : index
    %get3A_0 = arith.constant 0 : index
    %get3A_1 = arith.constant 0 : index
    %get3A_2 = vector.load %arg2[%get3A, %get3A_0, %get3A_1] : memref<2x2000x16xf32, #tpu.memory_space<vmem>>, vector<1x2000x16xf32>
    %get3A_3 = vector.shape_cast %get3A_2 : vector<1x2000x16xf32> to vector<2000x16xf32>
    %get3A_4 = arith.constant 1 : index
    %get3A_5 = arith.constant 0 : index
    %get3A_6 = arith.constant 0 : index
    %get3A_7 = vector.load %arg2[%get3A_4, %get3A_5, %get3A_6] : memref<2x2000x16xf32, #tpu.memory_space<vmem>>, vector<1x2000x16xf32>
    %get3A_8 = vector.shape_cast %get3A_7 : vector<1x2000x16xf32> to vector<2000x16xf32>
    %add3A = arith.addf %get3A_3, %get3A_8 : vector<2000x16xf32>
    %slice3A = vector.extract_strided_slice %add3A {offsets = [0, 2], sizes = [2000, 1], strides = [1, 1]} : vector<2000x16xf32> to vector<2000x1xf32>
    %max3A = arith.constant 1.000000e+00 : f32
    %max3A_9 = vector.broadcast %max3A : f32 to vector<2000x1xf32>
    %max3A_10 = arith.maximumf %slice3A, %max3A_9 : vector<2000x1xf32>
    %get3A_11 = arith.constant 0 : index
    %get3A_12 = arith.constant 0 : index
    %get3A_13 = vector.load %arg1[%get3A_11, %get3A_12] : memref<2000x16xf32, #tpu.memory_space<vmem>>, vector<2000x2xf32>
    %slice3A_14 = vector.extract_strided_slice %add3A {offsets = [0, 0], sizes = [2000, 2], strides = [1, 1]} : vector<2000x16xf32> to vector<2000x2xf32>
    %div3A = vector.broadcast %max3A_10 : vector<2000x1xf32> to vector<2000x2xf32>
    %div3A_15 = arith.divf %slice3A_14, %div3A : vector<2000x2xf32>
    %add3A_16 = arith.addf %get3A_13, %div3A_15 : vector<2000x2xf32>
    %get3A_17 = arith.constant 0 : index
    %get3A_18 = arith.constant 0 : index
    %get3A_19 = vector.load %arg3[%get3A_17, %get3A_18] : memref<1x2xf32, #tpu.memory_space<vmem>>, vector<1x2xf32>
    %add3A_20 = vector.broadcast %get3A_19 : vector<1x2xf32> to vector<2000x2xf32>
    %add3A_21 = arith.addf %add3A_16, %add3A_20 : vector<2000x2xf32>
    %swap3A = arith.constant 0 : index
    %swap3A_22 = arith.constant 0 : index
    %swap3A_23 = vector.load %arg4[%swap3A, %swap3A_22] : memref<2000x2xf32, #tpu.memory_space<vmem>>, vector<2000x2xf32>
    tpu.vector_store %arg4[%swap3A, %swap3A_22], %add3A_21 {strides = array<i32>} : memref<2000x2xf32, #tpu.memory_space<vmem>>, vector<2000x2xf32>,
    return
  }
  func.func @transform_0(%arg0: i32) -> (i32, i32) {
    %c0_i32 = arith.constant 0 : i32
    %c0_i32_0 = arith.constant 0 : i32
    return %arg0, %c0_i32 : i32, i32
  }
  func.func @transform_1(%arg0: i32) -> (i32, i32, i32) {
    %c0_i32 = arith.constant 0 : i32
    %c0_i32_0 = arith.constant 0 : i32
    %c0_i32_1 = arith.constant 0 : i32
    return %c0_i32, %arg0, %c0_i32_0 : i32, i32, i32
  }
  func.func @transform_2(%arg0: i32) -> (i32, i32) {
    %c0_i32 = arith.constant 0 : i32
    %c0_i32_0 = arith.constant 0 : i32
    %c0_i32_1 = arith.constant 0 : i32
    return %c0_i32, %c0_i32_0 : i32, i32
  }
  func.func @transform_3(%arg0: i32) -> (i32, i32) {
    %c0_i32 = arith.constant 0 : i32
    %c0_i32_0 = arith.constant 0 : i32
    return %arg0, %c0_i32 : i32, i32
  }
}

</mosaic_0001>

<sc_bundles>
// kernel: kernel.10.cloned.1.call-start
scs
__scs_entry_jumppad:
0x0: {  	(pc) =	sbr.rel $0x88, $3  }
0x1: {  	(tag) =	ssettag $0x0;
	lr =	simm.s32 $0x1  }
0x2: {  	[smem:$0x3F9B] =	sst lr;
	_ =	strace $0xD0000000  }
0x3: {  	_ = 	snop  }
0x4: {  	_ = 	snop  }
0x5: {  	_ = 	snop  }
0x6: {  	_ = 	snop  }
0x7: {  	_ = 	snop  }
__scs_overlays_trampoline_lowered:
0x8: {  	[smem:$0x3FAA] =	sst s0  }
0x9: {  	[smem:$0x3FAB] =	sst s1  }
0xa: {  	[smem:$0x3FAC] =	sst s2  }
0xb: {  	[smem:$0x3FAD] =	sst s3  }
0xc: {  	[smem:$0x3FAE] =	sst s4  }
0xd: {  	[smem:$0x3FAF] =	sst s5  }
0xe: {  	[smem:$0x3FB0] =	sst s6  }
0xf: {  	[smem:$0x3FB1] =	sst s7  }
0x10: {  	[smem:$0x3FB2] =	sst s8  }
0x11: {  	[smem:$0x3FB3] =	sst s9;
	s0 =	simm.s32 @!p0 $0x0  }
0x12: {  	s1 =	sld [smem:$0x3F99];
	s0 =	simm.s32 @p0 $0x1  }
0x13: {  	[smem:$0x3FB4] =	sst s0;
	s0 =	simm.s32 @!p1 $0x0  }
0x14: {  	s2 =	sld [smem:$0x3F98];
	s0 =	simm.s32 @p1 $0x1  }
0x15: {  	[smem:$0x3FB5] =	sst s0;
	s0 =	simm.s32 @!p2 $0x0  }
0x16: {  	s3 =	sld [smem:$0x3FDB];
	s0 =	simm.s32 @p2 $0x1  }
0x17: {  	s4 =	simm.s32 $0x1BF5;
	[smem:$0x3FB7] =	sst s0  }
0x18: {  	s0 =	sld [smem:$0x3F9A];
	_ =	swait.ge [sflag:s4], $0x0  }
0x19: {  	s7 =	sld [smem:$0x3F9B]  }
0x1a: {  	s8 =	sadd.s32 $0xFFFFE003, lr  }
0x1b: {  	s9 =	sadd.s32 $0xFFFFFEF7, lr;
	s5 =	simm.s32 $0xFFFFFFFF;
	p2 =	slt.u32 s8, $0xFFFFF086  }
0x1c: {  	p1 =	slt.u32 s9, $0xF7A;
	s5 =	simm.s32 @!p2 $0x0  }
0x1d: {  	s5 =	simm.s32 @p1 $0x1;
	p0 =	seq.s32 s7, s2  }
0x1e: {  	s7 =	smul.u32 @!p0 $0xF7A, s2;
	p2 =	seq.s32 @!p0 s5, $0x0  }
0x1f: {  	s9 =	smul.u32 $0xF7A, s1;
	s8 =	simm.s32 @!p0 $0x1BF5;
	p2 =	por !p2, p0  }
0x20: {  	[sflag:s8] =	ssyncset.s32 @!p0 $0xFFFFF086;
	s6 =	sadd.s32 @!p0 s3, s7;
	s7 =	simm.s32 @!p0 $0x108  }
0x21: {  	s3 =	sadd.s32 s3, s9;
	s6 =	sadd.s32 @!p0 $0x88, s6;
	s7 =	simm.s32 @p2 $0x1082  }
0x22: {  	[simem:s7], [sflag:s8] =	dma.local @!p0 [hbm:s6], $0xF7A  }
0x23: {  	s9 =	sor.u32 $0xD0000000, s2;
	s6 =	simm.s32 $0x108;
	_ =	swait.ge @!p0 [sflag:s8], $0x0  }
0x24: {  	s3 =	sadd.s32 $0x88, s3;
	s6 =	simm.s32 @!p1 $0x1082;
	[sflag:s4] =	ssyncset.s32 $0xFFFFF086  }
0x25: {  	[simem:s6], [sflag:s4] =	dma.local [hbm:s3], $0xF7A  }
0x26: {  	[smem:$0x3F9B] =	sst s1;
	(tag) =	ssettag s2;
	_ =	strace s9  }
0x27: {  	s1 =	sld [smem:$0x3FAB]  }
0x28: {  	s2 =	sld [smem:$0x3FAC]  }
0x29: {  	s4 =	sld [smem:$0x3FAE]  }
0x2a: {  	p0 =	seq.s32 s5, $0x0;
	s5 =	sld [smem:$0x3FAF]  }
0x2b: {  	s6 =	sld [smem:$0x3FB0]  }
0x2c: {  	s7 =	sld [smem:$0x3FB1]  }
0x2d: {  	s3 =	simm.s32 $0x108;
	s8 =	sld [smem:$0x3FB2]  }
0x2e: {  	s3 =	simm.s32 @!p0 $0x1082;
	s9 =	sld [smem:$0x3FB3]  }
0x2f: {  	lr =	sadd.s32 s0, s3;
	s0 =	sld [smem:$0x3FAA]  }
0x30: {  	s3 =	sld [smem:$0x3FAD]  }
0x31: {  	[smem:$0x3FB6] =	sst s10  }
0x32: {  	s10 =	sld [smem:$0x3FB4];
	_ =	sdelay $0x3  }
0x33: {  	p0 =	seq.s32 s10, $0x1;
	s10 =	sld [smem:$0x3FB6];
	_ =	sdelay $0x3  }
0x34: {  	[smem:$0x3FB6] =	sst s10  }
0x35: {  	s10 =	sld [smem:$0x3FB5];
	_ =	sdelay $0x3  }
0x36: {  	p1 =	seq.s32 s10, $0x1;
	s10 =	sld [smem:$0x3FB6];
	_ =	sdelay $0x3  }
0x37: {  	[smem:$0x3FB6] =	sst s10  }
0x38: {  	s10 =	sld [smem:$0x3FB7]  }
0x39: {  	_ = 	snop;
	(pc) =	sbr.ind lr, $3  }
0x3a: {  	_ = 	snop  }
0x3b: {  	_ = 	snop  }
0x3c: {  	p2 =	seq.s32 s10, $0x1;
	s10 =	sld [smem:$0x3FB6]  }
0x3d: {  	_ =	shalt  }
0x3e: {  	_ =	shalt  }
0x3f: {  	_ =	shalt  }
0x40: {  	_ =	shalt  }
0x41: {  	_ =	shalt  }
0x42: {  	_ =	shalt  }
0x43: {  	_ =	shalt  }
0x44: {  	_ =	shalt  }
0x45: {  	_ =	shalt  }
0x46: {  	_ =	shalt  }
0x47: {  	_ =	shalt  }
0x48: {  	_ =	shalt  }
0x49: {  	_ =	shalt  }
0x4a: {  	_ =	shalt  }
0x4b: {  	_ =	shalt  }
0x4c: {  	_ =	shalt  }
0x4d: {  	_ =	shalt  }
0x4e: {  	_ =	shalt  }
0x4f: {  	_ =	shalt  }
0x50: {  	_ =	shalt  }
0x51: {  	_ =	shalt  }
0x52: {  	_ =	shalt  }
0x53: {  	_ =	shalt  }
0x54: {  	_ =	shalt  }
0x55: {  	_ =	shalt  }
0x56: {  	_ =	shalt  }
0x57: {  	_ =	shalt  }
0x58: {  	_ =	shalt  }
0x59: {  	_ =	shalt  }
0x5a: {  	_ =	shalt  }
0x5b: {  	_ =	shalt  }
0x5c: {  	_ =	shalt  }
0x5d: {  	_ =	shalt  }
0x5e: {  	_ =	shalt  }
0x5f: {  	_ =	shalt  }
0x60: {  	_ =	shalt  }
0x61: {  	_ =	shalt  }
0x62: {  	_ =	shalt  }
0x63: {  	_ =	shalt  }
0x64: {  	_ =	shalt  }
0x65: {  	_ =	shalt  }
0x66: {  	_ =	shalt  }
0x67: {  	_ =	shalt  }
0x68: {  	_ =	shalt  }
0x69: {  	_ =	shalt  }
0x6a: {  	_ =	shalt  }
0x6b: {  	_ =	shalt  }
0x6c: {  	_ =	shalt  }
0x6d: {  	_ =	shalt  }
0x6e: {  	_ =	shalt  }
0x6f: {  	_ =	shalt  }
0x70: {  	_ =	shalt  }
0x71: {  	_ =	shalt  }
0x72: {  	_ =	shalt  }
0x73: {  	_ =	shalt  }
0x74: {  	_ =	shalt  }
0x75: {  	_ =	shalt  }
0x76: {  	_ =	shalt  }
0x77: {  	_ =	shalt  }
0x78: {  	_ =	shalt  }
0x79: {  	_ =	shalt  }
0x7a: {  	_ =	shalt  }
0x7b: {  	_ =	shalt  }
0x7c: {  	_ =	shalt  }
0x7d: {  	_ =	shalt  }
0x7e: {  	_ =	shalt  }
0x7f: {  	_ =	shalt  }
0x80: {  	_ =	shalt  }
0x81: {  	_ =	shalt  }
0x82: {  	_ =	shalt  }
0x83: {  	_ =	shalt  }
0x84: {  	_ =	shalt  }
0x85: {  	_ =	shalt  }
0x86: {  	_ =	shalt  }
0x87: {  	_ =	shalt  }
.Lfunc_end0:
.L_simem_size_0:
called_computation.1_lowered:
.L_overlay_start_0:
0x88: {  	s2 =	sld [smem:$0x3FD9]  }
0x89: {  	s3 =	sld [smem:$0x3FFE];
	_ =	sdelay $0x1  }
0x8a: {  	s1 =	srdreg.scid  }
0x8b: {  	s0 =	sand.u32 $0x1, s1  }
0x8c: {  	s17 =	sshll.u32 s0, $0xA;
	s2 =	sadd.s32 s3, s2  }
0x8d: {  	s2 =	sadd.s32 s2, s17  }
0x8e: {  	[smem:$0x3FC2] =	sst s2  }
0x8f: {  	_ = 	snop  }
0x90: {  	s2 =	sld [smem:$0x3FD0];
	(tm) =	ssettm $0x1  }
0x91: {  	s18 =	sld [smem:$0x3FFB];
	_ =	sdelay $0x3  }
0x92: {  	_ =	strace s18  }
0x93: {  	s3 =	sld [smem:$0x3FFC];
	_ =	sdelay $0x3  }
0x94: {  	_ =	strace s3  }
0x95: {  	s3 =	sld [smem:$0x3FFD];
	_ =	sdelay $0x3  }
0x96: {  	_ =	strace s3  }
0x97: {  	_ =	strace $0x8FFFFFFF  }
0x98: {  	s19 =	sld [smem:$0x3FDB];
	_ =	sdelay $0x1  }
0x99: {  	s4 =	simm.s32 $_scs_section_size  }
0x9a: {  	s5 =	simm.s32 $_size__tile_overlayer_lowered;
	s6 =	simm.s32 $_tile_overlayer_lowered  }
0x9b: {  	s22 =	simm.s32 $0x1BFF;
	s21 =	sshll.u32 s6, $0x1;
	s3 =	sadd.s32 s4, s19  }
0x9c: {  	s7 =	simm.s32 $0x0;
	s20 =	sshll.u32 s5, $0x1;
	s5 =	sadd.s32 s21, s3  }
0x9d: {  	[timem:s7], [sflag:s22] =	dma.local [hbm:s5], s20  }
0x9e: {  	_ =	swait.ge [sflag:s22], s20  }
0x9f: {  	s4 =	ssub.s32 $0x0, s20;
	[sflag:s22] =	ssyncset.done $0x0  }
0xa0: {  	[sflag:s22] =	ssyncadd.s32 s4;
	_ =	sdelay $0x1  }
0xa1: {  	s23 =	simm.s32 $0x1B8B  }
0xa2: {  	_ =	swait.ge [sflag:s23], $0x1  }
0xa3: {  	[sflag:s23] =	ssyncset.done $0x0  }
0xa4: {  	s25 =	simm.s32 $0x1B8E;
	s24 =	sld [smem:$0x3FFE];
	[sflag:s23] =	ssyncadd.s32 $0xFFFFFFFF  }
0xa5: {  	s26 =	simm.s32 $execute0_lowered;
	[smem:$0x3FD2] =	sst s25  }
0xa6: {  	s5 =	sshll.u32 s26, $0x1;
	_ =	strace $0x80000049;
	[dreg:$0x1] =	wrdreg $0xFFFFFFFF  }
0xa7: {  	s28 =	simm.s32 $_size_execute0_lowered;
	s3 =	sadd.s32 s3, s5;
	[dreg:$0x0] =	wrdreg $0x0  }
0xa8: {  	s5 =	sshll.u32 s28, $0x1;
	[dreg:$0x2] =	wrdreg s3  }
0xa9: {  	[dreg:$0x3] =	wrdreg s5  }
0xaa: {  	[dreg:$0x4] =	wrdreg $0xC0  }
0xab: {  	_ =	task [dreg:s7], $0x5FFFF  }
0xac: {  	[dreg:$0x1] =	wrdreg $0xFFFFFFFF  }
0xad: {  	[dreg:$0x0] =	wrdreg $0x60  }
0xae: {  	[dreg:$0x2] =	wrdreg s24  }
0xaf: {  	[dreg:$0x3] =	wrdreg s2  }
0xb0: {  	[dreg:$0x4] =	wrdreg $0x9E200  }
0xb1: {  	[dreg:$0x5] =	wrdreg $0x9  }
0xb2: {  	_ =	task.clear_ibuf [dreg:s7], $0x6FFFF;
	_ =	strace $0x90000049  }
0xb3: {  	s29 =	simm.s32 $0x9;
	_ =	strace $0x8000004B  }
0xb4: {  	_ =	swait.ge [sflag:s29], $0x1  }
0xb5: {  	[sflag:s29] =	ssyncadd.s32 $0xFFFFFFFF  }
0xb6: {  	_ =	strace $0x9000004B  }
0xb7: {  	_ =	sfence  }
0xb8: {  	s30 =	sld [smem:$0x0];
	_ =	sdelay $0x2  }
0xb9: {  	s31 =	sshll.u32 s1, $0xD;
	s1 =	sshrl.u32 s1, $0x2  }
0xba: {  	s3 =	sand.u32 $0x4000, s31;
	s1 =	sadd.s32 s1, s30  }
0xbb: {  	s0 =	sor.u32 s3, s0;
	s1 =	sshll.u32 s1, $0x11  }
0xbc: {  	s0 =	sor.u32 s1, s0  }
0xbd: {  	s0 =	sadd.s32 $0x8F2B, s0  }
0xbe: {  	[sflag:s0] =	ssyncadd.remote.s32 $0x1  }
0xbf: {  	_ =	sfence.sel $0xFFFF  }
0xc0: {  	[dreg:$0x0] =	wrdreg $0xFFFFFFFF;
	(pc) =	sbr.abs _section_cstart, $3  }
0xc1: {  	[dreg:$0x1] =	wrdreg $0xFFFFFFFF  }
0xc2: {  	_ =	task.clear_ibuf [dreg:s7], $0x2FFFF;
	_ =	strace $0x9FFFFFFF  }
0xc3: {  	(tm) =	ssettm $0x7FFFFFFF  }
tec
execute0_lowered:
.L_overlay_start_1:
0x0: {  	(tag) =	ssettag $0x1  }
0x1: {  	s0 =	rddreg [dreg:$0x0];
	s1 =	srdreg.scid  }
0x2: {  	s2 =	rddreg [dreg:$0x2];
	s3 =	stileid.u32  }
0x3: {  	s5 =	simm.s32 $0x0;
	s14 =	simm.s32 $0x7D;
	s22 =	simm.s32 $0xC  }
0x4: {  	s25 =	simm.s32 $0x8;
	s10 =	simm.s32 $0xA;
	s12 =	simm.s32 $0x10  }
0x5: {  	s11 =	simm.s32 $0x12;
	s15 =	simm.s32 $0x13;
	s17 =	simm.s32 $0x14  }
0x6: {  	s1 =	sand.u32 $0x1, s1;
	[smem:$0x7FF] =	sst s5;
	s7 =	smul.u32 $0x2700, s3  }
0x7: {  	s8 =	sshll.u32 s3, $0x6;
	p0 =	sne.s32 s3, $0x0;
	s4 =	sshll.u32 s1, $0x4  }
0x8: {  	_ =	strace $0x8000004A;
	s6 =	smul.u32 $0x4E20, s1;
	s1 =	ssub.s32 $0x2, s1  }
0x9: {  	s21 =	sor.u32 $0x1C15, s8;
	s8 =	sadd.s32 $0x27000, s2;
	s4 =	sor.u32 s3, s4  }
0xa: {  	s28 =	sshrl.u32 s1, $0x1;
	s29 =	sadd.s32 s7, s2;
	s31 =	sshrl.u32 s7, $0x3  }
0xb: {  	s24 =	sshrl.u32 @!p0 s8, $0x3;
	s7 =	simm.s32 $0xF;
	s8 =	simm.s32 $0x7  }
0xc: {  	s3 =	simm.s32 $0x9;
	[dreg:$0x4] =	wrdreg s21;
	s26 =	smul.u32 $0x2800, s4  }
0xd: {  	s1 =	ssub.s32 s1, s28;
	s13 =	sshrl.u32 s29, $0x3;
	[dreg:$0xa] =	wrdreg s24  }
0xe: {  	s1 =	smax.u32 s1, $0x1;
	[dreg:$0x9] =	wrdreg s13;
	s5 =	sshrl.u32 s26, $0x3  }
0xf: {  	s4 =	sadd.s32 $0x1200, s0;
	[dreg:$0x8] =	wrdreg s1;
	s5 =	sadd.s32 s5, s0  }
0x10: {  	s26 =	simm.s32 $0x15;
	s1 =	simm.s32 $0xD;
	s9 =	sadd.s32 $0xFE00, s5  }
0x11: {  	s0 =	sadd.s32 s6, s0;
	s5 =	sadd.s32 $0x19E00, s5;
	[dreg:$0x5] =	wrdreg s9  }
0x12: {  	s6 =	simm.s32 $0xE;
	s30 =	sadd.s32 $0x23E00, s0;
	[dreg:$0x6] =	wrdreg s5  }
0x13: {  	[dreg:$0x7] =	wrdreg s30;
	s0 =	sadd.s32 s31, s30;
	s9 =	simm.s32 $0x6  }
0x14: {  	s5 =	simm.s32 $0x11;
	[dreg:$0xb] =	wrdreg s0;
	s0 =	simm.s32 $0x0  }
.LBB2_1:
0x15: {  	[dreg:$0xc] =	wrdreg s0  }
0x16: {  	s19 =	rddreg [dreg:$0x1]  }
0x17: {  	[spmem:s13], [sflag:s21] =	dma.local [hbm:s19], $0x4E0  }
0x18: {  	_ =	swait.ge [sflag:s26], $0x4E0  }
0x19: {  	[sflag:s26] =	ssyncset.done $0x0  }
0x1a: {  	[sflag:s26] =	ssyncadd.s32 $0xFFFFFB20  }
0x1b: {  	[spmem:s24], [sflag:s21] =	dma.local @!p0 [hbm:s19], $0x20  }
0x1c: {  	s19 =	simm.s32 @!p0 $0x15  }
0x1d: {  	_ =	swait.ge @!p0 [sflag:s19], $0x20  }
0x1e: {  	[sflag:s19] =	ssyncset.done @!p0 $0x0  }
0x1f: {  	s24 =	simm.s32 $0x0;
	s28 =	rddreg [dreg:$0x5];
	[sflag:s19] =	ssyncadd.s32 @!p0 $0xFFFFFFE0  }
0x20: {  	[tilespmem:s24], [sflag:$0x15] =	stream.linear.gather [hbm4b:s28+s24], $0x2800, $0x38;
	[tilespmem:$0xC530] =	vst v63  }
0x21: {  	_ =	swait.ge [sflag:s26], $0x2800  }
0x22: {  	[sflag:s26] =	ssyncset.done $0x0  }
0x23: {  	s23 =	simm.s32 $0x2800;
	s29 =	rddreg [dreg:$0x6];
	[sflag:s26] =	ssyncadd.s32 $0xFFFFD800  }
0x24: {  	[tilespmem:s23], [sflag:$0x15] =	stream.linear.gather [hbm4b:s29+s24], $0x2800, $0x38;
	[tilespmem:$0xC530] =	vst v63  }
0x25: {  	_ =	swait.ge [sflag:s26], $0x2800  }
0x26: {  	[sflag:s26] =	ssyncset.done $0x0  }
0x27: {  	[sflag:s26] =	ssyncadd.s32 $0xFFFFD800  }
0x28: {  	s21 =	simm.s32 $0x5000;
	[bflag:$0x0] =	sbarrier.arrive $0xFFFF  }
0x29: {  	[tilespmem:s21], [sflag:$0x1] =	stream.indirect.gather [hbm4b:s4+s14], $0x10, s24, s14, $0xb8;
	[tilespmem:$0xC530] =	vst v63  }
0x2a: {  	s30 =	simm.s32 $0x80;
	s23 =	simm.s32 $0x57D0  }
0x2b: {  	[tilespmem:s23], [sflag:$0x2] =	stream.indirect.gather [hbm4b:s4+s14], $0x10, s30, s14, $0xb8;
	[tilespmem:$0xC530] =	vst v63  }
0x2c: {  	s31 =	simm.s32 $0x100;
	s24 =	simm.s32 $0x5FA0  }
0x2d: {  	[tilespmem:s24], [sflag:$0x3] =	stream.indirect.gather [hbm4b:s4+s14], $0x10, s31, s14, $0xb8;
	[tilespmem:$0xC530] =	vst v63  }
0x2e: {  	s0 =	simm.s32 $0x180;
	s26 =	simm.s32 $0x6770  }
0x2f: {  	[tilespmem:s26], [sflag:$0x4] =	stream.indirect.gather [hbm4b:s4+s14], $0x10, s0, s14, $0xb8;
	[tilespmem:$0xC530] =	vst v63  }
0x30: {  	s13 =	simm.s32 $0x200;
	s28 =	simm.s32 $0x6F40  }
0x31: {  	[tilespmem:s28], [sflag:$0x5] =	stream.indirect.gather [hbm4b:s4+s14], $0x10, s13, s14, $0xb8;
	[tilespmem:$0xC530] =	vst v63  }
0x32: {  	s16 =	simm.s32 $0x280;
	s0 =	simm.s32 $0x7710  }
0x33: {  	[tilespmem:s0], [sflag:$0x6] =	stream.indirect.gather [hbm4b:s4+s14], $0x10, s16, s14, $0xb8;
	[tilespmem:$0xC530] =	vst v63  }
0x34: {  	s18 =	simm.s32 $0x300;
	s13 =	simm.s32 $0x7EE0  }
0x35: {  	[tilespmem:s13], [sflag:$0x7] =	stream.indirect.gather [hbm4b:s4+s14], $0x10, s18, s14, $0xb8;
	[tilespmem:$0xC530] =	vst v63  }
0x36: {  	s20 =	simm.s32 $0x380;
	s16 =	simm.s32 $0x86B0  }
0x37: {  	[tilespmem:s16], [sflag:$0x8] =	stream.indirect.gather [hbm4b:s4+s14], $0x10, s20, s14, $0xb8;
	[tilespmem:$0xC530] =	vst v63  }
0x38: {  	s29 =	simm.s32 $0x400;
	s18 =	simm.s32 $0x8E80  }
0x39: {  	[tilespmem:s18], [sflag:$0x9] =	stream.indirect.gather [hbm4b:s4+s14], $0x10, s29, s14, $0xb8;
	[tilespmem:$0xC530] =	vst v63  }
0x3a: {  	s30 =	simm.s32 $0x480;
	s31 =	simm.s32 $0x1;
	s20 =	simm.s32 $0x9650  }
0x3b: {  	[tilespmem:s20], [sflag:$0xA] =	stream.indirect.gather [hbm4b:s4+s14], $0x10, s30, s14, $0xb8;
	[tilespmem:$0xC530] =	vst v63  }
0x3c: {  	_ =	swait.ge [sflag:s31], $0x7D0  }
0x3d: {  	[sflag:s31] =	ssyncset.done $0x0  }
0x3e: {  	s29 =	simm.s32 $0x2800;
	s30 =	simm.s32 $0x2;
	[sflag:s31] =	ssyncadd.s32 $0xFFFFF830  }
0x3f: {  	[spmem:s2] =	stream.indirect.scatter.add.f32 [tilespmem:s21], [sflag:$0xB], $0x10, s29, s14, $0xb8;
	[tilespmem:$0xC530] =	vst v63  }
0x40: {  	_ =	swait.ge [sflag:s30], $0x7D0  }
0x41: {  	[sflag:s30] =	ssyncset.done $0x0  }
0x42: {  	s31 =	simm.s32 $0x2880;
	s29 =	simm.s32 $0x3;
	[sflag:s30] =	ssyncadd.s32 $0xFFFFF830  }
0x43: {  	[spmem:s2] =	stream.indirect.scatter.add.f32 [tilespmem:s23], [sflag:$0xC], $0x10, s31, s14, $0xb8;
	[tilespmem:$0xC530] =	vst v63  }
0x44: {  	_ =	swait.ge [sflag:s29], $0x7D0  }
0x45: {  	[sflag:s29] =	ssyncset.done $0x0  }
0x46: {  	s30 =	simm.s32 $0x2900;
	s31 =	simm.s32 $0x4;
	[sflag:s29] =	ssyncadd.s32 $0xFFFFF830  }
0x47: {  	[spmem:s2] =	stream.indirect.scatter.add.f32 [tilespmem:s24], [sflag:$0xD], $0x10, s30, s14, $0xb8;
	[tilespmem:$0xC530] =	vst v63  }
0x48: {  	_ =	swait.ge [sflag:s31], $0x7D0  }
0x49: {  	[sflag:s31] =	ssyncset.done $0x0  }
0x4a: {  	s29 =	simm.s32 $0x2980;
	s30 =	simm.s32 $0x5;
	[sflag:s31] =	ssyncadd.s32 $0xFFFFF830  }
0x4b: {  	[spmem:s2] =	stream.indirect.scatter.add.f32 [tilespmem:s26], [sflag:$0xE], $0x10, s29, s14, $0xb8;
	[tilespmem:$0xC530] =	vst v63  }
0x4c: {  	_ =	swait.ge [sflag:s30], $0x7D0  }
0x4d: {  	[sflag:s30] =	ssyncset.done $0x0  }
0x4e: {  	s31 =	simm.s32 $0x2A00;
	s29 =	simm.s32 $0xB;
	[sflag:s30] =	ssyncadd.s32 $0xFFFFF830  }
0x4f: {  	[spmem:s2] =	stream.indirect.scatter.add.f32 [tilespmem:s28], [sflag:$0xF], $0x10, s31, s14, $0xb8;
	[tilespmem:$0xC530] =	vst v63  }
0x50: {  	_ =	swait.ge [sflag:s29], $0x7D0  }
0x51: {  	[sflag:s29] =	ssyncset.done $0x0  }
0x52: {  	[sflag:s29] =	ssyncadd.s32 $0xFFFFF830  }
0x53: {  	_ =	swait.ge [sflag:s22], $0x7D0  }
0x54: {  	[sflag:s22] =	ssyncset.done $0x0  }
0x55: {  	[sflag:s22] =	ssyncadd.s32 $0xFFFFF830  }
0x56: {  	_ =	swait.ge [sflag:s1], $0x7D0  }
0x57: {  	[sflag:s1] =	ssyncset.done $0x0  }
0x58: {  	[sflag:s1] =	ssyncadd.s32 $0xFFFFF830  }
0x59: {  	_ =	swait.ge [sflag:s6], $0x7D0  }
0x5a: {  	[sflag:s6] =	ssyncset.done $0x0  }
0x5b: {  	[sflag:s6] =	ssyncadd.s32 $0xFFFFF830  }
0x5c: {  	_ =	swait.ge [sflag:s7], $0x7D0  }
0x5d: {  	[sflag:s7] =	ssyncset.done $0x0  }
0x5e: {  	s30 =	simm.s32 $0x500;
	[sflag:s7] =	ssyncadd.s32 $0xFFFFF830  }
0x5f: {  	[tilespmem:s21], [sflag:$0x1] =	stream.indirect.gather [hbm4b:s4+s14], $0x10, s30, s14, $0xb8;
	[tilespmem:$0xC530] =	vst v63  }
0x60: {  	s31 =	simm.s32 $0x580  }
0x61: {  	[tilespmem:s23], [sflag:$0x2] =	stream.indirect.gather [hbm4b:s4+s14], $0x10, s31, s14, $0xb8;
	[tilespmem:$0xC530] =	vst v63  }
0x62: {  	s21 =	simm.s32 $0x600  }
0x63: {  	[tilespmem:s24], [sflag:$0x3] =	stream.indirect.gather [hbm4b:s4+s14], $0x10, s21, s14, $0xb8;
	[tilespmem:$0xC530] =	vst v63  }
0x64: {  	s23 =	simm.s32 $0x680  }
0x65: {  	[tilespmem:s26], [sflag:$0x4] =	stream.indirect.gather [hbm4b:s4+s14], $0x10, s23, s14, $0xb8;
	[tilespmem:$0xC530] =	vst v63  }
0x66: {  	s24 =	simm.s32 $0x700  }
0x67: {  	[tilespmem:s28], [sflag:$0x5] =	stream.indirect.gather [hbm4b:s4+s14], $0x10, s24, s14, $0xb8;
	[tilespmem:$0xC530] =	vst v63  }
0x68: {  	_ =	swait.ge [sflag:s9], $0x7D0  }
0x69: {  	[sflag:s9] =	ssyncset.done $0x0  }
0x6a: {  	s26 =	simm.s32 $0x2A80;
	[sflag:s9] =	ssyncadd.s32 $0xFFFFF830  }
0x6b: {  	[spmem:s2] =	stream.indirect.scatter.add.f32 [tilespmem:s0], [sflag:$0x10], $0x10, s26, s14, $0xb8;
	[tilespmem:$0xC530] =	vst v63  }
0x6c: {  	_ =	swait.ge [sflag:s8], $0x7D0  }
0x6d: {  	[sflag:s8] =	ssyncset.done $0x0  }
0x6e: {  	s28 =	simm.s32 $0x2B00;
	[sflag:s8] =	ssyncadd.s32 $0xFFFFF830  }
0x6f: {  	[spmem:s2] =	stream.indirect.scatter.add.f32 [tilespmem:s13], [sflag:$0x11], $0x10, s28, s14, $0xb8;
	[tilespmem:$0xC530] =	vst v63  }
0x70: {  	_ =	swait.ge [sflag:s25], $0x7D0  }
0x71: {  	[sflag:s25] =	ssyncset.done $0x0  }
0x72: {  	s29 =	simm.s32 $0x2B80;
	[sflag:s25] =	ssyncadd.s32 $0xFFFFF830  }
0x73: {  	[spmem:s2] =	stream.indirect.scatter.add.f32 [tilespmem:s16], [sflag:$0x12], $0x10, s29, s14, $0xb8;
	[tilespmem:$0xC530] =	vst v63  }
0x74: {  	_ =	swait.ge [sflag:s3], $0x7D0  }
0x75: {  	[sflag:s3] =	ssyncset.done $0x0  }
0x76: {  	s30 =	simm.s32 $0x2C00;
	[sflag:s3] =	ssyncadd.s32 $0xFFFFF830  }
0x77: {  	[spmem:s2] =	stream.indirect.scatter.add.f32 [tilespmem:s18], [sflag:$0x13], $0x10, s30, s14, $0xb8;
	[tilespmem:$0xC530] =	vst v63  }
0x78: {  	_ =	swait.ge [sflag:s10], $0x7D0  }
0x79: {  	[sflag:s10] =	ssyncset.done $0x0  }
0x7a: {  	s31 =	simm.s32 $0x2C80;
	[sflag:s10] =	ssyncadd.s32 $0xFFFFF830  }
0x7b: {  	[spmem:s2] =	stream.indirect.scatter.add.f32 [tilespmem:s20], [sflag:$0x14], $0x10, s31, s14, $0xb8;
	[tilespmem:$0xC530] =	vst v63  }
0x7c: {  	_ =	swait.ge [sflag:s12], $0x7D0  }
0x7d: {  	[sflag:s12] =	ssyncset.done $0x0  }
0x7e: {  	[sflag:s12] =	ssyncadd.s32 $0xFFFFF830  }
0x7f: {  	_ =	swait.ge [sflag:s5], $0x7D0  }
0x80: {  	[sflag:s5] =	ssyncset.done $0x0  }
0x81: {  	[sflag:s5] =	ssyncadd.s32 $0xFFFFF830  }
0x82: {  	_ =	swait.ge [sflag:s11], $0x7D0  }
0x83: {  	[sflag:s11] =	ssyncset.done $0x0  }
0x84: {  	[sflag:s11] =	ssyncadd.s32 $0xFFFFF830  }
0x85: {  	_ =	swait.ge [sflag:s15], $0x7D0  }
0x86: {  	[sflag:s15] =	ssyncset.done $0x0  }
0x87: {  	[sflag:s15] =	ssyncadd.s32 $0xFFFFF830  }
0x88: {  	_ =	swait.ge [sflag:s17], $0x7D0  }
0x89: {  	s19 =	simm.s32 $0x500;
	s21 =	simm.s32 $0x2800;
	[sflag:s17] =	ssyncset.done $0x0  }
.LBB2_2:
0x8a: {  	s26 =	sadd.s32 $0x280, s19;
	[sflag:s17] =	ssyncadd.s32 $0xFFFFF830  }
0x8b: {  	s23 =	smov.u32 s21;
	s24 =	sadd.s32 $0x1400, s21;
	s0 =	simm.s32 $0x7710  }
0x8c: {  	[tilespmem:s0], [sflag:$0x6] =	stream.indirect.gather [hbm4b:s4+s14], $0x10, s26, s14, $0xb8;
	[tilespmem:$0xC530] =	vst v63  }
0x8d: {  	p1 =	sne.s32 s21, $0x7800;
	s21 =	sadd.s32 $0x300, s19;
	s13 =	simm.s32 $0x7EE0  }
0x8e: {  	[tilespmem:s13], [sflag:$0x7] =	stream.indirect.gather [hbm4b:s4+s14], $0x10, s21, s14, $0xb8;
	[tilespmem:$0xC530] =	vst v63  }
0x8f: {  	s16 =	simm.s32 $0x86B0;
	s21 =	sadd.s32 $0x380, s19  }
0x90: {  	[tilespmem:s16], [sflag:$0x8] =	stream.indirect.gather [hbm4b:s4+s14], $0x10, s21, s14, $0xb8;
	[tilespmem:$0xC530] =	vst v63  }
0x91: {  	s18 =	simm.s32 $0x8E80;
	s21 =	sadd.s32 $0x400, s19  }
0x92: {  	[tilespmem:s18], [sflag:$0x9] =	stream.indirect.gather [hbm4b:s4+s14], $0x10, s21, s14, $0xb8;
	[tilespmem:$0xC530] =	vst v63  }
0x93: {  	s20 =	simm.s32 $0x9650;
	s21 =	sadd.s32 $0x480, s19  }
0x94: {  	[tilespmem:s20], [sflag:$0xA] =	stream.indirect.gather [hbm4b:s4+s14], $0x10, s21, s14, $0xb8;
	[tilespmem:$0xC530] =	vst v63  }
0x95: {  	s21 =	simm.s32 $0x1  }
0x96: {  	_ =	swait.ge [sflag:s21], $0x7D0  }
0x97: {  	[sflag:s21] =	ssyncset.done $0x0  }
0x98: {  	s26 =	simm.s32 $0x5000;
	[sflag:s21] =	ssyncadd.s32 $0xFFFFF830;
	s21 =	sadd.s32 $0x2800, s19  }
0x99: {  	[spmem:s2] =	stream.indirect.scatter.add.f32 [tilespmem:s26], [sflag:$0xB], $0x10, s21, s14, $0xb8;
	[tilespmem:$0xC530] =	vst v63  }
0x9a: {  	s21 =	simm.s32 $0x2  }
0x9b: {  	_ =	swait.ge [sflag:s21], $0x7D0  }
0x9c: {  	[sflag:s21] =	ssyncset.done $0x0  }
0x9d: {  	s28 =	simm.s32 $0x57D0;
	[sflag:s21] =	ssyncadd.s32 $0xFFFFF830;
	s21 =	sadd.s32 $0x2880, s19  }
0x9e: {  	[spmem:s2] =	stream.indirect.scatter.add.f32 [tilespmem:s28], [sflag:$0xC], $0x10, s21, s14, $0xb8;
	[tilespmem:$0xC530] =	vst v63  }
0x9f: {  	s21 =	simm.s32 $0x3  }
0xa0: {  	_ =	swait.ge [sflag:s21], $0x7D0  }
0xa1: {  	[sflag:s21] =	ssyncset.done $0x0  }
0xa2: {  	s29 =	simm.s32 $0x5FA0;
	[sflag:s21] =	ssyncadd.s32 $0xFFFFF830;
	s21 =	sadd.s32 $0x2900, s19  }
0xa3: {  	[spmem:s2] =	stream.indirect.scatter.add.f32 [tilespmem:s29], [sflag:$0xD], $0x10, s21, s14, $0xb8;
	[tilespmem:$0xC530] =	vst v63  }
0xa4: {  	s21 =	simm.s32 $0x4  }
0xa5: {  	_ =	swait.ge [sflag:s21], $0x7D0  }
0xa6: {  	[sflag:s21] =	ssyncset.done $0x0  }
0xa7: {  	s30 =	simm.s32 $0x6770;
	[sflag:s21] =	ssyncadd.s32 $0xFFFFF830;
	s21 =	sadd.s32 $0x2980, s19  }
0xa8: {  	[spmem:s2] =	stream.indirect.scatter.add.f32 [tilespmem:s30], [sflag:$0xE], $0x10, s21, s14, $0xb8;
	[tilespmem:$0xC530] =	vst v63  }
0xa9: {  	s21 =	simm.s32 $0x5  }
0xaa: {  	_ =	swait.ge [sflag:s21], $0x7D0  }
0xab: {  	[sflag:s21] =	ssyncset.done $0x0  }
0xac: {  	s31 =	simm.s32 $0x6F40;
	[sflag:s21] =	ssyncadd.s32 $0xFFFFF830;
	s21 =	sadd.s32 $0x2A00, s19  }
0xad: {  	[spmem:s2] =	stream.indirect.scatter.add.f32 [tilespmem:s31], [sflag:$0xF], $0x10, s21, s14, $0xb8;
	[tilespmem:$0xC530] =	vst v63  }
0xae: {  	s21 =	simm.s32 $0xB  }
0xaf: {  	_ =	swait.ge [sflag:s21], $0x7D0  }
0xb0: {  	[sflag:s21] =	ssyncset.done $0x0  }
0xb1: {  	[sflag:s21] =	ssyncadd.s32 $0xFFFFF830  }
0xb2: {  	_ =	swait.ge [sflag:s22], $0x7D0  }
0xb3: {  	[sflag:s22] =	ssyncset.done $0x0  }
0xb4: {  	[sflag:s22] =	ssyncadd.s32 $0xFFFFF830  }
0xb5: {  	_ =	swait.ge [sflag:s1], $0x7D0  }
0xb6: {  	[sflag:s1] =	ssyncset.done $0x0  }
0xb7: {  	[sflag:s1] =	ssyncadd.s32 $0xFFFFF830  }
0xb8: {  	_ =	swait.ge [sflag:s6], $0x7D0  }
0xb9: {  	[sflag:s6] =	ssyncset.done $0x0  }
0xba: {  	[sflag:s6] =	ssyncadd.s32 $0xFFFFF830  }
0xbb: {  	_ =	swait.ge [sflag:s7], $0x7D0  }
0xbc: {  	[sflag:s7] =	ssyncset.done $0x0  }
0xbd: {  	s21 =	sadd.s32 $0x500, s19;
	[sflag:s7] =	ssyncadd.s32 $0xFFFFF830  }
0xbe: {  	[tilespmem:s26], [sflag:$0x1] =	stream.indirect.gather [hbm4b:s4+s14], $0x10, s21, s14, $0xb8;
	[tilespmem:$0xC530] =	vst v63  }
0xbf: {  	s21 =	sadd.s32 $0x580, s19  }
0xc0: {  	[tilespmem:s28], [sflag:$0x2] =	stream.indirect.gather [hbm4b:s4+s14], $0x10, s21, s14, $0xb8;
	[tilespmem:$0xC530] =	vst v63  }
0xc1: {  	s21 =	sadd.s32 $0x600, s19  }
0xc2: {  	[tilespmem:s29], [sflag:$0x3] =	stream.indirect.gather [hbm4b:s4+s14], $0x10, s21, s14, $0xb8;
	[tilespmem:$0xC530] =	vst v63  }
0xc3: {  	s21 =	sadd.s32 $0x680, s19  }
0xc4: {  	[tilespmem:s30], [sflag:$0x4] =	stream.indirect.gather [hbm4b:s4+s14], $0x10, s21, s14, $0xb8;
	[tilespmem:$0xC530] =	vst v63  }
0xc5: {  	s21 =	sadd.s32 $0x700, s19  }
0xc6: {  	[tilespmem:s31], [sflag:$0x5] =	stream.indirect.gather [hbm4b:s4+s14], $0x10, s21, s14, $0xb8;
	[tilespmem:$0xC530] =	vst v63  }
0xc7: {  	_ =	swait.ge [sflag:s9], $0x7D0  }
0xc8: {  	[sflag:s9] =	ssyncset.done $0x0  }
0xc9: {  	s21 =	sadd.s32 $0x2A80, s19;
	[sflag:s9] =	ssyncadd.s32 $0xFFFFF830  }
0xca: {  	[spmem:s2] =	stream.indirect.scatter.add.f32 [tilespmem:s0], [sflag:$0x10], $0x10, s21, s14, $0xb8;
	[tilespmem:$0xC530] =	vst v63  }
0xcb: {  	_ =	swait.ge [sflag:s8], $0x7D0  }
0xcc: {  	[sflag:s8] =	ssyncset.done $0x0  }
0xcd: {  	s21 =	sadd.s32 $0x2B00, s19;
	[sflag:s8] =	ssyncadd.s32 $0xFFFFF830  }
0xce: {  	[spmem:s2] =	stream.indirect.scatter.add.f32 [tilespmem:s13], [sflag:$0x11], $0x10, s21, s14, $0xb8;
	[tilespmem:$0xC530] =	vst v63  }
0xcf: {  	_ =	swait.ge [sflag:s25], $0x7D0  }
0xd0: {  	[sflag:s25] =	ssyncset.done $0x0  }
0xd1: {  	s21 =	sadd.s32 $0x2B80, s19;
	[sflag:s25] =	ssyncadd.s32 $0xFFFFF830  }
0xd2: {  	[spmem:s2] =	stream.indirect.scatter.add.f32 [tilespmem:s16], [sflag:$0x12], $0x10, s21, s14, $0xb8;
	[tilespmem:$0xC530] =	vst v63  }
0xd3: {  	_ =	swait.ge [sflag:s3], $0x7D0  }
0xd4: {  	[sflag:s3] =	ssyncset.done $0x0  }
0xd5: {  	s21 =	sadd.s32 $0x2C00, s19;
	[sflag:s3] =	ssyncadd.s32 $0xFFFFF830  }
0xd6: {  	[spmem:s2] =	stream.indirect.scatter.add.f32 [tilespmem:s18], [sflag:$0x13], $0x10, s21, s14, $0xb8;
	[tilespmem:$0xC530] =	vst v63  }
0xd7: {  	_ =	swait.ge [sflag:s10], $0x7D0  }
0xd8: {  	[sflag:s10] =	ssyncset.done $0x0  }
0xd9: {  	s19 =	sadd.s32 $0x2C80, s19;
	[sflag:s10] =	ssyncadd.s32 $0xFFFFF830  }
0xda: {  	[spmem:s2] =	stream.indirect.scatter.add.f32 [tilespmem:s20], [sflag:$0x14], $0x10, s19, s14, $0xb8;
	[tilespmem:$0xC530] =	vst v63  }
0xdb: {  	_ =	swait.ge [sflag:s12], $0x7D0  }
0xdc: {  	[sflag:s12] =	ssyncset.done $0x0  }
0xdd: {  	[sflag:s12] =	ssyncadd.s32 $0xFFFFF830  }
0xde: {  	_ =	swait.ge [sflag:s5], $0x7D0  }
0xdf: {  	[sflag:s5] =	ssyncset.done $0x0  }
0xe0: {  	[sflag:s5] =	ssyncadd.s32 $0xFFFFF830  }
0xe1: {  	_ =	swait.ge [sflag:s11], $0x7D0  }
0xe2: {  	[sflag:s11] =	ssyncset.done $0x0  }
0xe3: {  	[sflag:s11] =	ssyncadd.s32 $0xFFFFF830  }
.Ltmp0:
0xe4: {  	_ =	swait.ge [sflag:s15], $0x7D0;
	(pc) =	sbr.rel @p1 .LBB2_2-.Ltmp0, $4  }
0xe5: {  	[sflag:s15] =	ssyncset.done $0x0  }
0xe6: {  	[sflag:s15] =	ssyncadd.s32 $0xFFFFF830  }
0xe7: {  	_ =	swait.ge [sflag:s17], $0x7D0  }
0xe8: {  	s21 =	smov.u32 s24;
	s19 =	sshra.s32 s23, $0x2;
	[sflag:s17] =	ssyncset.done $0x0  }
0xe9: {  	s21 =	sadd.s32 $0x280, s19;
	[sflag:s17] =	ssyncadd.s32 $0xFFFFF830;
	s0 =	simm.s32 $0x7710  }
0xea: {  	[tilespmem:s0], [sflag:$0x6] =	stream.indirect.gather [hbm4b:s4+s14], $0x10, s21, s14, $0xb8;
	[tilespmem:$0xC530] =	vst v63  }
0xeb: {  	s28 =	sadd.s32 $0x300, s19;
	s29 =	simm.s32 $0x7EE0  }
0xec: {  	[tilespmem:s29], [sflag:$0x7] =	stream.indirect.gather [hbm4b:s4+s14], $0x10, s28, s14, $0xb8;
	[tilespmem:$0xC530] =	vst v63  }
0xed: {  	s30 =	sadd.s32 $0x380, s19;
	s31 =	simm.s32 $0x86B0  }
0xee: {  	[tilespmem:s31], [sflag:$0x8] =	stream.indirect.gather [hbm4b:s4+s14], $0x10, s30, s14, $0xb8;
	[tilespmem:$0xC530] =	vst v63  }
0xef: {  	s13 =	simm.s32 $0x8E80;
	s0 =	sadd.s32 $0x400, s19  }
0xf0: {  	[tilespmem:s13], [sflag:$0x9] =	stream.indirect.gather [hbm4b:s4+s14], $0x10, s0, s14, $0xb8;
	[tilespmem:$0xC530] =	vst v63  }
0xf1: {  	s16 =	sadd.s32 $0x480, s19;
	s18 =	simm.s32 $0x9650;
	s23 =	simm.s32 $0x1  }
0xf2: {  	[tilespmem:s18], [sflag:$0xA] =	stream.indirect.gather [hbm4b:s4+s14], $0x10, s16, s14, $0xb8;
	[tilespmem:$0xC530] =	vst v63  }
0xf3: {  	_ =	swait.ge [sflag:s23], $0x7D0  }
0xf4: {  	s20 =	sadd.s32 $0x2800, s19;
	[sflag:s23] =	ssyncset.done $0x0  }
0xf5: {  	s26 =	simm.s32 $0x5000;
	s31 =	simm.s32 $0x2;
	[sflag:s23] =	ssyncadd.s32 $0xFFFFF830  }
0xf6: {  	[spmem:s2] =	stream.indirect.scatter.add.f32 [tilespmem:s26], [sflag:$0xB], $0x10, s20, s14, $0xb8;
	[tilespmem:$0xC530] =	vst v63  }
0xf7: {  	_ =	swait.ge [sflag:s31], $0x7D0  }
0xf8: {  	s28 =	sadd.s32 $0x2880, s19;
	[sflag:s31] =	ssyncset.done $0x0  }
0xf9: {  	s13 =	simm.s32 $0x57D0;
	s18 =	simm.s32 $0x3;
	[sflag:s31] =	ssyncadd.s32 $0xFFFFF830  }
0xfa: {  	[spmem:s2] =	stream.indirect.scatter.add.f32 [tilespmem:s13], [sflag:$0xC], $0x10, s28, s14, $0xb8;
	[tilespmem:$0xC530] =	vst v63  }
0xfb: {  	_ =	swait.ge [sflag:s18], $0x7D0  }
0xfc: {  	s29 =	sadd.s32 $0x2900, s19;
	[sflag:s18] =	ssyncset.done $0x0  }
0xfd: {  	s30 =	simm.s32 $0x5FA0;
	s16 =	simm.s32 $0x4;
	[sflag:s18] =	ssyncadd.s32 $0xFFFFF830  }
0xfe: {  	[spmem:s2] =	stream.indirect.scatter.add.f32 [tilespmem:s30], [sflag:$0xD], $0x10, s29, s14, $0xb8;
	[tilespmem:$0xC530] =	vst v63  }
0xff: {  	_ =	swait.ge [sflag:s16], $0x7D0  }
0x100: {  	[sflag:s16] =	ssyncset.done $0x0  }
0x101: {  	s13 =	sadd.s32 $0x2980, s19;
	s28 =	simm.s32 $0x6770;
	[sflag:s16] =	ssyncadd.s32 $0xFFFFF830  }
0x102: {  	[spmem:s2] =	stream.indirect.scatter.add.f32 [tilespmem:s28], [sflag:$0xE], $0x10, s13, s14, $0xb8;
	[tilespmem:$0xC530] =	vst v63  }
0x103: {  	s13 =	simm.s32 $0x5  }
0x104: {  	_ =	swait.ge [sflag:s13], $0x7D0  }
0x105: {  	[sflag:s13] =	ssyncset.done $0x0  }
0x106: {  	s20 =	sadd.s32 $0x2A00, s19;
	s29 =	simm.s32 $0x6F40;
	[sflag:s13] =	ssyncadd.s32 $0xFFFFF830  }
0x107: {  	[spmem:s2] =	stream.indirect.scatter.add.f32 [tilespmem:s29], [sflag:$0xF], $0x10, s20, s14, $0xb8;
	[tilespmem:$0xC530] =	vst v63  }
0x108: {  	s20 =	simm.s32 $0xB  }
0x109: {  	_ =	swait.ge [sflag:s20], $0x7D0  }
0x10a: {  	[sflag:s20] =	ssyncset.done $0x0  }
0x10b: {  	[sflag:s20] =	ssyncadd.s32 $0xFFFFF830  }
0x10c: {  	_ =	swait.ge [sflag:s22], $0x7D0  }
0x10d: {  	[sflag:s22] =	ssyncset.done $0x0  }
0x10e: {  	[sflag:s22] =	ssyncadd.s32 $0xFFFFF830  }
0x10f: {  	_ =	swait.ge [sflag:s1], $0x7D0  }
0x110: {  	[sflag:s1] =	ssyncset.done $0x0  }
0x111: {  	[sflag:s1] =	ssyncadd.s32 $0xFFFFF830  }
0x112: {  	_ =	swait.ge [sflag:s6], $0x7D0  }
0x113: {  	[sflag:s6] =	ssyncset.done $0x0  }
0x114: {  	[sflag:s6] =	ssyncadd.s32 $0xFFFFF830  }
0x115: {  	_ =	swait.ge [sflag:s7], $0x7D0  }
0x116: {  	[sflag:s7] =	ssyncset.done $0x0  }
0x117: {  	s21 =	sadd.s32 $0x500, s19;
	s0 =	simm.s32 $0x5000;
	[sflag:s7] =	ssyncadd.s32 $0xFFFFF830  }
0x118: {  	[tilespmem:s0], [sflag:$0x1] =	stream.indirect.gather [hbm4b:s4+s14], $0x10, s21, s14, $0xb8;
	[tilespmem:$0xC530] =	vst v63  }
0x119: {  	s26 =	simm.s32 $0x57D0;
	s0 =	sadd.s32 $0x580, s19  }
0x11a: {  	[tilespmem:s26], [sflag:$0x2] =	stream.indirect.gather [hbm4b:s4+s14], $0x10, s0, s14, $0xb8;
	[tilespmem:$0xC530] =	vst v63  }
0x11b: {  	s30 =	simm.s32 $0x5FA0;
	s26 =	sadd.s32 $0x600, s19  }
0x11c: {  	[tilespmem:s30], [sflag:$0x3] =	stream.indirect.gather [hbm4b:s4+s14], $0x10, s26, s14, $0xb8;
	[tilespmem:$0xC530] =	vst v63  }
0x11d: {  	s30 =	sadd.s32 $0x680, s19  }
0x11e: {  	[tilespmem:s28], [sflag:$0x4] =	stream.indirect.gather [hbm4b:s4+s14], $0x10, s30, s14, $0xb8;
	[tilespmem:$0xC530] =	vst v63  }
0x11f: {  	s0 =	sadd.s32 $0x700, s19  }
0x120: {  	[tilespmem:s29], [sflag:$0x5] =	stream.indirect.gather [hbm4b:s4+s14], $0x10, s0, s14, $0xb8;
	[tilespmem:$0xC530] =	vst v63  }
0x121: {  	_ =	swait.ge [sflag:s9], $0x7D0  }
0x122: {  	[sflag:s9] =	ssyncset.done $0x0  }
0x123: {  	s24 =	simm.s32 $0x7710;
	s26 =	sadd.s32 $0x2A80, s19;
	[sflag:s9] =	ssyncadd.s32 $0xFFFFF830  }
0x124: {  	[spmem:s2] =	stream.indirect.scatter.add.f32 [tilespmem:s24], [sflag:$0x10], $0x10, s26, s14, $0xb8;
	[tilespmem:$0xC530] =	vst v63  }
0x125: {  	_ =	swait.ge [sflag:s8], $0x7D0  }
0x126: {  	[sflag:s8] =	ssyncset.done $0x0  }
0x127: {  	s30 =	sadd.s32 $0x2B00, s19;
	s26 =	simm.s32 $0x7EE0;
	[sflag:s8] =	ssyncadd.s32 $0xFFFFF830  }
0x128: {  	[spmem:s2] =	stream.indirect.scatter.add.f32 [tilespmem:s26], [sflag:$0x11], $0x10, s30, s14, $0xb8;
	[tilespmem:$0xC530] =	vst v63  }
0x129: {  	_ =	swait.ge [sflag:s25], $0x7D0  }
0x12a: {  	[sflag:s25] =	ssyncset.done $0x0  }
0x12b: {  	s0 =	sadd.s32 $0x2B80, s19;
	s24 =	simm.s32 $0x86B0;
	[sflag:s25] =	ssyncadd.s32 $0xFFFFF830  }
0x12c: {  	[spmem:s2] =	stream.indirect.scatter.add.f32 [tilespmem:s24], [sflag:$0x12], $0x10, s0, s14, $0xb8;
	[tilespmem:$0xC530] =	vst v63  }
0x12d: {  	_ =	swait.ge [sflag:s3], $0x7D0  }
0x12e: {  	[sflag:s3] =	ssyncset.done $0x0  }
0x12f: {  	s30 =	sadd.s32 $0x2C00, s19;
	s0 =	simm.s32 $0x8E80;
	[sflag:s3] =	ssyncadd.s32 $0xFFFFF830  }
0x130: {  	[spmem:s2] =	stream.indirect.scatter.add.f32 [tilespmem:s0], [sflag:$0x13], $0x10, s30, s14, $0xb8;
	[tilespmem:$0xC530] =	vst v63  }
0x131: {  	_ =	swait.ge [sflag:s10], $0x7D0  }
0x132: {  	[sflag:s10] =	ssyncset.done $0x0  }
0x133: {  	s21 =	simm.s32 $0x9650;
	s30 =	sadd.s32 $0x2C80, s19;
	[sflag:s10] =	ssyncadd.s32 $0xFFFFF830  }
0x134: {  	[spmem:s2] =	stream.indirect.scatter.add.f32 [tilespmem:s21], [sflag:$0x14], $0x10, s30, s14, $0xb8;
	[tilespmem:$0xC530] =	vst v63  }
0x135: {  	_ =	swait.ge [sflag:s12], $0x7D0  }
0x136: {  	[sflag:s12] =	ssyncset.done $0x0  }
0x137: {  	[sflag:s12] =	ssyncadd.s32 $0xFFFFF830  }
0x138: {  	_ =	swait.ge [sflag:s5], $0x7D0  }
0x139: {  	[sflag:s5] =	ssyncset.done $0x0  }
0x13a: {  	[sflag:s5] =	ssyncadd.s32 $0xFFFFF830  }
0x13b: {  	_ =	swait.ge [sflag:s11], $0x7D0  }
0x13c: {  	[sflag:s11] =	ssyncset.done $0x0  }
0x13d: {  	[sflag:s11] =	ssyncadd.s32 $0xFFFFF830  }
0x13e: {  	_ =	swait.ge [sflag:s15], $0x7D0  }
0x13f: {  	[sflag:s15] =	ssyncset.done $0x0  }
0x140: {  	[sflag:s15] =	ssyncadd.s32 $0xFFFFF830  }
0x141: {  	_ =	swait.ge [sflag:s17], $0x7D0  }
0x142: {  	[sflag:s17] =	ssyncset.done $0x0  }
0x143: {  	s19 =	simm.s32 $0x2580;
	s30 =	simm.s32 $0x7710;
	[sflag:s17] =	ssyncadd.s32 $0xFFFFF830  }
0x144: {  	[tilespmem:s30], [sflag:$0x6] =	stream.indirect.gather [hbm4b:s4+s14], $0x10, s19, s14, $0xb8;
	[tilespmem:$0xC530] =	vst v63  }
0x145: {  	s19 =	simm.s32 $0x2600  }
0x146: {  	[tilespmem:s26], [sflag:$0x7] =	stream.indirect.gather [hbm4b:s4+s14], $0x10, s19, s14, $0xb8;
	[tilespmem:$0xC530] =	vst v63  }
0x147: {  	s19 =	simm.s32 $0x2680  }
0x148: {  	[tilespmem:s24], [sflag:$0x8] =	stream.indirect.gather [hbm4b:s4+s14], $0x10, s19, s14, $0xb8;
	[tilespmem:$0xC530] =	vst v63  }
0x149: {  	s19 =	simm.s32 $0x2700  }
0x14a: {  	[tilespmem:s0], [sflag:$0x9] =	stream.indirect.gather [hbm4b:s4+s14], $0x10, s19, s14, $0xb8;
	[tilespmem:$0xC530] =	vst v63  }
0x14b: {  	s0 =	simm.s32 $0x2780  }
0x14c: {  	[tilespmem:s21], [sflag:$0xA] =	stream.indirect.gather [hbm4b:s4+s14], $0x10, s0, s14, $0xb8;
	[tilespmem:$0xC530] =	vst v63  }
0x14d: {  	_ =	swait.ge [sflag:s23], $0x7D0  }
0x14e: {  	[sflag:s23] =	ssyncset.done $0x0  }
0x14f: {  	s0 =	simm.s32 $0x4B00;
	[sflag:s23] =	ssyncadd.s32 $0xFFFFF830;
	s23 =	simm.s32 $0x5000  }
0x150: {  	[spmem:s2] =	stream.indirect.scatter.add.f32 [tilespmem:s23], [sflag:$0xB], $0x10, s0, s14, $0xb8;
	[tilespmem:$0xC530] =	vst v63  }
0x151: {  	_ =	swait.ge [sflag:s31], $0x7D0  }
0x152: {  	[sflag:s31] =	ssyncset.done $0x0  }
0x153: {  	s23 =	simm.s32 $0x4B80;
	[sflag:s31] =	ssyncadd.s32 $0xFFFFF830;
	s31 =	simm.s32 $0x57D0  }
0x154: {  	[spmem:s2] =	stream.indirect.scatter.add.f32 [tilespmem:s31], [sflag:$0xC], $0x10, s23, s14, $0xb8;
	[tilespmem:$0xC530] =	vst v63  }
0x155: {  	_ =	swait.ge [sflag:s18], $0x7D0  }
0x156: {  	[sflag:s18] =	ssyncset.done $0x0  }
0x157: {  	s23 =	simm.s32 $0x4C00;
	s31 =	simm.s32 $0x5FA0;
	[sflag:s18] =	ssyncadd.s32 $0xFFFFF830  }
0x158: {  	[spmem:s2] =	stream.indirect.scatter.add.f32 [tilespmem:s31], [sflag:$0xD], $0x10, s23, s14, $0xb8;
	[tilespmem:$0xC530] =	vst v63  }
0x159: {  	_ =	swait.ge [sflag:s16], $0x7D0  }
0x15a: {  	[sflag:s16] =	ssyncset.done $0x0  }
0x15b: {  	s0 =	simm.s32 $0x4C80;
	[sflag:s16] =	ssyncadd.s32 $0xFFFFF830  }
0x15c: {  	[spmem:s2] =	stream.indirect.scatter.add.f32 [tilespmem:s28], [sflag:$0xE], $0x10, s0, s14, $0xb8;
	[tilespmem:$0xC530] =	vst v63  }
0x15d: {  	_ =	swait.ge [sflag:s13], $0x7D0  }
0x15e: {  	[sflag:s13] =	ssyncset.done $0x0  }
0x15f: {  	s18 =	simm.s32 $0x4D00;
	[sflag:s13] =	ssyncadd.s32 $0xFFFFF830  }
0x160: {  	[spmem:s2] =	stream.indirect.scatter.add.f32 [tilespmem:s29], [sflag:$0xF], $0x10, s18, s14, $0xb8;
	[tilespmem:$0xC530] =	vst v63  }
0x161: {  	_ =	swait.ge [sflag:s20], $0x7D0  }
0x162: {  	[sflag:s20] =	ssyncset.done $0x0  }
0x163: {  	[sflag:s20] =	ssyncadd.s32 $0xFFFFF830  }
0x164: {  	_ =	swait.ge [sflag:s22], $0x7D0  }
0x165: {  	[sflag:s22] =	ssyncset.done $0x0  }
0x166: {  	[sflag:s22] =	ssyncadd.s32 $0xFFFFF830  }
0x167: {  	_ =	swait.ge [sflag:s1], $0x7D0  }
0x168: {  	[sflag:s1] =	ssyncset.done $0x0  }
0x169: {  	[sflag:s1] =	ssyncadd.s32 $0xFFFFF830  }
0x16a: {  	_ =	swait.ge [sflag:s6], $0x7D0  }
0x16b: {  	[sflag:s6] =	ssyncset.done $0x0  }
0x16c: {  	[sflag:s6] =	ssyncadd.s32 $0xFFFFF830  }
0x16d: {  	_ =	swait.ge [sflag:s7], $0x7D0  }
0x16e: {  	[sflag:s7] =	ssyncset.done $0x0  }
0x16f: {  	[sflag:s7] =	ssyncadd.s32 $0xFFFFF830  }
0x170: {  	_ =	swait.ge [sflag:s9], $0x7D0  }
0x171: {  	[sflag:s9] =	ssyncset.done $0x0  }
0x172: {  	s30 =	simm.s32 $0x7710;
	s19 =	simm.s32 $0x4D80;
	[sflag:s9] =	ssyncadd.s32 $0xFFFFF830  }
0x173: {  	[spmem:s2] =	stream.indirect.scatter.add.f32 [tilespmem:s30], [sflag:$0x10], $0x10, s19, s14, $0xb8;
	[tilespmem:$0xC530] =	vst v63  }
0x174: {  	_ =	swait.ge [sflag:s8], $0x7D0  }
0x175: {  	[sflag:s8] =	ssyncset.done $0x0  }
0x176: {  	s26 =	simm.s32 $0x7EE0;
	s20 =	simm.s32 $0x4E00;
	[sflag:s8] =	ssyncadd.s32 $0xFFFFF830  }
0x177: {  	[spmem:s2] =	stream.indirect.scatter.add.f32 [tilespmem:s26], [sflag:$0x11], $0x10, s20, s14, $0xb8;
	[tilespmem:$0xC530] =	vst v63  }
0x178: {  	_ =	swait.ge [sflag:s25], $0x7D0  }
0x179: {  	[sflag:s25] =	ssyncset.done $0x0  }
0x17a: {  	s24 =	simm.s32 $0x86B0;
	s23 =	simm.s32 $0x4E80;
	[sflag:s25] =	ssyncadd.s32 $0xFFFFF830  }
0x17b: {  	[spmem:s2] =	stream.indirect.scatter.add.f32 [tilespmem:s24], [sflag:$0x12], $0x10, s23, s14, $0xb8;
	[tilespmem:$0xC530] =	vst v63  }
0x17c: {  	_ =	swait.ge [sflag:s3], $0x7D0  }
0x17d: {  	[sflag:s3] =	ssyncset.done $0x0  }
0x17e: {  	s26 =	simm.s32 $0x8E80;
	s24 =	simm.s32 $0x4F00;
	[sflag:s3] =	ssyncadd.s32 $0xFFFFF830  }
0x17f: {  	[spmem:s2] =	stream.indirect.scatter.add.f32 [tilespmem:s26], [sflag:$0x13], $0x10, s24, s14, $0xb8;
	[tilespmem:$0xC530] =	vst v63  }
0x180: {  	_ =	swait.ge [sflag:s10], $0x7D0  }
0x181: {  	[sflag:s10] =	ssyncset.done $0x0  }
0x182: {  	s21 =	simm.s32 $0x9650;
	s28 =	simm.s32 $0x4F80;
	[sflag:s10] =	ssyncadd.s32 $0xFFFFF830  }
0x183: {  	[spmem:s2] =	stream.indirect.scatter.add.f32 [tilespmem:s21], [sflag:$0x14], $0x10, s28, s14, $0xb8;
	[tilespmem:$0xC530] =	vst v63  }
0x184: {  	_ =	swait.ge [sflag:s12], $0x7D0  }
0x185: {  	[sflag:s12] =	ssyncset.done $0x0  }
0x186: {  	[sflag:s12] =	ssyncadd.s32 $0xFFFFF830  }
0x187: {  	_ =	swait.ge [sflag:s5], $0x7D0  }
0x188: {  	[sflag:s5] =	ssyncset.done $0x0  }
0x189: {  	[sflag:s5] =	ssyncadd.s32 $0xFFFFF830  }
0x18a: {  	_ =	swait.ge [sflag:s11], $0x7D0  }
0x18b: {  	[sflag:s11] =	ssyncset.done $0x0  }
0x18c: {  	[sflag:s11] =	ssyncadd.s32 $0xFFFFF830  }
0x18d: {  	_ =	swait.ge [sflag:s15], $0x7D0  }
0x18e: {  	[sflag:s15] =	ssyncset.done $0x0  }
0x18f: {  	[sflag:s15] =	ssyncadd.s32 $0xFFFFF830  }
0x190: {  	_ =	swait.ge [sflag:s17], $0x7D0  }
0x191: {  	[sflag:s17] =	ssyncset.done $0x0  }
0x192: {  	[sflag:s17] =	ssyncadd.s32 $0xFFFFF830  }
0x193: {  	[bflag:$0x0] =	sbarrier.arrive $0xFFFF  }
0x194: {  	s21 =	rddreg [dreg:$0x4]  }
0x195: {  	s13 =	rddreg [dreg:$0x9]  }
0x196: {  	s26 =	simm.s32 $0x15;
	s29 =	rddreg [dreg:$0xb]  }
0x197: {  	[hbm:s29], [sflag:s21] =	dma.local [spmem:s13], $0x4E0  }
0x198: {  	_ =	swait.ge [sflag:s26], $0x4E0  }
0x199: {  	[sflag:s26] =	ssyncset.done $0x0;
	s19 =	rddreg [dreg:$0x7]  }
0x19a: {  	s24 =	rddreg [dreg:$0xa];
	[sflag:s26] =	ssyncadd.s32 $0xFFFFFB20;
	s19 =	sadd.s32 @!p0 $0x4E00, s19  }
0x19b: {  	[hbm:s19], [sflag:s21] =	dma.local @!p0 [spmem:s24], $0x20  }
0x19c: {  	s19 =	simm.s32 @!p0 $0x15  }
0x19d: {  	_ =	swait.ge @!p0 [sflag:s19], $0x20  }
0x19e: {  	s30 =	rddreg [dreg:$0xc]  }
0x19f: {  	s31 =	rddreg [dreg:$0x8];
	s0 =	sadd.s32 $0x1, s30  }
0x1a0: {  	p1 =	sne.s32 s0, s31  }
.Ltmp1:
0x1a1: {  	_ = 	snop;
	(pc) =	sbr.rel @p1 .LBB2_1-.Ltmp1, $3  }
0x1a2: {  	_ =	sdelay $0x1  }
0x1a3: {  	[sflag:s19] =	ssyncset.done @!p0 $0x0  }
0x1a4: {  	[sflag:s19] =	ssyncadd.s32 @!p0 $0xFFFFFFE0  }
0x1a5: {  	_ =	sfence.sel $0x180000  }
0x1a6: {  	[bflag:$0x0] =	sbarrier.arrive $0xFFFF  }
0x1a7: {  	_ =	strace $0x9000004A  }
0x1a8: {  	[bflag:$0x2] =	sbarrier.arrive $0xFFFF  }
0x1a9: {  	s0 =	rddreg [dreg:$0x3]  }
0x1aa: {  	s0 =	sadd.s32 @!p0 $0x100000, s0  }
0x1ab: {  	[sflag:s0] =	ssyncadd.tile.s32 @!p0 $0x1;
	_ =	shalt  }
.Lfunc_end2:
_tile_overlayer_lowered:
.L_overlay_start_2:
0x1ac: {  	(tag) =	ssettag $0x2  }
0x1ad: {  	s0 =	rddreg [dreg:$0x0];
	s2 =	stileid.u32  }
0x1ae: {  	s1 =	rddreg [dreg:$0x1];
	p0 =	sne.s32 s2, $0x0  }
0x1af: {  	s3 =	rddreg [dreg:$0x2];
	[bflag:$0x3] =	sbarrier.arrive $0xFFFF;
	s2 =	simm.s32 @!p0 $0x1C15  }
0x1b0: {  	[timem:s3], [sflag:s2] =	dma.local @!p0 [hbm:s0], s1  }
0x1b1: {  	s0 =	simm.s32 @!p0 $0x15  }
0x1b2: {  	_ =	swait.ge @!p0 [sflag:s0], s1  }
0x1b3: {  	s1 =	ssub.s32 @!p0 $0x0, s1;
	[sflag:s0] =	ssyncset.done @!p0 $0x0  }
0x1b4: {  	[sflag:s0] =	ssyncadd.s32 @!p0 s1  }
0x1b5: {  	[bflag:$0x3] =	sbarrier.arrive $0xFFFF  }
0x1b6: {  	_ =	shalt  }

// kernel: kernel.7.cloned.1.call-start
scs
__scs_entry_jumppad:
0x0: {  	(pc) =	sbr.rel $0x88, $3  }
0x1: {  	(tag) =	ssettag $0x0;
	lr =	simm.s32 $0x1  }
0x2: {  	[smem:$0x3F9B] =	sst lr;
	_ =	strace $0xD0000000  }
0x3: {  	_ = 	snop  }
0x4: {  	_ = 	snop  }
0x5: {  	_ = 	snop  }
0x6: {  	_ = 	snop  }
0x7: {  	_ = 	snop  }
__scs_overlays_trampoline_lowered:
0x8: {  	[smem:$0x3FAA] =	sst s0  }
0x9: {  	[smem:$0x3FAB] =	sst s1  }
0xa: {  	[smem:$0x3FAC] =	sst s2  }
0xb: {  	[smem:$0x3FAD] =	sst s3  }
0xc: {  	[smem:$0x3FAE] =	sst s4  }
0xd: {  	[smem:$0x3FAF] =	sst s5  }
0xe: {  	[smem:$0x3FB0] =	sst s6  }
0xf: {  	[smem:$0x3FB1] =	sst s7  }
0x10: {  	[smem:$0x3FB2] =	sst s8  }
0x11: {  	[smem:$0x3FB3] =	sst s9;
	s0 =	simm.s32 @!p0 $0x0  }
0x12: {  	s1 =	sld [smem:$0x3F99];
	s0 =	simm.s32 @p0 $0x1  }
0x13: {  	[smem:$0x3FB4] =	sst s0;
	s0 =	simm.s32 @!p1 $0x0  }
0x14: {  	s2 =	sld [smem:$0x3F98];
	s0 =	simm.s32 @p1 $0x1  }
0x15: {  	[smem:$0x3FB5] =	sst s0;
	s0 =	simm.s32 @!p2 $0x0  }
0x16: {  	s3 =	sld [smem:$0x3FDB];
	s0 =	simm.s32 @p2 $0x1  }
0x17: {  	s4 =	simm.s32 $0x1BF5;
	[smem:$0x3FB7] =	sst s0  }
0x18: {  	s0 =	sld [smem:$0x3F9A];
	_ =	swait.ge [sflag:s4], $0x0  }
0x19: {  	s7 =	sld [smem:$0x3F9B]  }
0x1a: {  	s8 =	sadd.s32 $0xFFFFE003, lr  }
0x1b: {  	s9 =	sadd.s32 $0xFFFFFEF7, lr;
	s5 =	simm.s32 $0xFFFFFFFF;
	p2 =	slt.u32 s8, $0xFFFFF086  }
0x1c: {  	p1 =	slt.u32 s9, $0xF7A;
	s5 =	simm.s32 @!p2 $0x0  }
0x1d: {  	s5 =	simm.s32 @p1 $0x1;
	p0 =	seq.s32 s7, s2  }
0x1e: {  	s7 =	smul.u32 @!p0 $0xF7A, s2;
	p2 =	seq.s32 @!p0 s5, $0x0  }
0x1f: {  	s9 =	smul.u32 $0xF7A, s1;
	s8 =	simm.s32 @!p0 $0x1BF5;
	p2 =	por !p2, p0  }
0x20: {  	[sflag:s8] =	ssyncset.s32 @!p0 $0xFFFFF086;
	s6 =	sadd.s32 @!p0 s3, s7;
	s7 =	simm.s32 @!p0 $0x108  }
0x21: {  	s3 =	sadd.s32 s3, s9;
	s6 =	sadd.s32 @!p0 $0x88, s6;
	s7 =	simm.s32 @p2 $0x1082  }
0x22: {  	[simem:s7], [sflag:s8] =	dma.local @!p0 [hbm:s6], $0xF7A  }
0x23: {  	s9 =	sor.u32 $0xD0000000, s2;
	s6 =	simm.s32 $0x108;
	_ =	swait.ge @!p0 [sflag:s8], $0x0  }
0x24: {  	s3 =	sadd.s32 $0x88, s3;
	s6 =	simm.s32 @!p1 $0x1082;
	[sflag:s4] =	ssyncset.s32 $0xFFFFF086  }
0x25: {  	[simem:s6], [sflag:s4] =	dma.local [hbm:s3], $0xF7A  }
0x26: {  	[smem:$0x3F9B] =	sst s1;
	(tag) =	ssettag s2;
	_ =	strace s9  }
0x27: {  	s1 =	sld [smem:$0x3FAB]  }
0x28: {  	s2 =	sld [smem:$0x3FAC]  }
0x29: {  	s4 =	sld [smem:$0x3FAE]  }
0x2a: {  	p0 =	seq.s32 s5, $0x0;
	s5 =	sld [smem:$0x3FAF]  }
0x2b: {  	s6 =	sld [smem:$0x3FB0]  }
0x2c: {  	s7 =	sld [smem:$0x3FB1]  }
0x2d: {  	s3 =	simm.s32 $0x108;
	s8 =	sld [smem:$0x3FB2]  }
0x2e: {  	s3 =	simm.s32 @!p0 $0x1082;
	s9 =	sld [smem:$0x3FB3]  }
0x2f: {  	lr =	sadd.s32 s0, s3;
	s0 =	sld [smem:$0x3FAA]  }
0x30: {  	s3 =	sld [smem:$0x3FAD]  }
0x31: {  	[smem:$0x3FB6] =	sst s10  }
0x32: {  	s10 =	sld [smem:$0x3FB4];
	_ =	sdelay $0x3  }
0x33: {  	p0 =	seq.s32 s10, $0x1;
	s10 =	sld [smem:$0x3FB6];
	_ =	sdelay $0x3  }
0x34: {  	[smem:$0x3FB6] =	sst s10  }
0x35: {  	s10 =	sld [smem:$0x3FB5];
	_ =	sdelay $0x3  }
0x36: {  	p1 =	seq.s32 s10, $0x1;
	s10 =	sld [smem:$0x3FB6];
	_ =	sdelay $0x3  }
0x37: {  	[smem:$0x3FB6] =	sst s10  }
0x38: {  	s10 =	sld [smem:$0x3FB7]  }
0x39: {  	_ = 	snop;
	(pc) =	sbr.ind lr, $3  }
0x3a: {  	_ = 	snop  }
0x3b: {  	_ = 	snop  }
0x3c: {  	p2 =	seq.s32 s10, $0x1;
	s10 =	sld [smem:$0x3FB6]  }
0x3d: {  	_ =	shalt  }
0x3e: {  	_ =	shalt  }
0x3f: {  	_ =	shalt  }
0x40: {  	_ =	shalt  }
0x41: {  	_ =	shalt  }
0x42: {  	_ =	shalt  }
0x43: {  	_ =	shalt  }
0x44: {  	_ =	shalt  }
0x45: {  	_ =	shalt  }
0x46: {  	_ =	shalt  }
0x47: {  	_ =	shalt  }
0x48: {  	_ =	shalt  }
0x49: {  	_ =	shalt  }
0x4a: {  	_ =	shalt  }
0x4b: {  	_ =	shalt  }
0x4c: {  	_ =	shalt  }
0x4d: {  	_ =	shalt  }
0x4e: {  	_ =	shalt  }
0x4f: {  	_ =	shalt  }
0x50: {  	_ =	shalt  }
0x51: {  	_ =	shalt  }
0x52: {  	_ =	shalt  }
0x53: {  	_ =	shalt  }
0x54: {  	_ =	shalt  }
0x55: {  	_ =	shalt  }
0x56: {  	_ =	shalt  }
0x57: {  	_ =	shalt  }
0x58: {  	_ =	shalt  }
0x59: {  	_ =	shalt  }
0x5a: {  	_ =	shalt  }
0x5b: {  	_ =	shalt  }
0x5c: {  	_ =	shalt  }
0x5d: {  	_ =	shalt  }
0x5e: {  	_ =	shalt  }
0x5f: {  	_ =	shalt  }
0x60: {  	_ =	shalt  }
0x61: {  	_ =	shalt  }
0x62: {  	_ =	shalt  }
0x63: {  	_ =	shalt  }
0x64: {  	_ =	shalt  }
0x65: {  	_ =	shalt  }
0x66: {  	_ =	shalt  }
0x67: {  	_ =	shalt  }
0x68: {  	_ =	shalt  }
0x69: {  	_ =	shalt  }
0x6a: {  	_ =	shalt  }
0x6b: {  	_ =	shalt  }
0x6c: {  	_ =	shalt  }
0x6d: {  	_ =	shalt  }
0x6e: {  	_ =	shalt  }
0x6f: {  	_ =	shalt  }
0x70: {  	_ =	shalt  }
0x71: {  	_ =	shalt  }
0x72: {  	_ =	shalt  }
0x73: {  	_ =	shalt  }
0x74: {  	_ =	shalt  }
0x75: {  	_ =	shalt  }
0x76: {  	_ =	shalt  }
0x77: {  	_ =	shalt  }
0x78: {  	_ =	shalt  }
0x79: {  	_ =	shalt  }
0x7a: {  	_ =	shalt  }
0x7b: {  	_ =	shalt  }
0x7c: {  	_ =	shalt  }
0x7d: {  	_ =	shalt  }
0x7e: {  	_ =	shalt  }
0x7f: {  	_ =	shalt  }
0x80: {  	_ =	shalt  }
0x81: {  	_ =	shalt  }
0x82: {  	_ =	shalt  }
0x83: {  	_ =	shalt  }
0x84: {  	_ =	shalt  }
0x85: {  	_ =	shalt  }
0x86: {  	_ =	shalt  }
0x87: {  	_ =	shalt  }
.Lfunc_end0:
.L_simem_size_0:
called_computation_lowered:
.L_overlay_start_0:
0x88: {  	s2 =	sld [smem:$0x3FD9]  }
0x89: {  	s3 =	sld [smem:$0x3FFE];
	_ =	sdelay $0x1  }
0x8a: {  	s1 =	srdreg.scid  }
0x8b: {  	s0 =	sand.u32 $0x1, s1  }
0x8c: {  	s16 =	sshll.u32 s0, $0xA;
	s2 =	sadd.s32 s3, s2  }
0x8d: {  	s2 =	sadd.s32 s2, s16  }
0x8e: {  	[smem:$0x3FC2] =	sst s2  }
0x8f: {  	_ = 	snop  }
0x90: {  	(tm) =	ssettm $0x1  }
0x91: {  	s17 =	sld [smem:$0x3FFB];
	_ =	sdelay $0x3  }
0x92: {  	_ =	strace s17  }
0x93: {  	s2 =	sld [smem:$0x3FFC];
	_ =	sdelay $0x3  }
0x94: {  	_ =	strace s2  }
0x95: {  	s2 =	sld [smem:$0x3FFD];
	_ =	sdelay $0x3  }
0x96: {  	_ =	strace s2  }
0x97: {  	_ =	strace $0x8FFFFFFF  }
0x98: {  	s18 =	sld [smem:$0x3FDB];
	_ =	sdelay $0x1  }
0x99: {  	s19 =	simm.s32 $_scs_section_size  }
0x9a: {  	s4 =	simm.s32 $_size__tile_overlayer_lowered;
	s5 =	simm.s32 $_tile_overlayer_lowered  }
0x9b: {  	s22 =	simm.s32 $0x1BFF;
	s21 =	sshll.u32 s5, $0x1;
	s2 =	sadd.s32 s19, s18  }
0x9c: {  	s6 =	simm.s32 $0x0;
	s20 =	sshll.u32 s4, $0x1;
	s4 =	sadd.s32 s21, s2  }
0x9d: {  	[timem:s6], [sflag:s22] =	dma.local [hbm:s4], s20  }
0x9e: {  	_ =	swait.ge [sflag:s22], s20  }
0x9f: {  	s3 =	ssub.s32 $0x0, s20;
	[sflag:s22] =	ssyncset.done $0x0  }
0xa0: {  	[sflag:s22] =	ssyncadd.s32 s3;
	_ =	sdelay $0x1  }
0xa1: {  	s23 =	simm.s32 $0x1B8B  }
0xa2: {  	_ =	swait.ge [sflag:s23], $0x1  }
0xa3: {  	[sflag:s23] =	ssyncset.done $0x0  }
0xa4: {  	s25 =	simm.s32 $0x1B8E;
	s24 =	sld [smem:$0x3FFE];
	[sflag:s23] =	ssyncadd.s32 $0xFFFFFFFF  }
0xa5: {  	s26 =	simm.s32 $execute0_lowered;
	[smem:$0x3FD2] =	sst s25  }
0xa6: {  	s4 =	sshll.u32 s26, $0x1;
	_ =	strace $0x80000046;
	[dreg:$0x1] =	wrdreg $0xFFFFFFFF  }
0xa7: {  	s28 =	simm.s32 $_size_execute0_lowered;
	s2 =	sadd.s32 s2, s4;
	[dreg:$0x0] =	wrdreg $0x0  }
0xa8: {  	s4 =	sshll.u32 s28, $0x1;
	[dreg:$0x2] =	wrdreg s2  }
0xa9: {  	[dreg:$0x3] =	wrdreg s4  }
0xaa: {  	[dreg:$0x4] =	wrdreg $0xC0  }
0xab: {  	_ =	task [dreg:s6], $0x5FFFF  }
0xac: {  	[dreg:$0x1] =	wrdreg $0xFFFFFFFF  }
0xad: {  	[dreg:$0x0] =	wrdreg $0x60  }
0xae: {  	[dreg:$0x2] =	wrdreg s24  }
0xaf: {  	[dreg:$0x3] =	wrdreg $0x13A600  }
0xb0: {  	[dreg:$0x4] =	wrdreg $0x9  }
0xb1: {  	_ =	task.clear_ibuf [dreg:s6], $0x5FFFF;
	_ =	strace $0x90000046  }
0xb2: {  	s29 =	simm.s32 $0x9;
	_ =	strace $0x80000048  }
0xb3: {  	_ =	swait.ge [sflag:s29], $0x1  }
0xb4: {  	[sflag:s29] =	ssyncadd.s32 $0xFFFFFFFF  }
0xb5: {  	_ =	strace $0x90000048  }
0xb6: {  	_ =	sfence  }
0xb7: {  	s30 =	sld [smem:$0x0];
	_ =	sdelay $0x2  }
0xb8: {  	s31 =	sshll.u32 s1, $0xD;
	s1 =	sshrl.u32 s1, $0x2  }
0xb9: {  	s3 =	sand.u32 $0x4000, s31;
	s1 =	sadd.s32 s1, s30  }
0xba: {  	s0 =	sor.u32 s3, s0;
	s1 =	sshll.u32 s1, $0x11  }
0xbb: {  	s0 =	sor.u32 s1, s0  }
0xbc: {  	s0 =	sadd.s32 $0x8F2B, s0  }
0xbd: {  	[sflag:s0] =	ssyncadd.remote.s32 $0x1  }
0xbe: {  	_ =	sfence.sel $0xFFFF  }
0xbf: {  	[dreg:$0x0] =	wrdreg $0xFFFFFFFF;
	(pc) =	sbr.abs _section_cstart, $3  }
0xc0: {  	[dreg:$0x1] =	wrdreg $0xFFFFFFFF  }
0xc1: {  	_ =	task.clear_ibuf [dreg:s6], $0x2FFFF;
	_ =	strace $0x9FFFFFFF  }
0xc2: {  	(tm) =	ssettm $0x7FFFFFFF  }
0xc3: {  	_ =	shalt  }
tec
execute0_lowered:
.L_overlay_start_1:
0x0: {  	(tag) =	ssettag $0x1  }
0x1: {  	s0 =	srdreg.scid  }
0x2: {  	s2 =	rddreg [dreg:$0x0];
	s4 =	stileid.u32  }
0x3: {  	s1 =	rddreg [dreg:$0x1];
	s5 =	simm.s32 $0x0;
	s14 =	simm.s32 $0x7D  }
0x4: {  	s22 =	simm.s32 $0xC;
	s10 =	simm.s32 $0xA;
	s12 =	simm.s32 $0x10  }
0x5: {  	s11 =	simm.s32 $0x12;
	s15 =	simm.s32 $0x13;
	s17 =	simm.s32 $0x14  }
0x6: {  	s0 =	sand.u32 $0x1, s0;
	[smem:$0x7FF] =	sst s5;
	s7 =	sadd.s32 $0x23E00, s2  }
0x7: {  	s25 =	smul.u32 $0x7500, s4;
	s8 =	sshll.u32 s4, $0x6;
	p0 =	sne.s32 s4, $0x0  }
0x8: {  	s3 =	sshll.u32 s0, $0x4;
	_ =	strace $0x80000047;
	s6 =	smul.u32 $0xEA60, s0  }
0x9: {  	[dreg:$0x3] =	wrdreg s7;
	s0 =	ssub.s32 $0x2, s0;
	s21 =	sor.u32 $0x1C15, s8  }
0xa: {  	s8 =	sadd.s32 $0x75000, s1;
	s7 =	simm.s32 $0xE;
	s3 =	sor.u32 s4, s3  }
0xb: {  	s26 =	sshrl.u32 s0, $0x1;
	s28 =	sadd.s32 s25, s1;
	s30 =	sshrl.u32 s25, $0x3  }
0xc: {  	s25 =	simm.s32 $0x7;
	s4 =	simm.s32 $0x9;
	[dreg:$0x4] =	wrdreg s21  }
0xd: {  	s3 =	smul.u32 $0x2800, s3;
	s0 =	ssub.s32 s0, s26;
	s13 =	sshrl.u32 s28, $0x3  }
0xe: {  	s26 =	simm.s32 $0x15;
	s0 =	smax.u32 s0, $0x1;
	[dreg:$0x9] =	wrdreg s13  }
0xf: {  	s24 =	sshrl.u32 s3, $0x3;
	s3 =	sadd.s32 $0x1200, s2;
	[dreg:$0x8] =	wrdreg s0  }
0x10: {  	s0 =	simm.s32 $0x0;
	s5 =	sadd.s32 s24, s2;
	s24 =	sshrl.u32 @!p0 s8, $0x3  }
0x11: {  	s2 =	sadd.s32 s6, s2;
	s9 =	sadd.s32 $0xFE00, s5;
	[dreg:$0xa] =	wrdreg s24  }
0x12: {  	s6 =	simm.s32 $0xD;
	s5 =	sadd.s32 $0x19E00, s5;
	[dreg:$0x5] =	wrdreg s9  }
0x13: {  	s8 =	simm.s32 $0x6;
	s29 =	sadd.s32 $0x24E00, s2;
	[dreg:$0x6] =	wrdreg s5  }
0x14: {  	s2 =	simm.s32 $0x8;
	[dreg:$0x7] =	wrdreg s29;
	s31 =	sadd.s32 s30, s29  }
0x15: {  	s9 =	simm.s32 $0xF;
	s5 =	simm.s32 $0x11;
	[dreg:$0xb] =	wrdreg s31  }
.LBB2_1:
0x16: {  	[dreg:$0xc] =	wrdreg s0  }
0x17: {  	s19 =	rddreg [dreg:$0x3]  }
0x18: {  	[spmem:s13], [sflag:s21] =	dma.local [hbm:s19], $0xEA0  }
0x19: {  	_ =	swait.ge [sflag:s26], $0xEA0  }
0x1a: {  	[sflag:s26] =	ssyncset.done $0x0  }
0x1b: {  	[sflag:s26] =	ssyncadd.s32 $0xFFFFF160  }
0x1c: {  	[spmem:s24], [sflag:s21] =	dma.local @!p0 [hbm:s19], $0x60  }
0x1d: {  	s19 =	simm.s32 @!p0 $0x15  }
0x1e: {  	_ =	swait.ge @!p0 [sflag:s19], $0x60  }
0x1f: {  	[sflag:s19] =	ssyncset.done @!p0 $0x0  }
0x20: {  	s24 =	simm.s32 $0x0;
	s28 =	rddreg [dreg:$0x5];
	[sflag:s19] =	ssyncadd.s32 @!p0 $0xFFFFFFA0  }
0x21: {  	[tilespmem:s24], [sflag:$0x15] =	stream.linear.gather [hbm4b:s28+s24], $0x2800, $0x38;
	[tilespmem:$0x1AF90] =	vst v63  }
0x22: {  	_ =	swait.ge [sflag:s26], $0x2800  }
0x23: {  	[sflag:s26] =	ssyncset.done $0x0  }
0x24: {  	s23 =	simm.s32 $0x2800;
	s29 =	rddreg [dreg:$0x6];
	[sflag:s26] =	ssyncadd.s32 $0xFFFFD800  }
0x25: {  	[tilespmem:s23], [sflag:$0x15] =	stream.linear.gather [hbm4b:s29+s24], $0x2800, $0x38;
	[tilespmem:$0x1AF90] =	vst v63  }
0x26: {  	_ =	swait.ge [sflag:s26], $0x2800  }
0x27: {  	[sflag:s26] =	ssyncset.done $0x0  }
0x28: {  	[sflag:s26] =	ssyncadd.s32 $0xFFFFD800  }
0x29: {  	s21 =	simm.s32 $0x5000;
	[bflag:$0x0] =	sbarrier.arrive $0xFFFF  }
0x2a: {  	[tilespmem:s21], [sflag:$0x1] =	stream.indirect.gather [hbm4b:s3+s14], $0x30, s24, s14, $0xb8;
	[tilespmem:$0x1AF90] =	vst v63  }
0x2b: {  	s30 =	simm.s32 $0x80;
	s23 =	simm.s32 $0x6770  }
0x2c: {  	[tilespmem:s23], [sflag:$0x2] =	stream.indirect.gather [hbm4b:s3+s14], $0x30, s30, s14, $0xb8;
	[tilespmem:$0x1AF90] =	vst v63  }
0x2d: {  	s31 =	simm.s32 $0x100;
	s24 =	simm.s32 $0x7EE0  }
0x2e: {  	[tilespmem:s24], [sflag:$0x3] =	stream.indirect.gather [hbm4b:s3+s14], $0x30, s31, s14, $0xb8;
	[tilespmem:$0x1AF90] =	vst v63  }
0x2f: {  	s0 =	simm.s32 $0x180;
	s26 =	simm.s32 $0x9650  }
0x30: {  	[tilespmem:s26], [sflag:$0x4] =	stream.indirect.gather [hbm4b:s3+s14], $0x30, s0, s14, $0xb8;
	[tilespmem:$0x1AF90] =	vst v63  }
0x31: {  	s13 =	simm.s32 $0x200;
	s28 =	simm.s32 $0xADC0  }
0x32: {  	[tilespmem:s28], [sflag:$0x5] =	stream.indirect.gather [hbm4b:s3+s14], $0x30, s13, s14, $0xb8;
	[tilespmem:$0x1AF90] =	vst v63  }
0x33: {  	s16 =	simm.s32 $0x280;
	s0 =	simm.s32 $0xC530  }
0x34: {  	[tilespmem:s0], [sflag:$0x6] =	stream.indirect.gather [hbm4b:s3+s14], $0x30, s16, s14, $0xb8;
	[tilespmem:$0x1AF90] =	vst v63  }
0x35: {  	s18 =	simm.s32 $0x300;
	s13 =	simm.s32 $0xDCA0  }
0x36: {  	[tilespmem:s13], [sflag:$0x7] =	stream.indirect.gather [hbm4b:s3+s14], $0x30, s18, s14, $0xb8;
	[tilespmem:$0x1AF90] =	vst v63  }
0x37: {  	s20 =	simm.s32 $0x380;
	s16 =	simm.s32 $0xF410  }
0x38: {  	[tilespmem:s16], [sflag:$0x8] =	stream.indirect.gather [hbm4b:s3+s14], $0x30, s20, s14, $0xb8;
	[tilespmem:$0x1AF90] =	vst v63  }
0x39: {  	s29 =	simm.s32 $0x400;
	s18 =	simm.s32 $0x10B80  }
0x3a: {  	[tilespmem:s18], [sflag:$0x9] =	stream.indirect.gather [hbm4b:s3+s14], $0x30, s29, s14, $0xb8;
	[tilespmem:$0x1AF90] =	vst v63  }
0x3b: {  	s30 =	simm.s32 $0x480;
	s31 =	simm.s32 $0x1;
	s20 =	simm.s32 $0x122F0  }
0x3c: {  	[tilespmem:s20], [sflag:$0xA] =	stream.indirect.gather [hbm4b:s3+s14], $0x30, s30, s14, $0xb8;
	[tilespmem:$0x1AF90] =	vst v63  }
0x3d: {  	_ =	swait.ge [sflag:s31], $0x1770  }
0x3e: {  	[sflag:s31] =	ssyncset.done $0x0  }
0x3f: {  	s29 =	simm.s32 $0x2800;
	s30 =	simm.s32 $0x2;
	[sflag:s31] =	ssyncadd.s32 $0xFFFFE890  }
0x40: {  	[spmem:s1] =	stream.indirect.scatter.add.f32 [tilespmem:s21], [sflag:$0xB], $0x30, s29, s14, $0xb8;
	[tilespmem:$0x1AF90] =	vst v63  }
0x41: {  	_ =	swait.ge [sflag:s30], $0x1770  }
0x42: {  	[sflag:s30] =	ssyncset.done $0x0  }
0x43: {  	s31 =	simm.s32 $0x2880;
	s29 =	simm.s32 $0x3;
	[sflag:s30] =	ssyncadd.s32 $0xFFFFE890  }
0x44: {  	[spmem:s1] =	stream.indirect.scatter.add.f32 [tilespmem:s23], [sflag:$0xC], $0x30, s31, s14, $0xb8;
	[tilespmem:$0x1AF90] =	vst v63  }
0x45: {  	_ =	swait.ge [sflag:s29], $0x1770  }
0x46: {  	[sflag:s29] =	ssyncset.done $0x0  }
0x47: {  	s30 =	simm.s32 $0x2900;
	s31 =	simm.s32 $0x4;
	[sflag:s29] =	ssyncadd.s32 $0xFFFFE890  }
0x48: {  	[spmem:s1] =	stream.indirect.scatter.add.f32 [tilespmem:s24], [sflag:$0xD], $0x30, s30, s14, $0xb8;
	[tilespmem:$0x1AF90] =	vst v63  }
0x49: {  	_ =	swait.ge [sflag:s31], $0x1770  }
0x4a: {  	[sflag:s31] =	ssyncset.done $0x0  }
0x4b: {  	s29 =	simm.s32 $0x2980;
	s30 =	simm.s32 $0x5;
	[sflag:s31] =	ssyncadd.s32 $0xFFFFE890  }
0x4c: {  	[spmem:s1] =	stream.indirect.scatter.add.f32 [tilespmem:s26], [sflag:$0xE], $0x30, s29, s14, $0xb8;
	[tilespmem:$0x1AF90] =	vst v63  }
0x4d: {  	_ =	swait.ge [sflag:s30], $0x1770  }
0x4e: {  	[sflag:s30] =	ssyncset.done $0x0  }
0x4f: {  	s31 =	simm.s32 $0x2A00;
	s29 =	simm.s32 $0xB;
	[sflag:s30] =	ssyncadd.s32 $0xFFFFE890  }
0x50: {  	[spmem:s1] =	stream.indirect.scatter.add.f32 [tilespmem:s28], [sflag:$0xF], $0x30, s31, s14, $0xb8;
	[tilespmem:$0x1AF90] =	vst v63  }
0x51: {  	_ =	swait.ge [sflag:s29], $0x1770  }
0x52: {  	[sflag:s29] =	ssyncset.done $0x0  }
0x53: {  	[sflag:s29] =	ssyncadd.s32 $0xFFFFE890  }
0x54: {  	_ =	swait.ge [sflag:s22], $0x1770  }
0x55: {  	[sflag:s22] =	ssyncset.done $0x0  }
0x56: {  	[sflag:s22] =	ssyncadd.s32 $0xFFFFE890  }
0x57: {  	_ =	swait.ge [sflag:s6], $0x1770  }
0x58: {  	[sflag:s6] =	ssyncset.done $0x0  }
0x59: {  	[sflag:s6] =	ssyncadd.s32 $0xFFFFE890  }
0x5a: {  	_ =	swait.ge [sflag:s7], $0x1770  }
0x5b: {  	[sflag:s7] =	ssyncset.done $0x0  }
0x5c: {  	[sflag:s7] =	ssyncadd.s32 $0xFFFFE890  }
0x5d: {  	_ =	swait.ge [sflag:s9], $0x1770  }
0x5e: {  	[sflag:s9] =	ssyncset.done $0x0  }
0x5f: {  	s30 =	simm.s32 $0x500;
	[sflag:s9] =	ssyncadd.s32 $0xFFFFE890  }
0x60: {  	[tilespmem:s21], [sflag:$0x1] =	stream.indirect.gather [hbm4b:s3+s14], $0x30, s30, s14, $0xb8;
	[tilespmem:$0x1AF90] =	vst v63  }
0x61: {  	s31 =	simm.s32 $0x580  }
0x62: {  	[tilespmem:s23], [sflag:$0x2] =	stream.indirect.gather [hbm4b:s3+s14], $0x30, s31, s14, $0xb8;
	[tilespmem:$0x1AF90] =	vst v63  }
0x63: {  	s21 =	simm.s32 $0x600  }
0x64: {  	[tilespmem:s24], [sflag:$0x3] =	stream.indirect.gather [hbm4b:s3+s14], $0x30, s21, s14, $0xb8;
	[tilespmem:$0x1AF90] =	vst v63  }
0x65: {  	s23 =	simm.s32 $0x680  }
0x66: {  	[tilespmem:s26], [sflag:$0x4] =	stream.indirect.gather [hbm4b:s3+s14], $0x30, s23, s14, $0xb8;
	[tilespmem:$0x1AF90] =	vst v63  }
0x67: {  	s24 =	simm.s32 $0x700  }
0x68: {  	[tilespmem:s28], [sflag:$0x5] =	stream.indirect.gather [hbm4b:s3+s14], $0x30, s24, s14, $0xb8;
	[tilespmem:$0x1AF90] =	vst v63  }
0x69: {  	_ =	swait.ge [sflag:s8], $0x1770  }
0x6a: {  	[sflag:s8] =	ssyncset.done $0x0  }
0x6b: {  	s26 =	simm.s32 $0x2A80;
	[sflag:s8] =	ssyncadd.s32 $0xFFFFE890  }
0x6c: {  	[spmem:s1] =	stream.indirect.scatter.add.f32 [tilespmem:s0], [sflag:$0x10], $0x30, s26, s14, $0xb8;
	[tilespmem:$0x1AF90] =	vst v63  }
0x6d: {  	_ =	swait.ge [sflag:s25], $0x1770  }
0x6e: {  	[sflag:s25] =	ssyncset.done $0x0  }
0x6f: {  	s28 =	simm.s32 $0x2B00;
	[sflag:s25] =	ssyncadd.s32 $0xFFFFE890  }
0x70: {  	[spmem:s1] =	stream.indirect.scatter.add.f32 [tilespmem:s13], [sflag:$0x11], $0x30, s28, s14, $0xb8;
	[tilespmem:$0x1AF90] =	vst v63  }
0x71: {  	_ =	swait.ge [sflag:s2], $0x1770  }
0x72: {  	[sflag:s2] =	ssyncset.done $0x0  }
0x73: {  	s29 =	simm.s32 $0x2B80;
	[sflag:s2] =	ssyncadd.s32 $0xFFFFE890  }
0x74: {  	[spmem:s1] =	stream.indirect.scatter.add.f32 [tilespmem:s16], [sflag:$0x12], $0x30, s29, s14, $0xb8;
	[tilespmem:$0x1AF90] =	vst v63  }
0x75: {  	_ =	swait.ge [sflag:s4], $0x1770  }
0x76: {  	[sflag:s4] =	ssyncset.done $0x0  }
0x77: {  	s30 =	simm.s32 $0x2C00;
	[sflag:s4] =	ssyncadd.s32 $0xFFFFE890  }
0x78: {  	[spmem:s1] =	stream.indirect.scatter.add.f32 [tilespmem:s18], [sflag:$0x13], $0x30, s30, s14, $0xb8;
	[tilespmem:$0x1AF90] =	vst v63  }
0x79: {  	_ =	swait.ge [sflag:s10], $0x1770  }
0x7a: {  	[sflag:s10] =	ssyncset.done $0x0  }
0x7b: {  	s31 =	simm.s32 $0x2C80;
	[sflag:s10] =	ssyncadd.s32 $0xFFFFE890  }
0x7c: {  	[spmem:s1] =	stream.indirect.scatter.add.f32 [tilespmem:s20], [sflag:$0x14], $0x30, s31, s14, $0xb8;
	[tilespmem:$0x1AF90] =	vst v63  }
0x7d: {  	_ =	swait.ge [sflag:s12], $0x1770  }
0x7e: {  	[sflag:s12] =	ssyncset.done $0x0  }
0x7f: {  	[sflag:s12] =	ssyncadd.s32 $0xFFFFE890  }
0x80: {  	_ =	swait.ge [sflag:s5], $0x1770  }
0x81: {  	[sflag:s5] =	ssyncset.done $0x0  }
0x82: {  	[sflag:s5] =	ssyncadd.s32 $0xFFFFE890  }
0x83: {  	_ =	swait.ge [sflag:s11], $0x1770  }
0x84: {  	[sflag:s11] =	ssyncset.done $0x0  }
0x85: {  	[sflag:s11] =	ssyncadd.s32 $0xFFFFE890  }
0x86: {  	_ =	swait.ge [sflag:s15], $0x1770  }
0x87: {  	[sflag:s15] =	ssyncset.done $0x0  }
0x88: {  	[sflag:s15] =	ssyncadd.s32 $0xFFFFE890  }
0x89: {  	_ =	swait.ge [sflag:s17], $0x1770  }
0x8a: {  	s19 =	simm.s32 $0x500;
	s21 =	simm.s32 $0x2800;
	[sflag:s17] =	ssyncset.done $0x0  }
.LBB2_2:
0x8b: {  	s26 =	sadd.s32 $0x280, s19;
	[sflag:s17] =	ssyncadd.s32 $0xFFFFE890  }
0x8c: {  	s23 =	smov.u32 s21;
	s24 =	sadd.s32 $0x1400, s21;
	s0 =	simm.s32 $0xC530  }
0x8d: {  	[tilespmem:s0], [sflag:$0x6] =	stream.indirect.gather [hbm4b:s3+s14], $0x30, s26, s14, $0xb8;
	[tilespmem:$0x1AF90] =	vst v63  }
0x8e: {  	p1 =	sne.s32 s21, $0x7800;
	s21 =	sadd.s32 $0x300, s19;
	s13 =	simm.s32 $0xDCA0  }
0x8f: {  	[tilespmem:s13], [sflag:$0x7] =	stream.indirect.gather [hbm4b:s3+s14], $0x30, s21, s14, $0xb8;
	[tilespmem:$0x1AF90] =	vst v63  }
0x90: {  	s16 =	simm.s32 $0xF410;
	s21 =	sadd.s32 $0x380, s19  }
0x91: {  	[tilespmem:s16], [sflag:$0x8] =	stream.indirect.gather [hbm4b:s3+s14], $0x30, s21, s14, $0xb8;
	[tilespmem:$0x1AF90] =	vst v63  }
0x92: {  	s18 =	simm.s32 $0x10B80;
	s21 =	sadd.s32 $0x400, s19  }
0x93: {  	[tilespmem:s18], [sflag:$0x9] =	stream.indirect.gather [hbm4b:s3+s14], $0x30, s21, s14, $0xb8;
	[tilespmem:$0x1AF90] =	vst v63  }
0x94: {  	s20 =	simm.s32 $0x122F0;
	s21 =	sadd.s32 $0x480, s19  }
0x95: {  	[tilespmem:s20], [sflag:$0xA] =	stream.indirect.gather [hbm4b:s3+s14], $0x30, s21, s14, $0xb8;
	[tilespmem:$0x1AF90] =	vst v63  }
0x96: {  	s21 =	simm.s32 $0x1  }
0x97: {  	_ =	swait.ge [sflag:s21], $0x1770  }
0x98: {  	[sflag:s21] =	ssyncset.done $0x0  }
0x99: {  	s26 =	simm.s32 $0x5000;
	[sflag:s21] =	ssyncadd.s32 $0xFFFFE890;
	s21 =	sadd.s32 $0x2800, s19  }
0x9a: {  	[spmem:s1] =	stream.indirect.scatter.add.f32 [tilespmem:s26], [sflag:$0xB], $0x30, s21, s14, $0xb8;
	[tilespmem:$0x1AF90] =	vst v63  }
0x9b: {  	s21 =	simm.s32 $0x2  }
0x9c: {  	_ =	swait.ge [sflag:s21], $0x1770  }
0x9d: {  	[sflag:s21] =	ssyncset.done $0x0  }
0x9e: {  	s28 =	simm.s32 $0x6770;
	[sflag:s21] =	ssyncadd.s32 $0xFFFFE890;
	s21 =	sadd.s32 $0x2880, s19  }
0x9f: {  	[spmem:s1] =	stream.indirect.scatter.add.f32 [tilespmem:s28], [sflag:$0xC], $0x30, s21, s14, $0xb8;
	[tilespmem:$0x1AF90] =	vst v63  }
0xa0: {  	s21 =	simm.s32 $0x3  }
0xa1: {  	_ =	swait.ge [sflag:s21], $0x1770  }
0xa2: {  	[sflag:s21] =	ssyncset.done $0x0  }
0xa3: {  	s29 =	simm.s32 $0x7EE0;
	[sflag:s21] =	ssyncadd.s32 $0xFFFFE890;
	s21 =	sadd.s32 $0x2900, s19  }
0xa4: {  	[spmem:s1] =	stream.indirect.scatter.add.f32 [tilespmem:s29], [sflag:$0xD], $0x30, s21, s14, $0xb8;
	[tilespmem:$0x1AF90] =	vst v63  }
0xa5: {  	s21 =	simm.s32 $0x4  }
0xa6: {  	_ =	swait.ge [sflag:s21], $0x1770  }
0xa7: {  	[sflag:s21] =	ssyncset.done $0x0  }
0xa8: {  	s30 =	simm.s32 $0x9650;
	[sflag:s21] =	ssyncadd.s32 $0xFFFFE890;
	s21 =	sadd.s32 $0x2980, s19  }
0xa9: {  	[spmem:s1] =	stream.indirect.scatter.add.f32 [tilespmem:s30], [sflag:$0xE], $0x30, s21, s14, $0xb8;
	[tilespmem:$0x1AF90] =	vst v63  }
0xaa: {  	s21 =	simm.s32 $0x5  }
0xab: {  	_ =	swait.ge [sflag:s21], $0x1770  }
0xac: {  	[sflag:s21] =	ssyncset.done $0x0  }
0xad: {  	s31 =	simm.s32 $0xADC0;
	[sflag:s21] =	ssyncadd.s32 $0xFFFFE890;
	s21 =	sadd.s32 $0x2A00, s19  }
0xae: {  	[spmem:s1] =	stream.indirect.scatter.add.f32 [tilespmem:s31], [sflag:$0xF], $0x30, s21, s14, $0xb8;
	[tilespmem:$0x1AF90] =	vst v63  }
0xaf: {  	s21 =	simm.s32 $0xB  }
0xb0: {  	_ =	swait.ge [sflag:s21], $0x1770  }
0xb1: {  	[sflag:s21] =	ssyncset.done $0x0  }
0xb2: {  	[sflag:s21] =	ssyncadd.s32 $0xFFFFE890  }
0xb3: {  	_ =	swait.ge [sflag:s22], $0x1770  }
0xb4: {  	[sflag:s22] =	ssyncset.done $0x0  }
0xb5: {  	[sflag:s22] =	ssyncadd.s32 $0xFFFFE890  }
0xb6: {  	_ =	swait.ge [sflag:s6], $0x1770  }
0xb7: {  	[sflag:s6] =	ssyncset.done $0x0  }
0xb8: {  	[sflag:s6] =	ssyncadd.s32 $0xFFFFE890  }
0xb9: {  	_ =	swait.ge [sflag:s7], $0x1770  }
0xba: {  	[sflag:s7] =	ssyncset.done $0x0  }
0xbb: {  	[sflag:s7] =	ssyncadd.s32 $0xFFFFE890  }
0xbc: {  	_ =	swait.ge [sflag:s9], $0x1770  }
0xbd: {  	[sflag:s9] =	ssyncset.done $0x0  }
0xbe: {  	s21 =	sadd.s32 $0x500, s19;
	[sflag:s9] =	ssyncadd.s32 $0xFFFFE890  }
0xbf: {  	[tilespmem:s26], [sflag:$0x1] =	stream.indirect.gather [hbm4b:s3+s14], $0x30, s21, s14, $0xb8;
	[tilespmem:$0x1AF90] =	vst v63  }
0xc0: {  	s21 =	sadd.s32 $0x580, s19  }
0xc1: {  	[tilespmem:s28], [sflag:$0x2] =	stream.indirect.gather [hbm4b:s3+s14], $0x30, s21, s14, $0xb8;
	[tilespmem:$0x1AF90] =	vst v63  }
0xc2: {  	s21 =	sadd.s32 $0x600, s19  }
0xc3: {  	[tilespmem:s29], [sflag:$0x3] =	stream.indirect.gather [hbm4b:s3+s14], $0x30, s21, s14, $0xb8;
	[tilespmem:$0x1AF90] =	vst v63  }
0xc4: {  	s21 =	sadd.s32 $0x680, s19  }
0xc5: {  	[tilespmem:s30], [sflag:$0x4] =	stream.indirect.gather [hbm4b:s3+s14], $0x30, s21, s14, $0xb8;
	[tilespmem:$0x1AF90] =	vst v63  }
0xc6: {  	s21 =	sadd.s32 $0x700, s19  }
0xc7: {  	[tilespmem:s31], [sflag:$0x5] =	stream.indirect.gather [hbm4b:s3+s14], $0x30, s21, s14, $0xb8;
	[tilespmem:$0x1AF90] =	vst v63  }
0xc8: {  	_ =	swait.ge [sflag:s8], $0x1770  }
0xc9: {  	[sflag:s8] =	ssyncset.done $0x0  }
0xca: {  	s21 =	sadd.s32 $0x2A80, s19;
	[sflag:s8] =	ssyncadd.s32 $0xFFFFE890  }
0xcb: {  	[spmem:s1] =	stream.indirect.scatter.add.f32 [tilespmem:s0], [sflag:$0x10], $0x30, s21, s14, $0xb8;
	[tilespmem:$0x1AF90] =	vst v63  }
0xcc: {  	_ =	swait.ge [sflag:s25], $0x1770  }
0xcd: {  	[sflag:s25] =	ssyncset.done $0x0  }
0xce: {  	s21 =	sadd.s32 $0x2B00, s19;
	[sflag:s25] =	ssyncadd.s32 $0xFFFFE890  }
0xcf: {  	[spmem:s1] =	stream.indirect.scatter.add.f32 [tilespmem:s13], [sflag:$0x11], $0x30, s21, s14, $0xb8;
	[tilespmem:$0x1AF90] =	vst v63  }
0xd0: {  	_ =	swait.ge [sflag:s2], $0x1770  }
0xd1: {  	[sflag:s2] =	ssyncset.done $0x0  }
0xd2: {  	s21 =	sadd.s32 $0x2B80, s19;
	[sflag:s2] =	ssyncadd.s32 $0xFFFFE890  }
0xd3: {  	[spmem:s1] =	stream.indirect.scatter.add.f32 [tilespmem:s16], [sflag:$0x12], $0x30, s21, s14, $0xb8;
	[tilespmem:$0x1AF90] =	vst v63  }
0xd4: {  	_ =	swait.ge [sflag:s4], $0x1770  }
0xd5: {  	[sflag:s4] =	ssyncset.done $0x0  }
0xd6: {  	s21 =	sadd.s32 $0x2C00, s19;
	[sflag:s4] =	ssyncadd.s32 $0xFFFFE890  }
0xd7: {  	[spmem:s1] =	stream.indirect.scatter.add.f32 [tilespmem:s18], [sflag:$0x13], $0x30, s21, s14, $0xb8;
	[tilespmem:$0x1AF90] =	vst v63  }
0xd8: {  	_ =	swait.ge [sflag:s10], $0x1770  }
0xd9: {  	[sflag:s10] =	ssyncset.done $0x0  }
0xda: {  	s19 =	sadd.s32 $0x2C80, s19;
	[sflag:s10] =	ssyncadd.s32 $0xFFFFE890  }
0xdb: {  	[spmem:s1] =	stream.indirect.scatter.add.f32 [tilespmem:s20], [sflag:$0x14], $0x30, s19, s14, $0xb8;
	[tilespmem:$0x1AF90] =	vst v63  }
0xdc: {  	_ =	swait.ge [sflag:s12], $0x1770  }
0xdd: {  	[sflag:s12] =	ssyncset.done $0x0  }
0xde: {  	[sflag:s12] =	ssyncadd.s32 $0xFFFFE890  }
0xdf: {  	_ =	swait.ge [sflag:s5], $0x1770  }
0xe0: {  	[sflag:s5] =	ssyncset.done $0x0  }
0xe1: {  	[sflag:s5] =	ssyncadd.s32 $0xFFFFE890  }
0xe2: {  	_ =	swait.ge [sflag:s11], $0x1770  }
0xe3: {  	[sflag:s11] =	ssyncset.done $0x0  }
0xe4: {  	[sflag:s11] =	ssyncadd.s32 $0xFFFFE890  }
.Ltmp0:
0xe5: {  	_ =	swait.ge [sflag:s15], $0x1770;
	(pc) =	sbr.rel @p1 .LBB2_2-.Ltmp0, $4  }
0xe6: {  	[sflag:s15] =	ssyncset.done $0x0  }
0xe7: {  	[sflag:s15] =	ssyncadd.s32 $0xFFFFE890  }
0xe8: {  	_ =	swait.ge [sflag:s17], $0x1770  }
0xe9: {  	s21 =	smov.u32 s24;
	s19 =	sshra.s32 s23, $0x2;
	[sflag:s17] =	ssyncset.done $0x0  }
0xea: {  	s21 =	sadd.s32 $0x280, s19;
	[sflag:s17] =	ssyncadd.s32 $0xFFFFE890;
	s0 =	simm.s32 $0xC530  }
0xeb: {  	[tilespmem:s0], [sflag:$0x6] =	stream.indirect.gather [hbm4b:s3+s14], $0x30, s21, s14, $0xb8;
	[tilespmem:$0x1AF90] =	vst v63  }
0xec: {  	s28 =	sadd.s32 $0x300, s19;
	s29 =	simm.s32 $0xDCA0  }
0xed: {  	[tilespmem:s29], [sflag:$0x7] =	stream.indirect.gather [hbm4b:s3+s14], $0x30, s28, s14, $0xb8;
	[tilespmem:$0x1AF90] =	vst v63  }
0xee: {  	s30 =	sadd.s32 $0x380, s19;
	s31 =	simm.s32 $0xF410  }
0xef: {  	[tilespmem:s31], [sflag:$0x8] =	stream.indirect.gather [hbm4b:s3+s14], $0x30, s30, s14, $0xb8;
	[tilespmem:$0x1AF90] =	vst v63  }
0xf0: {  	s13 =	simm.s32 $0x10B80;
	s0 =	sadd.s32 $0x400, s19  }
0xf1: {  	[tilespmem:s13], [sflag:$0x9] =	stream.indirect.gather [hbm4b:s3+s14], $0x30, s0, s14, $0xb8;
	[tilespmem:$0x1AF90] =	vst v63  }
0xf2: {  	s16 =	sadd.s32 $0x480, s19;
	s18 =	simm.s32 $0x122F0;
	s23 =	simm.s32 $0x1  }
0xf3: {  	[tilespmem:s18], [sflag:$0xA] =	stream.indirect.gather [hbm4b:s3+s14], $0x30, s16, s14, $0xb8;
	[tilespmem:$0x1AF90] =	vst v63  }
0xf4: {  	_ =	swait.ge [sflag:s23], $0x1770  }
0xf5: {  	s20 =	sadd.s32 $0x2800, s19;
	[sflag:s23] =	ssyncset.done $0x0  }
0xf6: {  	s26 =	simm.s32 $0x5000;
	s31 =	simm.s32 $0x2;
	[sflag:s23] =	ssyncadd.s32 $0xFFFFE890  }
0xf7: {  	[spmem:s1] =	stream.indirect.scatter.add.f32 [tilespmem:s26], [sflag:$0xB], $0x30, s20, s14, $0xb8;
	[tilespmem:$0x1AF90] =	vst v63  }
0xf8: {  	_ =	swait.ge [sflag:s31], $0x1770  }
0xf9: {  	s28 =	sadd.s32 $0x2880, s19;
	[sflag:s31] =	ssyncset.done $0x0  }
0xfa: {  	s13 =	simm.s32 $0x6770;
	s18 =	simm.s32 $0x3;
	[sflag:s31] =	ssyncadd.s32 $0xFFFFE890  }
0xfb: {  	[spmem:s1] =	stream.indirect.scatter.add.f32 [tilespmem:s13], [sflag:$0xC], $0x30, s28, s14, $0xb8;
	[tilespmem:$0x1AF90] =	vst v63  }
0xfc: {  	_ =	swait.ge [sflag:s18], $0x1770  }
0xfd: {  	s29 =	sadd.s32 $0x2900, s19;
	[sflag:s18] =	ssyncset.done $0x0  }
0xfe: {  	s30 =	simm.s32 $0x7EE0;
	s16 =	simm.s32 $0x4;
	[sflag:s18] =	ssyncadd.s32 $0xFFFFE890  }
0xff: {  	[spmem:s1] =	stream.indirect.scatter.add.f32 [tilespmem:s30], [sflag:$0xD], $0x30, s29, s14, $0xb8;
	[tilespmem:$0x1AF90] =	vst v63  }
0x100: {  	_ =	swait.ge [sflag:s16], $0x1770  }
0x101: {  	[sflag:s16] =	ssyncset.done $0x0  }
0x102: {  	s13 =	sadd.s32 $0x2980, s19;
	s28 =	simm.s32 $0x9650;
	[sflag:s16] =	ssyncadd.s32 $0xFFFFE890  }
0x103: {  	[spmem:s1] =	stream.indirect.scatter.add.f32 [tilespmem:s28], [sflag:$0xE], $0x30, s13, s14, $0xb8;
	[tilespmem:$0x1AF90] =	vst v63  }
0x104: {  	s13 =	simm.s32 $0x5  }
0x105: {  	_ =	swait.ge [sflag:s13], $0x1770  }
0x106: {  	[sflag:s13] =	ssyncset.done $0x0  }
0x107: {  	s20 =	sadd.s32 $0x2A00, s19;
	s29 =	simm.s32 $0xADC0;
	[sflag:s13] =	ssyncadd.s32 $0xFFFFE890  }
0x108: {  	[spmem:s1] =	stream.indirect.scatter.add.f32 [tilespmem:s29], [sflag:$0xF], $0x30, s20, s14, $0xb8;
	[tilespmem:$0x1AF90] =	vst v63  }
0x109: {  	s20 =	simm.s32 $0xB  }
0x10a: {  	_ =	swait.ge [sflag:s20], $0x1770  }
0x10b: {  	[sflag:s20] =	ssyncset.done $0x0  }
0x10c: {  	[sflag:s20] =	ssyncadd.s32 $0xFFFFE890  }
0x10d: {  	_ =	swait.ge [sflag:s22], $0x1770  }
0x10e: {  	[sflag:s22] =	ssyncset.done $0x0  }
0x10f: {  	[sflag:s22] =	ssyncadd.s32 $0xFFFFE890  }
0x110: {  	_ =	swait.ge [sflag:s6], $0x1770  }
0x111: {  	[sflag:s6] =	ssyncset.done $0x0  }
0x112: {  	[sflag:s6] =	ssyncadd.s32 $0xFFFFE890  }
0x113: {  	_ =	swait.ge [sflag:s7], $0x1770  }
0x114: {  	[sflag:s7] =	ssyncset.done $0x0  }
0x115: {  	[sflag:s7] =	ssyncadd.s32 $0xFFFFE890  }
0x116: {  	_ =	swait.ge [sflag:s9], $0x1770  }
0x117: {  	[sflag:s9] =	ssyncset.done $0x0  }
0x118: {  	s21 =	sadd.s32 $0x500, s19;
	s0 =	simm.s32 $0x5000;
	[sflag:s9] =	ssyncadd.s32 $0xFFFFE890  }
0x119: {  	[tilespmem:s0], [sflag:$0x1] =	stream.indirect.gather [hbm4b:s3+s14], $0x30, s21, s14, $0xb8;
	[tilespmem:$0x1AF90] =	vst v63  }
0x11a: {  	s26 =	simm.s32 $0x6770;
	s0 =	sadd.s32 $0x580, s19  }
0x11b: {  	[tilespmem:s26], [sflag:$0x2] =	stream.indirect.gather [hbm4b:s3+s14], $0x30, s0, s14, $0xb8;
	[tilespmem:$0x1AF90] =	vst v63  }
0x11c: {  	s30 =	simm.s32 $0x7EE0;
	s26 =	sadd.s32 $0x600, s19  }
0x11d: {  	[tilespmem:s30], [sflag:$0x3] =	stream.indirect.gather [hbm4b:s3+s14], $0x30, s26, s14, $0xb8;
	[tilespmem:$0x1AF90] =	vst v63  }
0x11e: {  	s30 =	sadd.s32 $0x680, s19  }
0x11f: {  	[tilespmem:s28], [sflag:$0x4] =	stream.indirect.gather [hbm4b:s3+s14], $0x30, s30, s14, $0xb8;
	[tilespmem:$0x1AF90] =	vst v63  }
0x120: {  	s0 =	sadd.s32 $0x700, s19  }
0x121: {  	[tilespmem:s29], [sflag:$0x5] =	stream.indirect.gather [hbm4b:s3+s14], $0x30, s0, s14, $0xb8;
	[tilespmem:$0x1AF90] =	vst v63  }
0x122: {  	_ =	swait.ge [sflag:s8], $0x1770  }
0x123: {  	[sflag:s8] =	ssyncset.done $0x0  }
0x124: {  	s24 =	simm.s32 $0xC530;
	s26 =	sadd.s32 $0x2A80, s19;
	[sflag:s8] =	ssyncadd.s32 $0xFFFFE890  }
0x125: {  	[spmem:s1] =	stream.indirect.scatter.add.f32 [tilespmem:s24], [sflag:$0x10], $0x30, s26, s14, $0xb8;
	[tilespmem:$0x1AF90] =	vst v63  }
0x126: {  	_ =	swait.ge [sflag:s25], $0x1770  }
0x127: {  	[sflag:s25] =	ssyncset.done $0x0  }
0x128: {  	s30 =	sadd.s32 $0x2B00, s19;
	s26 =	simm.s32 $0xDCA0;
	[sflag:s25] =	ssyncadd.s32 $0xFFFFE890  }
0x129: {  	[spmem:s1] =	stream.indirect.scatter.add.f32 [tilespmem:s26], [sflag:$0x11], $0x30, s30, s14, $0xb8;
	[tilespmem:$0x1AF90] =	vst v63  }
0x12a: {  	_ =	swait.ge [sflag:s2], $0x1770  }
0x12b: {  	[sflag:s2] =	ssyncset.done $0x0  }
0x12c: {  	s0 =	sadd.s32 $0x2B80, s19;
	s24 =	simm.s32 $0xF410;
	[sflag:s2] =	ssyncadd.s32 $0xFFFFE890  }
0x12d: {  	[spmem:s1] =	stream.indirect.scatter.add.f32 [tilespmem:s24], [sflag:$0x12], $0x30, s0, s14, $0xb8;
	[tilespmem:$0x1AF90] =	vst v63  }
0x12e: {  	_ =	swait.ge [sflag:s4], $0x1770  }
0x12f: {  	[sflag:s4] =	ssyncset.done $0x0  }
0x130: {  	s30 =	sadd.s32 $0x2C00, s19;
	s0 =	simm.s32 $0x10B80;
	[sflag:s4] =	ssyncadd.s32 $0xFFFFE890  }
0x131: {  	[spmem:s1] =	stream.indirect.scatter.add.f32 [tilespmem:s0], [sflag:$0x13], $0x30, s30, s14, $0xb8;
	[tilespmem:$0x1AF90] =	vst v63  }
0x132: {  	_ =	swait.ge [sflag:s10], $0x1770  }
0x133: {  	[sflag:s10] =	ssyncset.done $0x0  }
0x134: {  	s21 =	simm.s32 $0x122F0;
	s30 =	sadd.s32 $0x2C80, s19;
	[sflag:s10] =	ssyncadd.s32 $0xFFFFE890  }
0x135: {  	[spmem:s1] =	stream.indirect.scatter.add.f32 [tilespmem:s21], [sflag:$0x14], $0x30, s30, s14, $0xb8;
	[tilespmem:$0x1AF90] =	vst v63  }
0x136: {  	_ =	swait.ge [sflag:s12], $0x1770  }
0x137: {  	[sflag:s12] =	ssyncset.done $0x0  }
0x138: {  	[sflag:s12] =	ssyncadd.s32 $0xFFFFE890  }
0x139: {  	_ =	swait.ge [sflag:s5], $0x1770  }
0x13a: {  	[sflag:s5] =	ssyncset.done $0x0  }
0x13b: {  	[sflag:s5] =	ssyncadd.s32 $0xFFFFE890  }
0x13c: {  	_ =	swait.ge [sflag:s11], $0x1770  }
0x13d: {  	[sflag:s11] =	ssyncset.done $0x0  }
0x13e: {  	[sflag:s11] =	ssyncadd.s32 $0xFFFFE890  }
0x13f: {  	_ =	swait.ge [sflag:s15], $0x1770  }
0x140: {  	[sflag:s15] =	ssyncset.done $0x0  }
0x141: {  	[sflag:s15] =	ssyncadd.s32 $0xFFFFE890  }
0x142: {  	_ =	swait.ge [sflag:s17], $0x1770  }
0x143: {  	[sflag:s17] =	ssyncset.done $0x0  }
0x144: {  	s19 =	simm.s32 $0x2580;
	s30 =	simm.s32 $0xC530;
	[sflag:s17] =	ssyncadd.s32 $0xFFFFE890  }
0x145: {  	[tilespmem:s30], [sflag:$0x6] =	stream.indirect.gather [hbm4b:s3+s14], $0x30, s19, s14, $0xb8;
	[tilespmem:$0x1AF90] =	vst v63  }
0x146: {  	s19 =	simm.s32 $0x2600  }
0x147: {  	[tilespmem:s26], [sflag:$0x7] =	stream.indirect.gather [hbm4b:s3+s14], $0x30, s19, s14, $0xb8;
	[tilespmem:$0x1AF90] =	vst v63  }
0x148: {  	s19 =	simm.s32 $0x2680  }
0x149: {  	[tilespmem:s24], [sflag:$0x8] =	stream.indirect.gather [hbm4b:s3+s14], $0x30, s19, s14, $0xb8;
	[tilespmem:$0x1AF90] =	vst v63  }
0x14a: {  	s19 =	simm.s32 $0x2700  }
0x14b: {  	[tilespmem:s0], [sflag:$0x9] =	stream.indirect.gather [hbm4b:s3+s14], $0x30, s19, s14, $0xb8;
	[tilespmem:$0x1AF90] =	vst v63  }
0x14c: {  	s0 =	simm.s32 $0x2780  }
0x14d: {  	[tilespmem:s21], [sflag:$0xA] =	stream.indirect.gather [hbm4b:s3+s14], $0x30, s0, s14, $0xb8;
	[tilespmem:$0x1AF90] =	vst v63  }
0x14e: {  	_ =	swait.ge [sflag:s23], $0x1770  }
0x14f: {  	[sflag:s23] =	ssyncset.done $0x0  }
0x150: {  	s0 =	simm.s32 $0x4B00;
	[sflag:s23] =	ssyncadd.s32 $0xFFFFE890;
	s23 =	simm.s32 $0x5000  }
0x151: {  	[spmem:s1] =	stream.indirect.scatter.add.f32 [tilespmem:s23], [sflag:$0xB], $0x30, s0, s14, $0xb8;
	[tilespmem:$0x1AF90] =	vst v63  }
0x152: {  	_ =	swait.ge [sflag:s31], $0x1770  }
0x153: {  	[sflag:s31] =	ssyncset.done $0x0  }
0x154: {  	s23 =	simm.s32 $0x4B80;
	[sflag:s31] =	ssyncadd.s32 $0xFFFFE890;
	s31 =	simm.s32 $0x6770  }
0x155: {  	[spmem:s1] =	stream.indirect.scatter.add.f32 [tilespmem:s31], [sflag:$0xC], $0x30, s23, s14, $0xb8;
	[tilespmem:$0x1AF90] =	vst v63  }
0x156: {  	_ =	swait.ge [sflag:s18], $0x1770  }
0x157: {  	[sflag:s18] =	ssyncset.done $0x0  }
0x158: {  	s23 =	simm.s32 $0x4C00;
	s31 =	simm.s32 $0x7EE0;
	[sflag:s18] =	ssyncadd.s32 $0xFFFFE890  }
0x159: {  	[spmem:s1] =	stream.indirect.scatter.add.f32 [tilespmem:s31], [sflag:$0xD], $0x30, s23, s14, $0xb8;
	[tilespmem:$0x1AF90] =	vst v63  }
0x15a: {  	_ =	swait.ge [sflag:s16], $0x1770  }
0x15b: {  	[sflag:s16] =	ssyncset.done $0x0  }
0x15c: {  	s0 =	simm.s32 $0x4C80;
	[sflag:s16] =	ssyncadd.s32 $0xFFFFE890  }
0x15d: {  	[spmem:s1] =	stream.indirect.scatter.add.f32 [tilespmem:s28], [sflag:$0xE], $0x30, s0, s14, $0xb8;
	[tilespmem:$0x1AF90] =	vst v63  }
0x15e: {  	_ =	swait.ge [sflag:s13], $0x1770  }
0x15f: {  	[sflag:s13] =	ssyncset.done $0x0  }
0x160: {  	s18 =	simm.s32 $0x4D00;
	[sflag:s13] =	ssyncadd.s32 $0xFFFFE890  }
0x161: {  	[spmem:s1] =	stream.indirect.scatter.add.f32 [tilespmem:s29], [sflag:$0xF], $0x30, s18, s14, $0xb8;
	[tilespmem:$0x1AF90] =	vst v63  }
0x162: {  	_ =	swait.ge [sflag:s20], $0x1770  }
0x163: {  	[sflag:s20] =	ssyncset.done $0x0  }
0x164: {  	[sflag:s20] =	ssyncadd.s32 $0xFFFFE890  }
0x165: {  	_ =	swait.ge [sflag:s22], $0x1770  }
0x166: {  	[sflag:s22] =	ssyncset.done $0x0  }
0x167: {  	[sflag:s22] =	ssyncadd.s32 $0xFFFFE890  }
0x168: {  	_ =	swait.ge [sflag:s6], $0x1770  }
0x169: {  	[sflag:s6] =	ssyncset.done $0x0  }
0x16a: {  	[sflag:s6] =	ssyncadd.s32 $0xFFFFE890  }
0x16b: {  	_ =	swait.ge [sflag:s7], $0x1770  }
0x16c: {  	[sflag:s7] =	ssyncset.done $0x0  }
0x16d: {  	[sflag:s7] =	ssyncadd.s32 $0xFFFFE890  }
0x16e: {  	_ =	swait.ge [sflag:s9], $0x1770  }
0x16f: {  	[sflag:s9] =	ssyncset.done $0x0  }
0x170: {  	[sflag:s9] =	ssyncadd.s32 $0xFFFFE890  }
0x171: {  	_ =	swait.ge [sflag:s8], $0x1770  }
0x172: {  	[sflag:s8] =	ssyncset.done $0x0  }
0x173: {  	s30 =	simm.s32 $0xC530;
	s19 =	simm.s32 $0x4D80;
	[sflag:s8] =	ssyncadd.s32 $0xFFFFE890  }
0x174: {  	[spmem:s1] =	stream.indirect.scatter.add.f32 [tilespmem:s30], [sflag:$0x10], $0x30, s19, s14, $0xb8;
	[tilespmem:$0x1AF90] =	vst v63  }
0x175: {  	_ =	swait.ge [sflag:s25], $0x1770  }
0x176: {  	[sflag:s25] =	ssyncset.done $0x0  }
0x177: {  	s26 =	simm.s32 $0xDCA0;
	s20 =	simm.s32 $0x4E00;
	[sflag:s25] =	ssyncadd.s32 $0xFFFFE890  }
0x178: {  	[spmem:s1] =	stream.indirect.scatter.add.f32 [tilespmem:s26], [sflag:$0x11], $0x30, s20, s14, $0xb8;
	[tilespmem:$0x1AF90] =	vst v63  }
0x179: {  	_ =	swait.ge [sflag:s2], $0x1770  }
0x17a: {  	[sflag:s2] =	ssyncset.done $0x0  }
0x17b: {  	s24 =	simm.s32 $0xF410;
	s23 =	simm.s32 $0x4E80;
	[sflag:s2] =	ssyncadd.s32 $0xFFFFE890  }
0x17c: {  	[spmem:s1] =	stream.indirect.scatter.add.f32 [tilespmem:s24], [sflag:$0x12], $0x30, s23, s14, $0xb8;
	[tilespmem:$0x1AF90] =	vst v63  }
0x17d: {  	_ =	swait.ge [sflag:s4], $0x1770  }
0x17e: {  	[sflag:s4] =	ssyncset.done $0x0  }
0x17f: {  	s26 =	simm.s32 $0x10B80;
	s24 =	simm.s32 $0x4F00;
	[sflag:s4] =	ssyncadd.s32 $0xFFFFE890  }
0x180: {  	[spmem:s1] =	stream.indirect.scatter.add.f32 [tilespmem:s26], [sflag:$0x13], $0x30, s24, s14, $0xb8;
	[tilespmem:$0x1AF90] =	vst v63  }
0x181: {  	_ =	swait.ge [sflag:s10], $0x1770  }
0x182: {  	[sflag:s10] =	ssyncset.done $0x0  }
0x183: {  	s21 =	simm.s32 $0x122F0;
	s28 =	simm.s32 $0x4F80;
	[sflag:s10] =	ssyncadd.s32 $0xFFFFE890  }
0x184: {  	[spmem:s1] =	stream.indirect.scatter.add.f32 [tilespmem:s21], [sflag:$0x14], $0x30, s28, s14, $0xb8;
	[tilespmem:$0x1AF90] =	vst v63  }
0x185: {  	_ =	swait.ge [sflag:s12], $0x1770  }
0x186: {  	[sflag:s12] =	ssyncset.done $0x0  }
0x187: {  	[sflag:s12] =	ssyncadd.s32 $0xFFFFE890  }
0x188: {  	_ =	swait.ge [sflag:s5], $0x1770  }
0x189: {  	[sflag:s5] =	ssyncset.done $0x0  }
0x18a: {  	[sflag:s5] =	ssyncadd.s32 $0xFFFFE890  }
0x18b: {  	_ =	swait.ge [sflag:s11], $0x1770  }
0x18c: {  	[sflag:s11] =	ssyncset.done $0x0  }
0x18d: {  	[sflag:s11] =	ssyncadd.s32 $0xFFFFE890  }
0x18e: {  	_ =	swait.ge [sflag:s15], $0x1770  }
0x18f: {  	[sflag:s15] =	ssyncset.done $0x0  }
0x190: {  	[sflag:s15] =	ssyncadd.s32 $0xFFFFE890  }
0x191: {  	_ =	swait.ge [sflag:s17], $0x1770  }
0x192: {  	[sflag:s17] =	ssyncset.done $0x0  }
0x193: {  	[sflag:s17] =	ssyncadd.s32 $0xFFFFE890  }
0x194: {  	[bflag:$0x0] =	sbarrier.arrive $0xFFFF  }
0x195: {  	s21 =	rddreg [dreg:$0x4]  }
0x196: {  	s13 =	rddreg [dreg:$0x9]  }
0x197: {  	s26 =	simm.s32 $0x15;
	s29 =	rddreg [dreg:$0xb]  }
0x198: {  	[hbm:s29], [sflag:s21] =	dma.local [spmem:s13], $0xEA0  }
0x199: {  	_ =	swait.ge [sflag:s26], $0xEA0  }
0x19a: {  	[sflag:s26] =	ssyncset.done $0x0;
	s19 =	rddreg [dreg:$0x7]  }
0x19b: {  	s24 =	rddreg [dreg:$0xa];
	[sflag:s26] =	ssyncadd.s32 $0xFFFFF160;
	s19 =	sadd.s32 @!p0 $0xEA00, s19  }
0x19c: {  	[hbm:s19], [sflag:s21] =	dma.local @!p0 [spmem:s24], $0x60  }
0x19d: {  	s19 =	simm.s32 @!p0 $0x15  }
0x19e: {  	_ =	swait.ge @!p0 [sflag:s19], $0x60  }
0x19f: {  	s30 =	rddreg [dreg:$0xc]  }
0x1a0: {  	s31 =	rddreg [dreg:$0x8];
	s0 =	sadd.s32 $0x1, s30  }
0x1a1: {  	p1 =	sne.s32 s0, s31  }
.Ltmp1:
0x1a2: {  	_ = 	snop;
	(pc) =	sbr.rel @p1 .LBB2_1-.Ltmp1, $3  }
0x1a3: {  	_ =	sdelay $0x1  }
0x1a4: {  	[sflag:s19] =	ssyncset.done @!p0 $0x0  }
0x1a5: {  	[sflag:s19] =	ssyncadd.s32 @!p0 $0xFFFFFFA0  }
0x1a6: {  	_ =	sfence.sel $0x180000  }
0x1a7: {  	[bflag:$0x0] =	sbarrier.arrive $0xFFFF  }
0x1a8: {  	_ =	strace $0x90000047  }
0x1a9: {  	[bflag:$0x2] =	sbarrier.arrive $0xFFFF  }
0x1aa: {  	s0 =	rddreg [dreg:$0x2]  }
0x1ab: {  	s0 =	sadd.s32 @!p0 $0x100000, s0  }
0x1ac: {  	[sflag:s0] =	ssyncadd.tile.s32 @!p0 $0x1;
	_ =	shalt  }
.Lfunc_end2:
_tile_overlayer_lowered:
.L_overlay_start_2:
0x1ad: {  	(tag) =	ssettag $0x2  }
0x1ae: {  	s0 =	rddreg [dreg:$0x0];
	s2 =	stileid.u32  }
0x1af: {  	s1 =	rddreg [dreg:$0x1];
	p0 =	sne.s32 s2, $0x0  }
0x1b0: {  	s3 =	rddreg [dreg:$0x2];
	[bflag:$0x3] =	sbarrier.arrive $0xFFFF;
	s2 =	simm.s32 @!p0 $0x1C15  }
0x1b1: {  	[timem:s3], [sflag:s2] =	dma.local @!p0 [hbm:s0], s1  }
0x1b2: {  	s0 =	simm.s32 @!p0 $0x15  }
0x1b3: {  	_ =	swait.ge @!p0 [sflag:s0], s1  }
0x1b4: {  	s1 =	ssub.s32 @!p0 $0x0, s1;
	[sflag:s0] =	ssyncset.done @!p0 $0x0  }
0x1b5: {  	[sflag:s0] =	ssyncadd.s32 @!p0 s1  }
0x1b6: {  	[bflag:$0x3] =	sbarrier.arrive $0xFFFF  }
0x1b7: {  	_ =	shalt  }

</sc_bundles>
